<compile_context>
chip_gen: v7x
topology: tpu7x:2x2x1
jax: 0.10.2.dev20260603
libtpu: 0.0.44.dev20260713+nightly
codegen_flags: <defaults>
</compile_context>

<pallas_src>
import functools

import jax
import jax.numpy as jnp
from jax import lax
from jax.experimental import pallas as pl
from jax.experimental.pallas import tpu as pltpu
from jax.experimental.pallas import tpu_sc as plsc

B = 1024
C = 100000
_F = 1.0 / (1.0 + max(5.0, 1500.0 / 1.1))

_NC = 2
_NS = 16
_L = 16
_NW = _NC * _NS
_BPW = B // _NW

_RW = 320
_SC_ROWS = _RW * _NW
_C0 = C - _SC_ROWS
_NSLAB = _RW // 8
_NCT = B // 128


@functools.cache
def _build_sc_kernel():
    mesh = plsc.VectorSubcoreMesh(core_axis_name="c", subcore_axis_name="s")

    @functools.partial(
        pl.kernel,
        mesh=mesh,
        out_type=(
            jax.ShapeDtypeStruct((B,), jnp.float32),
            jax.ShapeDtypeStruct((B,), jnp.float32),
            jax.ShapeDtypeStruct((_NW, 8, 128), jnp.float32),
        ),
        scratch_types=[
            pltpu.VMEM((_BPW,), jnp.int32),
            pltpu.VMEM((_L, 8, 128), jnp.float32),
            pltpu.VMEM((_L, 8, 128), jnp.float32),
            pltpu.VMEM((_BPW,), jnp.float32),
            pltpu.VMEM((_BPW,), jnp.float32),
            pltpu.VMEM((_NCT, 8, 128), jnp.float32),
            pltpu.VMEM((_NCT, 8, 128), jnp.float32),
            pltpu.VMEM((8, 128), jnp.float32),
            pltpu.SemaphoreType.DMA,
            pltpu.SemaphoreType.DMA,
            pltpu.SemaphoreType.DMA,
            pltpu.SemaphoreType.DMA,
        ],
        compiler_params=pltpu.CompilerParams(use_tc_tiling_on_sc=True,
                                             needs_layout_passes=False),
    )
    def sc_kernel(tgt_hbm, cost_hbm, psit_hbm, cos_out, psi_out, ssc_out,
                  tgt_v, tile_c, tile_p, ct_v, pt_v, buf_a, buf_b, acc_v,
                  sem_c, sem_p, sem_a, sem_b):
        wid = lax.axis_index("s") * _NC + lax.axis_index("c")
        base = wid * _BPW
        row_base = _C0 + wid * _RW

        def slab_row(g):
            return pl.multiple_of(row_base + g * 8, 8)

        def fire(g, buf, sem):
            r0 = slab_row(g)
            for j in range(_NCT):
                pltpu.async_copy(
                    cost_hbm.at[pl.ds(r0, 8), pl.ds(128 * j, 128)],
                    buf.at[j], sem)

        def drain(g, buf, sem):
            r0 = slab_row(g)
            for j in range(_NCT):
                pltpu.make_async_copy(
                    cost_hbm.at[pl.ds(r0, 8), pl.ds(128 * j, 128)],
                    buf.at[j], sem).wait()

        def accum(buf):
            @plsc.parallel_loop(0, _NCT * 8, unroll=4)
            def ct_body(i):
                j = i >> 3
                sl = pl.ds(16 * (i & 7), _L)
                e0 = jnp.exp(buf[j, 0, sl]) + jnp.exp(buf[j, 1, sl])
                e1 = jnp.exp(buf[j, 2, sl]) + jnp.exp(buf[j, 3, sl])
                e2 = jnp.exp(buf[j, 4, sl]) + jnp.exp(buf[j, 5, sl])
                e3 = jnp.exp(buf[j, 6, sl]) + jnp.exp(buf[j, 7, sl])
                acc_v[j, sl] = acc_v[j, sl] + ((e0 + e1) + (e2 + e3))

        fire(0, buf_a, sem_a)
        fire(1, buf_b, sem_b)
        zero16 = jnp.zeros((_L,), jnp.float32)
        for j in range(_NCT):
            for seg in range(8):
                acc_v[j, pl.ds(16 * seg, _L)] = zero16

        pltpu.sync_copy(tgt_hbm.at[pl.ds(base, _BPW)], tgt_v)
        lanes = lax.iota(jnp.int32, _L)
        for g in range(_BPW // _L):
            t16 = tgt_v[pl.ds(g * _L, _L)]
            r016 = (t16 >> 3) << 3
            copies = []
            for k in range(_L):
                r0 = pl.multiple_of(r016[k], 8)
                col0 = pl.multiple_of((base // 128) * 128, 128)
                copies.append(pltpu.async_copy(
                    cost_hbm.at[pl.ds(r0, 8), pl.ds(col0, 128)],
                    tile_c.at[k], sem_c))
                copies.append(pltpu.async_copy(
                    psit_hbm.at[pl.ds(r0, 8), pl.ds(col0, 128)],
                    tile_p.at[k], sem_p))
            for cp in copies:
                cp.wait()
            sub16 = t16 & 7
            off16 = lanes + (base % 128 + g * _L)
            ct_v[pl.ds(g * _L, _L)] = plsc.load_gather(
                tile_c, [lanes, sub16, off16])
            pt_v[pl.ds(g * _L, _L)] = plsc.load_gather(
                tile_p, [lanes, sub16, off16])
        pltpu.sync_copy(ct_v, cos_out.at[pl.ds(base, _BPW)])
        pltpu.sync_copy(pt_v, psi_out.at[pl.ds(base, _BPW)])

        def pair_body(i, _):
            g = 2 * i
            drain(g, buf_a, sem_a)
            accum(buf_a)

            @pl.when(g + 2 < _NSLAB)
            def _():
                fire(g + 2, buf_a, sem_a)

            drain(g + 1, buf_b, sem_b)
            accum(buf_b)

            @pl.when(g + 3 < _NSLAB)
            def _():
                fire(g + 3, buf_b, sem_b)

            return 0

        lax.fori_loop(0, _NSLAB // 2, pair_body, 0)
        if _NSLAB % 2:
            g = _NSLAB - 1
            drain(g, buf_a, sem_a)
            accum(buf_a)

        pltpu.sync_copy(acc_v, ssc_out.at[wid])

    return sc_kernel


_CB = 2992
_NJ = _C0 // _CB


def _tc_body(x_ref, out_ref, acc_ref):
    j = pl.program_id(0)

    @pl.when(j == 0)
    def _init():
        acc_ref[...] = jnp.zeros_like(acc_ref)

    e = jnp.exp(x_ref[...])
    acc_ref[...] += jnp.sum(e.reshape(_CB // 8, 8, B), axis=0)

    @pl.when(j == _NJ - 1)
    def _finish():
        out_ref[...] = jnp.sum(acc_ref[...], axis=0, keepdims=True)


def _combine_body(s_ref, ssc_ref, cos_t_ref, psi_t_ref, out_ref):
    s_sc = jnp.reshape(jnp.sum(ssc_ref[...], axis=0), (1, B))
    s = s_ref[...] + s_sc
    ct = cos_t_ref[...]
    pt = psi_t_ref[...]
    v = ct + _F * (pt - ct)
    strue = s - jnp.exp(ct) + jnp.exp(v)
    logpt = v - jnp.log(strue)
    out_ref[...] = jnp.reshape(-jnp.sum(logpt) * (1.0 / B), (1, 1))


def kernel(cos_theta, psi_theta, target):
    tgt = target.reshape(-1).astype(jnp.int32)
    cos_tr = jnp.swapaxes(cos_theta, 0, 1)
    psi_tr = jnp.swapaxes(psi_theta, 0, 1)
    ct, pt, ssc = _build_sc_kernel()(tgt, cos_tr, psi_tr)
    s = pl.pallas_call(
        _tc_body,
        grid=(_NJ,),
        in_specs=[pl.BlockSpec((_CB, B), lambda j: (j, 0))],
        out_specs=pl.BlockSpec((1, B), lambda j: (0, 0)),
        out_shape=jax.ShapeDtypeStruct((1, B), jnp.float32),
        scratch_shapes=[pltpu.VMEM((8, B), jnp.float32)],
    )(cos_tr)
    out = pl.pallas_call(
        _combine_body,
        out_shape=jax.ShapeDtypeStruct((1, 1), jnp.float32),
    )(s, ssc, ct.reshape(1, B), pt.reshape(1, B))
    return out[0, 0]

# --- scband reference (transcript-rebuilt; emitter-appended) ---
"""Pipeline reference for scband-angle-loss-19241453486431 (READ-ONLY COPY).

The authoritative reference and input builder live on the scoring server;
editing this copy changes nothing except your own understanding.
"""

import jax, jax.numpy as jnp
import numpy as np

B = 1024
C = 100000

def setup_inputs(seed: int = 0) -> dict:
    key = jax.random.key(seed)
    k1, k2, k3 = jax.random.split(key, 3)
    cos_theta = jax.random.uniform(k1, (B, C), dtype=jnp.float32) * 2.0 - 1.0
    psi_theta = jax.random.uniform(k2, (B, C), dtype=jnp.float32) * 2.0 - 1.0
    target = jax.random.randint(k3, (B,), 0, C, dtype=jnp.int64)
    return {"cos_theta": cos_theta, "psi_theta": psi_theta, "target": target}

def reference(cos_theta, psi_theta, target):
    # AngleLoss.forward with self.it incremented to 1 on this call, gamma=0
    gamma = 0.0
    it = 1
    LambdaMin = 5.0
    LambdaMax = 1500.0
    lamb = max(LambdaMin, LambdaMax / (1.0 + 0.1 * it))
    f = 1.0 / (1.0 + lamb)
    rows = jnp.arange(cos_theta.shape[0])
    tgt = target.reshape(-1)
    # output = cos_theta, but at (i, target[i]):
    #   output -= cos_theta * f ; output += psi_theta * f
    delta = (psi_theta[rows, tgt] - cos_theta[rows, tgt]) * f
    output = cos_theta.at[rows, tgt].add(delta)
    logp = jax.nn.log_softmax(output, axis=1)
    logpt = logp[rows, tgt]
    pt = jnp.exp(jax.lax.stop_gradient(logpt))
    loss = -1.0 * (1.0 - pt) ** gamma * logpt
    return loss.mean()

if __name__ == "__main__":
    import jax
    _d = setup_inputs()
    print(jax.jit(kernel)(*tuple(_d.values())))

</pallas_src>

<mosaic_0001>
#map = affine_map<(d0, d1) -> (0)>
#map1 = affine_map<(d0, d1) -> (0, 0)>
#map2 = affine_map<(d0, d1) -> (0, 0, 0)>
module attributes {stable_mosaic.version = 14 : i64} {
  func.func @sc_kernel(%arg0: i32, %arg1: i32, %arg2: memref<1024xi32, #tpu.memory_space<hbm>>, %arg3: memref<100000x1024xf32, #tpu.memory_space<hbm>>, %arg4: memref<100000x1024xf32, #tpu.memory_space<hbm>>, %arg5: memref<1024xf32, #tpu.memory_space<hbm>>, %arg6: memref<1024xf32, #tpu.memory_space<hbm>>, %arg7: memref<32x8x128xf32, #tpu.memory_space<hbm>>, %arg8: memref<32xi32, #tpu.memory_space<vmem>>, %arg9: memref<16x8x128xf32, #tpu.memory_space<vmem>>, %arg10: memref<16x8x128xf32, #tpu.memory_space<vmem>>, %arg11: memref<32xf32, #tpu.memory_space<vmem>>, %arg12: memref<32xf32, #tpu.memory_space<vmem>>, %arg13: memref<8x8x128xf32, #tpu.memory_space<vmem>>, %arg14: memref<8x8x128xf32, #tpu.memory_space<vmem>>, %arg15: memref<8x128xf32, #tpu.memory_space<vmem>>, %arg16: memref<!tpu.dma_semaphore, #tpu.memory_space<semaphore_mem>>, %arg17: memref<!tpu.dma_semaphore, #tpu.memory_space<semaphore_mem>>, %arg18: memref<!tpu.dma_semaphore, #tpu.memory_space<semaphore_mem>>, %arg19: memref<!tpu.dma_semaphore, #tpu.memory_space<semaphore_mem>>) attributes {dimension_semantics = [#tpu.dimension_semantics<core_parallel>, #tpu.dimension_semantics<subcore_parallel>], iteration_bounds = array<i64: 2, 16>, scalar_prefetch = 0 : i64, scratch_operands = 12 : i64, tpu.core_type = #tpu.core_type<sc_vector_subcore>, window_params = [{transform_indices = #map}, {transform_indices = #map1}, {transform_indices = #map1}, {transform_indices = #map}, {transform_indices = #map}, {transform_indices = #map2}]} {
    %mul3A = arith.constant 2 : i32
    %mul3A_0 = arith.muli %arg1, %mul3A : i32
    %add3A = arith.addi %mul3A_0, %arg0 : i32
    %mul3A_1 = arith.constant 32 : i32
    %mul3A_2 = arith.muli %add3A, %mul3A_1 : i32
    %mul3A_3 = arith.constant 320 : i32
    %mul3A_4 = arith.muli %add3A, %mul3A_3 : i32
    %add3A_5 = arith.constant 89760 : i32
    %add3A_6 = arith.addi %add3A_5, %mul3A_4 : i32
    %add3A_7 = arith.constant 0 : i32
    %add3A_8 = arith.addi %add3A_6, %add3A_7 : i32
    %multiple_of3A = tpu.assume_multiple %add3A_8, 8 : i32
    %dma_start3A = arith.constant 0 : i32
    %dma_start3A_9 = arith.constant 0 : i32
    %dma_start3A_10 = arith.constant 0 : i32
    %dma_start3A_11 = tpu.memref_slice %arg13[%dma_start3A, %dma_start3A_9, %dma_start3A_10] : memref<8x8x128xf32, #tpu.memory_space<vmem>> -> memref<1x8x128xf32, #tpu.memory_space<vmem>>
    %dma_start3A_12 = tpu.memref_squeeze %dma_start3A_11 : memref<1x8x128xf32, #tpu.memory_space<vmem>> -> memref<8x128xf32, #tpu.memory_space<vmem>>
    %dma_start3A_13 = arith.constant 0 : i32
    %dma_start3A_14 = tpu.memref_slice %arg3[%multiple_of3A, %dma_start3A_13] : memref<100000x1024xf32, #tpu.memory_space<hbm>> -> memref<8x128xf32, #tpu.memory_space<hbm>>
    %dma_start3A_15 = arith.constant 0 : i32
    %dma_start3A_16 = arith.constant 0 : i32
    %dma_start3A_17 = tpu.memref_slice %arg13[%dma_start3A, %dma_start3A_15, %dma_start3A_16] : memref<8x8x128xf32, #tpu.memory_space<vmem>> -> memref<1x8x128xf32, #tpu.memory_space<vmem>>
    %dma_start3A_18 = tpu.memref_squeeze %dma_start3A_17 : memref<1x8x128xf32, #tpu.memory_space<vmem>> -> memref<8x128xf32, #tpu.memory_space<vmem>>
    %dma_start3A_19 = arith.constant 0 : i32
    %dma_start3A_20 = tpu.memref_slice %arg3[%multiple_of3A, %dma_start3A_19] : memref<100000x1024xf32, #tpu.memory_space<hbm>> -> memref<8x128xf32, #tpu.memory_space<hbm>>
    tpu.enqueue_dma source(%dma_start3A_20 : memref<8x128xf32, #tpu.memory_space<hbm>>) target(%dma_start3A_18 : memref<8x128xf32, #tpu.memory_space<vmem>>) target_semaphore(%arg18 : memref<!tpu.dma_semaphore, #tpu.memory_space<semaphore_mem>>)
    %dma_start3A_21 = arith.constant 1 : i32
    %dma_start3A_22 = arith.constant 0 : i32
    %dma_start3A_23 = arith.constant 0 : i32
    %dma_start3A_24 = tpu.memref_slice %arg13[%dma_start3A_21, %dma_start3A_22, %dma_start3A_23] : memref<8x8x128xf32, #tpu.memory_space<vmem>> -> memref<1x8x128xf32, #tpu.memory_space<vmem>>
    %dma_start3A_25 = tpu.memref_squeeze %dma_start3A_24 : memref<1x8x128xf32, #tpu.memory_space<vmem>> -> memref<8x128xf32, #tpu.memory_space<vmem>>
    %dma_start3A_26 = arith.constant 128 : i32
    %dma_start3A_27 = tpu.memref_slice %arg3[%multiple_of3A, %dma_start3A_26] : memref<100000x1024xf32, #tpu.memory_space<hbm>> -> memref<8x128xf32, #tpu.memory_space<hbm>>
    %dma_start3A_28 = arith.constant 0 : i32
    %dma_start3A_29 = arith.constant 0 : i32
    %dma_start3A_30 = tpu.memref_slice %arg13[%dma_start3A_21, %dma_start3A_28, %dma_start3A_29] : memref<8x8x128xf32, #tpu.memory_space<vmem>> -> memref<1x8x128xf32, #tpu.memory_space<vmem>>
    %dma_start3A_31 = tpu.memref_squeeze %dma_start3A_30 : memref<1x8x128xf32, #tpu.memory_space<vmem>> -> memref<8x128xf32, #tpu.memory_space<vmem>>
    %dma_start3A_32 = arith.constant 128 : i32
    %dma_start3A_33 = tpu.memref_slice %arg3[%multiple_of3A, %dma_start3A_32] : memref<100000x1024xf32, #tpu.memory_space<hbm>> -> memref<8x128xf32, #tpu.memory_space<hbm>>
    tpu.enqueue_dma source(%dma_start3A_33 : memref<8x128xf32, #tpu.memory_space<hbm>>) target(%dma_start3A_31 : memref<8x128xf32, #tpu.memory_space<vmem>>) target_semaphore(%arg18 : memref<!tpu.dma_semaphore, #tpu.memory_space<semaphore_mem>>)
    %dma_start3A_34 = arith.constant 2 : i32
    %dma_start3A_35 = arith.constant 0 : i32
    %dma_start3A_36 = arith.constant 0 : i32
    %dma_start3A_37 = tpu.memref_slice %arg13[%dma_start3A_34, %dma_start3A_35, %dma_start3A_36] : memref<8x8x128xf32, #tpu.memory_space<vmem>> -> memref<1x8x128xf32, #tpu.memory_space<vmem>>
    %dma_start3A_38 = tpu.memref_squeeze %dma_start3A_37 : memref<1x8x128xf32, #tpu.memory_space<vmem>> -> memref<8x128xf32, #tpu.memory_space<vmem>>
    %dma_start3A_39 = arith.constant 256 : i32
    %dma_start3A_40 = tpu.memref_slice %arg3[%multiple_of3A, %dma_start3A_39] : memref<100000x1024xf32, #tpu.memory_space<hbm>> -> memref<8x128xf32, #tpu.memory_space<hbm>>
    %dma_start3A_41 = arith.constant 0 : i32
    %dma_start3A_42 = arith.constant 0 : i32
    %dma_start3A_43 = tpu.memref_slice %arg13[%dma_start3A_34, %dma_start3A_41, %dma_start3A_42] : memref<8x8x128xf32, #tpu.memory_space<vmem>> -> memref<1x8x128xf32, #tpu.memory_space<vmem>>
    %dma_start3A_44 = tpu.memref_squeeze %dma_start3A_43 : memref<1x8x128xf32, #tpu.memory_space<vmem>> -> memref<8x128xf32, #tpu.memory_space<vmem>>
    %dma_start3A_45 = arith.constant 256 : i32
    %dma_start3A_46 = tpu.memref_slice %arg3[%multiple_of3A, %dma_start3A_45] : memref<100000x1024xf32, #tpu.memory_space<hbm>> -> memref<8x128xf32, #tpu.memory_space<hbm>>
    tpu.enqueue_dma source(%dma_start3A_46 : memref<8x128xf32, #tpu.memory_space<hbm>>) target(%dma_start3A_44 : memref<8x128xf32, #tpu.memory_space<vmem>>) target_semaphore(%arg18 : memref<!tpu.dma_semaphore, #tpu.memory_space<semaphore_mem>>)
    %dma_start3A_47 = arith.constant 3 : i32
    %dma_start3A_48 = arith.constant 0 : i32
    %dma_start3A_49 = arith.constant 0 : i32
    %dma_start3A_50 = tpu.memref_slice %arg13[%dma_start3A_47, %dma_start3A_48, %dma_start3A_49] : memref<8x8x128xf32, #tpu.memory_space<vmem>> -> memref<1x8x128xf32, #tpu.memory_space<vmem>>
    %dma_start3A_51 = tpu.memref_squeeze %dma_start3A_50 : memref<1x8x128xf32, #tpu.memory_space<vmem>> -> memref<8x128xf32, #tpu.memory_space<vmem>>
    %dma_start3A_52 = arith.constant 384 : i32
    %dma_start3A_53 = tpu.memref_slice %arg3[%multiple_of3A, %dma_start3A_52] : memref<100000x1024xf32, #tpu.memory_space<hbm>> -> memref<8x128xf32, #tpu.memory_space<hbm>>
    %dma_start3A_54 = arith.constant 0 : i32
    %dma_start3A_55 = arith.constant 0 : i32
    %dma_start3A_56 = tpu.memref_slice %arg13[%dma_start3A_47, %dma_start3A_54, %dma_start3A_55] : memref<8x8x128xf32, #tpu.memory_space<vmem>> -> memref<1x8x128xf32, #tpu.memory_space<vmem>>
    %dma_start3A_57 = tpu.memref_squeeze %dma_start3A_56 : memref<1x8x128xf32, #tpu.memory_space<vmem>> -> memref<8x128xf32, #tpu.memory_space<vmem>>
    %dma_start3A_58 = arith.constant 384 : i32
    %dma_start3A_59 = tpu.memref_slice %arg3[%multiple_of3A, %dma_start3A_58] : memref<100000x1024xf32, #tpu.memory_space<hbm>> -> memref<8x128xf32, #tpu.memory_space<hbm>>
    tpu.enqueue_dma source(%dma_start3A_59 : memref<8x128xf32, #tpu.memory_space<hbm>>) target(%dma_start3A_57 : memref<8x128xf32, #tpu.memory_space<vmem>>) target_semaphore(%arg18 : memref<!tpu.dma_semaphore, #tpu.memory_space<semaphore_mem>>)
    %dma_start3A_60 = arith.constant 4 : i32
    %dma_start3A_61 = arith.constant 0 : i32
    %dma_start3A_62 = arith.constant 0 : i32
    %dma_start3A_63 = tpu.memref_slice %arg13[%dma_start3A_60, %dma_start3A_61, %dma_start3A_62] : memref<8x8x128xf32, #tpu.memory_space<vmem>> -> memref<1x8x128xf32, #tpu.memory_space<vmem>>
    %dma_start3A_64 = tpu.memref_squeeze %dma_start3A_63 : memref<1x8x128xf32, #tpu.memory_space<vmem>> -> memref<8x128xf32, #tpu.memory_space<vmem>>
    %dma_start3A_65 = arith.constant 512 : i32
    %dma_start3A_66 = tpu.memref_slice %arg3[%multiple_of3A, %dma_start3A_65] : memref<100000x1024xf32, #tpu.memory_space<hbm>> -> memref<8x128xf32, #tpu.memory_space<hbm>>
    %dma_start3A_67 = arith.constant 0 : i32
    %dma_start3A_68 = arith.constant 0 : i32
    %dma_start3A_69 = tpu.memref_slice %arg13[%dma_start3A_60, %dma_start3A_67, %dma_start3A_68] : memref<8x8x128xf32, #tpu.memory_space<vmem>> -> memref<1x8x128xf32, #tpu.memory_space<vmem>>
    %dma_start3A_70 = tpu.memref_squeeze %dma_start3A_69 : memref<1x8x128xf32, #tpu.memory_space<vmem>> -> memref<8x128xf32, #tpu.memory_space<vmem>>
    %dma_start3A_71 = arith.constant 512 : i32
    %dma_start3A_72 = tpu.memref_slice %arg3[%multiple_of3A, %dma_start3A_71] : memref<100000x1024xf32, #tpu.memory_space<hbm>> -> memref<8x128xf32, #tpu.memory_space<hbm>>
    tpu.enqueue_dma source(%dma_start3A_72 : memref<8x128xf32, #tpu.memory_space<hbm>>) target(%dma_start3A_70 : memref<8x128xf32, #tpu.memory_space<vmem>>) target_semaphore(%arg18 : memref<!tpu.dma_semaphore, #tpu.memory_space<semaphore_mem>>)
    %dma_start3A_73 = arith.constant 5 : i32
    %dma_start3A_74 = arith.constant 0 : i32
    %dma_start3A_75 = arith.constant 0 : i32
    %dma_start3A_76 = tpu.memref_slice %arg13[%dma_start3A_73, %dma_start3A_74, %dma_start3A_75] : memref<8x8x128xf32, #tpu.memory_space<vmem>> -> memref<1x8x128xf32, #tpu.memory_space<vmem>>
    %dma_start3A_77 = tpu.memref_squeeze %dma_start3A_76 : memref<1x8x128xf32, #tpu.memory_space<vmem>> -> memref<8x128xf32, #tpu.memory_space<vmem>>
    %dma_start3A_78 = arith.constant 640 : i32
    %dma_start3A_79 = tpu.memref_slice %arg3[%multiple_of3A, %dma_start3A_78] : memref<100000x1024xf32, #tpu.memory_space<hbm>> -> memref<8x128xf32, #tpu.memory_space<hbm>>
    %dma_start3A_80 = arith.constant 0 : i32
    %dma_start3A_81 = arith.constant 0 : i32
    %dma_start3A_82 = tpu.memref_slice %arg13[%dma_start3A_73, %dma_start3A_80, %dma_start3A_81] : memref<8x8x128xf32, #tpu.memory_space<vmem>> -> memref<1x8x128xf32, #tpu.memory_space<vmem>>
    %dma_start3A_83 = tpu.memref_squeeze %dma_start3A_82 : memref<1x8x128xf32, #tpu.memory_space<vmem>> -> memref<8x128xf32, #tpu.memory_space<vmem>>
    %dma_start3A_84 = arith.constant 640 : i32
    %dma_start3A_85 = tpu.memref_slice %arg3[%multiple_of3A, %dma_start3A_84] : memref<100000x1024xf32, #tpu.memory_space<hbm>> -> memref<8x128xf32, #tpu.memory_space<hbm>>
    tpu.enqueue_dma source(%dma_start3A_85 : memref<8x128xf32, #tpu.memory_space<hbm>>) target(%dma_start3A_83 : memref<8x128xf32, #tpu.memory_space<vmem>>) target_semaphore(%arg18 : memref<!tpu.dma_semaphore, #tpu.memory_space<semaphore_mem>>)
    %dma_start3A_86 = arith.constant 6 : i32
    %dma_start3A_87 = arith.constant 0 : i32
    %dma_start3A_88 = arith.constant 0 : i32
    %dma_start3A_89 = tpu.memref_slice %arg13[%dma_start3A_86, %dma_start3A_87, %dma_start3A_88] : memref<8x8x128xf32, #tpu.memory_space<vmem>> -> memref<1x8x128xf32, #tpu.memory_space<vmem>>
    %dma_start3A_90 = tpu.memref_squeeze %dma_start3A_89 : memref<1x8x128xf32, #tpu.memory_space<vmem>> -> memref<8x128xf32, #tpu.memory_space<vmem>>
    %dma_start3A_91 = arith.constant 768 : i32
    %dma_start3A_92 = tpu.memref_slice %arg3[%multiple_of3A, %dma_start3A_91] : memref<100000x1024xf32, #tpu.memory_space<hbm>> -> memref<8x128xf32, #tpu.memory_space<hbm>>
    %dma_start3A_93 = arith.constant 0 : i32
    %dma_start3A_94 = arith.constant 0 : i32
    %dma_start3A_95 = tpu.memref_slice %arg13[%dma_start3A_86, %dma_start3A_93, %dma_start3A_94] : memref<8x8x128xf32, #tpu.memory_space<vmem>> -> memref<1x8x128xf32, #tpu.memory_space<vmem>>
    %dma_start3A_96 = tpu.memref_squeeze %dma_start3A_95 : memref<1x8x128xf32, #tpu.memory_space<vmem>> -> memref<8x128xf32, #tpu.memory_space<vmem>>
    %dma_start3A_97 = arith.constant 768 : i32
    %dma_start3A_98 = tpu.memref_slice %arg3[%multiple_of3A, %dma_start3A_97] : memref<100000x1024xf32, #tpu.memory_space<hbm>> -> memref<8x128xf32, #tpu.memory_space<hbm>>
    tpu.enqueue_dma source(%dma_start3A_98 : memref<8x128xf32, #tpu.memory_space<hbm>>) target(%dma_start3A_96 : memref<8x128xf32, #tpu.memory_space<vmem>>) target_semaphore(%arg18 : memref<!tpu.dma_semaphore, #tpu.memory_space<semaphore_mem>>)
    %dma_start3A_99 = arith.constant 7 : i32
    %dma_start3A_100 = arith.constant 0 : i32
    %dma_start3A_101 = arith.constant 0 : i32
    %dma_start3A_102 = tpu.memref_slice %arg13[%dma_start3A_99, %dma_start3A_100, %dma_start3A_101] : memref<8x8x128xf32, #tpu.memory_space<vmem>> -> memref<1x8x128xf32, #tpu.memory_space<vmem>>
    %dma_start3A_103 = tpu.memref_squeeze %dma_start3A_102 : memref<1x8x128xf32, #tpu.memory_space<vmem>> -> memref<8x128xf32, #tpu.memory_space<vmem>>
    %dma_start3A_104 = arith.constant 896 : i32
    %dma_start3A_105 = tpu.memref_slice %arg3[%multiple_of3A, %dma_start3A_104] : memref<100000x1024xf32, #tpu.memory_space<hbm>> -> memref<8x128xf32, #tpu.memory_space<hbm>>
    %dma_start3A_106 = arith.constant 0 : i32
    %dma_start3A_107 = arith.constant 0 : i32
    %dma_start3A_108 = tpu.memref_slice %arg13[%dma_start3A_99, %dma_start3A_106, %dma_start3A_107] : memref<8x8x128xf32, #tpu.memory_space<vmem>> -> memref<1x8x128xf32, #tpu.memory_space<vmem>>
    %dma_start3A_109 = tpu.memref_squeeze %dma_start3A_108 : memref<1x8x128xf32, #tpu.memory_space<vmem>> -> memref<8x128xf32, #tpu.memory_space<vmem>>
    %dma_start3A_110 = arith.constant 896 : i32
    %dma_start3A_111 = tpu.memref_slice %arg3[%multiple_of3A, %dma_start3A_110] : memref<100000x1024xf32, #tpu.memory_space<hbm>> -> memref<8x128xf32, #tpu.memory_space<hbm>>
    tpu.enqueue_dma source(%dma_start3A_111 : memref<8x128xf32, #tpu.memory_space<hbm>>) target(%dma_start3A_109 : memref<8x128xf32, #tpu.memory_space<vmem>>) target_semaphore(%arg18 : memref<!tpu.dma_semaphore, #tpu.memory_space<semaphore_mem>>)
    %add3A_112 = arith.constant 8 : i32
    %add3A_113 = arith.addi %add3A_6, %add3A_112 : i32
    %multiple_of3A_114 = tpu.assume_multiple %add3A_113, 8 : i32
    %dma_start3A_115 = arith.constant 0 : i32
    %dma_start3A_116 = arith.constant 0 : i32
    %dma_start3A_117 = arith.constant 0 : i32
    %dma_start3A_118 = tpu.memref_slice %arg14[%dma_start3A_115, %dma_start3A_116, %dma_start3A_117] : memref<8x8x128xf32, #tpu.memory_space<vmem>> -> memref<1x8x128xf32, #tpu.memory_space<vmem>>
    %dma_start3A_119 = tpu.memref_squeeze %dma_start3A_118 : memref<1x8x128xf32, #tpu.memory_space<vmem>> -> memref<8x128xf32, #tpu.memory_space<vmem>>
    %dma_start3A_120 = arith.constant 0 : i32
    %dma_start3A_121 = tpu.memref_slice %arg3[%multiple_of3A_114, %dma_start3A_120] : memref<100000x1024xf32, #tpu.memory_space<hbm>> -> memref<8x128xf32, #tpu.memory_space<hbm>>
    %dma_start3A_122 = arith.constant 0 : i32
    %dma_start3A_123 = arith.constant 0 : i32
    %dma_start3A_124 = tpu.memref_slice %arg14[%dma_start3A_115, %dma_start3A_122, %dma_start3A_123] : memref<8x8x128xf32, #tpu.memory_space<vmem>> -> memref<1x8x128xf32, #tpu.memory_space<vmem>>
    %dma_start3A_125 = tpu.memref_squeeze %dma_start3A_124 : memref<1x8x128xf32, #tpu.memory_space<vmem>> -> memref<8x128xf32, #tpu.memory_space<vmem>>
    %dma_start3A_126 = arith.constant 0 : i32
    %dma_start3A_127 = tpu.memref_slice %arg3[%multiple_of3A_114, %dma_start3A_126] : memref<100000x1024xf32, #tpu.memory_space<hbm>> -> memref<8x128xf32, #tpu.memory_space<hbm>>
    tpu.enqueue_dma source(%dma_start3A_127 : memref<8x128xf32, #tpu.memory_space<hbm>>) target(%dma_start3A_125 : memref<8x128xf32, #tpu.memory_space<vmem>>) target_semaphore(%arg19 : memref<!tpu.dma_semaphore, #tpu.memory_space<semaphore_mem>>)
    %dma_start3A_128 = arith.constant 1 : i32
    %dma_start3A_129 = arith.constant 0 : i32
    %dma_start3A_130 = arith.constant 0 : i32
    %dma_start3A_131 = tpu.memref_slice %arg14[%dma_start3A_128, %dma_start3A_129, %dma_start3A_130] : memref<8x8x128xf32, #tpu.memory_space<vmem>> -> memref<1x8x128xf32, #tpu.memory_space<vmem>>
    %dma_start3A_132 = tpu.memref_squeeze %dma_start3A_131 : memref<1x8x128xf32, #tpu.memory_space<vmem>> -> memref<8x128xf32, #tpu.memory_space<vmem>>
    %dma_start3A_133 = arith.constant 128 : i32
    %dma_start3A_134 = tpu.memref_slice %arg3[%multiple_of3A_114, %dma_start3A_133] : memref<100000x1024xf32, #tpu.memory_space<hbm>> -> memref<8x128xf32, #tpu.memory_space<hbm>>
    %dma_start3A_135 = arith.constant 0 : i32
    %dma_start3A_136 = arith.constant 0 : i32
    %dma_start3A_137 = tpu.memref_slice %arg14[%dma_start3A_128, %dma_start3A_135, %dma_start3A_136] : memref<8x8x128xf32, #tpu.memory_space<vmem>> -> memref<1x8x128xf32, #tpu.memory_space<vmem>>
    %dma_start3A_138 = tpu.memref_squeeze %dma_start3A_137 : memref<1x8x128xf32, #tpu.memory_space<vmem>> -> memref<8x128xf32, #tpu.memory_space<vmem>>
    %dma_start3A_139 = arith.constant 128 : i32
    %dma_start3A_140 = tpu.memref_slice %arg3[%multiple_of3A_114, %dma_start3A_139] : memref<100000x1024xf32, #tpu.memory_space<hbm>> -> memref<8x128xf32, #tpu.memory_space<hbm>>
    tpu.enqueue_dma source(%dma_start3A_140 : memref<8x128xf32, #tpu.memory_space<hbm>>) target(%dma_start3A_138 : memref<8x128xf32, #tpu.memory_space<vmem>>) target_semaphore(%arg19 : memref<!tpu.dma_semaphore, #tpu.memory_space<semaphore_mem>>)
    %dma_start3A_141 = arith.constant 2 : i32
    %dma_start3A_142 = arith.constant 0 : i32
    %dma_start3A_143 = arith.constant 0 : i32
    %dma_start3A_144 = tpu.memref_slice %arg14[%dma_start3A_141, %dma_start3A_142, %dma_start3A_143] : memref<8x8x128xf32, #tpu.memory_space<vmem>> -> memref<1x8x128xf32, #tpu.memory_space<vmem>>
    %dma_start3A_145 = tpu.memref_squeeze %dma_start3A_144 : memref<1x8x128xf32, #tpu.memory_space<vmem>> -> memref<8x128xf32, #tpu.memory_space<vmem>>
    %dma_start3A_146 = arith.constant 256 : i32
    %dma_start3A_147 = tpu.memref_slice %arg3[%multiple_of3A_114, %dma_start3A_146] : memref<100000x1024xf32, #tpu.memory_space<hbm>> -> memref<8x128xf32, #tpu.memory_space<hbm>>
    %dma_start3A_148 = arith.constant 0 : i32
    %dma_start3A_149 = arith.constant 0 : i32
    %dma_start3A_150 = tpu.memref_slice %arg14[%dma_start3A_141, %dma_start3A_148, %dma_start3A_149] : memref<8x8x128xf32, #tpu.memory_space<vmem>> -> memref<1x8x128xf32, #tpu.memory_space<vmem>>
    %dma_start3A_151 = tpu.memref_squeeze %dma_start3A_150 : memref<1x8x128xf32, #tpu.memory_space<vmem>> -> memref<8x128xf32, #tpu.memory_space<vmem>>
    %dma_start3A_152 = arith.constant 256 : i32
    %dma_start3A_153 = tpu.memref_slice %arg3[%multiple_of3A_114, %dma_start3A_152] : memref<100000x1024xf32, #tpu.memory_space<hbm>> -> memref<8x128xf32, #tpu.memory_space<hbm>>
    tpu.enqueue_dma source(%dma_start3A_153 : memref<8x128xf32, #tpu.memory_space<hbm>>) target(%dma_start3A_151 : memref<8x128xf32, #tpu.memory_space<vmem>>) target_semaphore(%arg19 : memref<!tpu.dma_semaphore, #tpu.memory_space<semaphore_mem>>)
    %dma_start3A_154 = arith.constant 3 : i32
    %dma_start3A_155 = arith.constant 0 : i32
    %dma_start3A_156 = arith.constant 0 : i32
    %dma_start3A_157 = tpu.memref_slice %arg14[%dma_start3A_154, %dma_start3A_155, %dma_start3A_156] : memref<8x8x128xf32, #tpu.memory_space<vmem>> -> memref<1x8x128xf32, #tpu.memory_space<vmem>>
    %dma_start3A_158 = tpu.memref_squeeze %dma_start3A_157 : memref<1x8x128xf32, #tpu.memory_space<vmem>> -> memref<8x128xf32, #tpu.memory_space<vmem>>
    %dma_start3A_159 = arith.constant 384 : i32
    %dma_start3A_160 = tpu.memref_slice %arg3[%multiple_of3A_114, %dma_start3A_159] : memref<100000x1024xf32, #tpu.memory_space<hbm>> -> memref<8x128xf32, #tpu.memory_space<hbm>>
    %dma_start3A_161 = arith.constant 0 : i32
    %dma_start3A_162 = arith.constant 0 : i32
    %dma_start3A_163 = tpu.memref_slice %arg14[%dma_start3A_154, %dma_start3A_161, %dma_start3A_162] : memref<8x8x128xf32, #tpu.memory_space<vmem>> -> memref<1x8x128xf32, #tpu.memory_space<vmem>>
    %dma_start3A_164 = tpu.memref_squeeze %dma_start3A_163 : memref<1x8x128xf32, #tpu.memory_space<vmem>> -> memref<8x128xf32, #tpu.memory_space<vmem>>
    %dma_start3A_165 = arith.constant 384 : i32
    %dma_start3A_166 = tpu.memref_slice %arg3[%multiple_of3A_114, %dma_start3A_165] : memref<100000x1024xf32, #tpu.memory_space<hbm>> -> memref<8x128xf32, #tpu.memory_space<hbm>>
    tpu.enqueue_dma source(%dma_start3A_166 : memref<8x128xf32, #tpu.memory_space<hbm>>) target(%dma_start3A_164 : memref<8x128xf32, #tpu.memory_space<vmem>>) target_semaphore(%arg19 : memref<!tpu.dma_semaphore, #tpu.memory_space<semaphore_mem>>)
    %dma_start3A_167 = arith.constant 4 : i32
    %dma_start3A_168 = arith.constant 0 : i32
    %dma_start3A_169 = arith.constant 0 : i32
    %dma_start3A_170 = tpu.memref_slice %arg14[%dma_start3A_167, %dma_start3A_168, %dma_start3A_169] : memref<8x8x128xf32, #tpu.memory_space<vmem>> -> memref<1x8x128xf32, #tpu.memory_space<vmem>>
    %dma_start3A_171 = tpu.memref_squeeze %dma_start3A_170 : memref<1x8x128xf32, #tpu.memory_space<vmem>> -> memref<8x128xf32, #tpu.memory_space<vmem>>
    %dma_start3A_172 = arith.constant 512 : i32
    %dma_start3A_173 = tpu.memref_slice %arg3[%multiple_of3A_114, %dma_start3A_172] : memref<100000x1024xf32, #tpu.memory_space<hbm>> -> memref<8x128xf32, #tpu.memory_space<hbm>>
    %dma_start3A_174 = arith.constant 0 : i32
    %dma_start3A_175 = arith.constant 0 : i32
    %dma_start3A_176 = tpu.memref_slice %arg14[%dma_start3A_167, %dma_start3A_174, %dma_start3A_175] : memref<8x8x128xf32, #tpu.memory_space<vmem>> -> memref<1x8x128xf32, #tpu.memory_space<vmem>>
    %dma_start3A_177 = tpu.memref_squeeze %dma_start3A_176 : memref<1x8x128xf32, #tpu.memory_space<vmem>> -> memref<8x128xf32, #tpu.memory_space<vmem>>
    %dma_start3A_178 = arith.constant 512 : i32
    %dma_start3A_179 = tpu.memref_slice %arg3[%multiple_of3A_114, %dma_start3A_178] : memref<100000x1024xf32, #tpu.memory_space<hbm>> -> memref<8x128xf32, #tpu.memory_space<hbm>>
    tpu.enqueue_dma source(%dma_start3A_179 : memref<8x128xf32, #tpu.memory_space<hbm>>) target(%dma_start3A_177 : memref<8x128xf32, #tpu.memory_space<vmem>>) target_semaphore(%arg19 : memref<!tpu.dma_semaphore, #tpu.memory_space<semaphore_mem>>)
    %dma_start3A_180 = arith.constant 5 : i32
    %dma_start3A_181 = arith.constant 0 : i32
    %dma_start3A_182 = arith.constant 0 : i32
    %dma_start3A_183 = tpu.memref_slice %arg14[%dma_start3A_180, %dma_start3A_181, %dma_start3A_182] : memref<8x8x128xf32, #tpu.memory_space<vmem>> -> memref<1x8x128xf32, #tpu.memory_space<vmem>>
    %dma_start3A_184 = tpu.memref_squeeze %dma_start3A_183 : memref<1x8x128xf32, #tpu.memory_space<vmem>> -> memref<8x128xf32, #tpu.memory_space<vmem>>
    %dma_start3A_185 = arith.constant 640 : i32
    %dma_start3A_186 = tpu.memref_slice %arg3[%multiple_of3A_114, %dma_start3A_185] : memref<100000x1024xf32, #tpu.memory_space<hbm>> -> memref<8x128xf32, #tpu.memory_space<hbm>>
    %dma_start3A_187 = arith.constant 0 : i32
    %dma_start3A_188 = arith.constant 0 : i32
    %dma_start3A_189 = tpu.memref_slice %arg14[%dma_start3A_180, %dma_start3A_187, %dma_start3A_188] : memref<8x8x128xf32, #tpu.memory_space<vmem>> -> memref<1x8x128xf32, #tpu.memory_space<vmem>>
    %dma_start3A_190 = tpu.memref_squeeze %dma_start3A_189 : memref<1x8x128xf32, #tpu.memory_space<vmem>> -> memref<8x128xf32, #tpu.memory_space<vmem>>
    %dma_start3A_191 = arith.constant 640 : i32
    %dma_start3A_192 = tpu.memref_slice %arg3[%multiple_of3A_114, %dma_start3A_191] : memref<100000x1024xf32, #tpu.memory_space<hbm>> -> memref<8x128xf32, #tpu.memory_space<hbm>>
    tpu.enqueue_dma source(%dma_start3A_192 : memref<8x128xf32, #tpu.memory_space<hbm>>) target(%dma_start3A_190 : memref<8x128xf32, #tpu.memory_space<vmem>>) target_semaphore(%arg19 : memref<!tpu.dma_semaphore, #tpu.memory_space<semaphore_mem>>)
    %dma_start3A_193 = arith.constant 6 : i32
    %dma_start3A_194 = arith.constant 0 : i32
    %dma_start3A_195 = arith.constant 0 : i32
    %dma_start3A_196 = tpu.memref_slice %arg14[%dma_start3A_193, %dma_start3A_194, %dma_start3A_195] : memref<8x8x128xf32, #tpu.memory_space<vmem>> -> memref<1x8x128xf32, #tpu.memory_space<vmem>>
    %dma_start3A_197 = tpu.memref_squeeze %dma_start3A_196 : memref<1x8x128xf32, #tpu.memory_space<vmem>> -> memref<8x128xf32, #tpu.memory_space<vmem>>
    %dma_start3A_198 = arith.constant 768 : i32
    %dma_start3A_199 = tpu.memref_slice %arg3[%multiple_of3A_114, %dma_start3A_198] : memref<100000x1024xf32, #tpu.memory_space<hbm>> -> memref<8x128xf32, #tpu.memory_space<hbm>>
    %dma_start3A_200 = arith.constant 0 : i32
    %dma_start3A_201 = arith.constant 0 : i32
    %dma_start3A_202 = tpu.memref_slice %arg14[%dma_start3A_193, %dma_start3A_200, %dma_start3A_201] : memref<8x8x128xf32, #tpu.memory_space<vmem>> -> memref<1x8x128xf32, #tpu.memory_space<vmem>>
    %dma_start3A_203 = tpu.memref_squeeze %dma_start3A_202 : memref<1x8x128xf32, #tpu.memory_space<vmem>> -> memref<8x128xf32, #tpu.memory_space<vmem>>
    %dma_start3A_204 = arith.constant 768 : i32
    %dma_start3A_205 = tpu.memref_slice %arg3[%multiple_of3A_114, %dma_start3A_204] : memref<100000x1024xf32, #tpu.memory_space<hbm>> -> memref<8x128xf32, #tpu.memory_space<hbm>>
    tpu.enqueue_dma source(%dma_start3A_205 : memref<8x128xf32, #tpu.memory_space<hbm>>) target(%dma_start3A_203 : memref<8x128xf32, #tpu.memory_space<vmem>>) target_semaphore(%arg19 : memref<!tpu.dma_semaphore, #tpu.memory_space<semaphore_mem>>)
    %dma_start3A_206 = arith.constant 7 : i32
    %dma_start3A_207 = arith.constant 0 : i32
    %dma_start3A_208 = arith.constant 0 : i32
    %dma_start3A_209 = tpu.memref_slice %arg14[%dma_start3A_206, %dma_start3A_207, %dma_start3A_208] : memref<8x8x128xf32, #tpu.memory_space<vmem>> -> memref<1x8x128xf32, #tpu.memory_space<vmem>>
    %dma_start3A_210 = tpu.memref_squeeze %dma_start3A_209 : memref<1x8x128xf32, #tpu.memory_space<vmem>> -> memref<8x128xf32, #tpu.memory_space<vmem>>
    %dma_start3A_211 = arith.constant 896 : i32
    %dma_start3A_212 = tpu.memref_slice %arg3[%multiple_of3A_114, %dma_start3A_211] : memref<100000x1024xf32, #tpu.memory_space<hbm>> -> memref<8x128xf32, #tpu.memory_space<hbm>>
    %dma_start3A_213 = arith.constant 0 : i32
    %dma_start3A_214 = arith.constant 0 : i32
    %dma_start3A_215 = tpu.memref_slice %arg14[%dma_start3A_206, %dma_start3A_213, %dma_start3A_214] : memref<8x8x128xf32, #tpu.memory_space<vmem>> -> memref<1x8x128xf32, #tpu.memory_space<vmem>>
    %dma_start3A_216 = tpu.memref_squeeze %dma_start3A_215 : memref<1x8x128xf32, #tpu.memory_space<vmem>> -> memref<8x128xf32, #tpu.memory_space<vmem>>
    %dma_start3A_217 = arith.constant 896 : i32
    %dma_start3A_218 = tpu.memref_slice %arg3[%multiple_of3A_114, %dma_start3A_217] : memref<100000x1024xf32, #tpu.memory_space<hbm>> -> memref<8x128xf32, #tpu.memory_space<hbm>>
    tpu.enqueue_dma source(%dma_start3A_218 : memref<8x128xf32, #tpu.memory_space<hbm>>) target(%dma_start3A_216 : memref<8x128xf32, #tpu.memory_space<vmem>>) target_semaphore(%arg19 : memref<!tpu.dma_semaphore, #tpu.memory_space<semaphore_mem>>)
    %broadcast_in_dim3A = arith.constant 0.000000e+00 : f32
    %broadcast_in_dim3A_219 = vector.broadcast %broadcast_in_dim3A : f32 to vector<16xf32>
    %swap3A = arith.constant 0 : i32
    %swap3A_220 = arith.index_cast %swap3A : i32 to index
    %swap3A_221 = arith.constant 0 : index
    %swap3A_222 = tpu.vector_load %arg15[%swap3A_220, %swap3A_221] {strides = array<i32>} : memref<8x128xf32, #tpu.memory_space<vmem>>, vector<16xf32>,
    tpu.vector_store %arg15[%swap3A_220, %swap3A_221], %broadcast_in_dim3A_219 {strides = array<i32>} : memref<8x128xf32, #tpu.memory_space<vmem>>, vector<16xf32>,
    %swap3A_223 = arith.constant 0 : i32
    %swap3A_224 = arith.index_cast %swap3A_223 : i32 to index
    %swap3A_225 = arith.constant 16 : index
    %swap3A_226 = tpu.vector_load %arg15[%swap3A_224, %swap3A_225] {strides = array<i32>} : memref<8x128xf32, #tpu.memory_space<vmem>>, vector<16xf32>,
    tpu.vector_store %arg15[%swap3A_224, %swap3A_225], %broadcast_in_dim3A_219 {strides = array<i32>} : memref<8x128xf32, #tpu.memory_space<vmem>>, vector<16xf32>,
    %swap3A_227 = arith.constant 0 : i32
    %swap3A_228 = arith.index_cast %swap3A_227 : i32 to index
    %swap3A_229 = arith.constant 32 : index
    %swap3A_230 = tpu.vector_load %arg15[%swap3A_228, %swap3A_229] {strides = array<i32>} : memref<8x128xf32, #tpu.memory_space<vmem>>, vector<16xf32>,
    tpu.vector_store %arg15[%swap3A_228, %swap3A_229], %broadcast_in_dim3A_219 {strides = array<i32>} : memref<8x128xf32, #tpu.memory_space<vmem>>, vector<16xf32>,
    %swap3A_231 = arith.constant 0 : i32
    %swap3A_232 = arith.index_cast %swap3A_231 : i32 to index
    %swap3A_233 = arith.constant 48 : index
    %swap3A_234 = tpu.vector_load %arg15[%swap3A_232, %swap3A_233] {strides = array<i32>} : memref<8x128xf32, #tpu.memory_space<vmem>>, vector<16xf32>,
    tpu.vector_store %arg15[%swap3A_232, %swap3A_233], %broadcast_in_dim3A_219 {strides = array<i32>} : memref<8x128xf32, #tpu.memory_space<vmem>>, vector<16xf32>,
    %swap3A_235 = arith.constant 0 : i32
    %swap3A_236 = arith.index_cast %swap3A_235 : i32 to index
    %swap3A_237 = arith.constant 64 : index
    %swap3A_238 = tpu.vector_load %arg15[%swap3A_236, %swap3A_237] {strides = array<i32>} : memref<8x128xf32, #tpu.memory_space<vmem>>, vector<16xf32>,
    tpu.vector_store %arg15[%swap3A_236, %swap3A_237], %broadcast_in_dim3A_219 {strides = array<i32>} : memref<8x128xf32, #tpu.memory_space<vmem>>, vector<16xf32>,
    %swap3A_239 = arith.constant 0 : i32
    %swap3A_240 = arith.index_cast %swap3A_239 : i32 to index
    %swap3A_241 = arith.constant 80 : index
    %swap3A_242 = tpu.vector_load %arg15[%swap3A_240, %swap3A_241] {strides = array<i32>} : memref<8x128xf32, #tpu.memory_space<vmem>>, vector<16xf32>,
    tpu.vector_store %arg15[%swap3A_240, %swap3A_241], %broadcast_in_dim3A_219 {strides = array<i32>} : memref<8x128xf32, #tpu.memory_space<vmem>>, vector<16xf32>,
    %swap3A_243 = arith.constant 0 : i32
    %swap3A_244 = arith.index_cast %swap3A_243 : i32 to index
    %swap3A_245 = arith.constant 96 : index
    %swap3A_246 = tpu.vector_load %arg15[%swap3A_244, %swap3A_245] {strides = array<i32>} : memref<8x128xf32, #tpu.memory_space<vmem>>, vector<16xf32>,
    tpu.vector_store %arg15[%swap3A_244, %swap3A_245], %broadcast_in_dim3A_219 {strides = array<i32>} : memref<8x128xf32, #tpu.memory_space<vmem>>, vector<16xf32>,
    %swap3A_247 = arith.constant 0 : i32
    %swap3A_248 = arith.index_cast %swap3A_247 : i32 to index
    %swap3A_249 = arith.constant 112 : index
    %swap3A_250 = tpu.vector_load %arg15[%swap3A_248, %swap3A_249] {strides = array<i32>} : memref<8x128xf32, #tpu.memory_space<vmem>>, vector<16xf32>,
    tpu.vector_store %arg15[%swap3A_248, %swap3A_249], %broadcast_in_dim3A_219 {strides = array<i32>} : memref<8x128xf32, #tpu.memory_space<vmem>>, vector<16xf32>,
    %swap3A_251 = arith.constant 1 : i32
    %swap3A_252 = arith.index_cast %swap3A_251 : i32 to index
    %swap3A_253 = arith.constant 0 : index
    %swap3A_254 = tpu.vector_load %arg15[%swap3A_252, %swap3A_253] {strides = array<i32>} : memref<8x128xf32, #tpu.memory_space<vmem>>, vector<16xf32>,
    tpu.vector_store %arg15[%swap3A_252, %swap3A_253], %broadcast_in_dim3A_219 {strides = array<i32>} : memref<8x128xf32, #tpu.memory_space<vmem>>, vector<16xf32>,
    %swap3A_255 = arith.constant 1 : i32
    %swap3A_256 = arith.index_cast %swap3A_255 : i32 to index
    %swap3A_257 = arith.constant 16 : index
    %swap3A_258 = tpu.vector_load %arg15[%swap3A_256, %swap3A_257] {strides = array<i32>} : memref<8x128xf32, #tpu.memory_space<vmem>>, vector<16xf32>,
    tpu.vector_store %arg15[%swap3A_256, %swap3A_257], %broadcast_in_dim3A_219 {strides = array<i32>} : memref<8x128xf32, #tpu.memory_space<vmem>>, vector<16xf32>,
    %swap3A_259 = arith.constant 1 : i32
    %swap3A_260 = arith.index_cast %swap3A_259 : i32 to index
    %swap3A_261 = arith.constant 32 : index
    %swap3A_262 = tpu.vector_load %arg15[%swap3A_260, %swap3A_261] {strides = array<i32>} : memref<8x128xf32, #tpu.memory_space<vmem>>, vector<16xf32>,
    tpu.vector_store %arg15[%swap3A_260, %swap3A_261], %broadcast_in_dim3A_219 {strides = array<i32>} : memref<8x128xf32, #tpu.memory_space<vmem>>, vector<16xf32>,
    %swap3A_263 = arith.constant 1 : i32
    %swap3A_264 = arith.index_cast %swap3A_263 : i32 to index
    %swap3A_265 = arith.constant 48 : index
    %swap3A_266 = tpu.vector_load %arg15[%swap3A_264, %swap3A_265] {strides = array<i32>} : memref<8x128xf32, #tpu.memory_space<vmem>>, vector<16xf32>,
    tpu.vector_store %arg15[%swap3A_264, %swap3A_265], %broadcast_in_dim3A_219 {strides = array<i32>} : memref<8x128xf32, #tpu.memory_space<vmem>>, vector<16xf32>,
    %swap3A_267 = arith.constant 1 : i32
    %swap3A_268 = arith.index_cast %swap3A_267 : i32 to index
    %swap3A_269 = arith.constant 64 : index
    %swap3A_270 = tpu.vector_load %arg15[%swap3A_268, %swap3A_269] {strides = array<i32>} : memref<8x128xf32, #tpu.memory_space<vmem>>, vector<16xf32>,
    tpu.vector_store %arg15[%swap3A_268, %swap3A_269], %broadcast_in_dim3A_219 {strides = array<i32>} : memref<8x128xf32, #tpu.memory_space<vmem>>, vector<16xf32>,
    %swap3A_271 = arith.constant 1 : i32
    %swap3A_272 = arith.index_cast %swap3A_271 : i32 to index
    %swap3A_273 = arith.constant 80 : index
    %swap3A_274 = tpu.vector_load %arg15[%swap3A_272, %swap3A_273] {strides = array<i32>} : memref<8x128xf32, #tpu.memory_space<vmem>>, vector<16xf32>,
    tpu.vector_store %arg15[%swap3A_272, %swap3A_273], %broadcast_in_dim3A_219 {strides = array<i32>} : memref<8x128xf32, #tpu.memory_space<vmem>>, vector<16xf32>,
    %swap3A_275 = arith.constant 1 : i32
    %swap3A_276 = arith.index_cast %swap3A_275 : i32 to index
    %swap3A_277 = arith.constant 96 : index
    %swap3A_278 = tpu.vector_load %arg15[%swap3A_276, %swap3A_277] {strides = array<i32>} : memref<8x128xf32, #tpu.memory_space<vmem>>, vector<16xf32>,
    tpu.vector_store %arg15[%swap3A_276, %swap3A_277], %broadcast_in_dim3A_219 {strides = array<i32>} : memref<8x128xf32, #tpu.memory_space<vmem>>, vector<16xf32>,
    %swap3A_279 = arith.constant 1 : i32
    %swap3A_280 = arith.index_cast %swap3A_279 : i32 to index
    %swap3A_281 = arith.constant 112 : index
    %swap3A_282 = tpu.vector_load %arg15[%swap3A_280, %swap3A_281] {strides = array<i32>} : memref<8x128xf32, #tpu.memory_space<vmem>>, vector<16xf32>,
    tpu.vector_store %arg15[%swap3A_280, %swap3A_281], %broadcast_in_dim3A_219 {strides = array<i32>} : memref<8x128xf32, #tpu.memory_space<vmem>>, vector<16xf32>,
    %swap3A_283 = arith.constant 2 : i32
    %swap3A_284 = arith.index_cast %swap3A_283 : i32 to index
    %swap3A_285 = arith.constant 0 : index
    %swap3A_286 = tpu.vector_load %arg15[%swap3A_284, %swap3A_285] {strides = array<i32>} : memref<8x128xf32, #tpu.memory_space<vmem>>, vector<16xf32>,
    tpu.vector_store %arg15[%swap3A_284, %swap3A_285], %broadcast_in_dim3A_219 {strides = array<i32>} : memref<8x128xf32, #tpu.memory_space<vmem>>, vector<16xf32>,
    %swap3A_287 = arith.constant 2 : i32
    %swap3A_288 = arith.index_cast %swap3A_287 : i32 to index
    %swap3A_289 = arith.constant 16 : index
    %swap3A_290 = tpu.vector_load %arg15[%swap3A_288, %swap3A_289] {strides = array<i32>} : memref<8x128xf32, #tpu.memory_space<vmem>>, vector<16xf32>,
    tpu.vector_store %arg15[%swap3A_288, %swap3A_289], %broadcast_in_dim3A_219 {strides = array<i32>} : memref<8x128xf32, #tpu.memory_space<vmem>>, vector<16xf32>,
    %swap3A_291 = arith.constant 2 : i32
    %swap3A_292 = arith.index_cast %swap3A_291 : i32 to index
    %swap3A_293 = arith.constant 32 : index
    %swap3A_294 = tpu.vector_load %arg15[%swap3A_292, %swap3A_293] {strides = array<i32>} : memref<8x128xf32, #tpu.memory_space<vmem>>, vector<16xf32>,
    tpu.vector_store %arg15[%swap3A_292, %swap3A_293], %broadcast_in_dim3A_219 {strides = array<i32>} : memref<8x128xf32, #tpu.memory_space<vmem>>, vector<16xf32>,
    %swap3A_295 = arith.constant 2 : i32
    %swap3A_296 = arith.index_cast %swap3A_295 : i32 to index
    %swap3A_297 = arith.constant 48 : index
    %swap3A_298 = tpu.vector_load %arg15[%swap3A_296, %swap3A_297] {strides = array<i32>} : memref<8x128xf32, #tpu.memory_space<vmem>>, vector<16xf32>,
    tpu.vector_store %arg15[%swap3A_296, %swap3A_297], %broadcast_in_dim3A_219 {strides = array<i32>} : memref<8x128xf32, #tpu.memory_space<vmem>>, vector<16xf32>,
    %swap3A_299 = arith.constant 2 : i32
    %swap3A_300 = arith.index_cast %swap3A_299 : i32 to index
    %swap3A_301 = arith.constant 64 : index
    %swap3A_302 = tpu.vector_load %arg15[%swap3A_300, %swap3A_301] {strides = array<i32>} : memref<8x128xf32, #tpu.memory_space<vmem>>, vector<16xf32>,
    tpu.vector_store %arg15[%swap3A_300, %swap3A_301], %broadcast_in_dim3A_219 {strides = array<i32>} : memref<8x128xf32, #tpu.memory_space<vmem>>, vector<16xf32>,
    %swap3A_303 = arith.constant 2 : i32
    %swap3A_304 = arith.index_cast %swap3A_303 : i32 to index
    %swap3A_305 = arith.constant 80 : index
    %swap3A_306 = tpu.vector_load %arg15[%swap3A_304, %swap3A_305] {strides = array<i32>} : memref<8x128xf32, #tpu.memory_space<vmem>>, vector<16xf32>,
    tpu.vector_store %arg15[%swap3A_304, %swap3A_305], %broadcast_in_dim3A_219 {strides = array<i32>} : memref<8x128xf32, #tpu.memory_space<vmem>>, vector<16xf32>,
    %swap3A_307 = arith.constant 2 : i32
    %swap3A_308 = arith.index_cast %swap3A_307 : i32 to index
    %swap3A_309 = arith.constant 96 : index
    %swap3A_310 = tpu.vector_load %arg15[%swap3A_308, %swap3A_309] {strides = array<i32>} : memref<8x128xf32, #tpu.memory_space<vmem>>, vector<16xf32>,
    tpu.vector_store %arg15[%swap3A_308, %swap3A_309], %broadcast_in_dim3A_219 {strides = array<i32>} : memref<8x128xf32, #tpu.memory_space<vmem>>, vector<16xf32>,
    %swap3A_311 = arith.constant 2 : i32
    %swap3A_312 = arith.index_cast %swap3A_311 : i32 to index
    %swap3A_313 = arith.constant 112 : index
    %swap3A_314 = tpu.vector_load %arg15[%swap3A_312, %swap3A_313] {strides = array<i32>} : memref<8x128xf32, #tpu.memory_space<vmem>>, vector<16xf32>,
    tpu.vector_store %arg15[%swap3A_312, %swap3A_313], %broadcast_in_dim3A_219 {strides = array<i32>} : memref<8x128xf32, #tpu.memory_space<vmem>>, vector<16xf32>,
    %swap3A_315 = arith.constant 3 : i32
    %swap3A_316 = arith.index_cast %swap3A_315 : i32 to index
    %swap3A_317 = arith.constant 0 : index
    %swap3A_318 = tpu.vector_load %arg15[%swap3A_316, %swap3A_317] {strides = array<i32>} : memref<8x128xf32, #tpu.memory_space<vmem>>, vector<16xf32>,
    tpu.vector_store %arg15[%swap3A_316, %swap3A_317], %broadcast_in_dim3A_219 {strides = array<i32>} : memref<8x128xf32, #tpu.memory_space<vmem>>, vector<16xf32>,
    %swap3A_319 = arith.constant 3 : i32
    %swap3A_320 = arith.index_cast %swap3A_319 : i32 to index
    %swap3A_321 = arith.constant 16 : index
    %swap3A_322 = tpu.vector_load %arg15[%swap3A_320, %swap3A_321] {strides = array<i32>} : memref<8x128xf32, #tpu.memory_space<vmem>>, vector<16xf32>,
    tpu.vector_store %arg15[%swap3A_320, %swap3A_321], %broadcast_in_dim3A_219 {strides = array<i32>} : memref<8x128xf32, #tpu.memory_space<vmem>>, vector<16xf32>,
    %swap3A_323 = arith.constant 3 : i32
    %swap3A_324 = arith.index_cast %swap3A_323 : i32 to index
    %swap3A_325 = arith.constant 32 : index
    %swap3A_326 = tpu.vector_load %arg15[%swap3A_324, %swap3A_325] {strides = array<i32>} : memref<8x128xf32, #tpu.memory_space<vmem>>, vector<16xf32>,
    tpu.vector_store %arg15[%swap3A_324, %swap3A_325], %broadcast_in_dim3A_219 {strides = array<i32>} : memref<8x128xf32, #tpu.memory_space<vmem>>, vector<16xf32>,
    %swap3A_327 = arith.constant 3 : i32
    %swap3A_328 = arith.index_cast %swap3A_327 : i32 to index
    %swap3A_329 = arith.constant 48 : index
    %swap3A_330 = tpu.vector_load %arg15[%swap3A_328, %swap3A_329] {strides = array<i32>} : memref<8x128xf32, #tpu.memory_space<vmem>>, vector<16xf32>,
    tpu.vector_store %arg15[%swap3A_328, %swap3A_329], %broadcast_in_dim3A_219 {strides = array<i32>} : memref<8x128xf32, #tpu.memory_space<vmem>>, vector<16xf32>,
    %swap3A_331 = arith.constant 3 : i32
    %swap3A_332 = arith.index_cast %swap3A_331 : i32 to index
    %swap3A_333 = arith.constant 64 : index
    %swap3A_334 = tpu.vector_load %arg15[%swap3A_332, %swap3A_333] {strides = array<i32>} : memref<8x128xf32, #tpu.memory_space<vmem>>, vector<16xf32>,
    tpu.vector_store %arg15[%swap3A_332, %swap3A_333], %broadcast_in_dim3A_219 {strides = array<i32>} : memref<8x128xf32, #tpu.memory_space<vmem>>, vector<16xf32>,
    %swap3A_335 = arith.constant 3 : i32
    %swap3A_336 = arith.index_cast %swap3A_335 : i32 to index
    %swap3A_337 = arith.constant 80 : index
    %swap3A_338 = tpu.vector_load %arg15[%swap3A_336, %swap3A_337] {strides = array<i32>} : memref<8x128xf32, #tpu.memory_space<vmem>>, vector<16xf32>,
    tpu.vector_store %arg15[%swap3A_336, %swap3A_337], %broadcast_in_dim3A_219 {strides = array<i32>} : memref<8x128xf32, #tpu.memory_space<vmem>>, vector<16xf32>,
    %swap3A_339 = arith.constant 3 : i32
    %swap3A_340 = arith.index_cast %swap3A_339 : i32 to index
    %swap3A_341 = arith.constant 96 : index
    %swap3A_342 = tpu.vector_load %arg15[%swap3A_340, %swap3A_341] {strides = array<i32>} : memref<8x128xf32, #tpu.memory_space<vmem>>, vector<16xf32>,
    tpu.vector_store %arg15[%swap3A_340, %swap3A_341], %broadcast_in_dim3A_219 {strides = array<i32>} : memref<8x128xf32, #tpu.memory_space<vmem>>, vector<16xf32>,
    %swap3A_343 = arith.constant 3 : i32
    %swap3A_344 = arith.index_cast %swap3A_343 : i32 to index
    %swap3A_345 = arith.constant 112 : index
    %swap3A_346 = tpu.vector_load %arg15[%swap3A_344, %swap3A_345] {strides = array<i32>} : memref<8x128xf32, #tpu.memory_space<vmem>>, vector<16xf32>,
    tpu.vector_store %arg15[%swap3A_344, %swap3A_345], %broadcast_in_dim3A_219 {strides = array<i32>} : memref<8x128xf32, #tpu.memory_space<vmem>>, vector<16xf32>,
    %swap3A_347 = arith.constant 4 : i32
    %swap3A_348 = arith.index_cast %swap3A_347 : i32 to index
    %swap3A_349 = arith.constant 0 : index
    %swap3A_350 = tpu.vector_load %arg15[%swap3A_348, %swap3A_349] {strides = array<i32>} : memref<8x128xf32, #tpu.memory_space<vmem>>, vector<16xf32>,
    tpu.vector_store %arg15[%swap3A_348, %swap3A_349], %broadcast_in_dim3A_219 {strides = array<i32>} : memref<8x128xf32, #tpu.memory_space<vmem>>, vector<16xf32>,
    %swap3A_351 = arith.constant 4 : i32
    %swap3A_352 = arith.index_cast %swap3A_351 : i32 to index
    %swap3A_353 = arith.constant 16 : index
    %swap3A_354 = tpu.vector_load %arg15[%swap3A_352, %swap3A_353] {strides = array<i32>} : memref<8x128xf32, #tpu.memory_space<vmem>>, vector<16xf32>,
    tpu.vector_store %arg15[%swap3A_352, %swap3A_353], %broadcast_in_dim3A_219 {strides = array<i32>} : memref<8x128xf32, #tpu.memory_space<vmem>>, vector<16xf32>,
    %swap3A_355 = arith.constant 4 : i32
    %swap3A_356 = arith.index_cast %swap3A_355 : i32 to index
    %swap3A_357 = arith.constant 32 : index
    %swap3A_358 = tpu.vector_load %arg15[%swap3A_356, %swap3A_357] {strides = array<i32>} : memref<8x128xf32, #tpu.memory_space<vmem>>, vector<16xf32>,
    tpu.vector_store %arg15[%swap3A_356, %swap3A_357], %broadcast_in_dim3A_219 {strides = array<i32>} : memref<8x128xf32, #tpu.memory_space<vmem>>, vector<16xf32>,
    %swap3A_359 = arith.constant 4 : i32
    %swap3A_360 = arith.index_cast %swap3A_359 : i32 to index
    %swap3A_361 = arith.constant 48 : index
    %swap3A_362 = tpu.vector_load %arg15[%swap3A_360, %swap3A_361] {strides = array<i32>} : memref<8x128xf32, #tpu.memory_space<vmem>>, vector<16xf32>,
    tpu.vector_store %arg15[%swap3A_360, %swap3A_361], %broadcast_in_dim3A_219 {strides = array<i32>} : memref<8x128xf32, #tpu.memory_space<vmem>>, vector<16xf32>,
    %swap3A_363 = arith.constant 4 : i32
    %swap3A_364 = arith.index_cast %swap3A_363 : i32 to index
    %swap3A_365 = arith.constant 64 : index
    %swap3A_366 = tpu.vector_load %arg15[%swap3A_364, %swap3A_365] {strides = array<i32>} : memref<8x128xf32, #tpu.memory_space<vmem>>, vector<16xf32>,
    tpu.vector_store %arg15[%swap3A_364, %swap3A_365], %broadcast_in_dim3A_219 {strides = array<i32>} : memref<8x128xf32, #tpu.memory_space<vmem>>, vector<16xf32>,
    %swap3A_367 = arith.constant 4 : i32
    %swap3A_368 = arith.index_cast %swap3A_367 : i32 to index
    %swap3A_369 = arith.constant 80 : index
    %swap3A_370 = tpu.vector_load %arg15[%swap3A_368, %swap3A_369] {strides = array<i32>} : memref<8x128xf32, #tpu.memory_space<vmem>>, vector<16xf32>,
    tpu.vector_store %arg15[%swap3A_368, %swap3A_369], %broadcast_in_dim3A_219 {strides = array<i32>} : memref<8x128xf32, #tpu.memory_space<vmem>>, vector<16xf32>,
    %swap3A_371 = arith.constant 4 : i32
    %swap3A_372 = arith.index_cast %swap3A_371 : i32 to index
    %swap3A_373 = arith.constant 96 : index
    %swap3A_374 = tpu.vector_load %arg15[%swap3A_372, %swap3A_373] {strides = array<i32>} : memref<8x128xf32, #tpu.memory_space<vmem>>, vector<16xf32>,
    tpu.vector_store %arg15[%swap3A_372, %swap3A_373], %broadcast_in_dim3A_219 {strides = array<i32>} : memref<8x128xf32, #tpu.memory_space<vmem>>, vector<16xf32>,
    %swap3A_375 = arith.constant 4 : i32
    %swap3A_376 = arith.index_cast %swap3A_375 : i32 to index
    %swap3A_377 = arith.constant 112 : index
    %swap3A_378 = tpu.vector_load %arg15[%swap3A_376, %swap3A_377] {strides = array<i32>} : memref<8x128xf32, #tpu.memory_space<vmem>>, vector<16xf32>,
    tpu.vector_store %arg15[%swap3A_376, %swap3A_377], %broadcast_in_dim3A_219 {strides = array<i32>} : memref<8x128xf32, #tpu.memory_space<vmem>>, vector<16xf32>,
    %swap3A_379 = arith.constant 5 : i32
    %swap3A_380 = arith.index_cast %swap3A_379 : i32 to index
    %swap3A_381 = arith.constant 0 : index
    %swap3A_382 = tpu.vector_load %arg15[%swap3A_380, %swap3A_381] {strides = array<i32>} : memref<8x128xf32, #tpu.memory_space<vmem>>, vector<16xf32>,
    tpu.vector_store %arg15[%swap3A_380, %swap3A_381], %broadcast_in_dim3A_219 {strides = array<i32>} : memref<8x128xf32, #tpu.memory_space<vmem>>, vector<16xf32>,
    %swap3A_383 = arith.constant 5 : i32
    %swap3A_384 = arith.index_cast %swap3A_383 : i32 to index
    %swap3A_385 = arith.constant 16 : index
    %swap3A_386 = tpu.vector_load %arg15[%swap3A_384, %swap3A_385] {strides = array<i32>} : memref<8x128xf32, #tpu.memory_space<vmem>>, vector<16xf32>,
    tpu.vector_store %arg15[%swap3A_384, %swap3A_385], %broadcast_in_dim3A_219 {strides = array<i32>} : memref<8x128xf32, #tpu.memory_space<vmem>>, vector<16xf32>,
    %swap3A_387 = arith.constant 5 : i32
    %swap3A_388 = arith.index_cast %swap3A_387 : i32 to index
    %swap3A_389 = arith.constant 32 : index
    %swap3A_390 = tpu.vector_load %arg15[%swap3A_388, %swap3A_389] {strides = array<i32>} : memref<8x128xf32, #tpu.memory_space<vmem>>, vector<16xf32>,
    tpu.vector_store %arg15[%swap3A_388, %swap3A_389], %broadcast_in_dim3A_219 {strides = array<i32>} : memref<8x128xf32, #tpu.memory_space<vmem>>, vector<16xf32>,
    %swap3A_391 = arith.constant 5 : i32
    %swap3A_392 = arith.index_cast %swap3A_391 : i32 to index
    %swap3A_393 = arith.constant 48 : index
    %swap3A_394 = tpu.vector_load %arg15[%swap3A_392, %swap3A_393] {strides = array<i32>} : memref<8x128xf32, #tpu.memory_space<vmem>>, vector<16xf32>,
    tpu.vector_store %arg15[%swap3A_392, %swap3A_393], %broadcast_in_dim3A_219 {strides = array<i32>} : memref<8x128xf32, #tpu.memory_space<vmem>>, vector<16xf32>,
    %swap3A_395 = arith.constant 5 : i32
    %swap3A_396 = arith.index_cast %swap3A_395 : i32 to index
    %swap3A_397 = arith.constant 64 : index
    %swap3A_398 = tpu.vector_load %arg15[%swap3A_396, %swap3A_397] {strides = array<i32>} : memref<8x128xf32, #tpu.memory_space<vmem>>, vector<16xf32>,
    tpu.vector_store %arg15[%swap3A_396, %swap3A_397], %broadcast_in_dim3A_219 {strides = array<i32>} : memref<8x128xf32, #tpu.memory_space<vmem>>, vector<16xf32>,
    %swap3A_399 = arith.constant 5 : i32
    %swap3A_400 = arith.index_cast %swap3A_399 : i32 to index
    %swap3A_401 = arith.constant 80 : index
    %swap3A_402 = tpu.vector_load %arg15[%swap3A_400, %swap3A_401] {strides = array<i32>} : memref<8x128xf32, #tpu.memory_space<vmem>>, vector<16xf32>,
    tpu.vector_store %arg15[%swap3A_400, %swap3A_401], %broadcast_in_dim3A_219 {strides = array<i32>} : memref<8x128xf32, #tpu.memory_space<vmem>>, vector<16xf32>,
    %swap3A_403 = arith.constant 5 : i32
    %swap3A_404 = arith.index_cast %swap3A_403 : i32 to index
    %swap3A_405 = arith.constant 96 : index
    %swap3A_406 = tpu.vector_load %arg15[%swap3A_404, %swap3A_405] {strides = array<i32>} : memref<8x128xf32, #tpu.memory_space<vmem>>, vector<16xf32>,
    tpu.vector_store %arg15[%swap3A_404, %swap3A_405], %broadcast_in_dim3A_219 {strides = array<i32>} : memref<8x128xf32, #tpu.memory_space<vmem>>, vector<16xf32>,
    %swap3A_407 = arith.constant 5 : i32
    %swap3A_408 = arith.index_cast %swap3A_407 : i32 to index
    %swap3A_409 = arith.constant 112 : index
    %swap3A_410 = tpu.vector_load %arg15[%swap3A_408, %swap3A_409] {strides = array<i32>} : memref<8x128xf32, #tpu.memory_space<vmem>>, vector<16xf32>,
    tpu.vector_store %arg15[%swap3A_408, %swap3A_409], %broadcast_in_dim3A_219 {strides = array<i32>} : memref<8x128xf32, #tpu.memory_space<vmem>>, vector<16xf32>,
    %swap3A_411 = arith.constant 6 : i32
    %swap3A_412 = arith.index_cast %swap3A_411 : i32 to index
    %swap3A_413 = arith.constant 0 : index
    %swap3A_414 = tpu.vector_load %arg15[%swap3A_412, %swap3A_413] {strides = array<i32>} : memref<8x128xf32, #tpu.memory_space<vmem>>, vector<16xf32>,
    tpu.vector_store %arg15[%swap3A_412, %swap3A_413], %broadcast_in_dim3A_219 {strides = array<i32>} : memref<8x128xf32, #tpu.memory_space<vmem>>, vector<16xf32>,
    %swap3A_415 = arith.constant 6 : i32
    %swap3A_416 = arith.index_cast %swap3A_415 : i32 to index
    %swap3A_417 = arith.constant 16 : index
    %swap3A_418 = tpu.vector_load %arg15[%swap3A_416, %swap3A_417] {strides = array<i32>} : memref<8x128xf32, #tpu.memory_space<vmem>>, vector<16xf32>,
    tpu.vector_store %arg15[%swap3A_416, %swap3A_417], %broadcast_in_dim3A_219 {strides = array<i32>} : memref<8x128xf32, #tpu.memory_space<vmem>>, vector<16xf32>,
    %swap3A_419 = arith.constant 6 : i32
    %swap3A_420 = arith.index_cast %swap3A_419 : i32 to index
    %swap3A_421 = arith.constant 32 : index
    %swap3A_422 = tpu.vector_load %arg15[%swap3A_420, %swap3A_421] {strides = array<i32>} : memref<8x128xf32, #tpu.memory_space<vmem>>, vector<16xf32>,
    tpu.vector_store %arg15[%swap3A_420, %swap3A_421], %broadcast_in_dim3A_219 {strides = array<i32>} : memref<8x128xf32, #tpu.memory_space<vmem>>, vector<16xf32>,
    %swap3A_423 = arith.constant 6 : i32
    %swap3A_424 = arith.index_cast %swap3A_423 : i32 to index
    %swap3A_425 = arith.constant 48 : index
    %swap3A_426 = tpu.vector_load %arg15[%swap3A_424, %swap3A_425] {strides = array<i32>} : memref<8x128xf32, #tpu.memory_space<vmem>>, vector<16xf32>,
    tpu.vector_store %arg15[%swap3A_424, %swap3A_425], %broadcast_in_dim3A_219 {strides = array<i32>} : memref<8x128xf32, #tpu.memory_space<vmem>>, vector<16xf32>,
    %swap3A_427 = arith.constant 6 : i32
    %swap3A_428 = arith.index_cast %swap3A_427 : i32 to index
    %swap3A_429 = arith.constant 64 : index
    %swap3A_430 = tpu.vector_load %arg15[%swap3A_428, %swap3A_429] {strides = array<i32>} : memref<8x128xf32, #tpu.memory_space<vmem>>, vector<16xf32>,
    tpu.vector_store %arg15[%swap3A_428, %swap3A_429], %broadcast_in_dim3A_219 {strides = array<i32>} : memref<8x128xf32, #tpu.memory_space<vmem>>, vector<16xf32>,
    %swap3A_431 = arith.constant 6 : i32
    %swap3A_432 = arith.index_cast %swap3A_431 : i32 to index
    %swap3A_433 = arith.constant 80 : index
    %swap3A_434 = tpu.vector_load %arg15[%swap3A_432, %swap3A_433] {strides = array<i32>} : memref<8x128xf32, #tpu.memory_space<vmem>>, vector<16xf32>,
    tpu.vector_store %arg15[%swap3A_432, %swap3A_433], %broadcast_in_dim3A_219 {strides = array<i32>} : memref<8x128xf32, #tpu.memory_space<vmem>>, vector<16xf32>,
    %swap3A_435 = arith.constant 6 : i32
    %swap3A_436 = arith.index_cast %swap3A_435 : i32 to index
    %swap3A_437 = arith.constant 96 : index
    %swap3A_438 = tpu.vector_load %arg15[%swap3A_436, %swap3A_437] {strides = array<i32>} : memref<8x128xf32, #tpu.memory_space<vmem>>, vector<16xf32>,
    tpu.vector_store %arg15[%swap3A_436, %swap3A_437], %broadcast_in_dim3A_219 {strides = array<i32>} : memref<8x128xf32, #tpu.memory_space<vmem>>, vector<16xf32>,
    %swap3A_439 = arith.constant 6 : i32
    %swap3A_440 = arith.index_cast %swap3A_439 : i32 to index
    %swap3A_441 = arith.constant 112 : index
    %swap3A_442 = tpu.vector_load %arg15[%swap3A_440, %swap3A_441] {strides = array<i32>} : memref<8x128xf32, #tpu.memory_space<vmem>>, vector<16xf32>,
    tpu.vector_store %arg15[%swap3A_440, %swap3A_441], %broadcast_in_dim3A_219 {strides = array<i32>} : memref<8x128xf32, #tpu.memory_space<vmem>>, vector<16xf32>,
    %swap3A_443 = arith.constant 7 : i32
    %swap3A_444 = arith.index_cast %swap3A_443 : i32 to index
    %swap3A_445 = arith.constant 0 : index
    %swap3A_446 = tpu.vector_load %arg15[%swap3A_444, %swap3A_445] {strides = array<i32>} : memref<8x128xf32, #tpu.memory_space<vmem>>, vector<16xf32>,
    tpu.vector_store %arg15[%swap3A_444, %swap3A_445], %broadcast_in_dim3A_219 {strides = array<i32>} : memref<8x128xf32, #tpu.memory_space<vmem>>, vector<16xf32>,
    %swap3A_447 = arith.constant 7 : i32
    %swap3A_448 = arith.index_cast %swap3A_447 : i32 to index
    %swap3A_449 = arith.constant 16 : index
    %swap3A_450 = tpu.vector_load %arg15[%swap3A_448, %swap3A_449] {strides = array<i32>} : memref<8x128xf32, #tpu.memory_space<vmem>>, vector<16xf32>,
    tpu.vector_store %arg15[%swap3A_448, %swap3A_449], %broadcast_in_dim3A_219 {strides = array<i32>} : memref<8x128xf32, #tpu.memory_space<vmem>>, vector<16xf32>,
    %swap3A_451 = arith.constant 7 : i32
    %swap3A_452 = arith.index_cast %swap3A_451 : i32 to index
    %swap3A_453 = arith.constant 32 : index
    %swap3A_454 = tpu.vector_load %arg15[%swap3A_452, %swap3A_453] {strides = array<i32>} : memref<8x128xf32, #tpu.memory_space<vmem>>, vector<16xf32>,
    tpu.vector_store %arg15[%swap3A_452, %swap3A_453], %broadcast_in_dim3A_219 {strides = array<i32>} : memref<8x128xf32, #tpu.memory_space<vmem>>, vector<16xf32>,
    %swap3A_455 = arith.constant 7 : i32
    %swap3A_456 = arith.index_cast %swap3A_455 : i32 to index
    %swap3A_457 = arith.constant 48 : index
    %swap3A_458 = tpu.vector_load %arg15[%swap3A_456, %swap3A_457] {strides = array<i32>} : memref<8x128xf32, #tpu.memory_space<vmem>>, vector<16xf32>,
    tpu.vector_store %arg15[%swap3A_456, %swap3A_457], %broadcast_in_dim3A_219 {strides = array<i32>} : memref<8x128xf32, #tpu.memory_space<vmem>>, vector<16xf32>,
    %swap3A_459 = arith.constant 7 : i32
    %swap3A_460 = arith.index_cast %swap3A_459 : i32 to index
    %swap3A_461 = arith.constant 64 : index
    %swap3A_462 = tpu.vector_load %arg15[%swap3A_460, %swap3A_461] {strides = array<i32>} : memref<8x128xf32, #tpu.memory_space<vmem>>, vector<16xf32>,
    tpu.vector_store %arg15[%swap3A_460, %swap3A_461], %broadcast_in_dim3A_219 {strides = array<i32>} : memref<8x128xf32, #tpu.memory_space<vmem>>, vector<16xf32>,
    %swap3A_463 = arith.constant 7 : i32
    %swap3A_464 = arith.index_cast %swap3A_463 : i32 to index
    %swap3A_465 = arith.constant 80 : index
    %swap3A_466 = tpu.vector_load %arg15[%swap3A_464, %swap3A_465] {strides = array<i32>} : memref<8x128xf32, #tpu.memory_space<vmem>>, vector<16xf32>,
    tpu.vector_store %arg15[%swap3A_464, %swap3A_465], %broadcast_in_dim3A_219 {strides = array<i32>} : memref<8x128xf32, #tpu.memory_space<vmem>>, vector<16xf32>,
    %swap3A_467 = arith.constant 7 : i32
    %swap3A_468 = arith.index_cast %swap3A_467 : i32 to index
    %swap3A_469 = arith.constant 96 : index
    %swap3A_470 = tpu.vector_load %arg15[%swap3A_468, %swap3A_469] {strides = array<i32>} : memref<8x128xf32, #tpu.memory_space<vmem>>, vector<16xf32>,
    tpu.vector_store %arg15[%swap3A_468, %swap3A_469], %broadcast_in_dim3A_219 {strides = array<i32>} : memref<8x128xf32, #tpu.memory_space<vmem>>, vector<16xf32>,
    %swap3A_471 = arith.constant 7 : i32
    %swap3A_472 = arith.index_cast %swap3A_471 : i32 to index
    %swap3A_473 = arith.constant 112 : index
    %swap3A_474 = tpu.vector_load %arg15[%swap3A_472, %swap3A_473] {strides = array<i32>} : memref<8x128xf32, #tpu.memory_space<vmem>>, vector<16xf32>,
    tpu.vector_store %arg15[%swap3A_472, %swap3A_473], %broadcast_in_dim3A_219 {strides = array<i32>} : memref<8x128xf32, #tpu.memory_space<vmem>>, vector<16xf32>,
    "tpu.region"() ({
      %run_scoped3A = tpu.sem_alloc : memref<!tpu.dma_semaphore, #tpu.memory_space<semaphore_mem>>
      %dma_start3A_2906 = tpu.memref_slice %arg2[%mul3A_2] : memref<1024xi32, #tpu.memory_space<hbm>> -> memref<32xi32, #tpu.memory_space<hbm>>
      %dma_start3A_2907 = tpu.memref_slice %arg2[%mul3A_2] : memref<1024xi32, #tpu.memory_space<hbm>> -> memref<32xi32, #tpu.memory_space<hbm>>
      tpu.enqueue_dma source(%dma_start3A_2907 : memref<32xi32, #tpu.memory_space<hbm>>) target(%arg8 : memref<32xi32, #tpu.memory_space<vmem>>) target_semaphore(%run_scoped3A : memref<!tpu.dma_semaphore, #tpu.memory_space<semaphore_mem>>)
      %dma_wait3A_2908 = tpu.memref_slice %arg2[%mul3A_2] : memref<1024xi32, #tpu.memory_space<hbm>> -> memref<32xi32, #tpu.memory_space<hbm>>
      %dma_wait3A_2909 = tpu.memref_slice %arg2[%mul3A_2] : memref<1024xi32, #tpu.memory_space<hbm>> -> memref<32xi32, #tpu.memory_space<hbm>>
      tpu.wait_dma2 semaphore(%run_scoped3A : memref<!tpu.dma_semaphore, #tpu.memory_space<semaphore_mem>>) src(%dma_wait3A_2909 : memref<32xi32, #tpu.memory_space<hbm>>) dst(%arg8 : memref<32xi32, #tpu.memory_space<vmem>>)
      tpu.yield
    }) : () -> ()
    %iota3A = tpu.iota {dimensions = array<i32: 0>} : vector<16xi32>
    %get3A = arith.constant 0 : index
    %get3A_475 = tpu.vector_load %arg8[%get3A] {strides = array<i32>} : memref<32xi32, #tpu.memory_space<vmem>>, vector<16xi32>,
    %shift_right_arithmetic3A = arith.constant 3 : i32
    %shift_right_arithmetic3A_476 = vector.broadcast %shift_right_arithmetic3A : i32 to vector<16xi32>
    %shift_right_arithmetic3A_477 = arith.shrsi %get3A_475, %shift_right_arithmetic3A_476 : vector<16xi32>
    %shift_left3A = arith.constant 3 : i32
    %shift_left3A_478 = vector.broadcast %shift_left3A : i32 to vector<16xi32>
    %shift_left3A_479 = arith.shli %shift_right_arithmetic3A_477, %shift_left3A_478 : vector<16xi32>
    %slice3A = vector.extract_strided_slice %shift_left3A_479 {offsets = [0], sizes = [1], strides = [1]} : vector<16xi32> to vector<1xi32>
    %squeeze3A = vector.extract %slice3A[0] : i32 from vector<1xi32>
    %multiple_of3A_480 = tpu.assume_multiple %squeeze3A, 8 : i32
    %jit3A = arith.constant 128 : i32
    %div3A = arith.divsi %mul3A_2, %jit3A : i32
    %sign3A = arith.constant 0 : i32
    %sign3A_481 = arith.cmpi sgt, %mul3A_2, %sign3A : i32
    %sign3A_482 = arith.extui %sign3A_481 : i1 to i32
    %sign3A_483 = arith.constant 0 : i32
    %sign3A_484 = arith.cmpi slt, %mul3A_2, %sign3A_483 : i32
    %sign3A_485 = arith.extui %sign3A_484 : i1 to i32
    %sign3A_486 = arith.subi %sign3A_482, %sign3A_485 : i32
    %sign3A_487 = arith.constant 0 : i32
    %sign3A_488 = arith.cmpi sgt, %jit3A, %sign3A_487 : i32
    %sign3A_489 = arith.extui %sign3A_488 : i1 to i32
    %sign3A_490 = arith.constant 0 : i32
    %sign3A_491 = arith.cmpi slt, %jit3A, %sign3A_490 : i32
    %sign3A_492 = arith.extui %sign3A_491 : i1 to i32
    %sign3A_493 = arith.subi %sign3A_489, %sign3A_492 : i32
    %ne3A = arith.cmpi ne, %sign3A_486, %sign3A_493 : i32
    %rem3A = arith.remsi %mul3A_2, %jit3A : i32
    %ne3A_494 = arith.constant 0 : i32
    %ne3A_495 = arith.cmpi ne, %rem3A, %ne3A_494 : i32
    %and3A = arith.andi %ne3A, %ne3A_495 : i1
    %sub3A = arith.constant 1 : i32
    %sub3A_496 = arith.subi %div3A, %sub3A : i32
    %select_n3A = arith.select %and3A, %sub3A_496, %div3A : i32
    %mul3A_497 = arith.constant 128 : i32
    %mul3A_498 = arith.muli %select_n3A, %mul3A_497 : i32
    %multiple_of3A_499 = tpu.assume_multiple %mul3A_498, 128 : i32
    %dma_start3A_500 = arith.constant 0 : i32
    %dma_start3A_501 = arith.constant 0 : i32
    %dma_start3A_502 = arith.constant 0 : i32
    %dma_start3A_503 = tpu.memref_slice %arg9[%dma_start3A_500, %dma_start3A_501, %dma_start3A_502] : memref<16x8x128xf32, #tpu.memory_space<vmem>> -> memref<1x8x128xf32, #tpu.memory_space<vmem>>
    %dma_start3A_504 = tpu.memref_squeeze %dma_start3A_503 : memref<1x8x128xf32, #tpu.memory_space<vmem>> -> memref<8x128xf32, #tpu.memory_space<vmem>>
    %dma_start3A_505 = tpu.memref_slice %arg3[%multiple_of3A_480, %multiple_of3A_499] : memref<100000x1024xf32, #tpu.memory_space<hbm>> -> memref<8x128xf32, #tpu.memory_space<hbm>>
    %dma_start3A_506 = arith.constant 0 : i32
    %dma_start3A_507 = arith.constant 0 : i32
    %dma_start3A_508 = tpu.memref_slice %arg9[%dma_start3A_500, %dma_start3A_506, %dma_start3A_507] : memref<16x8x128xf32, #tpu.memory_space<vmem>> -> memref<1x8x128xf32, #tpu.memory_space<vmem>>
    %dma_start3A_509 = tpu.memref_squeeze %dma_start3A_508 : memref<1x8x128xf32, #tpu.memory_space<vmem>> -> memref<8x128xf32, #tpu.memory_space<vmem>>
    %dma_start3A_510 = tpu.memref_slice %arg3[%multiple_of3A_480, %multiple_of3A_499] : memref<100000x1024xf32, #tpu.memory_space<hbm>> -> memref<8x128xf32, #tpu.memory_space<hbm>>
    tpu.enqueue_dma source(%dma_start3A_510 : memref<8x128xf32, #tpu.memory_space<hbm>>) target(%dma_start3A_509 : memref<8x128xf32, #tpu.memory_space<vmem>>) target_semaphore(%arg16 : memref<!tpu.dma_semaphore, #tpu.memory_space<semaphore_mem>>)
    %dma_start3A_511 = arith.constant 0 : i32
    %dma_start3A_512 = arith.constant 0 : i32
    %dma_start3A_513 = arith.constant 0 : i32
    %dma_start3A_514 = tpu.memref_slice %arg10[%dma_start3A_511, %dma_start3A_512, %dma_start3A_513] : memref<16x8x128xf32, #tpu.memory_space<vmem>> -> memref<1x8x128xf32, #tpu.memory_space<vmem>>
    %dma_start3A_515 = tpu.memref_squeeze %dma_start3A_514 : memref<1x8x128xf32, #tpu.memory_space<vmem>> -> memref<8x128xf32, #tpu.memory_space<vmem>>
    %dma_start3A_516 = tpu.memref_slice %arg4[%multiple_of3A_480, %multiple_of3A_499] : memref<100000x1024xf32, #tpu.memory_space<hbm>> -> memref<8x128xf32, #tpu.memory_space<hbm>>
    %dma_start3A_517 = arith.constant 0 : i32
    %dma_start3A_518 = arith.constant 0 : i32
    %dma_start3A_519 = tpu.memref_slice %arg10[%dma_start3A_511, %dma_start3A_517, %dma_start3A_518] : memref<16x8x128xf32, #tpu.memory_space<vmem>> -> memref<1x8x128xf32, #tpu.memory_space<vmem>>
    %dma_start3A_520 = tpu.memref_squeeze %dma_start3A_519 : memref<1x8x128xf32, #tpu.memory_space<vmem>> -> memref<8x128xf32, #tpu.memory_space<vmem>>
    %dma_start3A_521 = tpu.memref_slice %arg4[%multiple_of3A_480, %multiple_of3A_499] : memref<100000x1024xf32, #tpu.memory_space<hbm>> -> memref<8x128xf32, #tpu.memory_space<hbm>>
    tpu.enqueue_dma source(%dma_start3A_521 : memref<8x128xf32, #tpu.memory_space<hbm>>) target(%dma_start3A_520 : memref<8x128xf32, #tpu.memory_space<vmem>>) target_semaphore(%arg17 : memref<!tpu.dma_semaphore, #tpu.memory_space<semaphore_mem>>)
    %slice3A_522 = vector.extract_strided_slice %shift_left3A_479 {offsets = [1], sizes = [1], strides = [1]} : vector<16xi32> to vector<1xi32>
    %squeeze3A_523 = vector.extract %slice3A_522[0] : i32 from vector<1xi32>
    %multiple_of3A_524 = tpu.assume_multiple %squeeze3A_523, 8 : i32
    %jit3A_525 = arith.constant 128 : i32
    %div3A_526 = arith.divsi %mul3A_2, %jit3A_525 : i32
    %sign3A_527 = arith.constant 0 : i32
    %sign3A_528 = arith.cmpi sgt, %mul3A_2, %sign3A_527 : i32
    %sign3A_529 = arith.extui %sign3A_528 : i1 to i32
    %sign3A_530 = arith.constant 0 : i32
    %sign3A_531 = arith.cmpi slt, %mul3A_2, %sign3A_530 : i32
    %sign3A_532 = arith.extui %sign3A_531 : i1 to i32
    %sign3A_533 = arith.subi %sign3A_529, %sign3A_532 : i32
    %sign3A_534 = arith.constant 0 : i32
    %sign3A_535 = arith.cmpi sgt, %jit3A_525, %sign3A_534 : i32
    %sign3A_536 = arith.extui %sign3A_535 : i1 to i32
    %sign3A_537 = arith.constant 0 : i32
    %sign3A_538 = arith.cmpi slt, %jit3A_525, %sign3A_537 : i32
    %sign3A_539 = arith.extui %sign3A_538 : i1 to i32
    %sign3A_540 = arith.subi %sign3A_536, %sign3A_539 : i32
    %ne3A_541 = arith.cmpi ne, %sign3A_533, %sign3A_540 : i32
    %rem3A_542 = arith.remsi %mul3A_2, %jit3A_525 : i32
    %ne3A_543 = arith.constant 0 : i32
    %ne3A_544 = arith.cmpi ne, %rem3A_542, %ne3A_543 : i32
    %and3A_545 = arith.andi %ne3A_541, %ne3A_544 : i1
    %sub3A_546 = arith.constant 1 : i32
    %sub3A_547 = arith.subi %div3A_526, %sub3A_546 : i32
    %select_n3A_548 = arith.select %and3A_545, %sub3A_547, %div3A_526 : i32
    %mul3A_549 = arith.constant 128 : i32
    %mul3A_550 = arith.muli %select_n3A_548, %mul3A_549 : i32
    %multiple_of3A_551 = tpu.assume_multiple %mul3A_550, 128 : i32
    %dma_start3A_552 = arith.constant 1 : i32
    %dma_start3A_553 = arith.constant 0 : i32
    %dma_start3A_554 = arith.constant 0 : i32
    %dma_start3A_555 = tpu.memref_slice %arg9[%dma_start3A_552, %dma_start3A_553, %dma_start3A_554] : memref<16x8x128xf32, #tpu.memory_space<vmem>> -> memref<1x8x128xf32, #tpu.memory_space<vmem>>
    %dma_start3A_556 = tpu.memref_squeeze %dma_start3A_555 : memref<1x8x128xf32, #tpu.memory_space<vmem>> -> memref<8x128xf32, #tpu.memory_space<vmem>>
    %dma_start3A_557 = tpu.memref_slice %arg3[%multiple_of3A_524, %multiple_of3A_551] : memref<100000x1024xf32, #tpu.memory_space<hbm>> -> memref<8x128xf32, #tpu.memory_space<hbm>>
    %dma_start3A_558 = arith.constant 0 : i32
    %dma_start3A_559 = arith.constant 0 : i32
    %dma_start3A_560 = tpu.memref_slice %arg9[%dma_start3A_552, %dma_start3A_558, %dma_start3A_559] : memref<16x8x128xf32, #tpu.memory_space<vmem>> -> memref<1x8x128xf32, #tpu.memory_space<vmem>>
    %dma_start3A_561 = tpu.memref_squeeze %dma_start3A_560 : memref<1x8x128xf32, #tpu.memory_space<vmem>> -> memref<8x128xf32, #tpu.memory_space<vmem>>
    %dma_start3A_562 = tpu.memref_slice %arg3[%multiple_of3A_524, %multiple_of3A_551] : memref<100000x1024xf32, #tpu.memory_space<hbm>> -> memref<8x128xf32, #tpu.memory_space<hbm>>
    tpu.enqueue_dma source(%dma_start3A_562 : memref<8x128xf32, #tpu.memory_space<hbm>>) target(%dma_start3A_561 : memref<8x128xf32, #tpu.memory_space<vmem>>) target_semaphore(%arg16 : memref<!tpu.dma_semaphore, #tpu.memory_space<semaphore_mem>>)
    %dma_start3A_563 = arith.constant 1 : i32
    %dma_start3A_564 = arith.constant 0 : i32
    %dma_start3A_565 = arith.constant 0 : i32
    %dma_start3A_566 = tpu.memref_slice %arg10[%dma_start3A_563, %dma_start3A_564, %dma_start3A_565] : memref<16x8x128xf32, #tpu.memory_space<vmem>> -> memref<1x8x128xf32, #tpu.memory_space<vmem>>
    %dma_start3A_567 = tpu.memref_squeeze %dma_start3A_566 : memref<1x8x128xf32, #tpu.memory_space<vmem>> -> memref<8x128xf32, #tpu.memory_space<vmem>>
    %dma_start3A_568 = tpu.memref_slice %arg4[%multiple_of3A_524, %multiple_of3A_551] : memref<100000x1024xf32, #tpu.memory_space<hbm>> -> memref<8x128xf32, #tpu.memory_space<hbm>>
    %dma_start3A_569 = arith.constant 0 : i32
    %dma_start3A_570 = arith.constant 0 : i32
    %dma_start3A_571 = tpu.memref_slice %arg10[%dma_start3A_563, %dma_start3A_569, %dma_start3A_570] : memref<16x8x128xf32, #tpu.memory_space<vmem>> -> memref<1x8x128xf32, #tpu.memory_space<vmem>>
    %dma_start3A_572 = tpu.memref_squeeze %dma_start3A_571 : memref<1x8x128xf32, #tpu.memory_space<vmem>> -> memref<8x128xf32, #tpu.memory_space<vmem>>
    %dma_start3A_573 = tpu.memref_slice %arg4[%multiple_of3A_524, %multiple_of3A_551] : memref<100000x1024xf32, #tpu.memory_space<hbm>> -> memref<8x128xf32, #tpu.memory_space<hbm>>
    tpu.enqueue_dma source(%dma_start3A_573 : memref<8x128xf32, #tpu.memory_space<hbm>>) target(%dma_start3A_572 : memref<8x128xf32, #tpu.memory_space<vmem>>) target_semaphore(%arg17 : memref<!tpu.dma_semaphore, #tpu.memory_space<semaphore_mem>>)
    %slice3A_574 = vector.extract_strided_slice %shift_left3A_479 {offsets = [2], sizes = [1], strides = [1]} : vector<16xi32> to vector<1xi32>
    %squeeze3A_575 = vector.extract %slice3A_574[0] : i32 from vector<1xi32>
    %multiple_of3A_576 = tpu.assume_multiple %squeeze3A_575, 8 : i32
    %jit3A_577 = arith.constant 128 : i32
    %div3A_578 = arith.divsi %mul3A_2, %jit3A_577 : i32
    %sign3A_579 = arith.constant 0 : i32
    %sign3A_580 = arith.cmpi sgt, %mul3A_2, %sign3A_579 : i32
    %sign3A_581 = arith.extui %sign3A_580 : i1 to i32
    %sign3A_582 = arith.constant 0 : i32
    %sign3A_583 = arith.cmpi slt, %mul3A_2, %sign3A_582 : i32
    %sign3A_584 = arith.extui %sign3A_583 : i1 to i32
    %sign3A_585 = arith.subi %sign3A_581, %sign3A_584 : i32
    %sign3A_586 = arith.constant 0 : i32
    %sign3A_587 = arith.cmpi sgt, %jit3A_577, %sign3A_586 : i32
    %sign3A_588 = arith.extui %sign3A_587 : i1 to i32
    %sign3A_589 = arith.constant 0 : i32
    %sign3A_590 = arith.cmpi slt, %jit3A_577, %sign3A_589 : i32
    %sign3A_591 = arith.extui %sign3A_590 : i1 to i32
    %sign3A_592 = arith.subi %sign3A_588, %sign3A_591 : i32
    %ne3A_593 = arith.cmpi ne, %sign3A_585, %sign3A_592 : i32
    %rem3A_594 = arith.remsi %mul3A_2, %jit3A_577 : i32
    %ne3A_595 = arith.constant 0 : i32
    %ne3A_596 = arith.cmpi ne, %rem3A_594, %ne3A_595 : i32
    %and3A_597 = arith.andi %ne3A_593, %ne3A_596 : i1
    %sub3A_598 = arith.constant 1 : i32
    %sub3A_599 = arith.subi %div3A_578, %sub3A_598 : i32
    %select_n3A_600 = arith.select %and3A_597, %sub3A_599, %div3A_578 : i32
    %mul3A_601 = arith.constant 128 : i32
    %mul3A_602 = arith.muli %select_n3A_600, %mul3A_601 : i32
    %multiple_of3A_603 = tpu.assume_multiple %mul3A_602, 128 : i32
    %dma_start3A_604 = arith.constant 2 : i32
    %dma_start3A_605 = arith.constant 0 : i32
    %dma_start3A_606 = arith.constant 0 : i32
    %dma_start3A_607 = tpu.memref_slice %arg9[%dma_start3A_604, %dma_start3A_605, %dma_start3A_606] : memref<16x8x128xf32, #tpu.memory_space<vmem>> -> memref<1x8x128xf32, #tpu.memory_space<vmem>>
    %dma_start3A_608 = tpu.memref_squeeze %dma_start3A_607 : memref<1x8x128xf32, #tpu.memory_space<vmem>> -> memref<8x128xf32, #tpu.memory_space<vmem>>
    %dma_start3A_609 = tpu.memref_slice %arg3[%multiple_of3A_576, %multiple_of3A_603] : memref<100000x1024xf32, #tpu.memory_space<hbm>> -> memref<8x128xf32, #tpu.memory_space<hbm>>
    %dma_start3A_610 = arith.constant 0 : i32
    %dma_start3A_611 = arith.constant 0 : i32
    %dma_start3A_612 = tpu.memref_slice %arg9[%dma_start3A_604, %dma_start3A_610, %dma_start3A_611] : memref<16x8x128xf32, #tpu.memory_space<vmem>> -> memref<1x8x128xf32, #tpu.memory_space<vmem>>
    %dma_start3A_613 = tpu.memref_squeeze %dma_start3A_612 : memref<1x8x128xf32, #tpu.memory_space<vmem>> -> memref<8x128xf32, #tpu.memory_space<vmem>>
    %dma_start3A_614 = tpu.memref_slice %arg3[%multiple_of3A_576, %multiple_of3A_603] : memref<100000x1024xf32, #tpu.memory_space<hbm>> -> memref<8x128xf32, #tpu.memory_space<hbm>>
    tpu.enqueue_dma source(%dma_start3A_614 : memref<8x128xf32, #tpu.memory_space<hbm>>) target(%dma_start3A_613 : memref<8x128xf32, #tpu.memory_space<vmem>>) target_semaphore(%arg16 : memref<!tpu.dma_semaphore, #tpu.memory_space<semaphore_mem>>)
    %dma_start3A_615 = arith.constant 2 : i32
    %dma_start3A_616 = arith.constant 0 : i32
    %dma_start3A_617 = arith.constant 0 : i32
    %dma_start3A_618 = tpu.memref_slice %arg10[%dma_start3A_615, %dma_start3A_616, %dma_start3A_617] : memref<16x8x128xf32, #tpu.memory_space<vmem>> -> memref<1x8x128xf32, #tpu.memory_space<vmem>>
    %dma_start3A_619 = tpu.memref_squeeze %dma_start3A_618 : memref<1x8x128xf32, #tpu.memory_space<vmem>> -> memref<8x128xf32, #tpu.memory_space<vmem>>
    %dma_start3A_620 = tpu.memref_slice %arg4[%multiple_of3A_576, %multiple_of3A_603] : memref<100000x1024xf32, #tpu.memory_space<hbm>> -> memref<8x128xf32, #tpu.memory_space<hbm>>
    %dma_start3A_621 = arith.constant 0 : i32
    %dma_start3A_622 = arith.constant 0 : i32
    %dma_start3A_623 = tpu.memref_slice %arg10[%dma_start3A_615, %dma_start3A_621, %dma_start3A_622] : memref<16x8x128xf32, #tpu.memory_space<vmem>> -> memref<1x8x128xf32, #tpu.memory_space<vmem>>
    %dma_start3A_624 = tpu.memref_squeeze %dma_start3A_623 : memref<1x8x128xf32, #tpu.memory_space<vmem>> -> memref<8x128xf32, #tpu.memory_space<vmem>>
    %dma_start3A_625 = tpu.memref_slice %arg4[%multiple_of3A_576, %multiple_of3A_603] : memref<100000x1024xf32, #tpu.memory_space<hbm>> -> memref<8x128xf32, #tpu.memory_space<hbm>>
    tpu.enqueue_dma source(%dma_start3A_625 : memref<8x128xf32, #tpu.memory_space<hbm>>) target(%dma_start3A_624 : memref<8x128xf32, #tpu.memory_space<vmem>>) target_semaphore(%arg17 : memref<!tpu.dma_semaphore, #tpu.memory_space<semaphore_mem>>)
    %slice3A_626 = vector.extract_strided_slice %shift_left3A_479 {offsets = [3], sizes = [1], strides = [1]} : vector<16xi32> to vector<1xi32>
    %squeeze3A_627 = vector.extract %slice3A_626[0] : i32 from vector<1xi32>
    %multiple_of3A_628 = tpu.assume_multiple %squeeze3A_627, 8 : i32
    %jit3A_629 = arith.constant 128 : i32
    %div3A_630 = arith.divsi %mul3A_2, %jit3A_629 : i32
    %sign3A_631 = arith.constant 0 : i32
    %sign3A_632 = arith.cmpi sgt, %mul3A_2, %sign3A_631 : i32
    %sign3A_633 = arith.extui %sign3A_632 : i1 to i32
    %sign3A_634 = arith.constant 0 : i32
    %sign3A_635 = arith.cmpi slt, %mul3A_2, %sign3A_634 : i32
    %sign3A_636 = arith.extui %sign3A_635 : i1 to i32
    %sign3A_637 = arith.subi %sign3A_633, %sign3A_636 : i32
    %sign3A_638 = arith.constant 0 : i32
    %sign3A_639 = arith.cmpi sgt, %jit3A_629, %sign3A_638 : i32
    %sign3A_640 = arith.extui %sign3A_639 : i1 to i32
    %sign3A_641 = arith.constant 0 : i32
    %sign3A_642 = arith.cmpi slt, %jit3A_629, %sign3A_641 : i32
    %sign3A_643 = arith.extui %sign3A_642 : i1 to i32
    %sign3A_644 = arith.subi %sign3A_640, %sign3A_643 : i32
    %ne3A_645 = arith.cmpi ne, %sign3A_637, %sign3A_644 : i32
    %rem3A_646 = arith.remsi %mul3A_2, %jit3A_629 : i32
    %ne3A_647 = arith.constant 0 : i32
    %ne3A_648 = arith.cmpi ne, %rem3A_646, %ne3A_647 : i32
    %and3A_649 = arith.andi %ne3A_645, %ne3A_648 : i1
    %sub3A_650 = arith.constant 1 : i32
    %sub3A_651 = arith.subi %div3A_630, %sub3A_650 : i32
    %select_n3A_652 = arith.select %and3A_649, %sub3A_651, %div3A_630 : i32
    %mul3A_653 = arith.constant 128 : i32
    %mul3A_654 = arith.muli %select_n3A_652, %mul3A_653 : i32
    %multiple_of3A_655 = tpu.assume_multiple %mul3A_654, 128 : i32
    %dma_start3A_656 = arith.constant 3 : i32
    %dma_start3A_657 = arith.constant 0 : i32
    %dma_start3A_658 = arith.constant 0 : i32
    %dma_start3A_659 = tpu.memref_slice %arg9[%dma_start3A_656, %dma_start3A_657, %dma_start3A_658] : memref<16x8x128xf32, #tpu.memory_space<vmem>> -> memref<1x8x128xf32, #tpu.memory_space<vmem>>
    %dma_start3A_660 = tpu.memref_squeeze %dma_start3A_659 : memref<1x8x128xf32, #tpu.memory_space<vmem>> -> memref<8x128xf32, #tpu.memory_space<vmem>>
    %dma_start3A_661 = tpu.memref_slice %arg3[%multiple_of3A_628, %multiple_of3A_655] : memref<100000x1024xf32, #tpu.memory_space<hbm>> -> memref<8x128xf32, #tpu.memory_space<hbm>>
    %dma_start3A_662 = arith.constant 0 : i32
    %dma_start3A_663 = arith.constant 0 : i32
    %dma_start3A_664 = tpu.memref_slice %arg9[%dma_start3A_656, %dma_start3A_662, %dma_start3A_663] : memref<16x8x128xf32, #tpu.memory_space<vmem>> -> memref<1x8x128xf32, #tpu.memory_space<vmem>>
    %dma_start3A_665 = tpu.memref_squeeze %dma_start3A_664 : memref<1x8x128xf32, #tpu.memory_space<vmem>> -> memref<8x128xf32, #tpu.memory_space<vmem>>
    %dma_start3A_666 = tpu.memref_slice %arg3[%multiple_of3A_628, %multiple_of3A_655] : memref<100000x1024xf32, #tpu.memory_space<hbm>> -> memref<8x128xf32, #tpu.memory_space<hbm>>
    tpu.enqueue_dma source(%dma_start3A_666 : memref<8x128xf32, #tpu.memory_space<hbm>>) target(%dma_start3A_665 : memref<8x128xf32, #tpu.memory_space<vmem>>) target_semaphore(%arg16 : memref<!tpu.dma_semaphore, #tpu.memory_space<semaphore_mem>>)
    %dma_start3A_667 = arith.constant 3 : i32
    %dma_start3A_668 = arith.constant 0 : i32
    %dma_start3A_669 = arith.constant 0 : i32
    %dma_start3A_670 = tpu.memref_slice %arg10[%dma_start3A_667, %dma_start3A_668, %dma_start3A_669] : memref<16x8x128xf32, #tpu.memory_space<vmem>> -> memref<1x8x128xf32, #tpu.memory_space<vmem>>
    %dma_start3A_671 = tpu.memref_squeeze %dma_start3A_670 : memref<1x8x128xf32, #tpu.memory_space<vmem>> -> memref<8x128xf32, #tpu.memory_space<vmem>>
    %dma_start3A_672 = tpu.memref_slice %arg4[%multiple_of3A_628, %multiple_of3A_655] : memref<100000x1024xf32, #tpu.memory_space<hbm>> -> memref<8x128xf32, #tpu.memory_space<hbm>>
    %dma_start3A_673 = arith.constant 0 : i32
    %dma_start3A_674 = arith.constant 0 : i32
    %dma_start3A_675 = tpu.memref_slice %arg10[%dma_start3A_667, %dma_start3A_673, %dma_start3A_674] : memref<16x8x128xf32, #tpu.memory_space<vmem>> -> memref<1x8x128xf32, #tpu.memory_space<vmem>>
    %dma_start3A_676 = tpu.memref_squeeze %dma_start3A_675 : memref<1x8x128xf32, #tpu.memory_space<vmem>> -> memref<8x128xf32, #tpu.memory_space<vmem>>
    %dma_start3A_677 = tpu.memref_slice %arg4[%multiple_of3A_628, %multiple_of3A_655] : memref<100000x1024xf32, #tpu.memory_space<hbm>> -> memref<8x128xf32, #tpu.memory_space<hbm>>
    tpu.enqueue_dma source(%dma_start3A_677 : memref<8x128xf32, #tpu.memory_space<hbm>>) target(%dma_start3A_676 : memref<8x128xf32, #tpu.memory_space<vmem>>) target_semaphore(%arg17 : memref<!tpu.dma_semaphore, #tpu.memory_space<semaphore_mem>>)
    %slice3A_678 = vector.extract_strided_slice %shift_left3A_479 {offsets = [4], sizes = [1], strides = [1]} : vector<16xi32> to vector<1xi32>
    %squeeze3A_679 = vector.extract %slice3A_678[0] : i32 from vector<1xi32>
    %multiple_of3A_680 = tpu.assume_multiple %squeeze3A_679, 8 : i32
    %jit3A_681 = arith.constant 128 : i32
    %div3A_682 = arith.divsi %mul3A_2, %jit3A_681 : i32
    %sign3A_683 = arith.constant 0 : i32
    %sign3A_684 = arith.cmpi sgt, %mul3A_2, %sign3A_683 : i32
    %sign3A_685 = arith.extui %sign3A_684 : i1 to i32
    %sign3A_686 = arith.constant 0 : i32
    %sign3A_687 = arith.cmpi slt, %mul3A_2, %sign3A_686 : i32
    %sign3A_688 = arith.extui %sign3A_687 : i1 to i32
    %sign3A_689 = arith.subi %sign3A_685, %sign3A_688 : i32
    %sign3A_690 = arith.constant 0 : i32
    %sign3A_691 = arith.cmpi sgt, %jit3A_681, %sign3A_690 : i32
    %sign3A_692 = arith.extui %sign3A_691 : i1 to i32
    %sign3A_693 = arith.constant 0 : i32
    %sign3A_694 = arith.cmpi slt, %jit3A_681, %sign3A_693 : i32
    %sign3A_695 = arith.extui %sign3A_694 : i1 to i32
    %sign3A_696 = arith.subi %sign3A_692, %sign3A_695 : i32
    %ne3A_697 = arith.cmpi ne, %sign3A_689, %sign3A_696 : i32
    %rem3A_698 = arith.remsi %mul3A_2, %jit3A_681 : i32
    %ne3A_699 = arith.constant 0 : i32
    %ne3A_700 = arith.cmpi ne, %rem3A_698, %ne3A_699 : i32
    %and3A_701 = arith.andi %ne3A_697, %ne3A_700 : i1
    %sub3A_702 = arith.constant 1 : i32
    %sub3A_703 = arith.subi %div3A_682, %sub3A_702 : i32
    %select_n3A_704 = arith.select %and3A_701, %sub3A_703, %div3A_682 : i32
    %mul3A_705 = arith.constant 128 : i32
    %mul3A_706 = arith.muli %select_n3A_704, %mul3A_705 : i32
    %multiple_of3A_707 = tpu.assume_multiple %mul3A_706, 128 : i32
    %dma_start3A_708 = arith.constant 4 : i32
    %dma_start3A_709 = arith.constant 0 : i32
    %dma_start3A_710 = arith.constant 0 : i32
    %dma_start3A_711 = tpu.memref_slice %arg9[%dma_start3A_708, %dma_start3A_709, %dma_start3A_710] : memref<16x8x128xf32, #tpu.memory_space<vmem>> -> memref<1x8x128xf32, #tpu.memory_space<vmem>>
    %dma_start3A_712 = tpu.memref_squeeze %dma_start3A_711 : memref<1x8x128xf32, #tpu.memory_space<vmem>> -> memref<8x128xf32, #tpu.memory_space<vmem>>
    %dma_start3A_713 = tpu.memref_slice %arg3[%multiple_of3A_680, %multiple_of3A_707] : memref<100000x1024xf32, #tpu.memory_space<hbm>> -> memref<8x128xf32, #tpu.memory_space<hbm>>
    %dma_start3A_714 = arith.constant 0 : i32
    %dma_start3A_715 = arith.constant 0 : i32
    %dma_start3A_716 = tpu.memref_slice %arg9[%dma_start3A_708, %dma_start3A_714, %dma_start3A_715] : memref<16x8x128xf32, #tpu.memory_space<vmem>> -> memref<1x8x128xf32, #tpu.memory_space<vmem>>
    %dma_start3A_717 = tpu.memref_squeeze %dma_start3A_716 : memref<1x8x128xf32, #tpu.memory_space<vmem>> -> memref<8x128xf32, #tpu.memory_space<vmem>>
    %dma_start3A_718 = tpu.memref_slice %arg3[%multiple_of3A_680, %multiple_of3A_707] : memref<100000x1024xf32, #tpu.memory_space<hbm>> -> memref<8x128xf32, #tpu.memory_space<hbm>>
    tpu.enqueue_dma source(%dma_start3A_718 : memref<8x128xf32, #tpu.memory_space<hbm>>) target(%dma_start3A_717 : memref<8x128xf32, #tpu.memory_space<vmem>>) target_semaphore(%arg16 : memref<!tpu.dma_semaphore, #tpu.memory_space<semaphore_mem>>)
    %dma_start3A_719 = arith.constant 4 : i32
    %dma_start3A_720 = arith.constant 0 : i32
    %dma_start3A_721 = arith.constant 0 : i32
    %dma_start3A_722 = tpu.memref_slice %arg10[%dma_start3A_719, %dma_start3A_720, %dma_start3A_721] : memref<16x8x128xf32, #tpu.memory_space<vmem>> -> memref<1x8x128xf32, #tpu.memory_space<vmem>>
    %dma_start3A_723 = tpu.memref_squeeze %dma_start3A_722 : memref<1x8x128xf32, #tpu.memory_space<vmem>> -> memref<8x128xf32, #tpu.memory_space<vmem>>
    %dma_start3A_724 = tpu.memref_slice %arg4[%multiple_of3A_680, %multiple_of3A_707] : memref<100000x1024xf32, #tpu.memory_space<hbm>> -> memref<8x128xf32, #tpu.memory_space<hbm>>
    %dma_start3A_725 = arith.constant 0 : i32
    %dma_start3A_726 = arith.constant 0 : i32
    %dma_start3A_727 = tpu.memref_slice %arg10[%dma_start3A_719, %dma_start3A_725, %dma_start3A_726] : memref<16x8x128xf32, #tpu.memory_space<vmem>> -> memref<1x8x128xf32, #tpu.memory_space<vmem>>
    %dma_start3A_728 = tpu.memref_squeeze %dma_start3A_727 : memref<1x8x128xf32, #tpu.memory_space<vmem>> -> memref<8x128xf32, #tpu.memory_space<vmem>>
    %dma_start3A_729 = tpu.memref_slice %arg4[%multiple_of3A_680, %multiple_of3A_707] : memref<100000x1024xf32, #tpu.memory_space<hbm>> -> memref<8x128xf32, #tpu.memory_space<hbm>>
    tpu.enqueue_dma source(%dma_start3A_729 : memref<8x128xf32, #tpu.memory_space<hbm>>) target(%dma_start3A_728 : memref<8x128xf32, #tpu.memory_space<vmem>>) target_semaphore(%arg17 : memref<!tpu.dma_semaphore, #tpu.memory_space<semaphore_mem>>)
    %slice3A_730 = vector.extract_strided_slice %shift_left3A_479 {offsets = [5], sizes = [1], strides = [1]} : vector<16xi32> to vector<1xi32>
    %squeeze3A_731 = vector.extract %slice3A_730[0] : i32 from vector<1xi32>
    %multiple_of3A_732 = tpu.assume_multiple %squeeze3A_731, 8 : i32
    %jit3A_733 = arith.constant 128 : i32
    %div3A_734 = arith.divsi %mul3A_2, %jit3A_733 : i32
    %sign3A_735 = arith.constant 0 : i32
    %sign3A_736 = arith.cmpi sgt, %mul3A_2, %sign3A_735 : i32
    %sign3A_737 = arith.extui %sign3A_736 : i1 to i32
    %sign3A_738 = arith.constant 0 : i32
    %sign3A_739 = arith.cmpi slt, %mul3A_2, %sign3A_738 : i32
    %sign3A_740 = arith.extui %sign3A_739 : i1 to i32
    %sign3A_741 = arith.subi %sign3A_737, %sign3A_740 : i32
    %sign3A_742 = arith.constant 0 : i32
    %sign3A_743 = arith.cmpi sgt, %jit3A_733, %sign3A_742 : i32
    %sign3A_744 = arith.extui %sign3A_743 : i1 to i32
    %sign3A_745 = arith.constant 0 : i32
    %sign3A_746 = arith.cmpi slt, %jit3A_733, %sign3A_745 : i32
    %sign3A_747 = arith.extui %sign3A_746 : i1 to i32
    %sign3A_748 = arith.subi %sign3A_744, %sign3A_747 : i32
    %ne3A_749 = arith.cmpi ne, %sign3A_741, %sign3A_748 : i32
    %rem3A_750 = arith.remsi %mul3A_2, %jit3A_733 : i32
    %ne3A_751 = arith.constant 0 : i32
    %ne3A_752 = arith.cmpi ne, %rem3A_750, %ne3A_751 : i32
    %and3A_753 = arith.andi %ne3A_749, %ne3A_752 : i1
    %sub3A_754 = arith.constant 1 : i32
    %sub3A_755 = arith.subi %div3A_734, %sub3A_754 : i32
    %select_n3A_756 = arith.select %and3A_753, %sub3A_755, %div3A_734 : i32
    %mul3A_757 = arith.constant 128 : i32
    %mul3A_758 = arith.muli %select_n3A_756, %mul3A_757 : i32
    %multiple_of3A_759 = tpu.assume_multiple %mul3A_758, 128 : i32
    %dma_start3A_760 = arith.constant 5 : i32
    %dma_start3A_761 = arith.constant 0 : i32
    %dma_start3A_762 = arith.constant 0 : i32
    %dma_start3A_763 = tpu.memref_slice %arg9[%dma_start3A_760, %dma_start3A_761, %dma_start3A_762] : memref<16x8x128xf32, #tpu.memory_space<vmem>> -> memref<1x8x128xf32, #tpu.memory_space<vmem>>
    %dma_start3A_764 = tpu.memref_squeeze %dma_start3A_763 : memref<1x8x128xf32, #tpu.memory_space<vmem>> -> memref<8x128xf32, #tpu.memory_space<vmem>>
    %dma_start3A_765 = tpu.memref_slice %arg3[%multiple_of3A_732, %multiple_of3A_759] : memref<100000x1024xf32, #tpu.memory_space<hbm>> -> memref<8x128xf32, #tpu.memory_space<hbm>>
    %dma_start3A_766 = arith.constant 0 : i32
    %dma_start3A_767 = arith.constant 0 : i32
    %dma_start3A_768 = tpu.memref_slice %arg9[%dma_start3A_760, %dma_start3A_766, %dma_start3A_767] : memref<16x8x128xf32, #tpu.memory_space<vmem>> -> memref<1x8x128xf32, #tpu.memory_space<vmem>>
    %dma_start3A_769 = tpu.memref_squeeze %dma_start3A_768 : memref<1x8x128xf32, #tpu.memory_space<vmem>> -> memref<8x128xf32, #tpu.memory_space<vmem>>
    %dma_start3A_770 = tpu.memref_slice %arg3[%multiple_of3A_732, %multiple_of3A_759] : memref<100000x1024xf32, #tpu.memory_space<hbm>> -> memref<8x128xf32, #tpu.memory_space<hbm>>
    tpu.enqueue_dma source(%dma_start3A_770 : memref<8x128xf32, #tpu.memory_space<hbm>>) target(%dma_start3A_769 : memref<8x128xf32, #tpu.memory_space<vmem>>) target_semaphore(%arg16 : memref<!tpu.dma_semaphore, #tpu.memory_space<semaphore_mem>>)
    %dma_start3A_771 = arith.constant 5 : i32
    %dma_start3A_772 = arith.constant 0 : i32
    %dma_start3A_773 = arith.constant 0 : i32
    %dma_start3A_774 = tpu.memref_slice %arg10[%dma_start3A_771, %dma_start3A_772, %dma_start3A_773] : memref<16x8x128xf32, #tpu.memory_space<vmem>> -> memref<1x8x128xf32, #tpu.memory_space<vmem>>
    %dma_start3A_775 = tpu.memref_squeeze %dma_start3A_774 : memref<1x8x128xf32, #tpu.memory_space<vmem>> -> memref<8x128xf32, #tpu.memory_space<vmem>>
    %dma_start3A_776 = tpu.memref_slice %arg4[%multiple_of3A_732, %multiple_of3A_759] : memref<100000x1024xf32, #tpu.memory_space<hbm>> -> memref<8x128xf32, #tpu.memory_space<hbm>>
    %dma_start3A_777 = arith.constant 0 : i32
    %dma_start3A_778 = arith.constant 0 : i32
    %dma_start3A_779 = tpu.memref_slice %arg10[%dma_start3A_771, %dma_start3A_777, %dma_start3A_778] : memref<16x8x128xf32, #tpu.memory_space<vmem>> -> memref<1x8x128xf32, #tpu.memory_space<vmem>>
    %dma_start3A_780 = tpu.memref_squeeze %dma_start3A_779 : memref<1x8x128xf32, #tpu.memory_space<vmem>> -> memref<8x128xf32, #tpu.memory_space<vmem>>
    %dma_start3A_781 = tpu.memref_slice %arg4[%multiple_of3A_732, %multiple_of3A_759] : memref<100000x1024xf32, #tpu.memory_space<hbm>> -> memref<8x128xf32, #tpu.memory_space<hbm>>
    tpu.enqueue_dma source(%dma_start3A_781 : memref<8x128xf32, #tpu.memory_space<hbm>>) target(%dma_start3A_780 : memref<8x128xf32, #tpu.memory_space<vmem>>) target_semaphore(%arg17 : memref<!tpu.dma_semaphore, #tpu.memory_space<semaphore_mem>>)
    %slice3A_782 = vector.extract_strided_slice %shift_left3A_479 {offsets = [6], sizes = [1], strides = [1]} : vector<16xi32> to vector<1xi32>
    %squeeze3A_783 = vector.extract %slice3A_782[0] : i32 from vector<1xi32>
    %multiple_of3A_784 = tpu.assume_multiple %squeeze3A_783, 8 : i32
    %jit3A_785 = arith.constant 128 : i32
    %div3A_786 = arith.divsi %mul3A_2, %jit3A_785 : i32
    %sign3A_787 = arith.constant 0 : i32
    %sign3A_788 = arith.cmpi sgt, %mul3A_2, %sign3A_787 : i32
    %sign3A_789 = arith.extui %sign3A_788 : i1 to i32
    %sign3A_790 = arith.constant 0 : i32
    %sign3A_791 = arith.cmpi slt, %mul3A_2, %sign3A_790 : i32
    %sign3A_792 = arith.extui %sign3A_791 : i1 to i32
    %sign3A_793 = arith.subi %sign3A_789, %sign3A_792 : i32
    %sign3A_794 = arith.constant 0 : i32
    %sign3A_795 = arith.cmpi sgt, %jit3A_785, %sign3A_794 : i32
    %sign3A_796 = arith.extui %sign3A_795 : i1 to i32
    %sign3A_797 = arith.constant 0 : i32
    %sign3A_798 = arith.cmpi slt, %jit3A_785, %sign3A_797 : i32
    %sign3A_799 = arith.extui %sign3A_798 : i1 to i32
    %sign3A_800 = arith.subi %sign3A_796, %sign3A_799 : i32
    %ne3A_801 = arith.cmpi ne, %sign3A_793, %sign3A_800 : i32
    %rem3A_802 = arith.remsi %mul3A_2, %jit3A_785 : i32
    %ne3A_803 = arith.constant 0 : i32
    %ne3A_804 = arith.cmpi ne, %rem3A_802, %ne3A_803 : i32
    %and3A_805 = arith.andi %ne3A_801, %ne3A_804 : i1
    %sub3A_806 = arith.constant 1 : i32
    %sub3A_807 = arith.subi %div3A_786, %sub3A_806 : i32
    %select_n3A_808 = arith.select %and3A_805, %sub3A_807, %div3A_786 : i32
    %mul3A_809 = arith.constant 128 : i32
    %mul3A_810 = arith.muli %select_n3A_808, %mul3A_809 : i32
    %multiple_of3A_811 = tpu.assume_multiple %mul3A_810, 128 : i32
    %dma_start3A_812 = arith.constant 6 : i32
    %dma_start3A_813 = arith.constant 0 : i32
    %dma_start3A_814 = arith.constant 0 : i32
    %dma_start3A_815 = tpu.memref_slice %arg9[%dma_start3A_812, %dma_start3A_813, %dma_start3A_814] : memref<16x8x128xf32, #tpu.memory_space<vmem>> -> memref<1x8x128xf32, #tpu.memory_space<vmem>>
    %dma_start3A_816 = tpu.memref_squeeze %dma_start3A_815 : memref<1x8x128xf32, #tpu.memory_space<vmem>> -> memref<8x128xf32, #tpu.memory_space<vmem>>
    %dma_start3A_817 = tpu.memref_slice %arg3[%multiple_of3A_784, %multiple_of3A_811] : memref<100000x1024xf32, #tpu.memory_space<hbm>> -> memref<8x128xf32, #tpu.memory_space<hbm>>
    %dma_start3A_818 = arith.constant 0 : i32
    %dma_start3A_819 = arith.constant 0 : i32
    %dma_start3A_820 = tpu.memref_slice %arg9[%dma_start3A_812, %dma_start3A_818, %dma_start3A_819] : memref<16x8x128xf32, #tpu.memory_space<vmem>> -> memref<1x8x128xf32, #tpu.memory_space<vmem>>
    %dma_start3A_821 = tpu.memref_squeeze %dma_start3A_820 : memref<1x8x128xf32, #tpu.memory_space<vmem>> -> memref<8x128xf32, #tpu.memory_space<vmem>>
    %dma_start3A_822 = tpu.memref_slice %arg3[%multiple_of3A_784, %multiple_of3A_811] : memref<100000x1024xf32, #tpu.memory_space<hbm>> -> memref<8x128xf32, #tpu.memory_space<hbm>>
    tpu.enqueue_dma source(%dma_start3A_822 : memref<8x128xf32, #tpu.memory_space<hbm>>) target(%dma_start3A_821 : memref<8x128xf32, #tpu.memory_space<vmem>>) target_semaphore(%arg16 : memref<!tpu.dma_semaphore, #tpu.memory_space<semaphore_mem>>)
    %dma_start3A_823 = arith.constant 6 : i32
    %dma_start3A_824 = arith.constant 0 : i32
    %dma_start3A_825 = arith.constant 0 : i32
    %dma_start3A_826 = tpu.memref_slice %arg10[%dma_start3A_823, %dma_start3A_824, %dma_start3A_825] : memref<16x8x128xf32, #tpu.memory_space<vmem>> -> memref<1x8x128xf32, #tpu.memory_space<vmem>>
    %dma_start3A_827 = tpu.memref_squeeze %dma_start3A_826 : memref<1x8x128xf32, #tpu.memory_space<vmem>> -> memref<8x128xf32, #tpu.memory_space<vmem>>
    %dma_start3A_828 = tpu.memref_slice %arg4[%multiple_of3A_784, %multiple_of3A_811] : memref<100000x1024xf32, #tpu.memory_space<hbm>> -> memref<8x128xf32, #tpu.memory_space<hbm>>
    %dma_start3A_829 = arith.constant 0 : i32
    %dma_start3A_830 = arith.constant 0 : i32
    %dma_start3A_831 = tpu.memref_slice %arg10[%dma_start3A_823, %dma_start3A_829, %dma_start3A_830] : memref<16x8x128xf32, #tpu.memory_space<vmem>> -> memref<1x8x128xf32, #tpu.memory_space<vmem>>
    %dma_start3A_832 = tpu.memref_squeeze %dma_start3A_831 : memref<1x8x128xf32, #tpu.memory_space<vmem>> -> memref<8x128xf32, #tpu.memory_space<vmem>>
    %dma_start3A_833 = tpu.memref_slice %arg4[%multiple_of3A_784, %multiple_of3A_811] : memref<100000x1024xf32, #tpu.memory_space<hbm>> -> memref<8x128xf32, #tpu.memory_space<hbm>>
    tpu.enqueue_dma source(%dma_start3A_833 : memref<8x128xf32, #tpu.memory_space<hbm>>) target(%dma_start3A_832 : memref<8x128xf32, #tpu.memory_space<vmem>>) target_semaphore(%arg17 : memref<!tpu.dma_semaphore, #tpu.memory_space<semaphore_mem>>)
    %slice3A_834 = vector.extract_strided_slice %shift_left3A_479 {offsets = [7], sizes = [1], strides = [1]} : vector<16xi32> to vector<1xi32>
    %squeeze3A_835 = vector.extract %slice3A_834[0] : i32 from vector<1xi32>
    %multiple_of3A_836 = tpu.assume_multiple %squeeze3A_835, 8 : i32
    %jit3A_837 = arith.constant 128 : i32
    %div3A_838 = arith.divsi %mul3A_2, %jit3A_837 : i32
    %sign3A_839 = arith.constant 0 : i32
    %sign3A_840 = arith.cmpi sgt, %mul3A_2, %sign3A_839 : i32
    %sign3A_841 = arith.extui %sign3A_840 : i1 to i32
    %sign3A_842 = arith.constant 0 : i32
    %sign3A_843 = arith.cmpi slt, %mul3A_2, %sign3A_842 : i32
    %sign3A_844 = arith.extui %sign3A_843 : i1 to i32
    %sign3A_845 = arith.subi %sign3A_841, %sign3A_844 : i32
    %sign3A_846 = arith.constant 0 : i32
    %sign3A_847 = arith.cmpi sgt, %jit3A_837, %sign3A_846 : i32
    %sign3A_848 = arith.extui %sign3A_847 : i1 to i32
    %sign3A_849 = arith.constant 0 : i32
    %sign3A_850 = arith.cmpi slt, %jit3A_837, %sign3A_849 : i32
    %sign3A_851 = arith.extui %sign3A_850 : i1 to i32
    %sign3A_852 = arith.subi %sign3A_848, %sign3A_851 : i32
    %ne3A_853 = arith.cmpi ne, %sign3A_845, %sign3A_852 : i32
    %rem3A_854 = arith.remsi %mul3A_2, %jit3A_837 : i32
    %ne3A_855 = arith.constant 0 : i32
    %ne3A_856 = arith.cmpi ne, %rem3A_854, %ne3A_855 : i32
    %and3A_857 = arith.andi %ne3A_853, %ne3A_856 : i1
    %sub3A_858 = arith.constant 1 : i32
    %sub3A_859 = arith.subi %div3A_838, %sub3A_858 : i32
    %select_n3A_860 = arith.select %and3A_857, %sub3A_859, %div3A_838 : i32
    %mul3A_861 = arith.constant 128 : i32
    %mul3A_862 = arith.muli %select_n3A_860, %mul3A_861 : i32
    %multiple_of3A_863 = tpu.assume_multiple %mul3A_862, 128 : i32
    %dma_start3A_864 = arith.constant 7 : i32
    %dma_start3A_865 = arith.constant 0 : i32
    %dma_start3A_866 = arith.constant 0 : i32
    %dma_start3A_867 = tpu.memref_slice %arg9[%dma_start3A_864, %dma_start3A_865, %dma_start3A_866] : memref<16x8x128xf32, #tpu.memory_space<vmem>> -> memref<1x8x128xf32, #tpu.memory_space<vmem>>
    %dma_start3A_868 = tpu.memref_squeeze %dma_start3A_867 : memref<1x8x128xf32, #tpu.memory_space<vmem>> -> memref<8x128xf32, #tpu.memory_space<vmem>>
    %dma_start3A_869 = tpu.memref_slice %arg3[%multiple_of3A_836, %multiple_of3A_863] : memref<100000x1024xf32, #tpu.memory_space<hbm>> -> memref<8x128xf32, #tpu.memory_space<hbm>>
    %dma_start3A_870 = arith.constant 0 : i32
    %dma_start3A_871 = arith.constant 0 : i32
    %dma_start3A_872 = tpu.memref_slice %arg9[%dma_start3A_864, %dma_start3A_870, %dma_start3A_871] : memref<16x8x128xf32, #tpu.memory_space<vmem>> -> memref<1x8x128xf32, #tpu.memory_space<vmem>>
    %dma_start3A_873 = tpu.memref_squeeze %dma_start3A_872 : memref<1x8x128xf32, #tpu.memory_space<vmem>> -> memref<8x128xf32, #tpu.memory_space<vmem>>
    %dma_start3A_874 = tpu.memref_slice %arg3[%multiple_of3A_836, %multiple_of3A_863] : memref<100000x1024xf32, #tpu.memory_space<hbm>> -> memref<8x128xf32, #tpu.memory_space<hbm>>
    tpu.enqueue_dma source(%dma_start3A_874 : memref<8x128xf32, #tpu.memory_space<hbm>>) target(%dma_start3A_873 : memref<8x128xf32, #tpu.memory_space<vmem>>) target_semaphore(%arg16 : memref<!tpu.dma_semaphore, #tpu.memory_space<semaphore_mem>>)
    %dma_start3A_875 = arith.constant 7 : i32
    %dma_start3A_876 = arith.constant 0 : i32
    %dma_start3A_877 = arith.constant 0 : i32
    %dma_start3A_878 = tpu.memref_slice %arg10[%dma_start3A_875, %dma_start3A_876, %dma_start3A_877] : memref<16x8x128xf32, #tpu.memory_space<vmem>> -> memref<1x8x128xf32, #tpu.memory_space<vmem>>
    %dma_start3A_879 = tpu.memref_squeeze %dma_start3A_878 : memref<1x8x128xf32, #tpu.memory_space<vmem>> -> memref<8x128xf32, #tpu.memory_space<vmem>>
    %dma_start3A_880 = tpu.memref_slice %arg4[%multiple_of3A_836, %multiple_of3A_863] : memref<100000x1024xf32, #tpu.memory_space<hbm>> -> memref<8x128xf32, #tpu.memory_space<hbm>>
    %dma_start3A_881 = arith.constant 0 : i32
    %dma_start3A_882 = arith.constant 0 : i32
    %dma_start3A_883 = tpu.memref_slice %arg10[%dma_start3A_875, %dma_start3A_881, %dma_start3A_882] : memref<16x8x128xf32, #tpu.memory_space<vmem>> -> memref<1x8x128xf32, #tpu.memory_space<vmem>>
    %dma_start3A_884 = tpu.memref_squeeze %dma_start3A_883 : memref<1x8x128xf32, #tpu.memory_space<vmem>> -> memref<8x128xf32, #tpu.memory_space<vmem>>
    %dma_start3A_885 = tpu.memref_slice %arg4[%multiple_of3A_836, %multiple_of3A_863] : memref<100000x1024xf32, #tpu.memory_space<hbm>> -> memref<8x128xf32, #tpu.memory_space<hbm>>
    tpu.enqueue_dma source(%dma_start3A_885 : memref<8x128xf32, #tpu.memory_space<hbm>>) target(%dma_start3A_884 : memref<8x128xf32, #tpu.memory_space<vmem>>) target_semaphore(%arg17 : memref<!tpu.dma_semaphore, #tpu.memory_space<semaphore_mem>>)
    %slice3A_886 = vector.extract_strided_slice %shift_left3A_479 {offsets = [8], sizes = [1], strides = [1]} : vector<16xi32> to vector<1xi32>
    %squeeze3A_887 = vector.extract %slice3A_886[0] : i32 from vector<1xi32>
    %multiple_of3A_888 = tpu.assume_multiple %squeeze3A_887, 8 : i32
    %jit3A_889 = arith.constant 128 : i32
    %div3A_890 = arith.divsi %mul3A_2, %jit3A_889 : i32
    %sign3A_891 = arith.constant 0 : i32
    %sign3A_892 = arith.cmpi sgt, %mul3A_2, %sign3A_891 : i32
    %sign3A_893 = arith.extui %sign3A_892 : i1 to i32
    %sign3A_894 = arith.constant 0 : i32
    %sign3A_895 = arith.cmpi slt, %mul3A_2, %sign3A_894 : i32
    %sign3A_896 = arith.extui %sign3A_895 : i1 to i32
    %sign3A_897 = arith.subi %sign3A_893, %sign3A_896 : i32
    %sign3A_898 = arith.constant 0 : i32
    %sign3A_899 = arith.cmpi sgt, %jit3A_889, %sign3A_898 : i32
    %sign3A_900 = arith.extui %sign3A_899 : i1 to i32
    %sign3A_901 = arith.constant 0 : i32
    %sign3A_902 = arith.cmpi slt, %jit3A_889, %sign3A_901 : i32
    %sign3A_903 = arith.extui %sign3A_902 : i1 to i32
    %sign3A_904 = arith.subi %sign3A_900, %sign3A_903 : i32
    %ne3A_905 = arith.cmpi ne, %sign3A_897, %sign3A_904 : i32
    %rem3A_906 = arith.remsi %mul3A_2, %jit3A_889 : i32
    %ne3A_907 = arith.constant 0 : i32
    %ne3A_908 = arith.cmpi ne, %rem3A_906, %ne3A_907 : i32
    %and3A_909 = arith.andi %ne3A_905, %ne3A_908 : i1
    %sub3A_910 = arith.constant 1 : i32
    %sub3A_911 = arith.subi %div3A_890, %sub3A_910 : i32
    %select_n3A_912 = arith.select %and3A_909, %sub3A_911, %div3A_890 : i32
    %mul3A_913 = arith.constant 128 : i32
    %mul3A_914 = arith.muli %select_n3A_912, %mul3A_913 : i32
    %multiple_of3A_915 = tpu.assume_multiple %mul3A_914, 128 : i32
    %dma_start3A_916 = arith.constant 8 : i32
    %dma_start3A_917 = arith.constant 0 : i32
    %dma_start3A_918 = arith.constant 0 : i32
    %dma_start3A_919 = tpu.memref_slice %arg9[%dma_start3A_916, %dma_start3A_917, %dma_start3A_918] : memref<16x8x128xf32, #tpu.memory_space<vmem>> -> memref<1x8x128xf32, #tpu.memory_space<vmem>>
    %dma_start3A_920 = tpu.memref_squeeze %dma_start3A_919 : memref<1x8x128xf32, #tpu.memory_space<vmem>> -> memref<8x128xf32, #tpu.memory_space<vmem>>
    %dma_start3A_921 = tpu.memref_slice %arg3[%multiple_of3A_888, %multiple_of3A_915] : memref<100000x1024xf32, #tpu.memory_space<hbm>> -> memref<8x128xf32, #tpu.memory_space<hbm>>
    %dma_start3A_922 = arith.constant 0 : i32
    %dma_start3A_923 = arith.constant 0 : i32
    %dma_start3A_924 = tpu.memref_slice %arg9[%dma_start3A_916, %dma_start3A_922, %dma_start3A_923] : memref<16x8x128xf32, #tpu.memory_space<vmem>> -> memref<1x8x128xf32, #tpu.memory_space<vmem>>
    %dma_start3A_925 = tpu.memref_squeeze %dma_start3A_924 : memref<1x8x128xf32, #tpu.memory_space<vmem>> -> memref<8x128xf32, #tpu.memory_space<vmem>>
    %dma_start3A_926 = tpu.memref_slice %arg3[%multiple_of3A_888, %multiple_of3A_915] : memref<100000x1024xf32, #tpu.memory_space<hbm>> -> memref<8x128xf32, #tpu.memory_space<hbm>>
    tpu.enqueue_dma source(%dma_start3A_926 : memref<8x128xf32, #tpu.memory_space<hbm>>) target(%dma_start3A_925 : memref<8x128xf32, #tpu.memory_space<vmem>>) target_semaphore(%arg16 : memref<!tpu.dma_semaphore, #tpu.memory_space<semaphore_mem>>)
    %dma_start3A_927 = arith.constant 8 : i32
    %dma_start3A_928 = arith.constant 0 : i32
    %dma_start3A_929 = arith.constant 0 : i32
    %dma_start3A_930 = tpu.memref_slice %arg10[%dma_start3A_927, %dma_start3A_928, %dma_start3A_929] : memref<16x8x128xf32, #tpu.memory_space<vmem>> -> memref<1x8x128xf32, #tpu.memory_space<vmem>>
    %dma_start3A_931 = tpu.memref_squeeze %dma_start3A_930 : memref<1x8x128xf32, #tpu.memory_space<vmem>> -> memref<8x128xf32, #tpu.memory_space<vmem>>
    %dma_start3A_932 = tpu.memref_slice %arg4[%multiple_of3A_888, %multiple_of3A_915] : memref<100000x1024xf32, #tpu.memory_space<hbm>> -> memref<8x128xf32, #tpu.memory_space<hbm>>
    %dma_start3A_933 = arith.constant 0 : i32
    %dma_start3A_934 = arith.constant 0 : i32
    %dma_start3A_935 = tpu.memref_slice %arg10[%dma_start3A_927, %dma_start3A_933, %dma_start3A_934] : memref<16x8x128xf32, #tpu.memory_space<vmem>> -> memref<1x8x128xf32, #tpu.memory_space<vmem>>
    %dma_start3A_936 = tpu.memref_squeeze %dma_start3A_935 : memref<1x8x128xf32, #tpu.memory_space<vmem>> -> memref<8x128xf32, #tpu.memory_space<vmem>>
    %dma_start3A_937 = tpu.memref_slice %arg4[%multiple_of3A_888, %multiple_of3A_915] : memref<100000x1024xf32, #tpu.memory_space<hbm>> -> memref<8x128xf32, #tpu.memory_space<hbm>>
    tpu.enqueue_dma source(%dma_start3A_937 : memref<8x128xf32, #tpu.memory_space<hbm>>) target(%dma_start3A_936 : memref<8x128xf32, #tpu.memory_space<vmem>>) target_semaphore(%arg17 : memref<!tpu.dma_semaphore, #tpu.memory_space<semaphore_mem>>)
    %slice3A_938 = vector.extract_strided_slice %shift_left3A_479 {offsets = [9], sizes = [1], strides = [1]} : vector<16xi32> to vector<1xi32>
    %squeeze3A_939 = vector.extract %slice3A_938[0] : i32 from vector<1xi32>
    %multiple_of3A_940 = tpu.assume_multiple %squeeze3A_939, 8 : i32
    %jit3A_941 = arith.constant 128 : i32
    %div3A_942 = arith.divsi %mul3A_2, %jit3A_941 : i32
    %sign3A_943 = arith.constant 0 : i32
    %sign3A_944 = arith.cmpi sgt, %mul3A_2, %sign3A_943 : i32
    %sign3A_945 = arith.extui %sign3A_944 : i1 to i32
    %sign3A_946 = arith.constant 0 : i32
    %sign3A_947 = arith.cmpi slt, %mul3A_2, %sign3A_946 : i32
    %sign3A_948 = arith.extui %sign3A_947 : i1 to i32
    %sign3A_949 = arith.subi %sign3A_945, %sign3A_948 : i32
    %sign3A_950 = arith.constant 0 : i32
    %sign3A_951 = arith.cmpi sgt, %jit3A_941, %sign3A_950 : i32
    %sign3A_952 = arith.extui %sign3A_951 : i1 to i32
    %sign3A_953 = arith.constant 0 : i32
    %sign3A_954 = arith.cmpi slt, %jit3A_941, %sign3A_953 : i32
    %sign3A_955 = arith.extui %sign3A_954 : i1 to i32
    %sign3A_956 = arith.subi %sign3A_952, %sign3A_955 : i32
    %ne3A_957 = arith.cmpi ne, %sign3A_949, %sign3A_956 : i32
    %rem3A_958 = arith.remsi %mul3A_2, %jit3A_941 : i32
    %ne3A_959 = arith.constant 0 : i32
    %ne3A_960 = arith.cmpi ne, %rem3A_958, %ne3A_959 : i32
    %and3A_961 = arith.andi %ne3A_957, %ne3A_960 : i1
    %sub3A_962 = arith.constant 1 : i32
    %sub3A_963 = arith.subi %div3A_942, %sub3A_962 : i32
    %select_n3A_964 = arith.select %and3A_961, %sub3A_963, %div3A_942 : i32
    %mul3A_965 = arith.constant 128 : i32
    %mul3A_966 = arith.muli %select_n3A_964, %mul3A_965 : i32
    %multiple_of3A_967 = tpu.assume_multiple %mul3A_966, 128 : i32
    %dma_start3A_968 = arith.constant 9 : i32
    %dma_start3A_969 = arith.constant 0 : i32
    %dma_start3A_970 = arith.constant 0 : i32
    %dma_start3A_971 = tpu.memref_slice %arg9[%dma_start3A_968, %dma_start3A_969, %dma_start3A_970] : memref<16x8x128xf32, #tpu.memory_space<vmem>> -> memref<1x8x128xf32, #tpu.memory_space<vmem>>
    %dma_start3A_972 = tpu.memref_squeeze %dma_start3A_971 : memref<1x8x128xf32, #tpu.memory_space<vmem>> -> memref<8x128xf32, #tpu.memory_space<vmem>>
    %dma_start3A_973 = tpu.memref_slice %arg3[%multiple_of3A_940, %multiple_of3A_967] : memref<100000x1024xf32, #tpu.memory_space<hbm>> -> memref<8x128xf32, #tpu.memory_space<hbm>>
    %dma_start3A_974 = arith.constant 0 : i32
    %dma_start3A_975 = arith.constant 0 : i32
    %dma_start3A_976 = tpu.memref_slice %arg9[%dma_start3A_968, %dma_start3A_974, %dma_start3A_975] : memref<16x8x128xf32, #tpu.memory_space<vmem>> -> memref<1x8x128xf32, #tpu.memory_space<vmem>>
    %dma_start3A_977 = tpu.memref_squeeze %dma_start3A_976 : memref<1x8x128xf32, #tpu.memory_space<vmem>> -> memref<8x128xf32, #tpu.memory_space<vmem>>
    %dma_start3A_978 = tpu.memref_slice %arg3[%multiple_of3A_940, %multiple_of3A_967] : memref<100000x1024xf32, #tpu.memory_space<hbm>> -> memref<8x128xf32, #tpu.memory_space<hbm>>
    tpu.enqueue_dma source(%dma_start3A_978 : memref<8x128xf32, #tpu.memory_space<hbm>>) target(%dma_start3A_977 : memref<8x128xf32, #tpu.memory_space<vmem>>) target_semaphore(%arg16 : memref<!tpu.dma_semaphore, #tpu.memory_space<semaphore_mem>>)
    %dma_start3A_979 = arith.constant 9 : i32
    %dma_start3A_980 = arith.constant 0 : i32
    %dma_start3A_981 = arith.constant 0 : i32
    %dma_start3A_982 = tpu.memref_slice %arg10[%dma_start3A_979, %dma_start3A_980, %dma_start3A_981] : memref<16x8x128xf32, #tpu.memory_space<vmem>> -> memref<1x8x128xf32, #tpu.memory_space<vmem>>
    %dma_start3A_983 = tpu.memref_squeeze %dma_start3A_982 : memref<1x8x128xf32, #tpu.memory_space<vmem>> -> memref<8x128xf32, #tpu.memory_space<vmem>>
    %dma_start3A_984 = tpu.memref_slice %arg4[%multiple_of3A_940, %multiple_of3A_967] : memref<100000x1024xf32, #tpu.memory_space<hbm>> -> memref<8x128xf32, #tpu.memory_space<hbm>>
    %dma_start3A_985 = arith.constant 0 : i32
    %dma_start3A_986 = arith.constant 0 : i32
    %dma_start3A_987 = tpu.memref_slice %arg10[%dma_start3A_979, %dma_start3A_985, %dma_start3A_986] : memref<16x8x128xf32, #tpu.memory_space<vmem>> -> memref<1x8x128xf32, #tpu.memory_space<vmem>>
    %dma_start3A_988 = tpu.memref_squeeze %dma_start3A_987 : memref<1x8x128xf32, #tpu.memory_space<vmem>> -> memref<8x128xf32, #tpu.memory_space<vmem>>
    %dma_start3A_989 = tpu.memref_slice %arg4[%multiple_of3A_940, %multiple_of3A_967] : memref<100000x1024xf32, #tpu.memory_space<hbm>> -> memref<8x128xf32, #tpu.memory_space<hbm>>
    tpu.enqueue_dma source(%dma_start3A_989 : memref<8x128xf32, #tpu.memory_space<hbm>>) target(%dma_start3A_988 : memref<8x128xf32, #tpu.memory_space<vmem>>) target_semaphore(%arg17 : memref<!tpu.dma_semaphore, #tpu.memory_space<semaphore_mem>>)
    %slice3A_990 = vector.extract_strided_slice %shift_left3A_479 {offsets = [10], sizes = [1], strides = [1]} : vector<16xi32> to vector<1xi32>
    %squeeze3A_991 = vector.extract %slice3A_990[0] : i32 from vector<1xi32>
    %multiple_of3A_992 = tpu.assume_multiple %squeeze3A_991, 8 : i32
    %jit3A_993 = arith.constant 128 : i32
    %div3A_994 = arith.divsi %mul3A_2, %jit3A_993 : i32
    %sign3A_995 = arith.constant 0 : i32
    %sign3A_996 = arith.cmpi sgt, %mul3A_2, %sign3A_995 : i32
    %sign3A_997 = arith.extui %sign3A_996 : i1 to i32
    %sign3A_998 = arith.constant 0 : i32
    %sign3A_999 = arith.cmpi slt, %mul3A_2, %sign3A_998 : i32
    %sign3A_1000 = arith.extui %sign3A_999 : i1 to i32
    %sign3A_1001 = arith.subi %sign3A_997, %sign3A_1000 : i32
    %sign3A_1002 = arith.constant 0 : i32
    %sign3A_1003 = arith.cmpi sgt, %jit3A_993, %sign3A_1002 : i32
    %sign3A_1004 = arith.extui %sign3A_1003 : i1 to i32
    %sign3A_1005 = arith.constant 0 : i32
    %sign3A_1006 = arith.cmpi slt, %jit3A_993, %sign3A_1005 : i32
    %sign3A_1007 = arith.extui %sign3A_1006 : i1 to i32
    %sign3A_1008 = arith.subi %sign3A_1004, %sign3A_1007 : i32
    %ne3A_1009 = arith.cmpi ne, %sign3A_1001, %sign3A_1008 : i32
    %rem3A_1010 = arith.remsi %mul3A_2, %jit3A_993 : i32
    %ne3A_1011 = arith.constant 0 : i32
    %ne3A_1012 = arith.cmpi ne, %rem3A_1010, %ne3A_1011 : i32
    %and3A_1013 = arith.andi %ne3A_1009, %ne3A_1012 : i1
    %sub3A_1014 = arith.constant 1 : i32
    %sub3A_1015 = arith.subi %div3A_994, %sub3A_1014 : i32
    %select_n3A_1016 = arith.select %and3A_1013, %sub3A_1015, %div3A_994 : i32
    %mul3A_1017 = arith.constant 128 : i32
    %mul3A_1018 = arith.muli %select_n3A_1016, %mul3A_1017 : i32
    %multiple_of3A_1019 = tpu.assume_multiple %mul3A_1018, 128 : i32
    %dma_start3A_1020 = arith.constant 10 : i32
    %dma_start3A_1021 = arith.constant 0 : i32
    %dma_start3A_1022 = arith.constant 0 : i32
    %dma_start3A_1023 = tpu.memref_slice %arg9[%dma_start3A_1020, %dma_start3A_1021, %dma_start3A_1022] : memref<16x8x128xf32, #tpu.memory_space<vmem>> -> memref<1x8x128xf32, #tpu.memory_space<vmem>>
    %dma_start3A_1024 = tpu.memref_squeeze %dma_start3A_1023 : memref<1x8x128xf32, #tpu.memory_space<vmem>> -> memref<8x128xf32, #tpu.memory_space<vmem>>
    %dma_start3A_1025 = tpu.memref_slice %arg3[%multiple_of3A_992, %multiple_of3A_1019] : memref<100000x1024xf32, #tpu.memory_space<hbm>> -> memref<8x128xf32, #tpu.memory_space<hbm>>
    %dma_start3A_1026 = arith.constant 0 : i32
    %dma_start3A_1027 = arith.constant 0 : i32
    %dma_start3A_1028 = tpu.memref_slice %arg9[%dma_start3A_1020, %dma_start3A_1026, %dma_start3A_1027] : memref<16x8x128xf32, #tpu.memory_space<vmem>> -> memref<1x8x128xf32, #tpu.memory_space<vmem>>
    %dma_start3A_1029 = tpu.memref_squeeze %dma_start3A_1028 : memref<1x8x128xf32, #tpu.memory_space<vmem>> -> memref<8x128xf32, #tpu.memory_space<vmem>>
    %dma_start3A_1030 = tpu.memref_slice %arg3[%multiple_of3A_992, %multiple_of3A_1019] : memref<100000x1024xf32, #tpu.memory_space<hbm>> -> memref<8x128xf32, #tpu.memory_space<hbm>>
    tpu.enqueue_dma source(%dma_start3A_1030 : memref<8x128xf32, #tpu.memory_space<hbm>>) target(%dma_start3A_1029 : memref<8x128xf32, #tpu.memory_space<vmem>>) target_semaphore(%arg16 : memref<!tpu.dma_semaphore, #tpu.memory_space<semaphore_mem>>)
    %dma_start3A_1031 = arith.constant 10 : i32
    %dma_start3A_1032 = arith.constant 0 : i32
    %dma_start3A_1033 = arith.constant 0 : i32
    %dma_start3A_1034 = tpu.memref_slice %arg10[%dma_start3A_1031, %dma_start3A_1032, %dma_start3A_1033] : memref<16x8x128xf32, #tpu.memory_space<vmem>> -> memref<1x8x128xf32, #tpu.memory_space<vmem>>
    %dma_start3A_1035 = tpu.memref_squeeze %dma_start3A_1034 : memref<1x8x128xf32, #tpu.memory_space<vmem>> -> memref<8x128xf32, #tpu.memory_space<vmem>>
    %dma_start3A_1036 = tpu.memref_slice %arg4[%multiple_of3A_992, %multiple_of3A_1019] : memref<100000x1024xf32, #tpu.memory_space<hbm>> -> memref<8x128xf32, #tpu.memory_space<hbm>>
    %dma_start3A_1037 = arith.constant 0 : i32
    %dma_start3A_1038 = arith.constant 0 : i32
    %dma_start3A_1039 = tpu.memref_slice %arg10[%dma_start3A_1031, %dma_start3A_1037, %dma_start3A_1038] : memref<16x8x128xf32, #tpu.memory_space<vmem>> -> memref<1x8x128xf32, #tpu.memory_space<vmem>>
    %dma_start3A_1040 = tpu.memref_squeeze %dma_start3A_1039 : memref<1x8x128xf32, #tpu.memory_space<vmem>> -> memref<8x128xf32, #tpu.memory_space<vmem>>
    %dma_start3A_1041 = tpu.memref_slice %arg4[%multiple_of3A_992, %multiple_of3A_1019] : memref<100000x1024xf32, #tpu.memory_space<hbm>> -> memref<8x128xf32, #tpu.memory_space<hbm>>
    tpu.enqueue_dma source(%dma_start3A_1041 : memref<8x128xf32, #tpu.memory_space<hbm>>) target(%dma_start3A_1040 : memref<8x128xf32, #tpu.memory_space<vmem>>) target_semaphore(%arg17 : memref<!tpu.dma_semaphore, #tpu.memory_space<semaphore_mem>>)
    %slice3A_1042 = vector.extract_strided_slice %shift_left3A_479 {offsets = [11], sizes = [1], strides = [1]} : vector<16xi32> to vector<1xi32>
    %squeeze3A_1043 = vector.extract %slice3A_1042[0] : i32 from vector<1xi32>
    %multiple_of3A_1044 = tpu.assume_multiple %squeeze3A_1043, 8 : i32
    %jit3A_1045 = arith.constant 128 : i32
    %div3A_1046 = arith.divsi %mul3A_2, %jit3A_1045 : i32
    %sign3A_1047 = arith.constant 0 : i32
    %sign3A_1048 = arith.cmpi sgt, %mul3A_2, %sign3A_1047 : i32
    %sign3A_1049 = arith.extui %sign3A_1048 : i1 to i32
    %sign3A_1050 = arith.constant 0 : i32
    %sign3A_1051 = arith.cmpi slt, %mul3A_2, %sign3A_1050 : i32
    %sign3A_1052 = arith.extui %sign3A_1051 : i1 to i32
    %sign3A_1053 = arith.subi %sign3A_1049, %sign3A_1052 : i32
    %sign3A_1054 = arith.constant 0 : i32
    %sign3A_1055 = arith.cmpi sgt, %jit3A_1045, %sign3A_1054 : i32
    %sign3A_1056 = arith.extui %sign3A_1055 : i1 to i32
    %sign3A_1057 = arith.constant 0 : i32
    %sign3A_1058 = arith.cmpi slt, %jit3A_1045, %sign3A_1057 : i32
    %sign3A_1059 = arith.extui %sign3A_1058 : i1 to i32
    %sign3A_1060 = arith.subi %sign3A_1056, %sign3A_1059 : i32
    %ne3A_1061 = arith.cmpi ne, %sign3A_1053, %sign3A_1060 : i32
    %rem3A_1062 = arith.remsi %mul3A_2, %jit3A_1045 : i32
    %ne3A_1063 = arith.constant 0 : i32
    %ne3A_1064 = arith.cmpi ne, %rem3A_1062, %ne3A_1063 : i32
    %and3A_1065 = arith.andi %ne3A_1061, %ne3A_1064 : i1
    %sub3A_1066 = arith.constant 1 : i32
    %sub3A_1067 = arith.subi %div3A_1046, %sub3A_1066 : i32
    %select_n3A_1068 = arith.select %and3A_1065, %sub3A_1067, %div3A_1046 : i32
    %mul3A_1069 = arith.constant 128 : i32
    %mul3A_1070 = arith.muli %select_n3A_1068, %mul3A_1069 : i32
    %multiple_of3A_1071 = tpu.assume_multiple %mul3A_1070, 128 : i32
    %dma_start3A_1072 = arith.constant 11 : i32
    %dma_start3A_1073 = arith.constant 0 : i32
    %dma_start3A_1074 = arith.constant 0 : i32
    %dma_start3A_1075 = tpu.memref_slice %arg9[%dma_start3A_1072, %dma_start3A_1073, %dma_start3A_1074] : memref<16x8x128xf32, #tpu.memory_space<vmem>> -> memref<1x8x128xf32, #tpu.memory_space<vmem>>
    %dma_start3A_1076 = tpu.memref_squeeze %dma_start3A_1075 : memref<1x8x128xf32, #tpu.memory_space<vmem>> -> memref<8x128xf32, #tpu.memory_space<vmem>>
    %dma_start3A_1077 = tpu.memref_slice %arg3[%multiple_of3A_1044, %multiple_of3A_1071] : memref<100000x1024xf32, #tpu.memory_space<hbm>> -> memref<8x128xf32, #tpu.memory_space<hbm>>
    %dma_start3A_1078 = arith.constant 0 : i32
    %dma_start3A_1079 = arith.constant 0 : i32
    %dma_start3A_1080 = tpu.memref_slice %arg9[%dma_start3A_1072, %dma_start3A_1078, %dma_start3A_1079] : memref<16x8x128xf32, #tpu.memory_space<vmem>> -> memref<1x8x128xf32, #tpu.memory_space<vmem>>
    %dma_start3A_1081 = tpu.memref_squeeze %dma_start3A_1080 : memref<1x8x128xf32, #tpu.memory_space<vmem>> -> memref<8x128xf32, #tpu.memory_space<vmem>>
    %dma_start3A_1082 = tpu.memref_slice %arg3[%multiple_of3A_1044, %multiple_of3A_1071] : memref<100000x1024xf32, #tpu.memory_space<hbm>> -> memref<8x128xf32, #tpu.memory_space<hbm>>
    tpu.enqueue_dma source(%dma_start3A_1082 : memref<8x128xf32, #tpu.memory_space<hbm>>) target(%dma_start3A_1081 : memref<8x128xf32, #tpu.memory_space<vmem>>) target_semaphore(%arg16 : memref<!tpu.dma_semaphore, #tpu.memory_space<semaphore_mem>>)
    %dma_start3A_1083 = arith.constant 11 : i32
    %dma_start3A_1084 = arith.constant 0 : i32
    %dma_start3A_1085 = arith.constant 0 : i32
    %dma_start3A_1086 = tpu.memref_slice %arg10[%dma_start3A_1083, %dma_start3A_1084, %dma_start3A_1085] : memref<16x8x128xf32, #tpu.memory_space<vmem>> -> memref<1x8x128xf32, #tpu.memory_space<vmem>>
    %dma_start3A_1087 = tpu.memref_squeeze %dma_start3A_1086 : memref<1x8x128xf32, #tpu.memory_space<vmem>> -> memref<8x128xf32, #tpu.memory_space<vmem>>
    %dma_start3A_1088 = tpu.memref_slice %arg4[%multiple_of3A_1044, %multiple_of3A_1071] : memref<100000x1024xf32, #tpu.memory_space<hbm>> -> memref<8x128xf32, #tpu.memory_space<hbm>>
    %dma_start3A_1089 = arith.constant 0 : i32
    %dma_start3A_1090 = arith.constant 0 : i32
    %dma_start3A_1091 = tpu.memref_slice %arg10[%dma_start3A_1083, %dma_start3A_1089, %dma_start3A_1090] : memref<16x8x128xf32, #tpu.memory_space<vmem>> -> memref<1x8x128xf32, #tpu.memory_space<vmem>>
    %dma_start3A_1092 = tpu.memref_squeeze %dma_start3A_1091 : memref<1x8x128xf32, #tpu.memory_space<vmem>> -> memref<8x128xf32, #tpu.memory_space<vmem>>
    %dma_start3A_1093 = tpu.memref_slice %arg4[%multiple_of3A_1044, %multiple_of3A_1071] : memref<100000x1024xf32, #tpu.memory_space<hbm>> -> memref<8x128xf32, #tpu.memory_space<hbm>>
    tpu.enqueue_dma source(%dma_start3A_1093 : memref<8x128xf32, #tpu.memory_space<hbm>>) target(%dma_start3A_1092 : memref<8x128xf32, #tpu.memory_space<vmem>>) target_semaphore(%arg17 : memref<!tpu.dma_semaphore, #tpu.memory_space<semaphore_mem>>)
    %slice3A_1094 = vector.extract_strided_slice %shift_left3A_479 {offsets = [12], sizes = [1], strides = [1]} : vector<16xi32> to vector<1xi32>
    %squeeze3A_1095 = vector.extract %slice3A_1094[0] : i32 from vector<1xi32>
    %multiple_of3A_1096 = tpu.assume_multiple %squeeze3A_1095, 8 : i32
    %jit3A_1097 = arith.constant 128 : i32
    %div3A_1098 = arith.divsi %mul3A_2, %jit3A_1097 : i32
    %sign3A_1099 = arith.constant 0 : i32
    %sign3A_1100 = arith.cmpi sgt, %mul3A_2, %sign3A_1099 : i32
    %sign3A_1101 = arith.extui %sign3A_1100 : i1 to i32
    %sign3A_1102 = arith.constant 0 : i32
    %sign3A_1103 = arith.cmpi slt, %mul3A_2, %sign3A_1102 : i32
    %sign3A_1104 = arith.extui %sign3A_1103 : i1 to i32
    %sign3A_1105 = arith.subi %sign3A_1101, %sign3A_1104 : i32
    %sign3A_1106 = arith.constant 0 : i32
    %sign3A_1107 = arith.cmpi sgt, %jit3A_1097, %sign3A_1106 : i32
    %sign3A_1108 = arith.extui %sign3A_1107 : i1 to i32
    %sign3A_1109 = arith.constant 0 : i32
    %sign3A_1110 = arith.cmpi slt, %jit3A_1097, %sign3A_1109 : i32
    %sign3A_1111 = arith.extui %sign3A_1110 : i1 to i32
    %sign3A_1112 = arith.subi %sign3A_1108, %sign3A_1111 : i32
    %ne3A_1113 = arith.cmpi ne, %sign3A_1105, %sign3A_1112 : i32
    %rem3A_1114 = arith.remsi %mul3A_2, %jit3A_1097 : i32
    %ne3A_1115 = arith.constant 0 : i32
    %ne3A_1116 = arith.cmpi ne, %rem3A_1114, %ne3A_1115 : i32
    %and3A_1117 = arith.andi %ne3A_1113, %ne3A_1116 : i1
    %sub3A_1118 = arith.constant 1 : i32
    %sub3A_1119 = arith.subi %div3A_1098, %sub3A_1118 : i32
    %select_n3A_1120 = arith.select %and3A_1117, %sub3A_1119, %div3A_1098 : i32
    %mul3A_1121 = arith.constant 128 : i32
    %mul3A_1122 = arith.muli %select_n3A_1120, %mul3A_1121 : i32
    %multiple_of3A_1123 = tpu.assume_multiple %mul3A_1122, 128 : i32
    %dma_start3A_1124 = arith.constant 12 : i32
    %dma_start3A_1125 = arith.constant 0 : i32
    %dma_start3A_1126 = arith.constant 0 : i32
    %dma_start3A_1127 = tpu.memref_slice %arg9[%dma_start3A_1124, %dma_start3A_1125, %dma_start3A_1126] : memref<16x8x128xf32, #tpu.memory_space<vmem>> -> memref<1x8x128xf32, #tpu.memory_space<vmem>>
    %dma_start3A_1128 = tpu.memref_squeeze %dma_start3A_1127 : memref<1x8x128xf32, #tpu.memory_space<vmem>> -> memref<8x128xf32, #tpu.memory_space<vmem>>
    %dma_start3A_1129 = tpu.memref_slice %arg3[%multiple_of3A_1096, %multiple_of3A_1123] : memref<100000x1024xf32, #tpu.memory_space<hbm>> -> memref<8x128xf32, #tpu.memory_space<hbm>>
    %dma_start3A_1130 = arith.constant 0 : i32
    %dma_start3A_1131 = arith.constant 0 : i32
    %dma_start3A_1132 = tpu.memref_slice %arg9[%dma_start3A_1124, %dma_start3A_1130, %dma_start3A_1131] : memref<16x8x128xf32, #tpu.memory_space<vmem>> -> memref<1x8x128xf32, #tpu.memory_space<vmem>>
    %dma_start3A_1133 = tpu.memref_squeeze %dma_start3A_1132 : memref<1x8x128xf32, #tpu.memory_space<vmem>> -> memref<8x128xf32, #tpu.memory_space<vmem>>
    %dma_start3A_1134 = tpu.memref_slice %arg3[%multiple_of3A_1096, %multiple_of3A_1123] : memref<100000x1024xf32, #tpu.memory_space<hbm>> -> memref<8x128xf32, #tpu.memory_space<hbm>>
    tpu.enqueue_dma source(%dma_start3A_1134 : memref<8x128xf32, #tpu.memory_space<hbm>>) target(%dma_start3A_1133 : memref<8x128xf32, #tpu.memory_space<vmem>>) target_semaphore(%arg16 : memref<!tpu.dma_semaphore, #tpu.memory_space<semaphore_mem>>)
    %dma_start3A_1135 = arith.constant 12 : i32
    %dma_start3A_1136 = arith.constant 0 : i32
    %dma_start3A_1137 = arith.constant 0 : i32
    %dma_start3A_1138 = tpu.memref_slice %arg10[%dma_start3A_1135, %dma_start3A_1136, %dma_start3A_1137] : memref<16x8x128xf32, #tpu.memory_space<vmem>> -> memref<1x8x128xf32, #tpu.memory_space<vmem>>
    %dma_start3A_1139 = tpu.memref_squeeze %dma_start3A_1138 : memref<1x8x128xf32, #tpu.memory_space<vmem>> -> memref<8x128xf32, #tpu.memory_space<vmem>>
    %dma_start3A_1140 = tpu.memref_slice %arg4[%multiple_of3A_1096, %multiple_of3A_1123] : memref<100000x1024xf32, #tpu.memory_space<hbm>> -> memref<8x128xf32, #tpu.memory_space<hbm>>
    %dma_start3A_1141 = arith.constant 0 : i32
    %dma_start3A_1142 = arith.constant 0 : i32
    %dma_start3A_1143 = tpu.memref_slice %arg10[%dma_start3A_1135, %dma_start3A_1141, %dma_start3A_1142] : memref<16x8x128xf32, #tpu.memory_space<vmem>> -> memref<1x8x128xf32, #tpu.memory_space<vmem>>
    %dma_start3A_1144 = tpu.memref_squeeze %dma_start3A_1143 : memref<1x8x128xf32, #tpu.memory_space<vmem>> -> memref<8x128xf32, #tpu.memory_space<vmem>>
    %dma_start3A_1145 = tpu.memref_slice %arg4[%multiple_of3A_1096, %multiple_of3A_1123] : memref<100000x1024xf32, #tpu.memory_space<hbm>> -> memref<8x128xf32, #tpu.memory_space<hbm>>
    tpu.enqueue_dma source(%dma_start3A_1145 : memref<8x128xf32, #tpu.memory_space<hbm>>) target(%dma_start3A_1144 : memref<8x128xf32, #tpu.memory_space<vmem>>) target_semaphore(%arg17 : memref<!tpu.dma_semaphore, #tpu.memory_space<semaphore_mem>>)
    %slice3A_1146 = vector.extract_strided_slice %shift_left3A_479 {offsets = [13], sizes = [1], strides = [1]} : vector<16xi32> to vector<1xi32>
    %squeeze3A_1147 = vector.extract %slice3A_1146[0] : i32 from vector<1xi32>
    %multiple_of3A_1148 = tpu.assume_multiple %squeeze3A_1147, 8 : i32
    %jit3A_1149 = arith.constant 128 : i32
    %div3A_1150 = arith.divsi %mul3A_2, %jit3A_1149 : i32
    %sign3A_1151 = arith.constant 0 : i32
    %sign3A_1152 = arith.cmpi sgt, %mul3A_2, %sign3A_1151 : i32
    %sign3A_1153 = arith.extui %sign3A_1152 : i1 to i32
    %sign3A_1154 = arith.constant 0 : i32
    %sign3A_1155 = arith.cmpi slt, %mul3A_2, %sign3A_1154 : i32
    %sign3A_1156 = arith.extui %sign3A_1155 : i1 to i32
    %sign3A_1157 = arith.subi %sign3A_1153, %sign3A_1156 : i32
    %sign3A_1158 = arith.constant 0 : i32
    %sign3A_1159 = arith.cmpi sgt, %jit3A_1149, %sign3A_1158 : i32
    %sign3A_1160 = arith.extui %sign3A_1159 : i1 to i32
    %sign3A_1161 = arith.constant 0 : i32
    %sign3A_1162 = arith.cmpi slt, %jit3A_1149, %sign3A_1161 : i32
    %sign3A_1163 = arith.extui %sign3A_1162 : i1 to i32
    %sign3A_1164 = arith.subi %sign3A_1160, %sign3A_1163 : i32
    %ne3A_1165 = arith.cmpi ne, %sign3A_1157, %sign3A_1164 : i32
    %rem3A_1166 = arith.remsi %mul3A_2, %jit3A_1149 : i32
    %ne3A_1167 = arith.constant 0 : i32
    %ne3A_1168 = arith.cmpi ne, %rem3A_1166, %ne3A_1167 : i32
    %and3A_1169 = arith.andi %ne3A_1165, %ne3A_1168 : i1
    %sub3A_1170 = arith.constant 1 : i32
    %sub3A_1171 = arith.subi %div3A_1150, %sub3A_1170 : i32
    %select_n3A_1172 = arith.select %and3A_1169, %sub3A_1171, %div3A_1150 : i32
    %mul3A_1173 = arith.constant 128 : i32
    %mul3A_1174 = arith.muli %select_n3A_1172, %mul3A_1173 : i32
    %multiple_of3A_1175 = tpu.assume_multiple %mul3A_1174, 128 : i32
    %dma_start3A_1176 = arith.constant 13 : i32
    %dma_start3A_1177 = arith.constant 0 : i32
    %dma_start3A_1178 = arith.constant 0 : i32
    %dma_start3A_1179 = tpu.memref_slice %arg9[%dma_start3A_1176, %dma_start3A_1177, %dma_start3A_1178] : memref<16x8x128xf32, #tpu.memory_space<vmem>> -> memref<1x8x128xf32, #tpu.memory_space<vmem>>
    %dma_start3A_1180 = tpu.memref_squeeze %dma_start3A_1179 : memref<1x8x128xf32, #tpu.memory_space<vmem>> -> memref<8x128xf32, #tpu.memory_space<vmem>>
    %dma_start3A_1181 = tpu.memref_slice %arg3[%multiple_of3A_1148, %multiple_of3A_1175] : memref<100000x1024xf32, #tpu.memory_space<hbm>> -> memref<8x128xf32, #tpu.memory_space<hbm>>
    %dma_start3A_1182 = arith.constant 0 : i32
    %dma_start3A_1183 = arith.constant 0 : i32
    %dma_start3A_1184 = tpu.memref_slice %arg9[%dma_start3A_1176, %dma_start3A_1182, %dma_start3A_1183] : memref<16x8x128xf32, #tpu.memory_space<vmem>> -> memref<1x8x128xf32, #tpu.memory_space<vmem>>
    %dma_start3A_1185 = tpu.memref_squeeze %dma_start3A_1184 : memref<1x8x128xf32, #tpu.memory_space<vmem>> -> memref<8x128xf32, #tpu.memory_space<vmem>>
    %dma_start3A_1186 = tpu.memref_slice %arg3[%multiple_of3A_1148, %multiple_of3A_1175] : memref<100000x1024xf32, #tpu.memory_space<hbm>> -> memref<8x128xf32, #tpu.memory_space<hbm>>
    tpu.enqueue_dma source(%dma_start3A_1186 : memref<8x128xf32, #tpu.memory_space<hbm>>) target(%dma_start3A_1185 : memref<8x128xf32, #tpu.memory_space<vmem>>) target_semaphore(%arg16 : memref<!tpu.dma_semaphore, #tpu.memory_space<semaphore_mem>>)
    %dma_start3A_1187 = arith.constant 13 : i32
    %dma_start3A_1188 = arith.constant 0 : i32
    %dma_start3A_1189 = arith.constant 0 : i32
    %dma_start3A_1190 = tpu.memref_slice %arg10[%dma_start3A_1187, %dma_start3A_1188, %dma_start3A_1189] : memref<16x8x128xf32, #tpu.memory_space<vmem>> -> memref<1x8x128xf32, #tpu.memory_space<vmem>>
    %dma_start3A_1191 = tpu.memref_squeeze %dma_start3A_1190 : memref<1x8x128xf32, #tpu.memory_space<vmem>> -> memref<8x128xf32, #tpu.memory_space<vmem>>
    %dma_start3A_1192 = tpu.memref_slice %arg4[%multiple_of3A_1148, %multiple_of3A_1175] : memref<100000x1024xf32, #tpu.memory_space<hbm>> -> memref<8x128xf32, #tpu.memory_space<hbm>>
    %dma_start3A_1193 = arith.constant 0 : i32
    %dma_start3A_1194 = arith.constant 0 : i32
    %dma_start3A_1195 = tpu.memref_slice %arg10[%dma_start3A_1187, %dma_start3A_1193, %dma_start3A_1194] : memref<16x8x128xf32, #tpu.memory_space<vmem>> -> memref<1x8x128xf32, #tpu.memory_space<vmem>>
    %dma_start3A_1196 = tpu.memref_squeeze %dma_start3A_1195 : memref<1x8x128xf32, #tpu.memory_space<vmem>> -> memref<8x128xf32, #tpu.memory_space<vmem>>
    %dma_start3A_1197 = tpu.memref_slice %arg4[%multiple_of3A_1148, %multiple_of3A_1175] : memref<100000x1024xf32, #tpu.memory_space<hbm>> -> memref<8x128xf32, #tpu.memory_space<hbm>>
    tpu.enqueue_dma source(%dma_start3A_1197 : memref<8x128xf32, #tpu.memory_space<hbm>>) target(%dma_start3A_1196 : memref<8x128xf32, #tpu.memory_space<vmem>>) target_semaphore(%arg17 : memref<!tpu.dma_semaphore, #tpu.memory_space<semaphore_mem>>)
    %slice3A_1198 = vector.extract_strided_slice %shift_left3A_479 {offsets = [14], sizes = [1], strides = [1]} : vector<16xi32> to vector<1xi32>
    %squeeze3A_1199 = vector.extract %slice3A_1198[0] : i32 from vector<1xi32>
    %multiple_of3A_1200 = tpu.assume_multiple %squeeze3A_1199, 8 : i32
    %jit3A_1201 = arith.constant 128 : i32
    %div3A_1202 = arith.divsi %mul3A_2, %jit3A_1201 : i32
    %sign3A_1203 = arith.constant 0 : i32
    %sign3A_1204 = arith.cmpi sgt, %mul3A_2, %sign3A_1203 : i32
    %sign3A_1205 = arith.extui %sign3A_1204 : i1 to i32
    %sign3A_1206 = arith.constant 0 : i32
    %sign3A_1207 = arith.cmpi slt, %mul3A_2, %sign3A_1206 : i32
    %sign3A_1208 = arith.extui %sign3A_1207 : i1 to i32
    %sign3A_1209 = arith.subi %sign3A_1205, %sign3A_1208 : i32
    %sign3A_1210 = arith.constant 0 : i32
    %sign3A_1211 = arith.cmpi sgt, %jit3A_1201, %sign3A_1210 : i32
    %sign3A_1212 = arith.extui %sign3A_1211 : i1 to i32
    %sign3A_1213 = arith.constant 0 : i32
    %sign3A_1214 = arith.cmpi slt, %jit3A_1201, %sign3A_1213 : i32
    %sign3A_1215 = arith.extui %sign3A_1214 : i1 to i32
    %sign3A_1216 = arith.subi %sign3A_1212, %sign3A_1215 : i32
    %ne3A_1217 = arith.cmpi ne, %sign3A_1209, %sign3A_1216 : i32
    %rem3A_1218 = arith.remsi %mul3A_2, %jit3A_1201 : i32
    %ne3A_1219 = arith.constant 0 : i32
    %ne3A_1220 = arith.cmpi ne, %rem3A_1218, %ne3A_1219 : i32
    %and3A_1221 = arith.andi %ne3A_1217, %ne3A_1220 : i1
    %sub3A_1222 = arith.constant 1 : i32
    %sub3A_1223 = arith.subi %div3A_1202, %sub3A_1222 : i32
    %select_n3A_1224 = arith.select %and3A_1221, %sub3A_1223, %div3A_1202 : i32
    %mul3A_1225 = arith.constant 128 : i32
    %mul3A_1226 = arith.muli %select_n3A_1224, %mul3A_1225 : i32
    %multiple_of3A_1227 = tpu.assume_multiple %mul3A_1226, 128 : i32
    %dma_start3A_1228 = arith.constant 14 : i32
    %dma_start3A_1229 = arith.constant 0 : i32
    %dma_start3A_1230 = arith.constant 0 : i32
    %dma_start3A_1231 = tpu.memref_slice %arg9[%dma_start3A_1228, %dma_start3A_1229, %dma_start3A_1230] : memref<16x8x128xf32, #tpu.memory_space<vmem>> -> memref<1x8x128xf32, #tpu.memory_space<vmem>>
    %dma_start3A_1232 = tpu.memref_squeeze %dma_start3A_1231 : memref<1x8x128xf32, #tpu.memory_space<vmem>> -> memref<8x128xf32, #tpu.memory_space<vmem>>
    %dma_start3A_1233 = tpu.memref_slice %arg3[%multiple_of3A_1200, %multiple_of3A_1227] : memref<100000x1024xf32, #tpu.memory_space<hbm>> -> memref<8x128xf32, #tpu.memory_space<hbm>>
    %dma_start3A_1234 = arith.constant 0 : i32
    %dma_start3A_1235 = arith.constant 0 : i32
    %dma_start3A_1236 = tpu.memref_slice %arg9[%dma_start3A_1228, %dma_start3A_1234, %dma_start3A_1235] : memref<16x8x128xf32, #tpu.memory_space<vmem>> -> memref<1x8x128xf32, #tpu.memory_space<vmem>>
    %dma_start3A_1237 = tpu.memref_squeeze %dma_start3A_1236 : memref<1x8x128xf32, #tpu.memory_space<vmem>> -> memref<8x128xf32, #tpu.memory_space<vmem>>
    %dma_start3A_1238 = tpu.memref_slice %arg3[%multiple_of3A_1200, %multiple_of3A_1227] : memref<100000x1024xf32, #tpu.memory_space<hbm>> -> memref<8x128xf32, #tpu.memory_space<hbm>>
    tpu.enqueue_dma source(%dma_start3A_1238 : memref<8x128xf32, #tpu.memory_space<hbm>>) target(%dma_start3A_1237 : memref<8x128xf32, #tpu.memory_space<vmem>>) target_semaphore(%arg16 : memref<!tpu.dma_semaphore, #tpu.memory_space<semaphore_mem>>)
    %dma_start3A_1239 = arith.constant 14 : i32
    %dma_start3A_1240 = arith.constant 0 : i32
    %dma_start3A_1241 = arith.constant 0 : i32
    %dma_start3A_1242 = tpu.memref_slice %arg10[%dma_start3A_1239, %dma_start3A_1240, %dma_start3A_1241] : memref<16x8x128xf32, #tpu.memory_space<vmem>> -> memref<1x8x128xf32, #tpu.memory_space<vmem>>
    %dma_start3A_1243 = tpu.memref_squeeze %dma_start3A_1242 : memref<1x8x128xf32, #tpu.memory_space<vmem>> -> memref<8x128xf32, #tpu.memory_space<vmem>>
    %dma_start3A_1244 = tpu.memref_slice %arg4[%multiple_of3A_1200, %multiple_of3A_1227] : memref<100000x1024xf32, #tpu.memory_space<hbm>> -> memref<8x128xf32, #tpu.memory_space<hbm>>
    %dma_start3A_1245 = arith.constant 0 : i32
    %dma_start3A_1246 = arith.constant 0 : i32
    %dma_start3A_1247 = tpu.memref_slice %arg10[%dma_start3A_1239, %dma_start3A_1245, %dma_start3A_1246] : memref<16x8x128xf32, #tpu.memory_space<vmem>> -> memref<1x8x128xf32, #tpu.memory_space<vmem>>
    %dma_start3A_1248 = tpu.memref_squeeze %dma_start3A_1247 : memref<1x8x128xf32, #tpu.memory_space<vmem>> -> memref<8x128xf32, #tpu.memory_space<vmem>>
    %dma_start3A_1249 = tpu.memref_slice %arg4[%multiple_of3A_1200, %multiple_of3A_1227] : memref<100000x1024xf32, #tpu.memory_space<hbm>> -> memref<8x128xf32, #tpu.memory_space<hbm>>
    tpu.enqueue_dma source(%dma_start3A_1249 : memref<8x128xf32, #tpu.memory_space<hbm>>) target(%dma_start3A_1248 : memref<8x128xf32, #tpu.memory_space<vmem>>) target_semaphore(%arg17 : memref<!tpu.dma_semaphore, #tpu.memory_space<semaphore_mem>>)
    %slice3A_1250 = vector.extract_strided_slice %shift_left3A_479 {offsets = [15], sizes = [1], strides = [1]} : vector<16xi32> to vector<1xi32>
    %squeeze3A_1251 = vector.extract %slice3A_1250[0] : i32 from vector<1xi32>
    %multiple_of3A_1252 = tpu.assume_multiple %squeeze3A_1251, 8 : i32
    %jit3A_1253 = arith.constant 128 : i32
    %div3A_1254 = arith.divsi %mul3A_2, %jit3A_1253 : i32
    %sign3A_1255 = arith.constant 0 : i32
    %sign3A_1256 = arith.cmpi sgt, %mul3A_2, %sign3A_1255 : i32
    %sign3A_1257 = arith.extui %sign3A_1256 : i1 to i32
    %sign3A_1258 = arith.constant 0 : i32
    %sign3A_1259 = arith.cmpi slt, %mul3A_2, %sign3A_1258 : i32
    %sign3A_1260 = arith.extui %sign3A_1259 : i1 to i32
    %sign3A_1261 = arith.subi %sign3A_1257, %sign3A_1260 : i32
    %sign3A_1262 = arith.constant 0 : i32
    %sign3A_1263 = arith.cmpi sgt, %jit3A_1253, %sign3A_1262 : i32
    %sign3A_1264 = arith.extui %sign3A_1263 : i1 to i32
    %sign3A_1265 = arith.constant 0 : i32
    %sign3A_1266 = arith.cmpi slt, %jit3A_1253, %sign3A_1265 : i32
    %sign3A_1267 = arith.extui %sign3A_1266 : i1 to i32
    %sign3A_1268 = arith.subi %sign3A_1264, %sign3A_1267 : i32
    %ne3A_1269 = arith.cmpi ne, %sign3A_1261, %sign3A_1268 : i32
    %rem3A_1270 = arith.remsi %mul3A_2, %jit3A_1253 : i32
    %ne3A_1271 = arith.constant 0 : i32
    %ne3A_1272 = arith.cmpi ne, %rem3A_1270, %ne3A_1271 : i32
    %and3A_1273 = arith.andi %ne3A_1269, %ne3A_1272 : i1
    %sub3A_1274 = arith.constant 1 : i32
    %sub3A_1275 = arith.subi %div3A_1254, %sub3A_1274 : i32
    %select_n3A_1276 = arith.select %and3A_1273, %sub3A_1275, %div3A_1254 : i32
    %mul3A_1277 = arith.constant 128 : i32
    %mul3A_1278 = arith.muli %select_n3A_1276, %mul3A_1277 : i32
    %multiple_of3A_1279 = tpu.assume_multiple %mul3A_1278, 128 : i32
    %dma_start3A_1280 = arith.constant 15 : i32
    %dma_start3A_1281 = arith.constant 0 : i32
    %dma_start3A_1282 = arith.constant 0 : i32
    %dma_start3A_1283 = tpu.memref_slice %arg9[%dma_start3A_1280, %dma_start3A_1281, %dma_start3A_1282] : memref<16x8x128xf32, #tpu.memory_space<vmem>> -> memref<1x8x128xf32, #tpu.memory_space<vmem>>
    %dma_start3A_1284 = tpu.memref_squeeze %dma_start3A_1283 : memref<1x8x128xf32, #tpu.memory_space<vmem>> -> memref<8x128xf32, #tpu.memory_space<vmem>>
    %dma_start3A_1285 = tpu.memref_slice %arg3[%multiple_of3A_1252, %multiple_of3A_1279] : memref<100000x1024xf32, #tpu.memory_space<hbm>> -> memref<8x128xf32, #tpu.memory_space<hbm>>
    %dma_start3A_1286 = arith.constant 0 : i32
    %dma_start3A_1287 = arith.constant 0 : i32
    %dma_start3A_1288 = tpu.memref_slice %arg9[%dma_start3A_1280, %dma_start3A_1286, %dma_start3A_1287] : memref<16x8x128xf32, #tpu.memory_space<vmem>> -> memref<1x8x128xf32, #tpu.memory_space<vmem>>
    %dma_start3A_1289 = tpu.memref_squeeze %dma_start3A_1288 : memref<1x8x128xf32, #tpu.memory_space<vmem>> -> memref<8x128xf32, #tpu.memory_space<vmem>>
    %dma_start3A_1290 = tpu.memref_slice %arg3[%multiple_of3A_1252, %multiple_of3A_1279] : memref<100000x1024xf32, #tpu.memory_space<hbm>> -> memref<8x128xf32, #tpu.memory_space<hbm>>
    tpu.enqueue_dma source(%dma_start3A_1290 : memref<8x128xf32, #tpu.memory_space<hbm>>) target(%dma_start3A_1289 : memref<8x128xf32, #tpu.memory_space<vmem>>) target_semaphore(%arg16 : memref<!tpu.dma_semaphore, #tpu.memory_space<semaphore_mem>>)
    %dma_start3A_1291 = arith.constant 15 : i32
    %dma_start3A_1292 = arith.constant 0 : i32
    %dma_start3A_1293 = arith.constant 0 : i32
    %dma_start3A_1294 = tpu.memref_slice %arg10[%dma_start3A_1291, %dma_start3A_1292, %dma_start3A_1293] : memref<16x8x128xf32, #tpu.memory_space<vmem>> -> memref<1x8x128xf32, #tpu.memory_space<vmem>>
    %dma_start3A_1295 = tpu.memref_squeeze %dma_start3A_1294 : memref<1x8x128xf32, #tpu.memory_space<vmem>> -> memref<8x128xf32, #tpu.memory_space<vmem>>
    %dma_start3A_1296 = tpu.memref_slice %arg4[%multiple_of3A_1252, %multiple_of3A_1279] : memref<100000x1024xf32, #tpu.memory_space<hbm>> -> memref<8x128xf32, #tpu.memory_space<hbm>>
    %dma_start3A_1297 = arith.constant 0 : i32
    %dma_start3A_1298 = arith.constant 0 : i32
    %dma_start3A_1299 = tpu.memref_slice %arg10[%dma_start3A_1291, %dma_start3A_1297, %dma_start3A_1298] : memref<16x8x128xf32, #tpu.memory_space<vmem>> -> memref<1x8x128xf32, #tpu.memory_space<vmem>>
    %dma_start3A_1300 = tpu.memref_squeeze %dma_start3A_1299 : memref<1x8x128xf32, #tpu.memory_space<vmem>> -> memref<8x128xf32, #tpu.memory_space<vmem>>
    %dma_start3A_1301 = tpu.memref_slice %arg4[%multiple_of3A_1252, %multiple_of3A_1279] : memref<100000x1024xf32, #tpu.memory_space<hbm>> -> memref<8x128xf32, #tpu.memory_space<hbm>>
    tpu.enqueue_dma source(%dma_start3A_1301 : memref<8x128xf32, #tpu.memory_space<hbm>>) target(%dma_start3A_1300 : memref<8x128xf32, #tpu.memory_space<vmem>>) target_semaphore(%arg17 : memref<!tpu.dma_semaphore, #tpu.memory_space<semaphore_mem>>)
    %dma_wait3A = arith.constant 0 : i32
    %dma_wait3A_1302 = arith.constant 0 : i32
    %dma_wait3A_1303 = arith.constant 0 : i32
    %dma_wait3A_1304 = tpu.memref_slice %arg9[%dma_wait3A, %dma_wait3A_1302, %dma_wait3A_1303] : memref<16x8x128xf32, #tpu.memory_space<vmem>> -> memref<1x8x128xf32, #tpu.memory_space<vmem>>
    %dma_wait3A_1305 = tpu.memref_squeeze %dma_wait3A_1304 : memref<1x8x128xf32, #tpu.memory_space<vmem>> -> memref<8x128xf32, #tpu.memory_space<vmem>>
    %dma_wait3A_1306 = tpu.memref_slice %arg3[%multiple_of3A_480, %multiple_of3A_499] : memref<100000x1024xf32, #tpu.memory_space<hbm>> -> memref<8x128xf32, #tpu.memory_space<hbm>>
    %dma_wait3A_1307 = arith.constant 0 : i32
    %dma_wait3A_1308 = arith.constant 0 : i32
    %dma_wait3A_1309 = tpu.memref_slice %arg9[%dma_wait3A, %dma_wait3A_1307, %dma_wait3A_1308] : memref<16x8x128xf32, #tpu.memory_space<vmem>> -> memref<1x8x128xf32, #tpu.memory_space<vmem>>
    %dma_wait3A_1310 = tpu.memref_squeeze %dma_wait3A_1309 : memref<1x8x128xf32, #tpu.memory_space<vmem>> -> memref<8x128xf32, #tpu.memory_space<vmem>>
    %dma_wait3A_1311 = tpu.memref_slice %arg3[%multiple_of3A_480, %multiple_of3A_499] : memref<100000x1024xf32, #tpu.memory_space<hbm>> -> memref<8x128xf32, #tpu.memory_space<hbm>>
    tpu.wait_dma2 semaphore(%arg16 : memref<!tpu.dma_semaphore, #tpu.memory_space<semaphore_mem>>) src(%dma_wait3A_1311 : memref<8x128xf32, #tpu.memory_space<hbm>>) dst(%dma_wait3A_1310 : memref<8x128xf32, #tpu.memory_space<vmem>>)
    %dma_wait3A_1312 = arith.constant 0 : i32
    %dma_wait3A_1313 = arith.constant 0 : i32
    %dma_wait3A_1314 = arith.constant 0 : i32
    %dma_wait3A_1315 = tpu.memref_slice %arg10[%dma_wait3A_1312, %dma_wait3A_1313, %dma_wait3A_1314] : memref<16x8x128xf32, #tpu.memory_space<vmem>> -> memref<1x8x128xf32, #tpu.memory_space<vmem>>
    %dma_wait3A_1316 = tpu.memref_squeeze %dma_wait3A_1315 : memref<1x8x128xf32, #tpu.memory_space<vmem>> -> memref<8x128xf32, #tpu.memory_space<vmem>>
    %dma_wait3A_1317 = tpu.memref_slice %arg4[%multiple_of3A_480, %multiple_of3A_499] : memref<100000x1024xf32, #tpu.memory_space<hbm>> -> memref<8x128xf32, #tpu.memory_space<hbm>>
    %dma_wait3A_1318 = arith.constant 0 : i32
    %dma_wait3A_1319 = arith.constant 0 : i32
    %dma_wait3A_1320 = tpu.memref_slice %arg10[%dma_wait3A_1312, %dma_wait3A_1318, %dma_wait3A_1319] : memref<16x8x128xf32, #tpu.memory_space<vmem>> -> memref<1x8x128xf32, #tpu.memory_space<vmem>>
    %dma_wait3A_1321 = tpu.memref_squeeze %dma_wait3A_1320 : memref<1x8x128xf32, #tpu.memory_space<vmem>> -> memref<8x128xf32, #tpu.memory_space<vmem>>
    %dma_wait3A_1322 = tpu.memref_slice %arg4[%multiple_of3A_480, %multiple_of3A_499] : memref<100000x1024xf32, #tpu.memory_space<hbm>> -> memref<8x128xf32, #tpu.memory_space<hbm>>
    tpu.wait_dma2 semaphore(%arg17 : memref<!tpu.dma_semaphore, #tpu.memory_space<semaphore_mem>>) src(%dma_wait3A_1322 : memref<8x128xf32, #tpu.memory_space<hbm>>) dst(%dma_wait3A_1321 : memref<8x128xf32, #tpu.memory_space<vmem>>)
    %dma_wait3A_1323 = arith.constant 1 : i32
    %dma_wait3A_1324 = arith.constant 0 : i32
    %dma_wait3A_1325 = arith.constant 0 : i32
    %dma_wait3A_1326 = tpu.memref_slice %arg9[%dma_wait3A_1323, %dma_wait3A_1324, %dma_wait3A_1325] : memref<16x8x128xf32, #tpu.memory_space<vmem>> -> memref<1x8x128xf32, #tpu.memory_space<vmem>>
    %dma_wait3A_1327 = tpu.memref_squeeze %dma_wait3A_1326 : memref<1x8x128xf32, #tpu.memory_space<vmem>> -> memref<8x128xf32, #tpu.memory_space<vmem>>
    %dma_wait3A_1328 = tpu.memref_slice %arg3[%multiple_of3A_524, %multiple_of3A_551] : memref<100000x1024xf32, #tpu.memory_space<hbm>> -> memref<8x128xf32, #tpu.memory_space<hbm>>
    %dma_wait3A_1329 = arith.constant 0 : i32
    %dma_wait3A_1330 = arith.constant 0 : i32
    %dma_wait3A_1331 = tpu.memref_slice %arg9[%dma_wait3A_1323, %dma_wait3A_1329, %dma_wait3A_1330] : memref<16x8x128xf32, #tpu.memory_space<vmem>> -> memref<1x8x128xf32, #tpu.memory_space<vmem>>
    %dma_wait3A_1332 = tpu.memref_squeeze %dma_wait3A_1331 : memref<1x8x128xf32, #tpu.memory_space<vmem>> -> memref<8x128xf32, #tpu.memory_space<vmem>>
    %dma_wait3A_1333 = tpu.memref_slice %arg3[%multiple_of3A_524, %multiple_of3A_551] : memref<100000x1024xf32, #tpu.memory_space<hbm>> -> memref<8x128xf32, #tpu.memory_space<hbm>>
    tpu.wait_dma2 semaphore(%arg16 : memref<!tpu.dma_semaphore, #tpu.memory_space<semaphore_mem>>) src(%dma_wait3A_1333 : memref<8x128xf32, #tpu.memory_space<hbm>>) dst(%dma_wait3A_1332 : memref<8x128xf32, #tpu.memory_space<vmem>>)
    %dma_wait3A_1334 = arith.constant 1 : i32
    %dma_wait3A_1335 = arith.constant 0 : i32
    %dma_wait3A_1336 = arith.constant 0 : i32
    %dma_wait3A_1337 = tpu.memref_slice %arg10[%dma_wait3A_1334, %dma_wait3A_1335, %dma_wait3A_1336] : memref<16x8x128xf32, #tpu.memory_space<vmem>> -> memref<1x8x128xf32, #tpu.memory_space<vmem>>
    %dma_wait3A_1338 = tpu.memref_squeeze %dma_wait3A_1337 : memref<1x8x128xf32, #tpu.memory_space<vmem>> -> memref<8x128xf32, #tpu.memory_space<vmem>>
    %dma_wait3A_1339 = tpu.memref_slice %arg4[%multiple_of3A_524, %multiple_of3A_551] : memref<100000x1024xf32, #tpu.memory_space<hbm>> -> memref<8x128xf32, #tpu.memory_space<hbm>>
    %dma_wait3A_1340 = arith.constant 0 : i32
    %dma_wait3A_1341 = arith.constant 0 : i32
    %dma_wait3A_1342 = tpu.memref_slice %arg10[%dma_wait3A_1334, %dma_wait3A_1340, %dma_wait3A_1341] : memref<16x8x128xf32, #tpu.memory_space<vmem>> -> memref<1x8x128xf32, #tpu.memory_space<vmem>>
    %dma_wait3A_1343 = tpu.memref_squeeze %dma_wait3A_1342 : memref<1x8x128xf32, #tpu.memory_space<vmem>> -> memref<8x128xf32, #tpu.memory_space<vmem>>
    %dma_wait3A_1344 = tpu.memref_slice %arg4[%multiple_of3A_524, %multiple_of3A_551] : memref<100000x1024xf32, #tpu.memory_space<hbm>> -> memref<8x128xf32, #tpu.memory_space<hbm>>
    tpu.wait_dma2 semaphore(%arg17 : memref<!tpu.dma_semaphore, #tpu.memory_space<semaphore_mem>>) src(%dma_wait3A_1344 : memref<8x128xf32, #tpu.memory_space<hbm>>) dst(%dma_wait3A_1343 : memref<8x128xf32, #tpu.memory_space<vmem>>)
    %dma_wait3A_1345 = arith.constant 2 : i32
    %dma_wait3A_1346 = arith.constant 0 : i32
    %dma_wait3A_1347 = arith.constant 0 : i32
    %dma_wait3A_1348 = tpu.memref_slice %arg9[%dma_wait3A_1345, %dma_wait3A_1346, %dma_wait3A_1347] : memref<16x8x128xf32, #tpu.memory_space<vmem>> -> memref<1x8x128xf32, #tpu.memory_space<vmem>>
    %dma_wait3A_1349 = tpu.memref_squeeze %dma_wait3A_1348 : memref<1x8x128xf32, #tpu.memory_space<vmem>> -> memref<8x128xf32, #tpu.memory_space<vmem>>
    %dma_wait3A_1350 = tpu.memref_slice %arg3[%multiple_of3A_576, %multiple_of3A_603] : memref<100000x1024xf32, #tpu.memory_space<hbm>> -> memref<8x128xf32, #tpu.memory_space<hbm>>
    %dma_wait3A_1351 = arith.constant 0 : i32
    %dma_wait3A_1352 = arith.constant 0 : i32
    %dma_wait3A_1353 = tpu.memref_slice %arg9[%dma_wait3A_1345, %dma_wait3A_1351, %dma_wait3A_1352] : memref<16x8x128xf32, #tpu.memory_space<vmem>> -> memref<1x8x128xf32, #tpu.memory_space<vmem>>
    %dma_wait3A_1354 = tpu.memref_squeeze %dma_wait3A_1353 : memref<1x8x128xf32, #tpu.memory_space<vmem>> -> memref<8x128xf32, #tpu.memory_space<vmem>>
    %dma_wait3A_1355 = tpu.memref_slice %arg3[%multiple_of3A_576, %multiple_of3A_603] : memref<100000x1024xf32, #tpu.memory_space<hbm>> -> memref<8x128xf32, #tpu.memory_space<hbm>>
    tpu.wait_dma2 semaphore(%arg16 : memref<!tpu.dma_semaphore, #tpu.memory_space<semaphore_mem>>) src(%dma_wait3A_1355 : memref<8x128xf32, #tpu.memory_space<hbm>>) dst(%dma_wait3A_1354 : memref<8x128xf32, #tpu.memory_space<vmem>>)
    %dma_wait3A_1356 = arith.constant 2 : i32
    %dma_wait3A_1357 = arith.constant 0 : i32
    %dma_wait3A_1358 = arith.constant 0 : i32
    %dma_wait3A_1359 = tpu.memref_slice %arg10[%dma_wait3A_1356, %dma_wait3A_1357, %dma_wait3A_1358] : memref<16x8x128xf32, #tpu.memory_space<vmem>> -> memref<1x8x128xf32, #tpu.memory_space<vmem>>
    %dma_wait3A_1360 = tpu.memref_squeeze %dma_wait3A_1359 : memref<1x8x128xf32, #tpu.memory_space<vmem>> -> memref<8x128xf32, #tpu.memory_space<vmem>>
    %dma_wait3A_1361 = tpu.memref_slice %arg4[%multiple_of3A_576, %multiple_of3A_603] : memref<100000x1024xf32, #tpu.memory_space<hbm>> -> memref<8x128xf32, #tpu.memory_space<hbm>>
    %dma_wait3A_1362 = arith.constant 0 : i32
    %dma_wait3A_1363 = arith.constant 0 : i32
    %dma_wait3A_1364 = tpu.memref_slice %arg10[%dma_wait3A_1356, %dma_wait3A_1362, %dma_wait3A_1363] : memref<16x8x128xf32, #tpu.memory_space<vmem>> -> memref<1x8x128xf32, #tpu.memory_space<vmem>>
    %dma_wait3A_1365 = tpu.memref_squeeze %dma_wait3A_1364 : memref<1x8x128xf32, #tpu.memory_space<vmem>> -> memref<8x128xf32, #tpu.memory_space<vmem>>
    %dma_wait3A_1366 = tpu.memref_slice %arg4[%multiple_of3A_576, %multiple_of3A_603] : memref<100000x1024xf32, #tpu.memory_space<hbm>> -> memref<8x128xf32, #tpu.memory_space<hbm>>
    tpu.wait_dma2 semaphore(%arg17 : memref<!tpu.dma_semaphore, #tpu.memory_space<semaphore_mem>>) src(%dma_wait3A_1366 : memref<8x128xf32, #tpu.memory_space<hbm>>) dst(%dma_wait3A_1365 : memref<8x128xf32, #tpu.memory_space<vmem>>)
    %dma_wait3A_1367 = arith.constant 3 : i32
    %dma_wait3A_1368 = arith.constant 0 : i32
    %dma_wait3A_1369 = arith.constant 0 : i32
    %dma_wait3A_1370 = tpu.memref_slice %arg9[%dma_wait3A_1367, %dma_wait3A_1368, %dma_wait3A_1369] : memref<16x8x128xf32, #tpu.memory_space<vmem>> -> memref<1x8x128xf32, #tpu.memory_space<vmem>>
    %dma_wait3A_1371 = tpu.memref_squeeze %dma_wait3A_1370 : memref<1x8x128xf32, #tpu.memory_space<vmem>> -> memref<8x128xf32, #tpu.memory_space<vmem>>
    %dma_wait3A_1372 = tpu.memref_slice %arg3[%multiple_of3A_628, %multiple_of3A_655] : memref<100000x1024xf32, #tpu.memory_space<hbm>> -> memref<8x128xf32, #tpu.memory_space<hbm>>
    %dma_wait3A_1373 = arith.constant 0 : i32
    %dma_wait3A_1374 = arith.constant 0 : i32
    %dma_wait3A_1375 = tpu.memref_slice %arg9[%dma_wait3A_1367, %dma_wait3A_1373, %dma_wait3A_1374] : memref<16x8x128xf32, #tpu.memory_space<vmem>> -> memref<1x8x128xf32, #tpu.memory_space<vmem>>
    %dma_wait3A_1376 = tpu.memref_squeeze %dma_wait3A_1375 : memref<1x8x128xf32, #tpu.memory_space<vmem>> -> memref<8x128xf32, #tpu.memory_space<vmem>>
    %dma_wait3A_1377 = tpu.memref_slice %arg3[%multiple_of3A_628, %multiple_of3A_655] : memref<100000x1024xf32, #tpu.memory_space<hbm>> -> memref<8x128xf32, #tpu.memory_space<hbm>>
    tpu.wait_dma2 semaphore(%arg16 : memref<!tpu.dma_semaphore, #tpu.memory_space<semaphore_mem>>) src(%dma_wait3A_1377 : memref<8x128xf32, #tpu.memory_space<hbm>>) dst(%dma_wait3A_1376 : memref<8x128xf32, #tpu.memory_space<vmem>>)
    %dma_wait3A_1378 = arith.constant 3 : i32
    %dma_wait3A_1379 = arith.constant 0 : i32
    %dma_wait3A_1380 = arith.constant 0 : i32
    %dma_wait3A_1381 = tpu.memref_slice %arg10[%dma_wait3A_1378, %dma_wait3A_1379, %dma_wait3A_1380] : memref<16x8x128xf32, #tpu.memory_space<vmem>> -> memref<1x8x128xf32, #tpu.memory_space<vmem>>
    %dma_wait3A_1382 = tpu.memref_squeeze %dma_wait3A_1381 : memref<1x8x128xf32, #tpu.memory_space<vmem>> -> memref<8x128xf32, #tpu.memory_space<vmem>>
    %dma_wait3A_1383 = tpu.memref_slice %arg4[%multiple_of3A_628, %multiple_of3A_655] : memref<100000x1024xf32, #tpu.memory_space<hbm>> -> memref<8x128xf32, #tpu.memory_space<hbm>>
    %dma_wait3A_1384 = arith.constant 0 : i32
    %dma_wait3A_1385 = arith.constant 0 : i32
    %dma_wait3A_1386 = tpu.memref_slice %arg10[%dma_wait3A_1378, %dma_wait3A_1384, %dma_wait3A_1385] : memref<16x8x128xf32, #tpu.memory_space<vmem>> -> memref<1x8x128xf32, #tpu.memory_space<vmem>>
    %dma_wait3A_1387 = tpu.memref_squeeze %dma_wait3A_1386 : memref<1x8x128xf32, #tpu.memory_space<vmem>> -> memref<8x128xf32, #tpu.memory_space<vmem>>
    %dma_wait3A_1388 = tpu.memref_slice %arg4[%multiple_of3A_628, %multiple_of3A_655] : memref<100000x1024xf32, #tpu.memory_space<hbm>> -> memref<8x128xf32, #tpu.memory_space<hbm>>
    tpu.wait_dma2 semaphore(%arg17 : memref<!tpu.dma_semaphore, #tpu.memory_space<semaphore_mem>>) src(%dma_wait3A_1388 : memref<8x128xf32, #tpu.memory_space<hbm>>) dst(%dma_wait3A_1387 : memref<8x128xf32, #tpu.memory_space<vmem>>)
    %dma_wait3A_1389 = arith.constant 4 : i32
    %dma_wait3A_1390 = arith.constant 0 : i32
    %dma_wait3A_1391 = arith.constant 0 : i32
    %dma_wait3A_1392 = tpu.memref_slice %arg9[%dma_wait3A_1389, %dma_wait3A_1390, %dma_wait3A_1391] : memref<16x8x128xf32, #tpu.memory_space<vmem>> -> memref<1x8x128xf32, #tpu.memory_space<vmem>>
    %dma_wait3A_1393 = tpu.memref_squeeze %dma_wait3A_1392 : memref<1x8x128xf32, #tpu.memory_space<vmem>> -> memref<8x128xf32, #tpu.memory_space<vmem>>
    %dma_wait3A_1394 = tpu.memref_slice %arg3[%multiple_of3A_680, %multiple_of3A_707] : memref<100000x1024xf32, #tpu.memory_space<hbm>> -> memref<8x128xf32, #tpu.memory_space<hbm>>
    %dma_wait3A_1395 = arith.constant 0 : i32
    %dma_wait3A_1396 = arith.constant 0 : i32
    %dma_wait3A_1397 = tpu.memref_slice %arg9[%dma_wait3A_1389, %dma_wait3A_1395, %dma_wait3A_1396] : memref<16x8x128xf32, #tpu.memory_space<vmem>> -> memref<1x8x128xf32, #tpu.memory_space<vmem>>
    %dma_wait3A_1398 = tpu.memref_squeeze %dma_wait3A_1397 : memref<1x8x128xf32, #tpu.memory_space<vmem>> -> memref<8x128xf32, #tpu.memory_space<vmem>>
    %dma_wait3A_1399 = tpu.memref_slice %arg3[%multiple_of3A_680, %multiple_of3A_707] : memref<100000x1024xf32, #tpu.memory_space<hbm>> -> memref<8x128xf32, #tpu.memory_space<hbm>>
    tpu.wait_dma2 semaphore(%arg16 : memref<!tpu.dma_semaphore, #tpu.memory_space<semaphore_mem>>) src(%dma_wait3A_1399 : memref<8x128xf32, #tpu.memory_space<hbm>>) dst(%dma_wait3A_1398 : memref<8x128xf32, #tpu.memory_space<vmem>>)
    %dma_wait3A_1400 = arith.constant 4 : i32
    %dma_wait3A_1401 = arith.constant 0 : i32
    %dma_wait3A_1402 = arith.constant 0 : i32
    %dma_wait3A_1403 = tpu.memref_slice %arg10[%dma_wait3A_1400, %dma_wait3A_1401, %dma_wait3A_1402] : memref<16x8x128xf32, #tpu.memory_space<vmem>> -> memref<1x8x128xf32, #tpu.memory_space<vmem>>
    %dma_wait3A_1404 = tpu.memref_squeeze %dma_wait3A_1403 : memref<1x8x128xf32, #tpu.memory_space<vmem>> -> memref<8x128xf32, #tpu.memory_space<vmem>>
    %dma_wait3A_1405 = tpu.memref_slice %arg4[%multiple_of3A_680, %multiple_of3A_707] : memref<100000x1024xf32, #tpu.memory_space<hbm>> -> memref<8x128xf32, #tpu.memory_space<hbm>>
    %dma_wait3A_1406 = arith.constant 0 : i32
    %dma_wait3A_1407 = arith.constant 0 : i32
    %dma_wait3A_1408 = tpu.memref_slice %arg10[%dma_wait3A_1400, %dma_wait3A_1406, %dma_wait3A_1407] : memref<16x8x128xf32, #tpu.memory_space<vmem>> -> memref<1x8x128xf32, #tpu.memory_space<vmem>>
    %dma_wait3A_1409 = tpu.memref_squeeze %dma_wait3A_1408 : memref<1x8x128xf32, #tpu.memory_space<vmem>> -> memref<8x128xf32, #tpu.memory_space<vmem>>
    %dma_wait3A_1410 = tpu.memref_slice %arg4[%multiple_of3A_680, %multiple_of3A_707] : memref<100000x1024xf32, #tpu.memory_space<hbm>> -> memref<8x128xf32, #tpu.memory_space<hbm>>
    tpu.wait_dma2 semaphore(%arg17 : memref<!tpu.dma_semaphore, #tpu.memory_space<semaphore_mem>>) src(%dma_wait3A_1410 : memref<8x128xf32, #tpu.memory_space<hbm>>) dst(%dma_wait3A_1409 : memref<8x128xf32, #tpu.memory_space<vmem>>)
    %dma_wait3A_1411 = arith.constant 5 : i32
    %dma_wait3A_1412 = arith.constant 0 : i32
    %dma_wait3A_1413 = arith.constant 0 : i32
    %dma_wait3A_1414 = tpu.memref_slice %arg9[%dma_wait3A_1411, %dma_wait3A_1412, %dma_wait3A_1413] : memref<16x8x128xf32, #tpu.memory_space<vmem>> -> memref<1x8x128xf32, #tpu.memory_space<vmem>>
    %dma_wait3A_1415 = tpu.memref_squeeze %dma_wait3A_1414 : memref<1x8x128xf32, #tpu.memory_space<vmem>> -> memref<8x128xf32, #tpu.memory_space<vmem>>
    %dma_wait3A_1416 = tpu.memref_slice %arg3[%multiple_of3A_732, %multiple_of3A_759] : memref<100000x1024xf32, #tpu.memory_space<hbm>> -> memref<8x128xf32, #tpu.memory_space<hbm>>
    %dma_wait3A_1417 = arith.constant 0 : i32
    %dma_wait3A_1418 = arith.constant 0 : i32
    %dma_wait3A_1419 = tpu.memref_slice %arg9[%dma_wait3A_1411, %dma_wait3A_1417, %dma_wait3A_1418] : memref<16x8x128xf32, #tpu.memory_space<vmem>> -> memref<1x8x128xf32, #tpu.memory_space<vmem>>
    %dma_wait3A_1420 = tpu.memref_squeeze %dma_wait3A_1419 : memref<1x8x128xf32, #tpu.memory_space<vmem>> -> memref<8x128xf32, #tpu.memory_space<vmem>>
    %dma_wait3A_1421 = tpu.memref_slice %arg3[%multiple_of3A_732, %multiple_of3A_759] : memref<100000x1024xf32, #tpu.memory_space<hbm>> -> memref<8x128xf32, #tpu.memory_space<hbm>>
    tpu.wait_dma2 semaphore(%arg16 : memref<!tpu.dma_semaphore, #tpu.memory_space<semaphore_mem>>) src(%dma_wait3A_1421 : memref<8x128xf32, #tpu.memory_space<hbm>>) dst(%dma_wait3A_1420 : memref<8x128xf32, #tpu.memory_space<vmem>>)
    %dma_wait3A_1422 = arith.constant 5 : i32
    %dma_wait3A_1423 = arith.constant 0 : i32
    %dma_wait3A_1424 = arith.constant 0 : i32
    %dma_wait3A_1425 = tpu.memref_slice %arg10[%dma_wait3A_1422, %dma_wait3A_1423, %dma_wait3A_1424] : memref<16x8x128xf32, #tpu.memory_space<vmem>> -> memref<1x8x128xf32, #tpu.memory_space<vmem>>
    %dma_wait3A_1426 = tpu.memref_squeeze %dma_wait3A_1425 : memref<1x8x128xf32, #tpu.memory_space<vmem>> -> memref<8x128xf32, #tpu.memory_space<vmem>>
    %dma_wait3A_1427 = tpu.memref_slice %arg4[%multiple_of3A_732, %multiple_of3A_759] : memref<100000x1024xf32, #tpu.memory_space<hbm>> -> memref<8x128xf32, #tpu.memory_space<hbm>>
    %dma_wait3A_1428 = arith.constant 0 : i32
    %dma_wait3A_1429 = arith.constant 0 : i32
    %dma_wait3A_1430 = tpu.memref_slice %arg10[%dma_wait3A_1422, %dma_wait3A_1428, %dma_wait3A_1429] : memref<16x8x128xf32, #tpu.memory_space<vmem>> -> memref<1x8x128xf32, #tpu.memory_space<vmem>>
    %dma_wait3A_1431 = tpu.memref_squeeze %dma_wait3A_1430 : memref<1x8x128xf32, #tpu.memory_space<vmem>> -> memref<8x128xf32, #tpu.memory_space<vmem>>
    %dma_wait3A_1432 = tpu.memref_slice %arg4[%multiple_of3A_732, %multiple_of3A_759] : memref<100000x1024xf32, #tpu.memory_space<hbm>> -> memref<8x128xf32, #tpu.memory_space<hbm>>
    tpu.wait_dma2 semaphore(%arg17 : memref<!tpu.dma_semaphore, #tpu.memory_space<semaphore_mem>>) src(%dma_wait3A_1432 : memref<8x128xf32, #tpu.memory_space<hbm>>) dst(%dma_wait3A_1431 : memref<8x128xf32, #tpu.memory_space<vmem>>)
    %dma_wait3A_1433 = arith.constant 6 : i32
    %dma_wait3A_1434 = arith.constant 0 : i32
    %dma_wait3A_1435 = arith.constant 0 : i32
    %dma_wait3A_1436 = tpu.memref_slice %arg9[%dma_wait3A_1433, %dma_wait3A_1434, %dma_wait3A_1435] : memref<16x8x128xf32, #tpu.memory_space<vmem>> -> memref<1x8x128xf32, #tpu.memory_space<vmem>>
    %dma_wait3A_1437 = tpu.memref_squeeze %dma_wait3A_1436 : memref<1x8x128xf32, #tpu.memory_space<vmem>> -> memref<8x128xf32, #tpu.memory_space<vmem>>
    %dma_wait3A_1438 = tpu.memref_slice %arg3[%multiple_of3A_784, %multiple_of3A_811] : memref<100000x1024xf32, #tpu.memory_space<hbm>> -> memref<8x128xf32, #tpu.memory_space<hbm>>
    %dma_wait3A_1439 = arith.constant 0 : i32
    %dma_wait3A_1440 = arith.constant 0 : i32
    %dma_wait3A_1441 = tpu.memref_slice %arg9[%dma_wait3A_1433, %dma_wait3A_1439, %dma_wait3A_1440] : memref<16x8x128xf32, #tpu.memory_space<vmem>> -> memref<1x8x128xf32, #tpu.memory_space<vmem>>
    %dma_wait3A_1442 = tpu.memref_squeeze %dma_wait3A_1441 : memref<1x8x128xf32, #tpu.memory_space<vmem>> -> memref<8x128xf32, #tpu.memory_space<vmem>>
    %dma_wait3A_1443 = tpu.memref_slice %arg3[%multiple_of3A_784, %multiple_of3A_811] : memref<100000x1024xf32, #tpu.memory_space<hbm>> -> memref<8x128xf32, #tpu.memory_space<hbm>>
    tpu.wait_dma2 semaphore(%arg16 : memref<!tpu.dma_semaphore, #tpu.memory_space<semaphore_mem>>) src(%dma_wait3A_1443 : memref<8x128xf32, #tpu.memory_space<hbm>>) dst(%dma_wait3A_1442 : memref<8x128xf32, #tpu.memory_space<vmem>>)
    %dma_wait3A_1444 = arith.constant 6 : i32
    %dma_wait3A_1445 = arith.constant 0 : i32
    %dma_wait3A_1446 = arith.constant 0 : i32
    %dma_wait3A_1447 = tpu.memref_slice %arg10[%dma_wait3A_1444, %dma_wait3A_1445, %dma_wait3A_1446] : memref<16x8x128xf32, #tpu.memory_space<vmem>> -> memref<1x8x128xf32, #tpu.memory_space<vmem>>
    %dma_wait3A_1448 = tpu.memref_squeeze %dma_wait3A_1447 : memref<1x8x128xf32, #tpu.memory_space<vmem>> -> memref<8x128xf32, #tpu.memory_space<vmem>>
    %dma_wait3A_1449 = tpu.memref_slice %arg4[%multiple_of3A_784, %multiple_of3A_811] : memref<100000x1024xf32, #tpu.memory_space<hbm>> -> memref<8x128xf32, #tpu.memory_space<hbm>>
    %dma_wait3A_1450 = arith.constant 0 : i32
    %dma_wait3A_1451 = arith.constant 0 : i32
    %dma_wait3A_1452 = tpu.memref_slice %arg10[%dma_wait3A_1444, %dma_wait3A_1450, %dma_wait3A_1451] : memref<16x8x128xf32, #tpu.memory_space<vmem>> -> memref<1x8x128xf32, #tpu.memory_space<vmem>>
    %dma_wait3A_1453 = tpu.memref_squeeze %dma_wait3A_1452 : memref<1x8x128xf32, #tpu.memory_space<vmem>> -> memref<8x128xf32, #tpu.memory_space<vmem>>
    %dma_wait3A_1454 = tpu.memref_slice %arg4[%multiple_of3A_784, %multiple_of3A_811] : memref<100000x1024xf32, #tpu.memory_space<hbm>> -> memref<8x128xf32, #tpu.memory_space<hbm>>
    tpu.wait_dma2 semaphore(%arg17 : memref<!tpu.dma_semaphore, #tpu.memory_space<semaphore_mem>>) src(%dma_wait3A_1454 : memref<8x128xf32, #tpu.memory_space<hbm>>) dst(%dma_wait3A_1453 : memref<8x128xf32, #tpu.memory_space<vmem>>)
    %dma_wait3A_1455 = arith.constant 7 : i32
    %dma_wait3A_1456 = arith.constant 0 : i32
    %dma_wait3A_1457 = arith.constant 0 : i32
    %dma_wait3A_1458 = tpu.memref_slice %arg9[%dma_wait3A_1455, %dma_wait3A_1456, %dma_wait3A_1457] : memref<16x8x128xf32, #tpu.memory_space<vmem>> -> memref<1x8x128xf32, #tpu.memory_space<vmem>>
    %dma_wait3A_1459 = tpu.memref_squeeze %dma_wait3A_1458 : memref<1x8x128xf32, #tpu.memory_space<vmem>> -> memref<8x128xf32, #tpu.memory_space<vmem>>
    %dma_wait3A_1460 = tpu.memref_slice %arg3[%multiple_of3A_836, %multiple_of3A_863] : memref<100000x1024xf32, #tpu.memory_space<hbm>> -> memref<8x128xf32, #tpu.memory_space<hbm>>
    %dma_wait3A_1461 = arith.constant 0 : i32
    %dma_wait3A_1462 = arith.constant 0 : i32
    %dma_wait3A_1463 = tpu.memref_slice %arg9[%dma_wait3A_1455, %dma_wait3A_1461, %dma_wait3A_1462] : memref<16x8x128xf32, #tpu.memory_space<vmem>> -> memref<1x8x128xf32, #tpu.memory_space<vmem>>
    %dma_wait3A_1464 = tpu.memref_squeeze %dma_wait3A_1463 : memref<1x8x128xf32, #tpu.memory_space<vmem>> -> memref<8x128xf32, #tpu.memory_space<vmem>>
    %dma_wait3A_1465 = tpu.memref_slice %arg3[%multiple_of3A_836, %multiple_of3A_863] : memref<100000x1024xf32, #tpu.memory_space<hbm>> -> memref<8x128xf32, #tpu.memory_space<hbm>>
    tpu.wait_dma2 semaphore(%arg16 : memref<!tpu.dma_semaphore, #tpu.memory_space<semaphore_mem>>) src(%dma_wait3A_1465 : memref<8x128xf32, #tpu.memory_space<hbm>>) dst(%dma_wait3A_1464 : memref<8x128xf32, #tpu.memory_space<vmem>>)
    %dma_wait3A_1466 = arith.constant 7 : i32
    %dma_wait3A_1467 = arith.constant 0 : i32
    %dma_wait3A_1468 = arith.constant 0 : i32
    %dma_wait3A_1469 = tpu.memref_slice %arg10[%dma_wait3A_1466, %dma_wait3A_1467, %dma_wait3A_1468] : memref<16x8x128xf32, #tpu.memory_space<vmem>> -> memref<1x8x128xf32, #tpu.memory_space<vmem>>
    %dma_wait3A_1470 = tpu.memref_squeeze %dma_wait3A_1469 : memref<1x8x128xf32, #tpu.memory_space<vmem>> -> memref<8x128xf32, #tpu.memory_space<vmem>>
    %dma_wait3A_1471 = tpu.memref_slice %arg4[%multiple_of3A_836, %multiple_of3A_863] : memref<100000x1024xf32, #tpu.memory_space<hbm>> -> memref<8x128xf32, #tpu.memory_space<hbm>>
    %dma_wait3A_1472 = arith.constant 0 : i32
    %dma_wait3A_1473 = arith.constant 0 : i32
    %dma_wait3A_1474 = tpu.memref_slice %arg10[%dma_wait3A_1466, %dma_wait3A_1472, %dma_wait3A_1473] : memref<16x8x128xf32, #tpu.memory_space<vmem>> -> memref<1x8x128xf32, #tpu.memory_space<vmem>>
    %dma_wait3A_1475 = tpu.memref_squeeze %dma_wait3A_1474 : memref<1x8x128xf32, #tpu.memory_space<vmem>> -> memref<8x128xf32, #tpu.memory_space<vmem>>
    %dma_wait3A_1476 = tpu.memref_slice %arg4[%multiple_of3A_836, %multiple_of3A_863] : memref<100000x1024xf32, #tpu.memory_space<hbm>> -> memref<8x128xf32, #tpu.memory_space<hbm>>
    tpu.wait_dma2 semaphore(%arg17 : memref<!tpu.dma_semaphore, #tpu.memory_space<semaphore_mem>>) src(%dma_wait3A_1476 : memref<8x128xf32, #tpu.memory_space<hbm>>) dst(%dma_wait3A_1475 : memref<8x128xf32, #tpu.memory_space<vmem>>)
    %dma_wait3A_1477 = arith.constant 8 : i32
    %dma_wait3A_1478 = arith.constant 0 : i32
    %dma_wait3A_1479 = arith.constant 0 : i32
    %dma_wait3A_1480 = tpu.memref_slice %arg9[%dma_wait3A_1477, %dma_wait3A_1478, %dma_wait3A_1479] : memref<16x8x128xf32, #tpu.memory_space<vmem>> -> memref<1x8x128xf32, #tpu.memory_space<vmem>>
    %dma_wait3A_1481 = tpu.memref_squeeze %dma_wait3A_1480 : memref<1x8x128xf32, #tpu.memory_space<vmem>> -> memref<8x128xf32, #tpu.memory_space<vmem>>
    %dma_wait3A_1482 = tpu.memref_slice %arg3[%multiple_of3A_888, %multiple_of3A_915] : memref<100000x1024xf32, #tpu.memory_space<hbm>> -> memref<8x128xf32, #tpu.memory_space<hbm>>
    %dma_wait3A_1483 = arith.constant 0 : i32
    %dma_wait3A_1484 = arith.constant 0 : i32
    %dma_wait3A_1485 = tpu.memref_slice %arg9[%dma_wait3A_1477, %dma_wait3A_1483, %dma_wait3A_1484] : memref<16x8x128xf32, #tpu.memory_space<vmem>> -> memref<1x8x128xf32, #tpu.memory_space<vmem>>
    %dma_wait3A_1486 = tpu.memref_squeeze %dma_wait3A_1485 : memref<1x8x128xf32, #tpu.memory_space<vmem>> -> memref<8x128xf32, #tpu.memory_space<vmem>>
    %dma_wait3A_1487 = tpu.memref_slice %arg3[%multiple_of3A_888, %multiple_of3A_915] : memref<100000x1024xf32, #tpu.memory_space<hbm>> -> memref<8x128xf32, #tpu.memory_space<hbm>>
    tpu.wait_dma2 semaphore(%arg16 : memref<!tpu.dma_semaphore, #tpu.memory_space<semaphore_mem>>) src(%dma_wait3A_1487 : memref<8x128xf32, #tpu.memory_space<hbm>>) dst(%dma_wait3A_1486 : memref<8x128xf32, #tpu.memory_space<vmem>>)
    %dma_wait3A_1488 = arith.constant 8 : i32
    %dma_wait3A_1489 = arith.constant 0 : i32
    %dma_wait3A_1490 = arith.constant 0 : i32
    %dma_wait3A_1491 = tpu.memref_slice %arg10[%dma_wait3A_1488, %dma_wait3A_1489, %dma_wait3A_1490] : memref<16x8x128xf32, #tpu.memory_space<vmem>> -> memref<1x8x128xf32, #tpu.memory_space<vmem>>
    %dma_wait3A_1492 = tpu.memref_squeeze %dma_wait3A_1491 : memref<1x8x128xf32, #tpu.memory_space<vmem>> -> memref<8x128xf32, #tpu.memory_space<vmem>>
    %dma_wait3A_1493 = tpu.memref_slice %arg4[%multiple_of3A_888, %multiple_of3A_915] : memref<100000x1024xf32, #tpu.memory_space<hbm>> -> memref<8x128xf32, #tpu.memory_space<hbm>>
    %dma_wait3A_1494 = arith.constant 0 : i32
    %dma_wait3A_1495 = arith.constant 0 : i32
    %dma_wait3A_1496 = tpu.memref_slice %arg10[%dma_wait3A_1488, %dma_wait3A_1494, %dma_wait3A_1495] : memref<16x8x128xf32, #tpu.memory_space<vmem>> -> memref<1x8x128xf32, #tpu.memory_space<vmem>>
    %dma_wait3A_1497 = tpu.memref_squeeze %dma_wait3A_1496 : memref<1x8x128xf32, #tpu.memory_space<vmem>> -> memref<8x128xf32, #tpu.memory_space<vmem>>
    %dma_wait3A_1498 = tpu.memref_slice %arg4[%multiple_of3A_888, %multiple_of3A_915] : memref<100000x1024xf32, #tpu.memory_space<hbm>> -> memref<8x128xf32, #tpu.memory_space<hbm>>
    tpu.wait_dma2 semaphore(%arg17 : memref<!tpu.dma_semaphore, #tpu.memory_space<semaphore_mem>>) src(%dma_wait3A_1498 : memref<8x128xf32, #tpu.memory_space<hbm>>) dst(%dma_wait3A_1497 : memref<8x128xf32, #tpu.memory_space<vmem>>)
    %dma_wait3A_1499 = arith.constant 9 : i32
    %dma_wait3A_1500 = arith.constant 0 : i32
    %dma_wait3A_1501 = arith.constant 0 : i32
    %dma_wait3A_1502 = tpu.memref_slice %arg9[%dma_wait3A_1499, %dma_wait3A_1500, %dma_wait3A_1501] : memref<16x8x128xf32, #tpu.memory_space<vmem>> -> memref<1x8x128xf32, #tpu.memory_space<vmem>>
    %dma_wait3A_1503 = tpu.memref_squeeze %dma_wait3A_1502 : memref<1x8x128xf32, #tpu.memory_space<vmem>> -> memref<8x128xf32, #tpu.memory_space<vmem>>
    %dma_wait3A_1504 = tpu.memref_slice %arg3[%multiple_of3A_940, %multiple_of3A_967] : memref<100000x1024xf32, #tpu.memory_space<hbm>> -> memref<8x128xf32, #tpu.memory_space<hbm>>
    %dma_wait3A_1505 = arith.constant 0 : i32
    %dma_wait3A_1506 = arith.constant 0 : i32
    %dma_wait3A_1507 = tpu.memref_slice %arg9[%dma_wait3A_1499, %dma_wait3A_1505, %dma_wait3A_1506] : memref<16x8x128xf32, #tpu.memory_space<vmem>> -> memref<1x8x128xf32, #tpu.memory_space<vmem>>
    %dma_wait3A_1508 = tpu.memref_squeeze %dma_wait3A_1507 : memref<1x8x128xf32, #tpu.memory_space<vmem>> -> memref<8x128xf32, #tpu.memory_space<vmem>>
    %dma_wait3A_1509 = tpu.memref_slice %arg3[%multiple_of3A_940, %multiple_of3A_967] : memref<100000x1024xf32, #tpu.memory_space<hbm>> -> memref<8x128xf32, #tpu.memory_space<hbm>>
    tpu.wait_dma2 semaphore(%arg16 : memref<!tpu.dma_semaphore, #tpu.memory_space<semaphore_mem>>) src(%dma_wait3A_1509 : memref<8x128xf32, #tpu.memory_space<hbm>>) dst(%dma_wait3A_1508 : memref<8x128xf32, #tpu.memory_space<vmem>>)
    %dma_wait3A_1510 = arith.constant 9 : i32
    %dma_wait3A_1511 = arith.constant 0 : i32
    %dma_wait3A_1512 = arith.constant 0 : i32
    %dma_wait3A_1513 = tpu.memref_slice %arg10[%dma_wait3A_1510, %dma_wait3A_1511, %dma_wait3A_1512] : memref<16x8x128xf32, #tpu.memory_space<vmem>> -> memref<1x8x128xf32, #tpu.memory_space<vmem>>
    %dma_wait3A_1514 = tpu.memref_squeeze %dma_wait3A_1513 : memref<1x8x128xf32, #tpu.memory_space<vmem>> -> memref<8x128xf32, #tpu.memory_space<vmem>>
    %dma_wait3A_1515 = tpu.memref_slice %arg4[%multiple_of3A_940, %multiple_of3A_967] : memref<100000x1024xf32, #tpu.memory_space<hbm>> -> memref<8x128xf32, #tpu.memory_space<hbm>>
    %dma_wait3A_1516 = arith.constant 0 : i32
    %dma_wait3A_1517 = arith.constant 0 : i32
    %dma_wait3A_1518 = tpu.memref_slice %arg10[%dma_wait3A_1510, %dma_wait3A_1516, %dma_wait3A_1517] : memref<16x8x128xf32, #tpu.memory_space<vmem>> -> memref<1x8x128xf32, #tpu.memory_space<vmem>>
    %dma_wait3A_1519 = tpu.memref_squeeze %dma_wait3A_1518 : memref<1x8x128xf32, #tpu.memory_space<vmem>> -> memref<8x128xf32, #tpu.memory_space<vmem>>
    %dma_wait3A_1520 = tpu.memref_slice %arg4[%multiple_of3A_940, %multiple_of3A_967] : memref<100000x1024xf32, #tpu.memory_space<hbm>> -> memref<8x128xf32, #tpu.memory_space<hbm>>
    tpu.wait_dma2 semaphore(%arg17 : memref<!tpu.dma_semaphore, #tpu.memory_space<semaphore_mem>>) src(%dma_wait3A_1520 : memref<8x128xf32, #tpu.memory_space<hbm>>) dst(%dma_wait3A_1519 : memref<8x128xf32, #tpu.memory_space<vmem>>)
    %dma_wait3A_1521 = arith.constant 10 : i32
    %dma_wait3A_1522 = arith.constant 0 : i32
    %dma_wait3A_1523 = arith.constant 0 : i32
    %dma_wait3A_1524 = tpu.memref_slice %arg9[%dma_wait3A_1521, %dma_wait3A_1522, %dma_wait3A_1523] : memref<16x8x128xf32, #tpu.memory_space<vmem>> -> memref<1x8x128xf32, #tpu.memory_space<vmem>>
    %dma_wait3A_1525 = tpu.memref_squeeze %dma_wait3A_1524 : memref<1x8x128xf32, #tpu.memory_space<vmem>> -> memref<8x128xf32, #tpu.memory_space<vmem>>
    %dma_wait3A_1526 = tpu.memref_slice %arg3[%multiple_of3A_992, %multiple_of3A_1019] : memref<100000x1024xf32, #tpu.memory_space<hbm>> -> memref<8x128xf32, #tpu.memory_space<hbm>>
    %dma_wait3A_1527 = arith.constant 0 : i32
    %dma_wait3A_1528 = arith.constant 0 : i32
    %dma_wait3A_1529 = tpu.memref_slice %arg9[%dma_wait3A_1521, %dma_wait3A_1527, %dma_wait3A_1528] : memref<16x8x128xf32, #tpu.memory_space<vmem>> -> memref<1x8x128xf32, #tpu.memory_space<vmem>>
    %dma_wait3A_1530 = tpu.memref_squeeze %dma_wait3A_1529 : memref<1x8x128xf32, #tpu.memory_space<vmem>> -> memref<8x128xf32, #tpu.memory_space<vmem>>
    %dma_wait3A_1531 = tpu.memref_slice %arg3[%multiple_of3A_992, %multiple_of3A_1019] : memref<100000x1024xf32, #tpu.memory_space<hbm>> -> memref<8x128xf32, #tpu.memory_space<hbm>>
    tpu.wait_dma2 semaphore(%arg16 : memref<!tpu.dma_semaphore, #tpu.memory_space<semaphore_mem>>) src(%dma_wait3A_1531 : memref<8x128xf32, #tpu.memory_space<hbm>>) dst(%dma_wait3A_1530 : memref<8x128xf32, #tpu.memory_space<vmem>>)
    %dma_wait3A_1532 = arith.constant 10 : i32
    %dma_wait3A_1533 = arith.constant 0 : i32
    %dma_wait3A_1534 = arith.constant 0 : i32
    %dma_wait3A_1535 = tpu.memref_slice %arg10[%dma_wait3A_1532, %dma_wait3A_1533, %dma_wait3A_1534] : memref<16x8x128xf32, #tpu.memory_space<vmem>> -> memref<1x8x128xf32, #tpu.memory_space<vmem>>
    %dma_wait3A_1536 = tpu.memref_squeeze %dma_wait3A_1535 : memref<1x8x128xf32, #tpu.memory_space<vmem>> -> memref<8x128xf32, #tpu.memory_space<vmem>>
    %dma_wait3A_1537 = tpu.memref_slice %arg4[%multiple_of3A_992, %multiple_of3A_1019] : memref<100000x1024xf32, #tpu.memory_space<hbm>> -> memref<8x128xf32, #tpu.memory_space<hbm>>
    %dma_wait3A_1538 = arith.constant 0 : i32
    %dma_wait3A_1539 = arith.constant 0 : i32
    %dma_wait3A_1540 = tpu.memref_slice %arg10[%dma_wait3A_1532, %dma_wait3A_1538, %dma_wait3A_1539] : memref<16x8x128xf32, #tpu.memory_space<vmem>> -> memref<1x8x128xf32, #tpu.memory_space<vmem>>
    %dma_wait3A_1541 = tpu.memref_squeeze %dma_wait3A_1540 : memref<1x8x128xf32, #tpu.memory_space<vmem>> -> memref<8x128xf32, #tpu.memory_space<vmem>>
    %dma_wait3A_1542 = tpu.memref_slice %arg4[%multiple_of3A_992, %multiple_of3A_1019] : memref<100000x1024xf32, #tpu.memory_space<hbm>> -> memref<8x128xf32, #tpu.memory_space<hbm>>
    tpu.wait_dma2 semaphore(%arg17 : memref<!tpu.dma_semaphore, #tpu.memory_space<semaphore_mem>>) src(%dma_wait3A_1542 : memref<8x128xf32, #tpu.memory_space<hbm>>) dst(%dma_wait3A_1541 : memref<8x128xf32, #tpu.memory_space<vmem>>)
    %dma_wait3A_1543 = arith.constant 11 : i32
    %dma_wait3A_1544 = arith.constant 0 : i32
    %dma_wait3A_1545 = arith.constant 0 : i32
    %dma_wait3A_1546 = tpu.memref_slice %arg9[%dma_wait3A_1543, %dma_wait3A_1544, %dma_wait3A_1545] : memref<16x8x128xf32, #tpu.memory_space<vmem>> -> memref<1x8x128xf32, #tpu.memory_space<vmem>>
    %dma_wait3A_1547 = tpu.memref_squeeze %dma_wait3A_1546 : memref<1x8x128xf32, #tpu.memory_space<vmem>> -> memref<8x128xf32, #tpu.memory_space<vmem>>
    %dma_wait3A_1548 = tpu.memref_slice %arg3[%multiple_of3A_1044, %multiple_of3A_1071] : memref<100000x1024xf32, #tpu.memory_space<hbm>> -> memref<8x128xf32, #tpu.memory_space<hbm>>
    %dma_wait3A_1549 = arith.constant 0 : i32
    %dma_wait3A_1550 = arith.constant 0 : i32
    %dma_wait3A_1551 = tpu.memref_slice %arg9[%dma_wait3A_1543, %dma_wait3A_1549, %dma_wait3A_1550] : memref<16x8x128xf32, #tpu.memory_space<vmem>> -> memref<1x8x128xf32, #tpu.memory_space<vmem>>
    %dma_wait3A_1552 = tpu.memref_squeeze %dma_wait3A_1551 : memref<1x8x128xf32, #tpu.memory_space<vmem>> -> memref<8x128xf32, #tpu.memory_space<vmem>>
    %dma_wait3A_1553 = tpu.memref_slice %arg3[%multiple_of3A_1044, %multiple_of3A_1071] : memref<100000x1024xf32, #tpu.memory_space<hbm>> -> memref<8x128xf32, #tpu.memory_space<hbm>>
    tpu.wait_dma2 semaphore(%arg16 : memref<!tpu.dma_semaphore, #tpu.memory_space<semaphore_mem>>) src(%dma_wait3A_1553 : memref<8x128xf32, #tpu.memory_space<hbm>>) dst(%dma_wait3A_1552 : memref<8x128xf32, #tpu.memory_space<vmem>>)
    %dma_wait3A_1554 = arith.constant 11 : i32
    %dma_wait3A_1555 = arith.constant 0 : i32
    %dma_wait3A_1556 = arith.constant 0 : i32
    %dma_wait3A_1557 = tpu.memref_slice %arg10[%dma_wait3A_1554, %dma_wait3A_1555, %dma_wait3A_1556] : memref<16x8x128xf32, #tpu.memory_space<vmem>> -> memref<1x8x128xf32, #tpu.memory_space<vmem>>
    %dma_wait3A_1558 = tpu.memref_squeeze %dma_wait3A_1557 : memref<1x8x128xf32, #tpu.memory_space<vmem>> -> memref<8x128xf32, #tpu.memory_space<vmem>>
    %dma_wait3A_1559 = tpu.memref_slice %arg4[%multiple_of3A_1044, %multiple_of3A_1071] : memref<100000x1024xf32, #tpu.memory_space<hbm>> -> memref<8x128xf32, #tpu.memory_space<hbm>>
    %dma_wait3A_1560 = arith.constant 0 : i32
    %dma_wait3A_1561 = arith.constant 0 : i32
    %dma_wait3A_1562 = tpu.memref_slice %arg10[%dma_wait3A_1554, %dma_wait3A_1560, %dma_wait3A_1561] : memref<16x8x128xf32, #tpu.memory_space<vmem>> -> memref<1x8x128xf32, #tpu.memory_space<vmem>>
    %dma_wait3A_1563 = tpu.memref_squeeze %dma_wait3A_1562 : memref<1x8x128xf32, #tpu.memory_space<vmem>> -> memref<8x128xf32, #tpu.memory_space<vmem>>
    %dma_wait3A_1564 = tpu.memref_slice %arg4[%multiple_of3A_1044, %multiple_of3A_1071] : memref<100000x1024xf32, #tpu.memory_space<hbm>> -> memref<8x128xf32, #tpu.memory_space<hbm>>
    tpu.wait_dma2 semaphore(%arg17 : memref<!tpu.dma_semaphore, #tpu.memory_space<semaphore_mem>>) src(%dma_wait3A_1564 : memref<8x128xf32, #tpu.memory_space<hbm>>) dst(%dma_wait3A_1563 : memref<8x128xf32, #tpu.memory_space<vmem>>)
    %dma_wait3A_1565 = arith.constant 12 : i32
    %dma_wait3A_1566 = arith.constant 0 : i32
    %dma_wait3A_1567 = arith.constant 0 : i32
    %dma_wait3A_1568 = tpu.memref_slice %arg9[%dma_wait3A_1565, %dma_wait3A_1566, %dma_wait3A_1567] : memref<16x8x128xf32, #tpu.memory_space<vmem>> -> memref<1x8x128xf32, #tpu.memory_space<vmem>>
    %dma_wait3A_1569 = tpu.memref_squeeze %dma_wait3A_1568 : memref<1x8x128xf32, #tpu.memory_space<vmem>> -> memref<8x128xf32, #tpu.memory_space<vmem>>
    %dma_wait3A_1570 = tpu.memref_slice %arg3[%multiple_of3A_1096, %multiple_of3A_1123] : memref<100000x1024xf32, #tpu.memory_space<hbm>> -> memref<8x128xf32, #tpu.memory_space<hbm>>
    %dma_wait3A_1571 = arith.constant 0 : i32
    %dma_wait3A_1572 = arith.constant 0 : i32
    %dma_wait3A_1573 = tpu.memref_slice %arg9[%dma_wait3A_1565, %dma_wait3A_1571, %dma_wait3A_1572] : memref<16x8x128xf32, #tpu.memory_space<vmem>> -> memref<1x8x128xf32, #tpu.memory_space<vmem>>
    %dma_wait3A_1574 = tpu.memref_squeeze %dma_wait3A_1573 : memref<1x8x128xf32, #tpu.memory_space<vmem>> -> memref<8x128xf32, #tpu.memory_space<vmem>>
    %dma_wait3A_1575 = tpu.memref_slice %arg3[%multiple_of3A_1096, %multiple_of3A_1123] : memref<100000x1024xf32, #tpu.memory_space<hbm>> -> memref<8x128xf32, #tpu.memory_space<hbm>>
    tpu.wait_dma2 semaphore(%arg16 : memref<!tpu.dma_semaphore, #tpu.memory_space<semaphore_mem>>) src(%dma_wait3A_1575 : memref<8x128xf32, #tpu.memory_space<hbm>>) dst(%dma_wait3A_1574 : memref<8x128xf32, #tpu.memory_space<vmem>>)
    %dma_wait3A_1576 = arith.constant 12 : i32
    %dma_wait3A_1577 = arith.constant 0 : i32
    %dma_wait3A_1578 = arith.constant 0 : i32
    %dma_wait3A_1579 = tpu.memref_slice %arg10[%dma_wait3A_1576, %dma_wait3A_1577, %dma_wait3A_1578] : memref<16x8x128xf32, #tpu.memory_space<vmem>> -> memref<1x8x128xf32, #tpu.memory_space<vmem>>
    %dma_wait3A_1580 = tpu.memref_squeeze %dma_wait3A_1579 : memref<1x8x128xf32, #tpu.memory_space<vmem>> -> memref<8x128xf32, #tpu.memory_space<vmem>>
    %dma_wait3A_1581 = tpu.memref_slice %arg4[%multiple_of3A_1096, %multiple_of3A_1123] : memref<100000x1024xf32, #tpu.memory_space<hbm>> -> memref<8x128xf32, #tpu.memory_space<hbm>>
    %dma_wait3A_1582 = arith.constant 0 : i32
    %dma_wait3A_1583 = arith.constant 0 : i32
    %dma_wait3A_1584 = tpu.memref_slice %arg10[%dma_wait3A_1576, %dma_wait3A_1582, %dma_wait3A_1583] : memref<16x8x128xf32, #tpu.memory_space<vmem>> -> memref<1x8x128xf32, #tpu.memory_space<vmem>>
    %dma_wait3A_1585 = tpu.memref_squeeze %dma_wait3A_1584 : memref<1x8x128xf32, #tpu.memory_space<vmem>> -> memref<8x128xf32, #tpu.memory_space<vmem>>
    %dma_wait3A_1586 = tpu.memref_slice %arg4[%multiple_of3A_1096, %multiple_of3A_1123] : memref<100000x1024xf32, #tpu.memory_space<hbm>> -> memref<8x128xf32, #tpu.memory_space<hbm>>
    tpu.wait_dma2 semaphore(%arg17 : memref<!tpu.dma_semaphore, #tpu.memory_space<semaphore_mem>>) src(%dma_wait3A_1586 : memref<8x128xf32, #tpu.memory_space<hbm>>) dst(%dma_wait3A_1585 : memref<8x128xf32, #tpu.memory_space<vmem>>)
    %dma_wait3A_1587 = arith.constant 13 : i32
    %dma_wait3A_1588 = arith.constant 0 : i32
    %dma_wait3A_1589 = arith.constant 0 : i32
    %dma_wait3A_1590 = tpu.memref_slice %arg9[%dma_wait3A_1587, %dma_wait3A_1588, %dma_wait3A_1589] : memref<16x8x128xf32, #tpu.memory_space<vmem>> -> memref<1x8x128xf32, #tpu.memory_space<vmem>>
    %dma_wait3A_1591 = tpu.memref_squeeze %dma_wait3A_1590 : memref<1x8x128xf32, #tpu.memory_space<vmem>> -> memref<8x128xf32, #tpu.memory_space<vmem>>
    %dma_wait3A_1592 = tpu.memref_slice %arg3[%multiple_of3A_1148, %multiple_of3A_1175] : memref<100000x1024xf32, #tpu.memory_space<hbm>> -> memref<8x128xf32, #tpu.memory_space<hbm>>
    %dma_wait3A_1593 = arith.constant 0 : i32
    %dma_wait3A_1594 = arith.constant 0 : i32
    %dma_wait3A_1595 = tpu.memref_slice %arg9[%dma_wait3A_1587, %dma_wait3A_1593, %dma_wait3A_1594] : memref<16x8x128xf32, #tpu.memory_space<vmem>> -> memref<1x8x128xf32, #tpu.memory_space<vmem>>
    %dma_wait3A_1596 = tpu.memref_squeeze %dma_wait3A_1595 : memref<1x8x128xf32, #tpu.memory_space<vmem>> -> memref<8x128xf32, #tpu.memory_space<vmem>>
    %dma_wait3A_1597 = tpu.memref_slice %arg3[%multiple_of3A_1148, %multiple_of3A_1175] : memref<100000x1024xf32, #tpu.memory_space<hbm>> -> memref<8x128xf32, #tpu.memory_space<hbm>>
    tpu.wait_dma2 semaphore(%arg16 : memref<!tpu.dma_semaphore, #tpu.memory_space<semaphore_mem>>) src(%dma_wait3A_1597 : memref<8x128xf32, #tpu.memory_space<hbm>>) dst(%dma_wait3A_1596 : memref<8x128xf32, #tpu.memory_space<vmem>>)
    %dma_wait3A_1598 = arith.constant 13 : i32
    %dma_wait3A_1599 = arith.constant 0 : i32
    %dma_wait3A_1600 = arith.constant 0 : i32
    %dma_wait3A_1601 = tpu.memref_slice %arg10[%dma_wait3A_1598, %dma_wait3A_1599, %dma_wait3A_1600] : memref<16x8x128xf32, #tpu.memory_space<vmem>> -> memref<1x8x128xf32, #tpu.memory_space<vmem>>
    %dma_wait3A_1602 = tpu.memref_squeeze %dma_wait3A_1601 : memref<1x8x128xf32, #tpu.memory_space<vmem>> -> memref<8x128xf32, #tpu.memory_space<vmem>>
    %dma_wait3A_1603 = tpu.memref_slice %arg4[%multiple_of3A_1148, %multiple_of3A_1175] : memref<100000x1024xf32, #tpu.memory_space<hbm>> -> memref<8x128xf32, #tpu.memory_space<hbm>>
    %dma_wait3A_1604 = arith.constant 0 : i32
    %dma_wait3A_1605 = arith.constant 0 : i32
    %dma_wait3A_1606 = tpu.memref_slice %arg10[%dma_wait3A_1598, %dma_wait3A_1604, %dma_wait3A_1605] : memref<16x8x128xf32, #tpu.memory_space<vmem>> -> memref<1x8x128xf32, #tpu.memory_space<vmem>>
    %dma_wait3A_1607 = tpu.memref_squeeze %dma_wait3A_1606 : memref<1x8x128xf32, #tpu.memory_space<vmem>> -> memref<8x128xf32, #tpu.memory_space<vmem>>
    %dma_wait3A_1608 = tpu.memref_slice %arg4[%multiple_of3A_1148, %multiple_of3A_1175] : memref<100000x1024xf32, #tpu.memory_space<hbm>> -> memref<8x128xf32, #tpu.memory_space<hbm>>
    tpu.wait_dma2 semaphore(%arg17 : memref<!tpu.dma_semaphore, #tpu.memory_space<semaphore_mem>>) src(%dma_wait3A_1608 : memref<8x128xf32, #tpu.memory_space<hbm>>) dst(%dma_wait3A_1607 : memref<8x128xf32, #tpu.memory_space<vmem>>)
    %dma_wait3A_1609 = arith.constant 14 : i32
    %dma_wait3A_1610 = arith.constant 0 : i32
    %dma_wait3A_1611 = arith.constant 0 : i32
    %dma_wait3A_1612 = tpu.memref_slice %arg9[%dma_wait3A_1609, %dma_wait3A_1610, %dma_wait3A_1611] : memref<16x8x128xf32, #tpu.memory_space<vmem>> -> memref<1x8x128xf32, #tpu.memory_space<vmem>>
    %dma_wait3A_1613 = tpu.memref_squeeze %dma_wait3A_1612 : memref<1x8x128xf32, #tpu.memory_space<vmem>> -> memref<8x128xf32, #tpu.memory_space<vmem>>
    %dma_wait3A_1614 = tpu.memref_slice %arg3[%multiple_of3A_1200, %multiple_of3A_1227] : memref<100000x1024xf32, #tpu.memory_space<hbm>> -> memref<8x128xf32, #tpu.memory_space<hbm>>
    %dma_wait3A_1615 = arith.constant 0 : i32
    %dma_wait3A_1616 = arith.constant 0 : i32
    %dma_wait3A_1617 = tpu.memref_slice %arg9[%dma_wait3A_1609, %dma_wait3A_1615, %dma_wait3A_1616] : memref<16x8x128xf32, #tpu.memory_space<vmem>> -> memref<1x8x128xf32, #tpu.memory_space<vmem>>
    %dma_wait3A_1618 = tpu.memref_squeeze %dma_wait3A_1617 : memref<1x8x128xf32, #tpu.memory_space<vmem>> -> memref<8x128xf32, #tpu.memory_space<vmem>>
    %dma_wait3A_1619 = tpu.memref_slice %arg3[%multiple_of3A_1200, %multiple_of3A_1227] : memref<100000x1024xf32, #tpu.memory_space<hbm>> -> memref<8x128xf32, #tpu.memory_space<hbm>>
    tpu.wait_dma2 semaphore(%arg16 : memref<!tpu.dma_semaphore, #tpu.memory_space<semaphore_mem>>) src(%dma_wait3A_1619 : memref<8x128xf32, #tpu.memory_space<hbm>>) dst(%dma_wait3A_1618 : memref<8x128xf32, #tpu.memory_space<vmem>>)
    %dma_wait3A_1620 = arith.constant 14 : i32
    %dma_wait3A_1621 = arith.constant 0 : i32
    %dma_wait3A_1622 = arith.constant 0 : i32
    %dma_wait3A_1623 = tpu.memref_slice %arg10[%dma_wait3A_1620, %dma_wait3A_1621, %dma_wait3A_1622] : memref<16x8x128xf32, #tpu.memory_space<vmem>> -> memref<1x8x128xf32, #tpu.memory_space<vmem>>
    %dma_wait3A_1624 = tpu.memref_squeeze %dma_wait3A_1623 : memref<1x8x128xf32, #tpu.memory_space<vmem>> -> memref<8x128xf32, #tpu.memory_space<vmem>>
    %dma_wait3A_1625 = tpu.memref_slice %arg4[%multiple_of3A_1200, %multiple_of3A_1227] : memref<100000x1024xf32, #tpu.memory_space<hbm>> -> memref<8x128xf32, #tpu.memory_space<hbm>>
    %dma_wait3A_1626 = arith.constant 0 : i32
    %dma_wait3A_1627 = arith.constant 0 : i32
    %dma_wait3A_1628 = tpu.memref_slice %arg10[%dma_wait3A_1620, %dma_wait3A_1626, %dma_wait3A_1627] : memref<16x8x128xf32, #tpu.memory_space<vmem>> -> memref<1x8x128xf32, #tpu.memory_space<vmem>>
    %dma_wait3A_1629 = tpu.memref_squeeze %dma_wait3A_1628 : memref<1x8x128xf32, #tpu.memory_space<vmem>> -> memref<8x128xf32, #tpu.memory_space<vmem>>
    %dma_wait3A_1630 = tpu.memref_slice %arg4[%multiple_of3A_1200, %multiple_of3A_1227] : memref<100000x1024xf32, #tpu.memory_space<hbm>> -> memref<8x128xf32, #tpu.memory_space<hbm>>
    tpu.wait_dma2 semaphore(%arg17 : memref<!tpu.dma_semaphore, #tpu.memory_space<semaphore_mem>>) src(%dma_wait3A_1630 : memref<8x128xf32, #tpu.memory_space<hbm>>) dst(%dma_wait3A_1629 : memref<8x128xf32, #tpu.memory_space<vmem>>)
    %dma_wait3A_1631 = arith.constant 15 : i32
    %dma_wait3A_1632 = arith.constant 0 : i32
    %dma_wait3A_1633 = arith.constant 0 : i32
    %dma_wait3A_1634 = tpu.memref_slice %arg9[%dma_wait3A_1631, %dma_wait3A_1632, %dma_wait3A_1633] : memref<16x8x128xf32, #tpu.memory_space<vmem>> -> memref<1x8x128xf32, #tpu.memory_space<vmem>>
    %dma_wait3A_1635 = tpu.memref_squeeze %dma_wait3A_1634 : memref<1x8x128xf32, #tpu.memory_space<vmem>> -> memref<8x128xf32, #tpu.memory_space<vmem>>
    %dma_wait3A_1636 = tpu.memref_slice %arg3[%multiple_of3A_1252, %multiple_of3A_1279] : memref<100000x1024xf32, #tpu.memory_space<hbm>> -> memref<8x128xf32, #tpu.memory_space<hbm>>
    %dma_wait3A_1637 = arith.constant 0 : i32
    %dma_wait3A_1638 = arith.constant 0 : i32
    %dma_wait3A_1639 = tpu.memref_slice %arg9[%dma_wait3A_1631, %dma_wait3A_1637, %dma_wait3A_1638] : memref<16x8x128xf32, #tpu.memory_space<vmem>> -> memref<1x8x128xf32, #tpu.memory_space<vmem>>
    %dma_wait3A_1640 = tpu.memref_squeeze %dma_wait3A_1639 : memref<1x8x128xf32, #tpu.memory_space<vmem>> -> memref<8x128xf32, #tpu.memory_space<vmem>>
    %dma_wait3A_1641 = tpu.memref_slice %arg3[%multiple_of3A_1252, %multiple_of3A_1279] : memref<100000x1024xf32, #tpu.memory_space<hbm>> -> memref<8x128xf32, #tpu.memory_space<hbm>>
    tpu.wait_dma2 semaphore(%arg16 : memref<!tpu.dma_semaphore, #tpu.memory_space<semaphore_mem>>) src(%dma_wait3A_1641 : memref<8x128xf32, #tpu.memory_space<hbm>>) dst(%dma_wait3A_1640 : memref<8x128xf32, #tpu.memory_space<vmem>>)
    %dma_wait3A_1642 = arith.constant 15 : i32
    %dma_wait3A_1643 = arith.constant 0 : i32
    %dma_wait3A_1644 = arith.constant 0 : i32
    %dma_wait3A_1645 = tpu.memref_slice %arg10[%dma_wait3A_1642, %dma_wait3A_1643, %dma_wait3A_1644] : memref<16x8x128xf32, #tpu.memory_space<vmem>> -> memref<1x8x128xf32, #tpu.memory_space<vmem>>
    %dma_wait3A_1646 = tpu.memref_squeeze %dma_wait3A_1645 : memref<1x8x128xf32, #tpu.memory_space<vmem>> -> memref<8x128xf32, #tpu.memory_space<vmem>>
    %dma_wait3A_1647 = tpu.memref_slice %arg4[%multiple_of3A_1252, %multiple_of3A_1279] : memref<100000x1024xf32, #tpu.memory_space<hbm>> -> memref<8x128xf32, #tpu.memory_space<hbm>>
    %dma_wait3A_1648 = arith.constant 0 : i32
    %dma_wait3A_1649 = arith.constant 0 : i32
    %dma_wait3A_1650 = tpu.memref_slice %arg10[%dma_wait3A_1642, %dma_wait3A_1648, %dma_wait3A_1649] : memref<16x8x128xf32, #tpu.memory_space<vmem>> -> memref<1x8x128xf32, #tpu.memory_space<vmem>>
    %dma_wait3A_1651 = tpu.memref_squeeze %dma_wait3A_1650 : memref<1x8x128xf32, #tpu.memory_space<vmem>> -> memref<8x128xf32, #tpu.memory_space<vmem>>
    %dma_wait3A_1652 = tpu.memref_slice %arg4[%multiple_of3A_1252, %multiple_of3A_1279] : memref<100000x1024xf32, #tpu.memory_space<hbm>> -> memref<8x128xf32, #tpu.memory_space<hbm>>
    tpu.wait_dma2 semaphore(%arg17 : memref<!tpu.dma_semaphore, #tpu.memory_space<semaphore_mem>>) src(%dma_wait3A_1652 : memref<8x128xf32, #tpu.memory_space<hbm>>) dst(%dma_wait3A_1651 : memref<8x128xf32, #tpu.memory_space<vmem>>)
    %and3A_1653 = arith.constant 7 : i32
    %and3A_1654 = vector.broadcast %and3A_1653 : i32 to vector<16xi32>
    %and3A_1655 = arith.andi %get3A_475, %and3A_1654 : vector<16xi32>
    %jit3A_1656 = arith.constant 128 : i32
    %eq3A = arith.constant 0 : i32
    %eq3A_1657 = arith.cmpi eq, %jit3A_1656, %eq3A : i32
    %jit3A_1658 = arith.constant 1 : i32
    %select_n3A_1659 = arith.select %eq3A_1657, %jit3A_1658, %jit3A_1656 : i32
    %rem3A_1660 = arith.remsi %mul3A_2, %select_n3A_1659 : i32
    %ne3A_1661 = arith.constant 0 : i32
    %ne3A_1662 = arith.cmpi ne, %rem3A_1660, %ne3A_1661 : i32
    %lt3A = arith.constant 0 : i32
    %lt3A_1663 = arith.cmpi slt, %rem3A_1660, %lt3A : i32
    %lt3A_1664 = arith.constant 0 : i32
    %lt3A_1665 = arith.cmpi slt, %select_n3A_1659, %lt3A_1664 : i32
    %ne3A_1666 = arith.xori %lt3A_1663, %lt3A_1665 : i1
    %and3A_1667 = arith.andi %ne3A_1666, %ne3A_1662 : i1
    %add3A_1668 = arith.addi %rem3A_1660, %select_n3A_1659 : i32
    %select_n3A_1669 = arith.select %and3A_1667, %add3A_1668, %rem3A_1660 : i32
    %add3A_1670 = arith.constant 0 : i32
    %add3A_1671 = arith.addi %select_n3A_1669, %add3A_1670 : i32
    %add3A_1672 = vector.broadcast %add3A_1671 : i32 to vector<16xi32>
    %add3A_1673 = arith.addi %iota3A, %add3A_1672 : vector<16xi32>
    %gather3A = tpu.vector_load_idx %arg9[%iota3A, %and3A_1655, %add3A_1673] : memref<16x8x128xf32, #tpu.memory_space<vmem>>[vector<16xi32>, vector<16xi32>, vector<16xi32>], vector<16xf32>,
    %swap3A_1674 = arith.constant 0 : index
    %swap3A_1675 = tpu.vector_load %arg11[%swap3A_1674] {strides = array<i32>} : memref<32xf32, #tpu.memory_space<vmem>>, vector<16xf32>,
    tpu.vector_store %arg11[%swap3A_1674], %gather3A {strides = array<i32>} : memref<32xf32, #tpu.memory_space<vmem>>, vector<16xf32>,
    %gather3A_1676 = tpu.vector_load_idx %arg10[%iota3A, %and3A_1655, %add3A_1673] : memref<16x8x128xf32, #tpu.memory_space<vmem>>[vector<16xi32>, vector<16xi32>, vector<16xi32>], vector<16xf32>,
    %swap3A_1677 = arith.constant 0 : index
    %swap3A_1678 = tpu.vector_load %arg12[%swap3A_1677] {strides = array<i32>} : memref<32xf32, #tpu.memory_space<vmem>>, vector<16xf32>,
    tpu.vector_store %arg12[%swap3A_1677], %gather3A_1676 {strides = array<i32>} : memref<32xf32, #tpu.memory_space<vmem>>, vector<16xf32>,
    %get3A_1679 = arith.constant 16 : index
    %get3A_1680 = tpu.vector_load %arg8[%get3A_1679] {strides = array<i32>} : memref<32xi32, #tpu.memory_space<vmem>>, vector<16xi32>,
    %shift_right_arithmetic3A_1681 = arith.constant 3 : i32
    %shift_right_arithmetic3A_1682 = vector.broadcast %shift_right_arithmetic3A_1681 : i32 to vector<16xi32>
    %shift_right_arithmetic3A_1683 = arith.shrsi %get3A_1680, %shift_right_arithmetic3A_1682 : vector<16xi32>
    %shift_left3A_1684 = arith.constant 3 : i32
    %shift_left3A_1685 = vector.broadcast %shift_left3A_1684 : i32 to vector<16xi32>
    %shift_left3A_1686 = arith.shli %shift_right_arithmetic3A_1683, %shift_left3A_1685 : vector<16xi32>
    %slice3A_1687 = vector.extract_strided_slice %shift_left3A_1686 {offsets = [0], sizes = [1], strides = [1]} : vector<16xi32> to vector<1xi32>
    %squeeze3A_1688 = vector.extract %slice3A_1687[0] : i32 from vector<1xi32>
    %multiple_of3A_1689 = tpu.assume_multiple %squeeze3A_1688, 8 : i32
    %jit3A_1690 = arith.constant 128 : i32
    %div3A_1691 = arith.divsi %mul3A_2, %jit3A_1690 : i32
    %sign3A_1692 = arith.constant 0 : i32
    %sign3A_1693 = arith.cmpi sgt, %mul3A_2, %sign3A_1692 : i32
    %sign3A_1694 = arith.extui %sign3A_1693 : i1 to i32
    %sign3A_1695 = arith.constant 0 : i32
    %sign3A_1696 = arith.cmpi slt, %mul3A_2, %sign3A_1695 : i32
    %sign3A_1697 = arith.extui %sign3A_1696 : i1 to i32
    %sign3A_1698 = arith.subi %sign3A_1694, %sign3A_1697 : i32
    %sign3A_1699 = arith.constant 0 : i32
    %sign3A_1700 = arith.cmpi sgt, %jit3A_1690, %sign3A_1699 : i32
    %sign3A_1701 = arith.extui %sign3A_1700 : i1 to i32
    %sign3A_1702 = arith.constant 0 : i32
    %sign3A_1703 = arith.cmpi slt, %jit3A_1690, %sign3A_1702 : i32
    %sign3A_1704 = arith.extui %sign3A_1703 : i1 to i32
    %sign3A_1705 = arith.subi %sign3A_1701, %sign3A_1704 : i32
    %ne3A_1706 = arith.cmpi ne, %sign3A_1698, %sign3A_1705 : i32
    %rem3A_1707 = arith.remsi %mul3A_2, %jit3A_1690 : i32
    %ne3A_1708 = arith.constant 0 : i32
    %ne3A_1709 = arith.cmpi ne, %rem3A_1707, %ne3A_1708 : i32
    %and3A_1710 = arith.andi %ne3A_1706, %ne3A_1709 : i1
    %sub3A_1711 = arith.constant 1 : i32
    %sub3A_1712 = arith.subi %div3A_1691, %sub3A_1711 : i32
    %select_n3A_1713 = arith.select %and3A_1710, %sub3A_1712, %div3A_1691 : i32
    %mul3A_1714 = arith.constant 128 : i32
    %mul3A_1715 = arith.muli %select_n3A_1713, %mul3A_1714 : i32
    %multiple_of3A_1716 = tpu.assume_multiple %mul3A_1715, 128 : i32
    %dma_start3A_1717 = arith.constant 0 : i32
    %dma_start3A_1718 = arith.constant 0 : i32
    %dma_start3A_1719 = arith.constant 0 : i32
    %dma_start3A_1720 = tpu.memref_slice %arg9[%dma_start3A_1717, %dma_start3A_1718, %dma_start3A_1719] : memref<16x8x128xf32, #tpu.memory_space<vmem>> -> memref<1x8x128xf32, #tpu.memory_space<vmem>>
    %dma_start3A_1721 = tpu.memref_squeeze %dma_start3A_1720 : memref<1x8x128xf32, #tpu.memory_space<vmem>> -> memref<8x128xf32, #tpu.memory_space<vmem>>
    %dma_start3A_1722 = tpu.memref_slice %arg3[%multiple_of3A_1689, %multiple_of3A_1716] : memref<100000x1024xf32, #tpu.memory_space<hbm>> -> memref<8x128xf32, #tpu.memory_space<hbm>>
    %dma_start3A_1723 = arith.constant 0 : i32
    %dma_start3A_1724 = arith.constant 0 : i32
    %dma_start3A_1725 = tpu.memref_slice %arg9[%dma_start3A_1717, %dma_start3A_1723, %dma_start3A_1724] : memref<16x8x128xf32, #tpu.memory_space<vmem>> -> memref<1x8x128xf32, #tpu.memory_space<vmem>>
    %dma_start3A_1726 = tpu.memref_squeeze %dma_start3A_1725 : memref<1x8x128xf32, #tpu.memory_space<vmem>> -> memref<8x128xf32, #tpu.memory_space<vmem>>
    %dma_start3A_1727 = tpu.memref_slice %arg3[%multiple_of3A_1689, %multiple_of3A_1716] : memref<100000x1024xf32, #tpu.memory_space<hbm>> -> memref<8x128xf32, #tpu.memory_space<hbm>>
    tpu.enqueue_dma source(%dma_start3A_1727 : memref<8x128xf32, #tpu.memory_space<hbm>>) target(%dma_start3A_1726 : memref<8x128xf32, #tpu.memory_space<vmem>>) target_semaphore(%arg16 : memref<!tpu.dma_semaphore, #tpu.memory_space<semaphore_mem>>)
    %dma_start3A_1728 = arith.constant 0 : i32
    %dma_start3A_1729 = arith.constant 0 : i32
    %dma_start3A_1730 = arith.constant 0 : i32
    %dma_start3A_1731 = tpu.memref_slice %arg10[%dma_start3A_1728, %dma_start3A_1729, %dma_start3A_1730] : memref<16x8x128xf32, #tpu.memory_space<vmem>> -> memref<1x8x128xf32, #tpu.memory_space<vmem>>
    %dma_start3A_1732 = tpu.memref_squeeze %dma_start3A_1731 : memref<1x8x128xf32, #tpu.memory_space<vmem>> -> memref<8x128xf32, #tpu.memory_space<vmem>>
    %dma_start3A_1733 = tpu.memref_slice %arg4[%multiple_of3A_1689, %multiple_of3A_1716] : memref<100000x1024xf32, #tpu.memory_space<hbm>> -> memref<8x128xf32, #tpu.memory_space<hbm>>
    %dma_start3A_1734 = arith.constant 0 : i32
    %dma_start3A_1735 = arith.constant 0 : i32
    %dma_start3A_1736 = tpu.memref_slice %arg10[%dma_start3A_1728, %dma_start3A_1734, %dma_start3A_1735] : memref<16x8x128xf32, #tpu.memory_space<vmem>> -> memref<1x8x128xf32, #tpu.memory_space<vmem>>
    %dma_start3A_1737 = tpu.memref_squeeze %dma_start3A_1736 : memref<1x8x128xf32, #tpu.memory_space<vmem>> -> memref<8x128xf32, #tpu.memory_space<vmem>>
    %dma_start3A_1738 = tpu.memref_slice %arg4[%multiple_of3A_1689, %multiple_of3A_1716] : memref<100000x1024xf32, #tpu.memory_space<hbm>> -> memref<8x128xf32, #tpu.memory_space<hbm>>
    tpu.enqueue_dma source(%dma_start3A_1738 : memref<8x128xf32, #tpu.memory_space<hbm>>) target(%dma_start3A_1737 : memref<8x128xf32, #tpu.memory_space<vmem>>) target_semaphore(%arg17 : memref<!tpu.dma_semaphore, #tpu.memory_space<semaphore_mem>>)
    %slice3A_1739 = vector.extract_strided_slice %shift_left3A_1686 {offsets = [1], sizes = [1], strides = [1]} : vector<16xi32> to vector<1xi32>
    %squeeze3A_1740 = vector.extract %slice3A_1739[0] : i32 from vector<1xi32>
    %multiple_of3A_1741 = tpu.assume_multiple %squeeze3A_1740, 8 : i32
    %jit3A_1742 = arith.constant 128 : i32
    %div3A_1743 = arith.divsi %mul3A_2, %jit3A_1742 : i32
    %sign3A_1744 = arith.constant 0 : i32
    %sign3A_1745 = arith.cmpi sgt, %mul3A_2, %sign3A_1744 : i32
    %sign3A_1746 = arith.extui %sign3A_1745 : i1 to i32
    %sign3A_1747 = arith.constant 0 : i32
    %sign3A_1748 = arith.cmpi slt, %mul3A_2, %sign3A_1747 : i32
    %sign3A_1749 = arith.extui %sign3A_1748 : i1 to i32
    %sign3A_1750 = arith.subi %sign3A_1746, %sign3A_1749 : i32
    %sign3A_1751 = arith.constant 0 : i32
    %sign3A_1752 = arith.cmpi sgt, %jit3A_1742, %sign3A_1751 : i32
    %sign3A_1753 = arith.extui %sign3A_1752 : i1 to i32
    %sign3A_1754 = arith.constant 0 : i32
    %sign3A_1755 = arith.cmpi slt, %jit3A_1742, %sign3A_1754 : i32
    %sign3A_1756 = arith.extui %sign3A_1755 : i1 to i32
    %sign3A_1757 = arith.subi %sign3A_1753, %sign3A_1756 : i32
    %ne3A_1758 = arith.cmpi ne, %sign3A_1750, %sign3A_1757 : i32
    %rem3A_1759 = arith.remsi %mul3A_2, %jit3A_1742 : i32
    %ne3A_1760 = arith.constant 0 : i32
    %ne3A_1761 = arith.cmpi ne, %rem3A_1759, %ne3A_1760 : i32
    %and3A_1762 = arith.andi %ne3A_1758, %ne3A_1761 : i1
    %sub3A_1763 = arith.constant 1 : i32
    %sub3A_1764 = arith.subi %div3A_1743, %sub3A_1763 : i32
    %select_n3A_1765 = arith.select %and3A_1762, %sub3A_1764, %div3A_1743 : i32
    %mul3A_1766 = arith.constant 128 : i32
    %mul3A_1767 = arith.muli %select_n3A_1765, %mul3A_1766 : i32
    %multiple_of3A_1768 = tpu.assume_multiple %mul3A_1767, 128 : i32
    %dma_start3A_1769 = arith.constant 1 : i32
    %dma_start3A_1770 = arith.constant 0 : i32
    %dma_start3A_1771 = arith.constant 0 : i32
    %dma_start3A_1772 = tpu.memref_slice %arg9[%dma_start3A_1769, %dma_start3A_1770, %dma_start3A_1771] : memref<16x8x128xf32, #tpu.memory_space<vmem>> -> memref<1x8x128xf32, #tpu.memory_space<vmem>>
    %dma_start3A_1773 = tpu.memref_squeeze %dma_start3A_1772 : memref<1x8x128xf32, #tpu.memory_space<vmem>> -> memref<8x128xf32, #tpu.memory_space<vmem>>
    %dma_start3A_1774 = tpu.memref_slice %arg3[%multiple_of3A_1741, %multiple_of3A_1768] : memref<100000x1024xf32, #tpu.memory_space<hbm>> -> memref<8x128xf32, #tpu.memory_space<hbm>>
    %dma_start3A_1775 = arith.constant 0 : i32
    %dma_start3A_1776 = arith.constant 0 : i32
    %dma_start3A_1777 = tpu.memref_slice %arg9[%dma_start3A_1769, %dma_start3A_1775, %dma_start3A_1776] : memref<16x8x128xf32, #tpu.memory_space<vmem>> -> memref<1x8x128xf32, #tpu.memory_space<vmem>>
    %dma_start3A_1778 = tpu.memref_squeeze %dma_start3A_1777 : memref<1x8x128xf32, #tpu.memory_space<vmem>> -> memref<8x128xf32, #tpu.memory_space<vmem>>
    %dma_start3A_1779 = tpu.memref_slice %arg3[%multiple_of3A_1741, %multiple_of3A_1768] : memref<100000x1024xf32, #tpu.memory_space<hbm>> -> memref<8x128xf32, #tpu.memory_space<hbm>>
    tpu.enqueue_dma source(%dma_start3A_1779 : memref<8x128xf32, #tpu.memory_space<hbm>>) target(%dma_start3A_1778 : memref<8x128xf32, #tpu.memory_space<vmem>>) target_semaphore(%arg16 : memref<!tpu.dma_semaphore, #tpu.memory_space<semaphore_mem>>)
    %dma_start3A_1780 = arith.constant 1 : i32
    %dma_start3A_1781 = arith.constant 0 : i32
    %dma_start3A_1782 = arith.constant 0 : i32
    %dma_start3A_1783 = tpu.memref_slice %arg10[%dma_start3A_1780, %dma_start3A_1781, %dma_start3A_1782] : memref<16x8x128xf32, #tpu.memory_space<vmem>> -> memref<1x8x128xf32, #tpu.memory_space<vmem>>
    %dma_start3A_1784 = tpu.memref_squeeze %dma_start3A_1783 : memref<1x8x128xf32, #tpu.memory_space<vmem>> -> memref<8x128xf32, #tpu.memory_space<vmem>>
    %dma_start3A_1785 = tpu.memref_slice %arg4[%multiple_of3A_1741, %multiple_of3A_1768] : memref<100000x1024xf32, #tpu.memory_space<hbm>> -> memref<8x128xf32, #tpu.memory_space<hbm>>
    %dma_start3A_1786 = arith.constant 0 : i32
    %dma_start3A_1787 = arith.constant 0 : i32
    %dma_start3A_1788 = tpu.memref_slice %arg10[%dma_start3A_1780, %dma_start3A_1786, %dma_start3A_1787] : memref<16x8x128xf32, #tpu.memory_space<vmem>> -> memref<1x8x128xf32, #tpu.memory_space<vmem>>
    %dma_start3A_1789 = tpu.memref_squeeze %dma_start3A_1788 : memref<1x8x128xf32, #tpu.memory_space<vmem>> -> memref<8x128xf32, #tpu.memory_space<vmem>>
    %dma_start3A_1790 = tpu.memref_slice %arg4[%multiple_of3A_1741, %multiple_of3A_1768] : memref<100000x1024xf32, #tpu.memory_space<hbm>> -> memref<8x128xf32, #tpu.memory_space<hbm>>
    tpu.enqueue_dma source(%dma_start3A_1790 : memref<8x128xf32, #tpu.memory_space<hbm>>) target(%dma_start3A_1789 : memref<8x128xf32, #tpu.memory_space<vmem>>) target_semaphore(%arg17 : memref<!tpu.dma_semaphore, #tpu.memory_space<semaphore_mem>>)
    %slice3A_1791 = vector.extract_strided_slice %shift_left3A_1686 {offsets = [2], sizes = [1], strides = [1]} : vector<16xi32> to vector<1xi32>
    %squeeze3A_1792 = vector.extract %slice3A_1791[0] : i32 from vector<1xi32>
    %multiple_of3A_1793 = tpu.assume_multiple %squeeze3A_1792, 8 : i32
    %jit3A_1794 = arith.constant 128 : i32
    %div3A_1795 = arith.divsi %mul3A_2, %jit3A_1794 : i32
    %sign3A_1796 = arith.constant 0 : i32
    %sign3A_1797 = arith.cmpi sgt, %mul3A_2, %sign3A_1796 : i32
    %sign3A_1798 = arith.extui %sign3A_1797 : i1 to i32
    %sign3A_1799 = arith.constant 0 : i32
    %sign3A_1800 = arith.cmpi slt, %mul3A_2, %sign3A_1799 : i32
    %sign3A_1801 = arith.extui %sign3A_1800 : i1 to i32
    %sign3A_1802 = arith.subi %sign3A_1798, %sign3A_1801 : i32
    %sign3A_1803 = arith.constant 0 : i32
    %sign3A_1804 = arith.cmpi sgt, %jit3A_1794, %sign3A_1803 : i32
    %sign3A_1805 = arith.extui %sign3A_1804 : i1 to i32
    %sign3A_1806 = arith.constant 0 : i32
    %sign3A_1807 = arith.cmpi slt, %jit3A_1794, %sign3A_1806 : i32
    %sign3A_1808 = arith.extui %sign3A_1807 : i1 to i32
    %sign3A_1809 = arith.subi %sign3A_1805, %sign3A_1808 : i32
    %ne3A_1810 = arith.cmpi ne, %sign3A_1802, %sign3A_1809 : i32
    %rem3A_1811 = arith.remsi %mul3A_2, %jit3A_1794 : i32
    %ne3A_1812 = arith.constant 0 : i32
    %ne3A_1813 = arith.cmpi ne, %rem3A_1811, %ne3A_1812 : i32
    %and3A_1814 = arith.andi %ne3A_1810, %ne3A_1813 : i1
    %sub3A_1815 = arith.constant 1 : i32
    %sub3A_1816 = arith.subi %div3A_1795, %sub3A_1815 : i32
    %select_n3A_1817 = arith.select %and3A_1814, %sub3A_1816, %div3A_1795 : i32
    %mul3A_1818 = arith.constant 128 : i32
    %mul3A_1819 = arith.muli %select_n3A_1817, %mul3A_1818 : i32
    %multiple_of3A_1820 = tpu.assume_multiple %mul3A_1819, 128 : i32
    %dma_start3A_1821 = arith.constant 2 : i32
    %dma_start3A_1822 = arith.constant 0 : i32
    %dma_start3A_1823 = arith.constant 0 : i32
    %dma_start3A_1824 = tpu.memref_slice %arg9[%dma_start3A_1821, %dma_start3A_1822, %dma_start3A_1823] : memref<16x8x128xf32, #tpu.memory_space<vmem>> -> memref<1x8x128xf32, #tpu.memory_space<vmem>>
    %dma_start3A_1825 = tpu.memref_squeeze %dma_start3A_1824 : memref<1x8x128xf32, #tpu.memory_space<vmem>> -> memref<8x128xf32, #tpu.memory_space<vmem>>
    %dma_start3A_1826 = tpu.memref_slice %arg3[%multiple_of3A_1793, %multiple_of3A_1820] : memref<100000x1024xf32, #tpu.memory_space<hbm>> -> memref<8x128xf32, #tpu.memory_space<hbm>>
    %dma_start3A_1827 = arith.constant 0 : i32
    %dma_start3A_1828 = arith.constant 0 : i32
    %dma_start3A_1829 = tpu.memref_slice %arg9[%dma_start3A_1821, %dma_start3A_1827, %dma_start3A_1828] : memref<16x8x128xf32, #tpu.memory_space<vmem>> -> memref<1x8x128xf32, #tpu.memory_space<vmem>>
    %dma_start3A_1830 = tpu.memref_squeeze %dma_start3A_1829 : memref<1x8x128xf32, #tpu.memory_space<vmem>> -> memref<8x128xf32, #tpu.memory_space<vmem>>
    %dma_start3A_1831 = tpu.memref_slice %arg3[%multiple_of3A_1793, %multiple_of3A_1820] : memref<100000x1024xf32, #tpu.memory_space<hbm>> -> memref<8x128xf32, #tpu.memory_space<hbm>>
    tpu.enqueue_dma source(%dma_start3A_1831 : memref<8x128xf32, #tpu.memory_space<hbm>>) target(%dma_start3A_1830 : memref<8x128xf32, #tpu.memory_space<vmem>>) target_semaphore(%arg16 : memref<!tpu.dma_semaphore, #tpu.memory_space<semaphore_mem>>)
    %dma_start3A_1832 = arith.constant 2 : i32
    %dma_start3A_1833 = arith.constant 0 : i32
    %dma_start3A_1834 = arith.constant 0 : i32
    %dma_start3A_1835 = tpu.memref_slice %arg10[%dma_start3A_1832, %dma_start3A_1833, %dma_start3A_1834] : memref<16x8x128xf32, #tpu.memory_space<vmem>> -> memref<1x8x128xf32, #tpu.memory_space<vmem>>
    %dma_start3A_1836 = tpu.memref_squeeze %dma_start3A_1835 : memref<1x8x128xf32, #tpu.memory_space<vmem>> -> memref<8x128xf32, #tpu.memory_space<vmem>>
    %dma_start3A_1837 = tpu.memref_slice %arg4[%multiple_of3A_1793, %multiple_of3A_1820] : memref<100000x1024xf32, #tpu.memory_space<hbm>> -> memref<8x128xf32, #tpu.memory_space<hbm>>
    %dma_start3A_1838 = arith.constant 0 : i32
    %dma_start3A_1839 = arith.constant 0 : i32
    %dma_start3A_1840 = tpu.memref_slice %arg10[%dma_start3A_1832, %dma_start3A_1838, %dma_start3A_1839] : memref<16x8x128xf32, #tpu.memory_space<vmem>> -> memref<1x8x128xf32, #tpu.memory_space<vmem>>
    %dma_start3A_1841 = tpu.memref_squeeze %dma_start3A_1840 : memref<1x8x128xf32, #tpu.memory_space<vmem>> -> memref<8x128xf32, #tpu.memory_space<vmem>>
    %dma_start3A_1842 = tpu.memref_slice %arg4[%multiple_of3A_1793, %multiple_of3A_1820] : memref<100000x1024xf32, #tpu.memory_space<hbm>> -> memref<8x128xf32, #tpu.memory_space<hbm>>
    tpu.enqueue_dma source(%dma_start3A_1842 : memref<8x128xf32, #tpu.memory_space<hbm>>) target(%dma_start3A_1841 : memref<8x128xf32, #tpu.memory_space<vmem>>) target_semaphore(%arg17 : memref<!tpu.dma_semaphore, #tpu.memory_space<semaphore_mem>>)
    %slice3A_1843 = vector.extract_strided_slice %shift_left3A_1686 {offsets = [3], sizes = [1], strides = [1]} : vector<16xi32> to vector<1xi32>
    %squeeze3A_1844 = vector.extract %slice3A_1843[0] : i32 from vector<1xi32>
    %multiple_of3A_1845 = tpu.assume_multiple %squeeze3A_1844, 8 : i32
    %jit3A_1846 = arith.constant 128 : i32
    %div3A_1847 = arith.divsi %mul3A_2, %jit3A_1846 : i32
    %sign3A_1848 = arith.constant 0 : i32
    %sign3A_1849 = arith.cmpi sgt, %mul3A_2, %sign3A_1848 : i32
    %sign3A_1850 = arith.extui %sign3A_1849 : i1 to i32
    %sign3A_1851 = arith.constant 0 : i32
    %sign3A_1852 = arith.cmpi slt, %mul3A_2, %sign3A_1851 : i32
    %sign3A_1853 = arith.extui %sign3A_1852 : i1 to i32
    %sign3A_1854 = arith.subi %sign3A_1850, %sign3A_1853 : i32
    %sign3A_1855 = arith.constant 0 : i32
    %sign3A_1856 = arith.cmpi sgt, %jit3A_1846, %sign3A_1855 : i32
    %sign3A_1857 = arith.extui %sign3A_1856 : i1 to i32
    %sign3A_1858 = arith.constant 0 : i32
    %sign3A_1859 = arith.cmpi slt, %jit3A_1846, %sign3A_1858 : i32
    %sign3A_1860 = arith.extui %sign3A_1859 : i1 to i32
    %sign3A_1861 = arith.subi %sign3A_1857, %sign3A_1860 : i32
    %ne3A_1862 = arith.cmpi ne, %sign3A_1854, %sign3A_1861 : i32
    %rem3A_1863 = arith.remsi %mul3A_2, %jit3A_1846 : i32
    %ne3A_1864 = arith.constant 0 : i32
    %ne3A_1865 = arith.cmpi ne, %rem3A_1863, %ne3A_1864 : i32
    %and3A_1866 = arith.andi %ne3A_1862, %ne3A_1865 : i1
    %sub3A_1867 = arith.constant 1 : i32
    %sub3A_1868 = arith.subi %div3A_1847, %sub3A_1867 : i32
    %select_n3A_1869 = arith.select %and3A_1866, %sub3A_1868, %div3A_1847 : i32
    %mul3A_1870 = arith.constant 128 : i32
    %mul3A_1871 = arith.muli %select_n3A_1869, %mul3A_1870 : i32
    %multiple_of3A_1872 = tpu.assume_multiple %mul3A_1871, 128 : i32
    %dma_start3A_1873 = arith.constant 3 : i32
    %dma_start3A_1874 = arith.constant 0 : i32
    %dma_start3A_1875 = arith.constant 0 : i32
    %dma_start3A_1876 = tpu.memref_slice %arg9[%dma_start3A_1873, %dma_start3A_1874, %dma_start3A_1875] : memref<16x8x128xf32, #tpu.memory_space<vmem>> -> memref<1x8x128xf32, #tpu.memory_space<vmem>>
    %dma_start3A_1877 = tpu.memref_squeeze %dma_start3A_1876 : memref<1x8x128xf32, #tpu.memory_space<vmem>> -> memref<8x128xf32, #tpu.memory_space<vmem>>
    %dma_start3A_1878 = tpu.memref_slice %arg3[%multiple_of3A_1845, %multiple_of3A_1872] : memref<100000x1024xf32, #tpu.memory_space<hbm>> -> memref<8x128xf32, #tpu.memory_space<hbm>>
    %dma_start3A_1879 = arith.constant 0 : i32
    %dma_start3A_1880 = arith.constant 0 : i32
    %dma_start3A_1881 = tpu.memref_slice %arg9[%dma_start3A_1873, %dma_start3A_1879, %dma_start3A_1880] : memref<16x8x128xf32, #tpu.memory_space<vmem>> -> memref<1x8x128xf32, #tpu.memory_space<vmem>>
    %dma_start3A_1882 = tpu.memref_squeeze %dma_start3A_1881 : memref<1x8x128xf32, #tpu.memory_space<vmem>> -> memref<8x128xf32, #tpu.memory_space<vmem>>
    %dma_start3A_1883 = tpu.memref_slice %arg3[%multiple_of3A_1845, %multiple_of3A_1872] : memref<100000x1024xf32, #tpu.memory_space<hbm>> -> memref<8x128xf32, #tpu.memory_space<hbm>>
    tpu.enqueue_dma source(%dma_start3A_1883 : memref<8x128xf32, #tpu.memory_space<hbm>>) target(%dma_start3A_1882 : memref<8x128xf32, #tpu.memory_space<vmem>>) target_semaphore(%arg16 : memref<!tpu.dma_semaphore, #tpu.memory_space<semaphore_mem>>)
    %dma_start3A_1884 = arith.constant 3 : i32
    %dma_start3A_1885 = arith.constant 0 : i32
    %dma_start3A_1886 = arith.constant 0 : i32
    %dma_start3A_1887 = tpu.memref_slice %arg10[%dma_start3A_1884, %dma_start3A_1885, %dma_start3A_1886] : memref<16x8x128xf32, #tpu.memory_space<vmem>> -> memref<1x8x128xf32, #tpu.memory_space<vmem>>
    %dma_start3A_1888 = tpu.memref_squeeze %dma_start3A_1887 : memref<1x8x128xf32, #tpu.memory_space<vmem>> -> memref<8x128xf32, #tpu.memory_space<vmem>>
    %dma_start3A_1889 = tpu.memref_slice %arg4[%multiple_of3A_1845, %multiple_of3A_1872] : memref<100000x1024xf32, #tpu.memory_space<hbm>> -> memref<8x128xf32, #tpu.memory_space<hbm>>
    %dma_start3A_1890 = arith.constant 0 : i32
    %dma_start3A_1891 = arith.constant 0 : i32
    %dma_start3A_1892 = tpu.memref_slice %arg10[%dma_start3A_1884, %dma_start3A_1890, %dma_start3A_1891] : memref<16x8x128xf32, #tpu.memory_space<vmem>> -> memref<1x8x128xf32, #tpu.memory_space<vmem>>
    %dma_start3A_1893 = tpu.memref_squeeze %dma_start3A_1892 : memref<1x8x128xf32, #tpu.memory_space<vmem>> -> memref<8x128xf32, #tpu.memory_space<vmem>>
    %dma_start3A_1894 = tpu.memref_slice %arg4[%multiple_of3A_1845, %multiple_of3A_1872] : memref<100000x1024xf32, #tpu.memory_space<hbm>> -> memref<8x128xf32, #tpu.memory_space<hbm>>
    tpu.enqueue_dma source(%dma_start3A_1894 : memref<8x128xf32, #tpu.memory_space<hbm>>) target(%dma_start3A_1893 : memref<8x128xf32, #tpu.memory_space<vmem>>) target_semaphore(%arg17 : memref<!tpu.dma_semaphore, #tpu.memory_space<semaphore_mem>>)
    %slice3A_1895 = vector.extract_strided_slice %shift_left3A_1686 {offsets = [4], sizes = [1], strides = [1]} : vector<16xi32> to vector<1xi32>
    %squeeze3A_1896 = vector.extract %slice3A_1895[0] : i32 from vector<1xi32>
    %multiple_of3A_1897 = tpu.assume_multiple %squeeze3A_1896, 8 : i32
    %jit3A_1898 = arith.constant 128 : i32
    %div3A_1899 = arith.divsi %mul3A_2, %jit3A_1898 : i32
    %sign3A_1900 = arith.constant 0 : i32
    %sign3A_1901 = arith.cmpi sgt, %mul3A_2, %sign3A_1900 : i32
    %sign3A_1902 = arith.extui %sign3A_1901 : i1 to i32
    %sign3A_1903 = arith.constant 0 : i32
    %sign3A_1904 = arith.cmpi slt, %mul3A_2, %sign3A_1903 : i32
    %sign3A_1905 = arith.extui %sign3A_1904 : i1 to i32
    %sign3A_1906 = arith.subi %sign3A_1902, %sign3A_1905 : i32
    %sign3A_1907 = arith.constant 0 : i32
    %sign3A_1908 = arith.cmpi sgt, %jit3A_1898, %sign3A_1907 : i32
    %sign3A_1909 = arith.extui %sign3A_1908 : i1 to i32
    %sign3A_1910 = arith.constant 0 : i32
    %sign3A_1911 = arith.cmpi slt, %jit3A_1898, %sign3A_1910 : i32
    %sign3A_1912 = arith.extui %sign3A_1911 : i1 to i32
    %sign3A_1913 = arith.subi %sign3A_1909, %sign3A_1912 : i32
    %ne3A_1914 = arith.cmpi ne, %sign3A_1906, %sign3A_1913 : i32
    %rem3A_1915 = arith.remsi %mul3A_2, %jit3A_1898 : i32
    %ne3A_1916 = arith.constant 0 : i32
    %ne3A_1917 = arith.cmpi ne, %rem3A_1915, %ne3A_1916 : i32
    %and3A_1918 = arith.andi %ne3A_1914, %ne3A_1917 : i1
    %sub3A_1919 = arith.constant 1 : i32
    %sub3A_1920 = arith.subi %div3A_1899, %sub3A_1919 : i32
    %select_n3A_1921 = arith.select %and3A_1918, %sub3A_1920, %div3A_1899 : i32
    %mul3A_1922 = arith.constant 128 : i32
    %mul3A_1923 = arith.muli %select_n3A_1921, %mul3A_1922 : i32
    %multiple_of3A_1924 = tpu.assume_multiple %mul3A_1923, 128 : i32
    %dma_start3A_1925 = arith.constant 4 : i32
    %dma_start3A_1926 = arith.constant 0 : i32
    %dma_start3A_1927 = arith.constant 0 : i32
    %dma_start3A_1928 = tpu.memref_slice %arg9[%dma_start3A_1925, %dma_start3A_1926, %dma_start3A_1927] : memref<16x8x128xf32, #tpu.memory_space<vmem>> -> memref<1x8x128xf32, #tpu.memory_space<vmem>>
    %dma_start3A_1929 = tpu.memref_squeeze %dma_start3A_1928 : memref<1x8x128xf32, #tpu.memory_space<vmem>> -> memref<8x128xf32, #tpu.memory_space<vmem>>
    %dma_start3A_1930 = tpu.memref_slice %arg3[%multiple_of3A_1897, %multiple_of3A_1924] : memref<100000x1024xf32, #tpu.memory_space<hbm>> -> memref<8x128xf32, #tpu.memory_space<hbm>>
    %dma_start3A_1931 = arith.constant 0 : i32
    %dma_start3A_1932 = arith.constant 0 : i32
    %dma_start3A_1933 = tpu.memref_slice %arg9[%dma_start3A_1925, %dma_start3A_1931, %dma_start3A_1932] : memref<16x8x128xf32, #tpu.memory_space<vmem>> -> memref<1x8x128xf32, #tpu.memory_space<vmem>>
    %dma_start3A_1934 = tpu.memref_squeeze %dma_start3A_1933 : memref<1x8x128xf32, #tpu.memory_space<vmem>> -> memref<8x128xf32, #tpu.memory_space<vmem>>
    %dma_start3A_1935 = tpu.memref_slice %arg3[%multiple_of3A_1897, %multiple_of3A_1924] : memref<100000x1024xf32, #tpu.memory_space<hbm>> -> memref<8x128xf32, #tpu.memory_space<hbm>>
    tpu.enqueue_dma source(%dma_start3A_1935 : memref<8x128xf32, #tpu.memory_space<hbm>>) target(%dma_start3A_1934 : memref<8x128xf32, #tpu.memory_space<vmem>>) target_semaphore(%arg16 : memref<!tpu.dma_semaphore, #tpu.memory_space<semaphore_mem>>)
    %dma_start3A_1936 = arith.constant 4 : i32
    %dma_start3A_1937 = arith.constant 0 : i32
    %dma_start3A_1938 = arith.constant 0 : i32
    %dma_start3A_1939 = tpu.memref_slice %arg10[%dma_start3A_1936, %dma_start3A_1937, %dma_start3A_1938] : memref<16x8x128xf32, #tpu.memory_space<vmem>> -> memref<1x8x128xf32, #tpu.memory_space<vmem>>
    %dma_start3A_1940 = tpu.memref_squeeze %dma_start3A_1939 : memref<1x8x128xf32, #tpu.memory_space<vmem>> -> memref<8x128xf32, #tpu.memory_space<vmem>>
    %dma_start3A_1941 = tpu.memref_slice %arg4[%multiple_of3A_1897, %multiple_of3A_1924] : memref<100000x1024xf32, #tpu.memory_space<hbm>> -> memref<8x128xf32, #tpu.memory_space<hbm>>
    %dma_start3A_1942 = arith.constant 0 : i32
    %dma_start3A_1943 = arith.constant 0 : i32
    %dma_start3A_1944 = tpu.memref_slice %arg10[%dma_start3A_1936, %dma_start3A_1942, %dma_start3A_1943] : memref<16x8x128xf32, #tpu.memory_space<vmem>> -> memref<1x8x128xf32, #tpu.memory_space<vmem>>
    %dma_start3A_1945 = tpu.memref_squeeze %dma_start3A_1944 : memref<1x8x128xf32, #tpu.memory_space<vmem>> -> memref<8x128xf32, #tpu.memory_space<vmem>>
    %dma_start3A_1946 = tpu.memref_slice %arg4[%multiple_of3A_1897, %multiple_of3A_1924] : memref<100000x1024xf32, #tpu.memory_space<hbm>> -> memref<8x128xf32, #tpu.memory_space<hbm>>
    tpu.enqueue_dma source(%dma_start3A_1946 : memref<8x128xf32, #tpu.memory_space<hbm>>) target(%dma_start3A_1945 : memref<8x128xf32, #tpu.memory_space<vmem>>) target_semaphore(%arg17 : memref<!tpu.dma_semaphore, #tpu.memory_space<semaphore_mem>>)
    %slice3A_1947 = vector.extract_strided_slice %shift_left3A_1686 {offsets = [5], sizes = [1], strides = [1]} : vector<16xi32> to vector<1xi32>
    %squeeze3A_1948 = vector.extract %slice3A_1947[0] : i32 from vector<1xi32>
    %multiple_of3A_1949 = tpu.assume_multiple %squeeze3A_1948, 8 : i32
    %jit3A_1950 = arith.constant 128 : i32
    %div3A_1951 = arith.divsi %mul3A_2, %jit3A_1950 : i32
    %sign3A_1952 = arith.constant 0 : i32
    %sign3A_1953 = arith.cmpi sgt, %mul3A_2, %sign3A_1952 : i32
    %sign3A_1954 = arith.extui %sign3A_1953 : i1 to i32
    %sign3A_1955 = arith.constant 0 : i32
    %sign3A_1956 = arith.cmpi slt, %mul3A_2, %sign3A_1955 : i32
    %sign3A_1957 = arith.extui %sign3A_1956 : i1 to i32
    %sign3A_1958 = arith.subi %sign3A_1954, %sign3A_1957 : i32
    %sign3A_1959 = arith.constant 0 : i32
    %sign3A_1960 = arith.cmpi sgt, %jit3A_1950, %sign3A_1959 : i32
    %sign3A_1961 = arith.extui %sign3A_1960 : i1 to i32
    %sign3A_1962 = arith.constant 0 : i32
    %sign3A_1963 = arith.cmpi slt, %jit3A_1950, %sign3A_1962 : i32
    %sign3A_1964 = arith.extui %sign3A_1963 : i1 to i32
    %sign3A_1965 = arith.subi %sign3A_1961, %sign3A_1964 : i32
    %ne3A_1966 = arith.cmpi ne, %sign3A_1958, %sign3A_1965 : i32
    %rem3A_1967 = arith.remsi %mul3A_2, %jit3A_1950 : i32
    %ne3A_1968 = arith.constant 0 : i32
    %ne3A_1969 = arith.cmpi ne, %rem3A_1967, %ne3A_1968 : i32
    %and3A_1970 = arith.andi %ne3A_1966, %ne3A_1969 : i1
    %sub3A_1971 = arith.constant 1 : i32
    %sub3A_1972 = arith.subi %div3A_1951, %sub3A_1971 : i32
    %select_n3A_1973 = arith.select %and3A_1970, %sub3A_1972, %div3A_1951 : i32
    %mul3A_1974 = arith.constant 128 : i32
    %mul3A_1975 = arith.muli %select_n3A_1973, %mul3A_1974 : i32
    %multiple_of3A_1976 = tpu.assume_multiple %mul3A_1975, 128 : i32
    %dma_start3A_1977 = arith.constant 5 : i32
    %dma_start3A_1978 = arith.constant 0 : i32
    %dma_start3A_1979 = arith.constant 0 : i32
    %dma_start3A_1980 = tpu.memref_slice %arg9[%dma_start3A_1977, %dma_start3A_1978, %dma_start3A_1979] : memref<16x8x128xf32, #tpu.memory_space<vmem>> -> memref<1x8x128xf32, #tpu.memory_space<vmem>>
    %dma_start3A_1981 = tpu.memref_squeeze %dma_start3A_1980 : memref<1x8x128xf32, #tpu.memory_space<vmem>> -> memref<8x128xf32, #tpu.memory_space<vmem>>
    %dma_start3A_1982 = tpu.memref_slice %arg3[%multiple_of3A_1949, %multiple_of3A_1976] : memref<100000x1024xf32, #tpu.memory_space<hbm>> -> memref<8x128xf32, #tpu.memory_space<hbm>>
    %dma_start3A_1983 = arith.constant 0 : i32
    %dma_start3A_1984 = arith.constant 0 : i32
    %dma_start3A_1985 = tpu.memref_slice %arg9[%dma_start3A_1977, %dma_start3A_1983, %dma_start3A_1984] : memref<16x8x128xf32, #tpu.memory_space<vmem>> -> memref<1x8x128xf32, #tpu.memory_space<vmem>>
    %dma_start3A_1986 = tpu.memref_squeeze %dma_start3A_1985 : memref<1x8x128xf32, #tpu.memory_space<vmem>> -> memref<8x128xf32, #tpu.memory_space<vmem>>
    %dma_start3A_1987 = tpu.memref_slice %arg3[%multiple_of3A_1949, %multiple_of3A_1976] : memref<100000x1024xf32, #tpu.memory_space<hbm>> -> memref<8x128xf32, #tpu.memory_space<hbm>>
    tpu.enqueue_dma source(%dma_start3A_1987 : memref<8x128xf32, #tpu.memory_space<hbm>>) target(%dma_start3A_1986 : memref<8x128xf32, #tpu.memory_space<vmem>>) target_semaphore(%arg16 : memref<!tpu.dma_semaphore, #tpu.memory_space<semaphore_mem>>)
    %dma_start3A_1988 = arith.constant 5 : i32
    %dma_start3A_1989 = arith.constant 0 : i32
    %dma_start3A_1990 = arith.constant 0 : i32
    %dma_start3A_1991 = tpu.memref_slice %arg10[%dma_start3A_1988, %dma_start3A_1989, %dma_start3A_1990] : memref<16x8x128xf32, #tpu.memory_space<vmem>> -> memref<1x8x128xf32, #tpu.memory_space<vmem>>
    %dma_start3A_1992 = tpu.memref_squeeze %dma_start3A_1991 : memref<1x8x128xf32, #tpu.memory_space<vmem>> -> memref<8x128xf32, #tpu.memory_space<vmem>>
    %dma_start3A_1993 = tpu.memref_slice %arg4[%multiple_of3A_1949, %multiple_of3A_1976] : memref<100000x1024xf32, #tpu.memory_space<hbm>> -> memref<8x128xf32, #tpu.memory_space<hbm>>
    %dma_start3A_1994 = arith.constant 0 : i32
    %dma_start3A_1995 = arith.constant 0 : i32
    %dma_start3A_1996 = tpu.memref_slice %arg10[%dma_start3A_1988, %dma_start3A_1994, %dma_start3A_1995] : memref<16x8x128xf32, #tpu.memory_space<vmem>> -> memref<1x8x128xf32, #tpu.memory_space<vmem>>
    %dma_start3A_1997 = tpu.memref_squeeze %dma_start3A_1996 : memref<1x8x128xf32, #tpu.memory_space<vmem>> -> memref<8x128xf32, #tpu.memory_space<vmem>>
    %dma_start3A_1998 = tpu.memref_slice %arg4[%multiple_of3A_1949, %multiple_of3A_1976] : memref<100000x1024xf32, #tpu.memory_space<hbm>> -> memref<8x128xf32, #tpu.memory_space<hbm>>
    tpu.enqueue_dma source(%dma_start3A_1998 : memref<8x128xf32, #tpu.memory_space<hbm>>) target(%dma_start3A_1997 : memref<8x128xf32, #tpu.memory_space<vmem>>) target_semaphore(%arg17 : memref<!tpu.dma_semaphore, #tpu.memory_space<semaphore_mem>>)
    %slice3A_1999 = vector.extract_strided_slice %shift_left3A_1686 {offsets = [6], sizes = [1], strides = [1]} : vector<16xi32> to vector<1xi32>
    %squeeze3A_2000 = vector.extract %slice3A_1999[0] : i32 from vector<1xi32>
    %multiple_of3A_2001 = tpu.assume_multiple %squeeze3A_2000, 8 : i32
    %jit3A_2002 = arith.constant 128 : i32
    %div3A_2003 = arith.divsi %mul3A_2, %jit3A_2002 : i32
    %sign3A_2004 = arith.constant 0 : i32
    %sign3A_2005 = arith.cmpi sgt, %mul3A_2, %sign3A_2004 : i32
    %sign3A_2006 = arith.extui %sign3A_2005 : i1 to i32
    %sign3A_2007 = arith.constant 0 : i32
    %sign3A_2008 = arith.cmpi slt, %mul3A_2, %sign3A_2007 : i32
    %sign3A_2009 = arith.extui %sign3A_2008 : i1 to i32
    %sign3A_2010 = arith.subi %sign3A_2006, %sign3A_2009 : i32
    %sign3A_2011 = arith.constant 0 : i32
    %sign3A_2012 = arith.cmpi sgt, %jit3A_2002, %sign3A_2011 : i32
    %sign3A_2013 = arith.extui %sign3A_2012 : i1 to i32
    %sign3A_2014 = arith.constant 0 : i32
    %sign3A_2015 = arith.cmpi slt, %jit3A_2002, %sign3A_2014 : i32
    %sign3A_2016 = arith.extui %sign3A_2015 : i1 to i32
    %sign3A_2017 = arith.subi %sign3A_2013, %sign3A_2016 : i32
    %ne3A_2018 = arith.cmpi ne, %sign3A_2010, %sign3A_2017 : i32
    %rem3A_2019 = arith.remsi %mul3A_2, %jit3A_2002 : i32
    %ne3A_2020 = arith.constant 0 : i32
    %ne3A_2021 = arith.cmpi ne, %rem3A_2019, %ne3A_2020 : i32
    %and3A_2022 = arith.andi %ne3A_2018, %ne3A_2021 : i1
    %sub3A_2023 = arith.constant 1 : i32
    %sub3A_2024 = arith.subi %div3A_2003, %sub3A_2023 : i32
    %select_n3A_2025 = arith.select %and3A_2022, %sub3A_2024, %div3A_2003 : i32
    %mul3A_2026 = arith.constant 128 : i32
    %mul3A_2027 = arith.muli %select_n3A_2025, %mul3A_2026 : i32
    %multiple_of3A_2028 = tpu.assume_multiple %mul3A_2027, 128 : i32
    %dma_start3A_2029 = arith.constant 6 : i32
    %dma_start3A_2030 = arith.constant 0 : i32
    %dma_start3A_2031 = arith.constant 0 : i32
    %dma_start3A_2032 = tpu.memref_slice %arg9[%dma_start3A_2029, %dma_start3A_2030, %dma_start3A_2031] : memref<16x8x128xf32, #tpu.memory_space<vmem>> -> memref<1x8x128xf32, #tpu.memory_space<vmem>>
    %dma_start3A_2033 = tpu.memref_squeeze %dma_start3A_2032 : memref<1x8x128xf32, #tpu.memory_space<vmem>> -> memref<8x128xf32, #tpu.memory_space<vmem>>
    %dma_start3A_2034 = tpu.memref_slice %arg3[%multiple_of3A_2001, %multiple_of3A_2028] : memref<100000x1024xf32, #tpu.memory_space<hbm>> -> memref<8x128xf32, #tpu.memory_space<hbm>>
    %dma_start3A_2035 = arith.constant 0 : i32
    %dma_start3A_2036 = arith.constant 0 : i32
    %dma_start3A_2037 = tpu.memref_slice %arg9[%dma_start3A_2029, %dma_start3A_2035, %dma_start3A_2036] : memref<16x8x128xf32, #tpu.memory_space<vmem>> -> memref<1x8x128xf32, #tpu.memory_space<vmem>>
    %dma_start3A_2038 = tpu.memref_squeeze %dma_start3A_2037 : memref<1x8x128xf32, #tpu.memory_space<vmem>> -> memref<8x128xf32, #tpu.memory_space<vmem>>
    %dma_start3A_2039 = tpu.memref_slice %arg3[%multiple_of3A_2001, %multiple_of3A_2028] : memref<100000x1024xf32, #tpu.memory_space<hbm>> -> memref<8x128xf32, #tpu.memory_space<hbm>>
    tpu.enqueue_dma source(%dma_start3A_2039 : memref<8x128xf32, #tpu.memory_space<hbm>>) target(%dma_start3A_2038 : memref<8x128xf32, #tpu.memory_space<vmem>>) target_semaphore(%arg16 : memref<!tpu.dma_semaphore, #tpu.memory_space<semaphore_mem>>)
    %dma_start3A_2040 = arith.constant 6 : i32
    %dma_start3A_2041 = arith.constant 0 : i32
    %dma_start3A_2042 = arith.constant 0 : i32
    %dma_start3A_2043 = tpu.memref_slice %arg10[%dma_start3A_2040, %dma_start3A_2041, %dma_start3A_2042] : memref<16x8x128xf32, #tpu.memory_space<vmem>> -> memref<1x8x128xf32, #tpu.memory_space<vmem>>
    %dma_start3A_2044 = tpu.memref_squeeze %dma_start3A_2043 : memref<1x8x128xf32, #tpu.memory_space<vmem>> -> memref<8x128xf32, #tpu.memory_space<vmem>>
    %dma_start3A_2045 = tpu.memref_slice %arg4[%multiple_of3A_2001, %multiple_of3A_2028] : memref<100000x1024xf32, #tpu.memory_space<hbm>> -> memref<8x128xf32, #tpu.memory_space<hbm>>
    %dma_start3A_2046 = arith.constant 0 : i32
    %dma_start3A_2047 = arith.constant 0 : i32
    %dma_start3A_2048 = tpu.memref_slice %arg10[%dma_start3A_2040, %dma_start3A_2046, %dma_start3A_2047] : memref<16x8x128xf32, #tpu.memory_space<vmem>> -> memref<1x8x128xf32, #tpu.memory_space<vmem>>
    %dma_start3A_2049 = tpu.memref_squeeze %dma_start3A_2048 : memref<1x8x128xf32, #tpu.memory_space<vmem>> -> memref<8x128xf32, #tpu.memory_space<vmem>>
    %dma_start3A_2050 = tpu.memref_slice %arg4[%multiple_of3A_2001, %multiple_of3A_2028] : memref<100000x1024xf32, #tpu.memory_space<hbm>> -> memref<8x128xf32, #tpu.memory_space<hbm>>
    tpu.enqueue_dma source(%dma_start3A_2050 : memref<8x128xf32, #tpu.memory_space<hbm>>) target(%dma_start3A_2049 : memref<8x128xf32, #tpu.memory_space<vmem>>) target_semaphore(%arg17 : memref<!tpu.dma_semaphore, #tpu.memory_space<semaphore_mem>>)
    %slice3A_2051 = vector.extract_strided_slice %shift_left3A_1686 {offsets = [7], sizes = [1], strides = [1]} : vector<16xi32> to vector<1xi32>
    %squeeze3A_2052 = vector.extract %slice3A_2051[0] : i32 from vector<1xi32>
    %multiple_of3A_2053 = tpu.assume_multiple %squeeze3A_2052, 8 : i32
    %jit3A_2054 = arith.constant 128 : i32
    %div3A_2055 = arith.divsi %mul3A_2, %jit3A_2054 : i32
    %sign3A_2056 = arith.constant 0 : i32
    %sign3A_2057 = arith.cmpi sgt, %mul3A_2, %sign3A_2056 : i32
    %sign3A_2058 = arith.extui %sign3A_2057 : i1 to i32
    %sign3A_2059 = arith.constant 0 : i32
    %sign3A_2060 = arith.cmpi slt, %mul3A_2, %sign3A_2059 : i32
    %sign3A_2061 = arith.extui %sign3A_2060 : i1 to i32
    %sign3A_2062 = arith.subi %sign3A_2058, %sign3A_2061 : i32
    %sign3A_2063 = arith.constant 0 : i32
    %sign3A_2064 = arith.cmpi sgt, %jit3A_2054, %sign3A_2063 : i32
    %sign3A_2065 = arith.extui %sign3A_2064 : i1 to i32
    %sign3A_2066 = arith.constant 0 : i32
    %sign3A_2067 = arith.cmpi slt, %jit3A_2054, %sign3A_2066 : i32
    %sign3A_2068 = arith.extui %sign3A_2067 : i1 to i32
    %sign3A_2069 = arith.subi %sign3A_2065, %sign3A_2068 : i32
    %ne3A_2070 = arith.cmpi ne, %sign3A_2062, %sign3A_2069 : i32
    %rem3A_2071 = arith.remsi %mul3A_2, %jit3A_2054 : i32
    %ne3A_2072 = arith.constant 0 : i32
    %ne3A_2073 = arith.cmpi ne, %rem3A_2071, %ne3A_2072 : i32
    %and3A_2074 = arith.andi %ne3A_2070, %ne3A_2073 : i1
    %sub3A_2075 = arith.constant 1 : i32
    %sub3A_2076 = arith.subi %div3A_2055, %sub3A_2075 : i32
    %select_n3A_2077 = arith.select %and3A_2074, %sub3A_2076, %div3A_2055 : i32
    %mul3A_2078 = arith.constant 128 : i32
    %mul3A_2079 = arith.muli %select_n3A_2077, %mul3A_2078 : i32
    %multiple_of3A_2080 = tpu.assume_multiple %mul3A_2079, 128 : i32
    %dma_start3A_2081 = arith.constant 7 : i32
    %dma_start3A_2082 = arith.constant 0 : i32
    %dma_start3A_2083 = arith.constant 0 : i32
    %dma_start3A_2084 = tpu.memref_slice %arg9[%dma_start3A_2081, %dma_start3A_2082, %dma_start3A_2083] : memref<16x8x128xf32, #tpu.memory_space<vmem>> -> memref<1x8x128xf32, #tpu.memory_space<vmem>>
    %dma_start3A_2085 = tpu.memref_squeeze %dma_start3A_2084 : memref<1x8x128xf32, #tpu.memory_space<vmem>> -> memref<8x128xf32, #tpu.memory_space<vmem>>
    %dma_start3A_2086 = tpu.memref_slice %arg3[%multiple_of3A_2053, %multiple_of3A_2080] : memref<100000x1024xf32, #tpu.memory_space<hbm>> -> memref<8x128xf32, #tpu.memory_space<hbm>>
    %dma_start3A_2087 = arith.constant 0 : i32
    %dma_start3A_2088 = arith.constant 0 : i32
    %dma_start3A_2089 = tpu.memref_slice %arg9[%dma_start3A_2081, %dma_start3A_2087, %dma_start3A_2088] : memref<16x8x128xf32, #tpu.memory_space<vmem>> -> memref<1x8x128xf32, #tpu.memory_space<vmem>>
    %dma_start3A_2090 = tpu.memref_squeeze %dma_start3A_2089 : memref<1x8x128xf32, #tpu.memory_space<vmem>> -> memref<8x128xf32, #tpu.memory_space<vmem>>
    %dma_start3A_2091 = tpu.memref_slice %arg3[%multiple_of3A_2053, %multiple_of3A_2080] : memref<100000x1024xf32, #tpu.memory_space<hbm>> -> memref<8x128xf32, #tpu.memory_space<hbm>>
    tpu.enqueue_dma source(%dma_start3A_2091 : memref<8x128xf32, #tpu.memory_space<hbm>>) target(%dma_start3A_2090 : memref<8x128xf32, #tpu.memory_space<vmem>>) target_semaphore(%arg16 : memref<!tpu.dma_semaphore, #tpu.memory_space<semaphore_mem>>)
    %dma_start3A_2092 = arith.constant 7 : i32
    %dma_start3A_2093 = arith.constant 0 : i32
    %dma_start3A_2094 = arith.constant 0 : i32
    %dma_start3A_2095 = tpu.memref_slice %arg10[%dma_start3A_2092, %dma_start3A_2093, %dma_start3A_2094] : memref<16x8x128xf32, #tpu.memory_space<vmem>> -> memref<1x8x128xf32, #tpu.memory_space<vmem>>
    %dma_start3A_2096 = tpu.memref_squeeze %dma_start3A_2095 : memref<1x8x128xf32, #tpu.memory_space<vmem>> -> memref<8x128xf32, #tpu.memory_space<vmem>>
    %dma_start3A_2097 = tpu.memref_slice %arg4[%multiple_of3A_2053, %multiple_of3A_2080] : memref<100000x1024xf32, #tpu.memory_space<hbm>> -> memref<8x128xf32, #tpu.memory_space<hbm>>
    %dma_start3A_2098 = arith.constant 0 : i32
    %dma_start3A_2099 = arith.constant 0 : i32
    %dma_start3A_2100 = tpu.memref_slice %arg10[%dma_start3A_2092, %dma_start3A_2098, %dma_start3A_2099] : memref<16x8x128xf32, #tpu.memory_space<vmem>> -> memref<1x8x128xf32, #tpu.memory_space<vmem>>
    %dma_start3A_2101 = tpu.memref_squeeze %dma_start3A_2100 : memref<1x8x128xf32, #tpu.memory_space<vmem>> -> memref<8x128xf32, #tpu.memory_space<vmem>>
    %dma_start3A_2102 = tpu.memref_slice %arg4[%multiple_of3A_2053, %multiple_of3A_2080] : memref<100000x1024xf32, #tpu.memory_space<hbm>> -> memref<8x128xf32, #tpu.memory_space<hbm>>
    tpu.enqueue_dma source(%dma_start3A_2102 : memref<8x128xf32, #tpu.memory_space<hbm>>) target(%dma_start3A_2101 : memref<8x128xf32, #tpu.memory_space<vmem>>) target_semaphore(%arg17 : memref<!tpu.dma_semaphore, #tpu.memory_space<semaphore_mem>>)
    %slice3A_2103 = vector.extract_strided_slice %shift_left3A_1686 {offsets = [8], sizes = [1], strides = [1]} : vector<16xi32> to vector<1xi32>
    %squeeze3A_2104 = vector.extract %slice3A_2103[0] : i32 from vector<1xi32>
    %multiple_of3A_2105 = tpu.assume_multiple %squeeze3A_2104, 8 : i32
    %jit3A_2106 = arith.constant 128 : i32
    %div3A_2107 = arith.divsi %mul3A_2, %jit3A_2106 : i32
    %sign3A_2108 = arith.constant 0 : i32
    %sign3A_2109 = arith.cmpi sgt, %mul3A_2, %sign3A_2108 : i32
    %sign3A_2110 = arith.extui %sign3A_2109 : i1 to i32
    %sign3A_2111 = arith.constant 0 : i32
    %sign3A_2112 = arith.cmpi slt, %mul3A_2, %sign3A_2111 : i32
    %sign3A_2113 = arith.extui %sign3A_2112 : i1 to i32
    %sign3A_2114 = arith.subi %sign3A_2110, %sign3A_2113 : i32
    %sign3A_2115 = arith.constant 0 : i32
    %sign3A_2116 = arith.cmpi sgt, %jit3A_2106, %sign3A_2115 : i32
    %sign3A_2117 = arith.extui %sign3A_2116 : i1 to i32
    %sign3A_2118 = arith.constant 0 : i32
    %sign3A_2119 = arith.cmpi slt, %jit3A_2106, %sign3A_2118 : i32
    %sign3A_2120 = arith.extui %sign3A_2119 : i1 to i32
    %sign3A_2121 = arith.subi %sign3A_2117, %sign3A_2120 : i32
    %ne3A_2122 = arith.cmpi ne, %sign3A_2114, %sign3A_2121 : i32
    %rem3A_2123 = arith.remsi %mul3A_2, %jit3A_2106 : i32
    %ne3A_2124 = arith.constant 0 : i32
    %ne3A_2125 = arith.cmpi ne, %rem3A_2123, %ne3A_2124 : i32
    %and3A_2126 = arith.andi %ne3A_2122, %ne3A_2125 : i1
    %sub3A_2127 = arith.constant 1 : i32
    %sub3A_2128 = arith.subi %div3A_2107, %sub3A_2127 : i32
    %select_n3A_2129 = arith.select %and3A_2126, %sub3A_2128, %div3A_2107 : i32
    %mul3A_2130 = arith.constant 128 : i32
    %mul3A_2131 = arith.muli %select_n3A_2129, %mul3A_2130 : i32
    %multiple_of3A_2132 = tpu.assume_multiple %mul3A_2131, 128 : i32
    %dma_start3A_2133 = arith.constant 8 : i32
    %dma_start3A_2134 = arith.constant 0 : i32
    %dma_start3A_2135 = arith.constant 0 : i32
    %dma_start3A_2136 = tpu.memref_slice %arg9[%dma_start3A_2133, %dma_start3A_2134, %dma_start3A_2135] : memref<16x8x128xf32, #tpu.memory_space<vmem>> -> memref<1x8x128xf32, #tpu.memory_space<vmem>>
    %dma_start3A_2137 = tpu.memref_squeeze %dma_start3A_2136 : memref<1x8x128xf32, #tpu.memory_space<vmem>> -> memref<8x128xf32, #tpu.memory_space<vmem>>
    %dma_start3A_2138 = tpu.memref_slice %arg3[%multiple_of3A_2105, %multiple_of3A_2132] : memref<100000x1024xf32, #tpu.memory_space<hbm>> -> memref<8x128xf32, #tpu.memory_space<hbm>>
    %dma_start3A_2139 = arith.constant 0 : i32
    %dma_start3A_2140 = arith.constant 0 : i32
    %dma_start3A_2141 = tpu.memref_slice %arg9[%dma_start3A_2133, %dma_start3A_2139, %dma_start3A_2140] : memref<16x8x128xf32, #tpu.memory_space<vmem>> -> memref<1x8x128xf32, #tpu.memory_space<vmem>>
    %dma_start3A_2142 = tpu.memref_squeeze %dma_start3A_2141 : memref<1x8x128xf32, #tpu.memory_space<vmem>> -> memref<8x128xf32, #tpu.memory_space<vmem>>
    %dma_start3A_2143 = tpu.memref_slice %arg3[%multiple_of3A_2105, %multiple_of3A_2132] : memref<100000x1024xf32, #tpu.memory_space<hbm>> -> memref<8x128xf32, #tpu.memory_space<hbm>>
    tpu.enqueue_dma source(%dma_start3A_2143 : memref<8x128xf32, #tpu.memory_space<hbm>>) target(%dma_start3A_2142 : memref<8x128xf32, #tpu.memory_space<vmem>>) target_semaphore(%arg16 : memref<!tpu.dma_semaphore, #tpu.memory_space<semaphore_mem>>)
    %dma_start3A_2144 = arith.constant 8 : i32
    %dma_start3A_2145 = arith.constant 0 : i32
    %dma_start3A_2146 = arith.constant 0 : i32
    %dma_start3A_2147 = tpu.memref_slice %arg10[%dma_start3A_2144, %dma_start3A_2145, %dma_start3A_2146] : memref<16x8x128xf32, #tpu.memory_space<vmem>> -> memref<1x8x128xf32, #tpu.memory_space<vmem>>
    %dma_start3A_2148 = tpu.memref_squeeze %dma_start3A_2147 : memref<1x8x128xf32, #tpu.memory_space<vmem>> -> memref<8x128xf32, #tpu.memory_space<vmem>>
    %dma_start3A_2149 = tpu.memref_slice %arg4[%multiple_of3A_2105, %multiple_of3A_2132] : memref<100000x1024xf32, #tpu.memory_space<hbm>> -> memref<8x128xf32, #tpu.memory_space<hbm>>
    %dma_start3A_2150 = arith.constant 0 : i32
    %dma_start3A_2151 = arith.constant 0 : i32
    %dma_start3A_2152 = tpu.memref_slice %arg10[%dma_start3A_2144, %dma_start3A_2150, %dma_start3A_2151] : memref<16x8x128xf32, #tpu.memory_space<vmem>> -> memref<1x8x128xf32, #tpu.memory_space<vmem>>
    %dma_start3A_2153 = tpu.memref_squeeze %dma_start3A_2152 : memref<1x8x128xf32, #tpu.memory_space<vmem>> -> memref<8x128xf32, #tpu.memory_space<vmem>>
    %dma_start3A_2154 = tpu.memref_slice %arg4[%multiple_of3A_2105, %multiple_of3A_2132] : memref<100000x1024xf32, #tpu.memory_space<hbm>> -> memref<8x128xf32, #tpu.memory_space<hbm>>
    tpu.enqueue_dma source(%dma_start3A_2154 : memref<8x128xf32, #tpu.memory_space<hbm>>) target(%dma_start3A_2153 : memref<8x128xf32, #tpu.memory_space<vmem>>) target_semaphore(%arg17 : memref<!tpu.dma_semaphore, #tpu.memory_space<semaphore_mem>>)
    %slice3A_2155 = vector.extract_strided_slice %shift_left3A_1686 {offsets = [9], sizes = [1], strides = [1]} : vector<16xi32> to vector<1xi32>
    %squeeze3A_2156 = vector.extract %slice3A_2155[0] : i32 from vector<1xi32>
    %multiple_of3A_2157 = tpu.assume_multiple %squeeze3A_2156, 8 : i32
    %jit3A_2158 = arith.constant 128 : i32
    %div3A_2159 = arith.divsi %mul3A_2, %jit3A_2158 : i32
    %sign3A_2160 = arith.constant 0 : i32
    %sign3A_2161 = arith.cmpi sgt, %mul3A_2, %sign3A_2160 : i32
    %sign3A_2162 = arith.extui %sign3A_2161 : i1 to i32
    %sign3A_2163 = arith.constant 0 : i32
    %sign3A_2164 = arith.cmpi slt, %mul3A_2, %sign3A_2163 : i32
    %sign3A_2165 = arith.extui %sign3A_2164 : i1 to i32
    %sign3A_2166 = arith.subi %sign3A_2162, %sign3A_2165 : i32
    %sign3A_2167 = arith.constant 0 : i32
    %sign3A_2168 = arith.cmpi sgt, %jit3A_2158, %sign3A_2167 : i32
    %sign3A_2169 = arith.extui %sign3A_2168 : i1 to i32
    %sign3A_2170 = arith.constant 0 : i32
    %sign3A_2171 = arith.cmpi slt, %jit3A_2158, %sign3A_2170 : i32
    %sign3A_2172 = arith.extui %sign3A_2171 : i1 to i32
    %sign3A_2173 = arith.subi %sign3A_2169, %sign3A_2172 : i32
    %ne3A_2174 = arith.cmpi ne, %sign3A_2166, %sign3A_2173 : i32
    %rem3A_2175 = arith.remsi %mul3A_2, %jit3A_2158 : i32
    %ne3A_2176 = arith.constant 0 : i32
    %ne3A_2177 = arith.cmpi ne, %rem3A_2175, %ne3A_2176 : i32
    %and3A_2178 = arith.andi %ne3A_2174, %ne3A_2177 : i1
    %sub3A_2179 = arith.constant 1 : i32
    %sub3A_2180 = arith.subi %div3A_2159, %sub3A_2179 : i32
    %select_n3A_2181 = arith.select %and3A_2178, %sub3A_2180, %div3A_2159 : i32
    %mul3A_2182 = arith.constant 128 : i32
    %mul3A_2183 = arith.muli %select_n3A_2181, %mul3A_2182 : i32
    %multiple_of3A_2184 = tpu.assume_multiple %mul3A_2183, 128 : i32
    %dma_start3A_2185 = arith.constant 9 : i32
    %dma_start3A_2186 = arith.constant 0 : i32
    %dma_start3A_2187 = arith.constant 0 : i32
    %dma_start3A_2188 = tpu.memref_slice %arg9[%dma_start3A_2185, %dma_start3A_2186, %dma_start3A_2187] : memref<16x8x128xf32, #tpu.memory_space<vmem>> -> memref<1x8x128xf32, #tpu.memory_space<vmem>>
    %dma_start3A_2189 = tpu.memref_squeeze %dma_start3A_2188 : memref<1x8x128xf32, #tpu.memory_space<vmem>> -> memref<8x128xf32, #tpu.memory_space<vmem>>
    %dma_start3A_2190 = tpu.memref_slice %arg3[%multiple_of3A_2157, %multiple_of3A_2184] : memref<100000x1024xf32, #tpu.memory_space<hbm>> -> memref<8x128xf32, #tpu.memory_space<hbm>>
    %dma_start3A_2191 = arith.constant 0 : i32
    %dma_start3A_2192 = arith.constant 0 : i32
    %dma_start3A_2193 = tpu.memref_slice %arg9[%dma_start3A_2185, %dma_start3A_2191, %dma_start3A_2192] : memref<16x8x128xf32, #tpu.memory_space<vmem>> -> memref<1x8x128xf32, #tpu.memory_space<vmem>>
    %dma_start3A_2194 = tpu.memref_squeeze %dma_start3A_2193 : memref<1x8x128xf32, #tpu.memory_space<vmem>> -> memref<8x128xf32, #tpu.memory_space<vmem>>
    %dma_start3A_2195 = tpu.memref_slice %arg3[%multiple_of3A_2157, %multiple_of3A_2184] : memref<100000x1024xf32, #tpu.memory_space<hbm>> -> memref<8x128xf32, #tpu.memory_space<hbm>>
    tpu.enqueue_dma source(%dma_start3A_2195 : memref<8x128xf32, #tpu.memory_space<hbm>>) target(%dma_start3A_2194 : memref<8x128xf32, #tpu.memory_space<vmem>>) target_semaphore(%arg16 : memref<!tpu.dma_semaphore, #tpu.memory_space<semaphore_mem>>)
    %dma_start3A_2196 = arith.constant 9 : i32
    %dma_start3A_2197 = arith.constant 0 : i32
    %dma_start3A_2198 = arith.constant 0 : i32
    %dma_start3A_2199 = tpu.memref_slice %arg10[%dma_start3A_2196, %dma_start3A_2197, %dma_start3A_2198] : memref<16x8x128xf32, #tpu.memory_space<vmem>> -> memref<1x8x128xf32, #tpu.memory_space<vmem>>
    %dma_start3A_2200 = tpu.memref_squeeze %dma_start3A_2199 : memref<1x8x128xf32, #tpu.memory_space<vmem>> -> memref<8x128xf32, #tpu.memory_space<vmem>>
    %dma_start3A_2201 = tpu.memref_slice %arg4[%multiple_of3A_2157, %multiple_of3A_2184] : memref<100000x1024xf32, #tpu.memory_space<hbm>> -> memref<8x128xf32, #tpu.memory_space<hbm>>
    %dma_start3A_2202 = arith.constant 0 : i32
    %dma_start3A_2203 = arith.constant 0 : i32
    %dma_start3A_2204 = tpu.memref_slice %arg10[%dma_start3A_2196, %dma_start3A_2202, %dma_start3A_2203] : memref<16x8x128xf32, #tpu.memory_space<vmem>> -> memref<1x8x128xf32, #tpu.memory_space<vmem>>
    %dma_start3A_2205 = tpu.memref_squeeze %dma_start3A_2204 : memref<1x8x128xf32, #tpu.memory_space<vmem>> -> memref<8x128xf32, #tpu.memory_space<vmem>>
    %dma_start3A_2206 = tpu.memref_slice %arg4[%multiple_of3A_2157, %multiple_of3A_2184] : memref<100000x1024xf32, #tpu.memory_space<hbm>> -> memref<8x128xf32, #tpu.memory_space<hbm>>
    tpu.enqueue_dma source(%dma_start3A_2206 : memref<8x128xf32, #tpu.memory_space<hbm>>) target(%dma_start3A_2205 : memref<8x128xf32, #tpu.memory_space<vmem>>) target_semaphore(%arg17 : memref<!tpu.dma_semaphore, #tpu.memory_space<semaphore_mem>>)
    %slice3A_2207 = vector.extract_strided_slice %shift_left3A_1686 {offsets = [10], sizes = [1], strides = [1]} : vector<16xi32> to vector<1xi32>
    %squeeze3A_2208 = vector.extract %slice3A_2207[0] : i32 from vector<1xi32>
    %multiple_of3A_2209 = tpu.assume_multiple %squeeze3A_2208, 8 : i32
    %jit3A_2210 = arith.constant 128 : i32
    %div3A_2211 = arith.divsi %mul3A_2, %jit3A_2210 : i32
    %sign3A_2212 = arith.constant 0 : i32
    %sign3A_2213 = arith.cmpi sgt, %mul3A_2, %sign3A_2212 : i32
    %sign3A_2214 = arith.extui %sign3A_2213 : i1 to i32
    %sign3A_2215 = arith.constant 0 : i32
    %sign3A_2216 = arith.cmpi slt, %mul3A_2, %sign3A_2215 : i32
    %sign3A_2217 = arith.extui %sign3A_2216 : i1 to i32
    %sign3A_2218 = arith.subi %sign3A_2214, %sign3A_2217 : i32
    %sign3A_2219 = arith.constant 0 : i32
    %sign3A_2220 = arith.cmpi sgt, %jit3A_2210, %sign3A_2219 : i32
    %sign3A_2221 = arith.extui %sign3A_2220 : i1 to i32
    %sign3A_2222 = arith.constant 0 : i32
    %sign3A_2223 = arith.cmpi slt, %jit3A_2210, %sign3A_2222 : i32
    %sign3A_2224 = arith.extui %sign3A_2223 : i1 to i32
    %sign3A_2225 = arith.subi %sign3A_2221, %sign3A_2224 : i32
    %ne3A_2226 = arith.cmpi ne, %sign3A_2218, %sign3A_2225 : i32
    %rem3A_2227 = arith.remsi %mul3A_2, %jit3A_2210 : i32
    %ne3A_2228 = arith.constant 0 : i32
    %ne3A_2229 = arith.cmpi ne, %rem3A_2227, %ne3A_2228 : i32
    %and3A_2230 = arith.andi %ne3A_2226, %ne3A_2229 : i1
    %sub3A_2231 = arith.constant 1 : i32
    %sub3A_2232 = arith.subi %div3A_2211, %sub3A_2231 : i32
    %select_n3A_2233 = arith.select %and3A_2230, %sub3A_2232, %div3A_2211 : i32
    %mul3A_2234 = arith.constant 128 : i32
    %mul3A_2235 = arith.muli %select_n3A_2233, %mul3A_2234 : i32
    %multiple_of3A_2236 = tpu.assume_multiple %mul3A_2235, 128 : i32
    %dma_start3A_2237 = arith.constant 10 : i32
    %dma_start3A_2238 = arith.constant 0 : i32
    %dma_start3A_2239 = arith.constant 0 : i32
    %dma_start3A_2240 = tpu.memref_slice %arg9[%dma_start3A_2237, %dma_start3A_2238, %dma_start3A_2239] : memref<16x8x128xf32, #tpu.memory_space<vmem>> -> memref<1x8x128xf32, #tpu.memory_space<vmem>>
    %dma_start3A_2241 = tpu.memref_squeeze %dma_start3A_2240 : memref<1x8x128xf32, #tpu.memory_space<vmem>> -> memref<8x128xf32, #tpu.memory_space<vmem>>
    %dma_start3A_2242 = tpu.memref_slice %arg3[%multiple_of3A_2209, %multiple_of3A_2236] : memref<100000x1024xf32, #tpu.memory_space<hbm>> -> memref<8x128xf32, #tpu.memory_space<hbm>>
    %dma_start3A_2243 = arith.constant 0 : i32
    %dma_start3A_2244 = arith.constant 0 : i32
    %dma_start3A_2245 = tpu.memref_slice %arg9[%dma_start3A_2237, %dma_start3A_2243, %dma_start3A_2244] : memref<16x8x128xf32, #tpu.memory_space<vmem>> -> memref<1x8x128xf32, #tpu.memory_space<vmem>>
    %dma_start3A_2246 = tpu.memref_squeeze %dma_start3A_2245 : memref<1x8x128xf32, #tpu.memory_space<vmem>> -> memref<8x128xf32, #tpu.memory_space<vmem>>
    %dma_start3A_2247 = tpu.memref_slice %arg3[%multiple_of3A_2209, %multiple_of3A_2236] : memref<100000x1024xf32, #tpu.memory_space<hbm>> -> memref<8x128xf32, #tpu.memory_space<hbm>>
    tpu.enqueue_dma source(%dma_start3A_2247 : memref<8x128xf32, #tpu.memory_space<hbm>>) target(%dma_start3A_2246 : memref<8x128xf32, #tpu.memory_space<vmem>>) target_semaphore(%arg16 : memref<!tpu.dma_semaphore, #tpu.memory_space<semaphore_mem>>)
    %dma_start3A_2248 = arith.constant 10 : i32
    %dma_start3A_2249 = arith.constant 0 : i32
    %dma_start3A_2250 = arith.constant 0 : i32
    %dma_start3A_2251 = tpu.memref_slice %arg10[%dma_start3A_2248, %dma_start3A_2249, %dma_start3A_2250] : memref<16x8x128xf32, #tpu.memory_space<vmem>> -> memref<1x8x128xf32, #tpu.memory_space<vmem>>
    %dma_start3A_2252 = tpu.memref_squeeze %dma_start3A_2251 : memref<1x8x128xf32, #tpu.memory_space<vmem>> -> memref<8x128xf32, #tpu.memory_space<vmem>>
    %dma_start3A_2253 = tpu.memref_slice %arg4[%multiple_of3A_2209, %multiple_of3A_2236] : memref<100000x1024xf32, #tpu.memory_space<hbm>> -> memref<8x128xf32, #tpu.memory_space<hbm>>
    %dma_start3A_2254 = arith.constant 0 : i32
    %dma_start3A_2255 = arith.constant 0 : i32
    %dma_start3A_2256 = tpu.memref_slice %arg10[%dma_start3A_2248, %dma_start3A_2254, %dma_start3A_2255] : memref<16x8x128xf32, #tpu.memory_space<vmem>> -> memref<1x8x128xf32, #tpu.memory_space<vmem>>
    %dma_start3A_2257 = tpu.memref_squeeze %dma_start3A_2256 : memref<1x8x128xf32, #tpu.memory_space<vmem>> -> memref<8x128xf32, #tpu.memory_space<vmem>>
    %dma_start3A_2258 = tpu.memref_slice %arg4[%multiple_of3A_2209, %multiple_of3A_2236] : memref<100000x1024xf32, #tpu.memory_space<hbm>> -> memref<8x128xf32, #tpu.memory_space<hbm>>
    tpu.enqueue_dma source(%dma_start3A_2258 : memref<8x128xf32, #tpu.memory_space<hbm>>) target(%dma_start3A_2257 : memref<8x128xf32, #tpu.memory_space<vmem>>) target_semaphore(%arg17 : memref<!tpu.dma_semaphore, #tpu.memory_space<semaphore_mem>>)
    %slice3A_2259 = vector.extract_strided_slice %shift_left3A_1686 {offsets = [11], sizes = [1], strides = [1]} : vector<16xi32> to vector<1xi32>
    %squeeze3A_2260 = vector.extract %slice3A_2259[0] : i32 from vector<1xi32>
    %multiple_of3A_2261 = tpu.assume_multiple %squeeze3A_2260, 8 : i32
    %jit3A_2262 = arith.constant 128 : i32
    %div3A_2263 = arith.divsi %mul3A_2, %jit3A_2262 : i32
    %sign3A_2264 = arith.constant 0 : i32
    %sign3A_2265 = arith.cmpi sgt, %mul3A_2, %sign3A_2264 : i32
    %sign3A_2266 = arith.extui %sign3A_2265 : i1 to i32
    %sign3A_2267 = arith.constant 0 : i32
    %sign3A_2268 = arith.cmpi slt, %mul3A_2, %sign3A_2267 : i32
    %sign3A_2269 = arith.extui %sign3A_2268 : i1 to i32
    %sign3A_2270 = arith.subi %sign3A_2266, %sign3A_2269 : i32
    %sign3A_2271 = arith.constant 0 : i32
    %sign3A_2272 = arith.cmpi sgt, %jit3A_2262, %sign3A_2271 : i32
    %sign3A_2273 = arith.extui %sign3A_2272 : i1 to i32
    %sign3A_2274 = arith.constant 0 : i32
    %sign3A_2275 = arith.cmpi slt, %jit3A_2262, %sign3A_2274 : i32
    %sign3A_2276 = arith.extui %sign3A_2275 : i1 to i32
    %sign3A_2277 = arith.subi %sign3A_2273, %sign3A_2276 : i32
    %ne3A_2278 = arith.cmpi ne, %sign3A_2270, %sign3A_2277 : i32
    %rem3A_2279 = arith.remsi %mul3A_2, %jit3A_2262 : i32
    %ne3A_2280 = arith.constant 0 : i32
    %ne3A_2281 = arith.cmpi ne, %rem3A_2279, %ne3A_2280 : i32
    %and3A_2282 = arith.andi %ne3A_2278, %ne3A_2281 : i1
    %sub3A_2283 = arith.constant 1 : i32
    %sub3A_2284 = arith.subi %div3A_2263, %sub3A_2283 : i32
    %select_n3A_2285 = arith.select %and3A_2282, %sub3A_2284, %div3A_2263 : i32
    %mul3A_2286 = arith.constant 128 : i32
    %mul3A_2287 = arith.muli %select_n3A_2285, %mul3A_2286 : i32
    %multiple_of3A_2288 = tpu.assume_multiple %mul3A_2287, 128 : i32
    %dma_start3A_2289 = arith.constant 11 : i32
    %dma_start3A_2290 = arith.constant 0 : i32
    %dma_start3A_2291 = arith.constant 0 : i32
    %dma_start3A_2292 = tpu.memref_slice %arg9[%dma_start3A_2289, %dma_start3A_2290, %dma_start3A_2291] : memref<16x8x128xf32, #tpu.memory_space<vmem>> -> memref<1x8x128xf32, #tpu.memory_space<vmem>>
    %dma_start3A_2293 = tpu.memref_squeeze %dma_start3A_2292 : memref<1x8x128xf32, #tpu.memory_space<vmem>> -> memref<8x128xf32, #tpu.memory_space<vmem>>
    %dma_start3A_2294 = tpu.memref_slice %arg3[%multiple_of3A_2261, %multiple_of3A_2288] : memref<100000x1024xf32, #tpu.memory_space<hbm>> -> memref<8x128xf32, #tpu.memory_space<hbm>>
    %dma_start3A_2295 = arith.constant 0 : i32
    %dma_start3A_2296 = arith.constant 0 : i32
    %dma_start3A_2297 = tpu.memref_slice %arg9[%dma_start3A_2289, %dma_start3A_2295, %dma_start3A_2296] : memref<16x8x128xf32, #tpu.memory_space<vmem>> -> memref<1x8x128xf32, #tpu.memory_space<vmem>>
    %dma_start3A_2298 = tpu.memref_squeeze %dma_start3A_2297 : memref<1x8x128xf32, #tpu.memory_space<vmem>> -> memref<8x128xf32, #tpu.memory_space<vmem>>
    %dma_start3A_2299 = tpu.memref_slice %arg3[%multiple_of3A_2261, %multiple_of3A_2288] : memref<100000x1024xf32, #tpu.memory_space<hbm>> -> memref<8x128xf32, #tpu.memory_space<hbm>>
    tpu.enqueue_dma source(%dma_start3A_2299 : memref<8x128xf32, #tpu.memory_space<hbm>>) target(%dma_start3A_2298 : memref<8x128xf32, #tpu.memory_space<vmem>>) target_semaphore(%arg16 : memref<!tpu.dma_semaphore, #tpu.memory_space<semaphore_mem>>)
    %dma_start3A_2300 = arith.constant 11 : i32
    %dma_start3A_2301 = arith.constant 0 : i32
    %dma_start3A_2302 = arith.constant 0 : i32
    %dma_start3A_2303 = tpu.memref_slice %arg10[%dma_start3A_2300, %dma_start3A_2301, %dma_start3A_2302] : memref<16x8x128xf32, #tpu.memory_space<vmem>> -> memref<1x8x128xf32, #tpu.memory_space<vmem>>
    %dma_start3A_2304 = tpu.memref_squeeze %dma_start3A_2303 : memref<1x8x128xf32, #tpu.memory_space<vmem>> -> memref<8x128xf32, #tpu.memory_space<vmem>>
    %dma_start3A_2305 = tpu.memref_slice %arg4[%multiple_of3A_2261, %multiple_of3A_2288] : memref<100000x1024xf32, #tpu.memory_space<hbm>> -> memref<8x128xf32, #tpu.memory_space<hbm>>
    %dma_start3A_2306 = arith.constant 0 : i32
    %dma_start3A_2307 = arith.constant 0 : i32
    %dma_start3A_2308 = tpu.memref_slice %arg10[%dma_start3A_2300, %dma_start3A_2306, %dma_start3A_2307] : memref<16x8x128xf32, #tpu.memory_space<vmem>> -> memref<1x8x128xf32, #tpu.memory_space<vmem>>
    %dma_start3A_2309 = tpu.memref_squeeze %dma_start3A_2308 : memref<1x8x128xf32, #tpu.memory_space<vmem>> -> memref<8x128xf32, #tpu.memory_space<vmem>>
    %dma_start3A_2310 = tpu.memref_slice %arg4[%multiple_of3A_2261, %multiple_of3A_2288] : memref<100000x1024xf32, #tpu.memory_space<hbm>> -> memref<8x128xf32, #tpu.memory_space<hbm>>
    tpu.enqueue_dma source(%dma_start3A_2310 : memref<8x128xf32, #tpu.memory_space<hbm>>) target(%dma_start3A_2309 : memref<8x128xf32, #tpu.memory_space<vmem>>) target_semaphore(%arg17 : memref<!tpu.dma_semaphore, #tpu.memory_space<semaphore_mem>>)
    %slice3A_2311 = vector.extract_strided_slice %shift_left3A_1686 {offsets = [12], sizes = [1], strides = [1]} : vector<16xi32> to vector<1xi32>
    %squeeze3A_2312 = vector.extract %slice3A_2311[0] : i32 from vector<1xi32>
    %multiple_of3A_2313 = tpu.assume_multiple %squeeze3A_2312, 8 : i32
    %jit3A_2314 = arith.constant 128 : i32
    %div3A_2315 = arith.divsi %mul3A_2, %jit3A_2314 : i32
    %sign3A_2316 = arith.constant 0 : i32
    %sign3A_2317 = arith.cmpi sgt, %mul3A_2, %sign3A_2316 : i32
    %sign3A_2318 = arith.extui %sign3A_2317 : i1 to i32
    %sign3A_2319 = arith.constant 0 : i32
    %sign3A_2320 = arith.cmpi slt, %mul3A_2, %sign3A_2319 : i32
    %sign3A_2321 = arith.extui %sign3A_2320 : i1 to i32
    %sign3A_2322 = arith.subi %sign3A_2318, %sign3A_2321 : i32
    %sign3A_2323 = arith.constant 0 : i32
    %sign3A_2324 = arith.cmpi sgt, %jit3A_2314, %sign3A_2323 : i32
    %sign3A_2325 = arith.extui %sign3A_2324 : i1 to i32
    %sign3A_2326 = arith.constant 0 : i32
    %sign3A_2327 = arith.cmpi slt, %jit3A_2314, %sign3A_2326 : i32
    %sign3A_2328 = arith.extui %sign3A_2327 : i1 to i32
    %sign3A_2329 = arith.subi %sign3A_2325, %sign3A_2328 : i32
    %ne3A_2330 = arith.cmpi ne, %sign3A_2322, %sign3A_2329 : i32
    %rem3A_2331 = arith.remsi %mul3A_2, %jit3A_2314 : i32
    %ne3A_2332 = arith.constant 0 : i32
    %ne3A_2333 = arith.cmpi ne, %rem3A_2331, %ne3A_2332 : i32
    %and3A_2334 = arith.andi %ne3A_2330, %ne3A_2333 : i1
    %sub3A_2335 = arith.constant 1 : i32
    %sub3A_2336 = arith.subi %div3A_2315, %sub3A_2335 : i32
    %select_n3A_2337 = arith.select %and3A_2334, %sub3A_2336, %div3A_2315 : i32
    %mul3A_2338 = arith.constant 128 : i32
    %mul3A_2339 = arith.muli %select_n3A_2337, %mul3A_2338 : i32
    %multiple_of3A_2340 = tpu.assume_multiple %mul3A_2339, 128 : i32
    %dma_start3A_2341 = arith.constant 12 : i32
    %dma_start3A_2342 = arith.constant 0 : i32
    %dma_start3A_2343 = arith.constant 0 : i32
    %dma_start3A_2344 = tpu.memref_slice %arg9[%dma_start3A_2341, %dma_start3A_2342, %dma_start3A_2343] : memref<16x8x128xf32, #tpu.memory_space<vmem>> -> memref<1x8x128xf32, #tpu.memory_space<vmem>>
    %dma_start3A_2345 = tpu.memref_squeeze %dma_start3A_2344 : memref<1x8x128xf32, #tpu.memory_space<vmem>> -> memref<8x128xf32, #tpu.memory_space<vmem>>
    %dma_start3A_2346 = tpu.memref_slice %arg3[%multiple_of3A_2313, %multiple_of3A_2340] : memref<100000x1024xf32, #tpu.memory_space<hbm>> -> memref<8x128xf32, #tpu.memory_space<hbm>>
    %dma_start3A_2347 = arith.constant 0 : i32
    %dma_start3A_2348 = arith.constant 0 : i32
    %dma_start3A_2349 = tpu.memref_slice %arg9[%dma_start3A_2341, %dma_start3A_2347, %dma_start3A_2348] : memref<16x8x128xf32, #tpu.memory_space<vmem>> -> memref<1x8x128xf32, #tpu.memory_space<vmem>>
    %dma_start3A_2350 = tpu.memref_squeeze %dma_start3A_2349 : memref<1x8x128xf32, #tpu.memory_space<vmem>> -> memref<8x128xf32, #tpu.memory_space<vmem>>
    %dma_start3A_2351 = tpu.memref_slice %arg3[%multiple_of3A_2313, %multiple_of3A_2340] : memref<100000x1024xf32, #tpu.memory_space<hbm>> -> memref<8x128xf32, #tpu.memory_space<hbm>>
    tpu.enqueue_dma source(%dma_start3A_2351 : memref<8x128xf32, #tpu.memory_space<hbm>>) target(%dma_start3A_2350 : memref<8x128xf32, #tpu.memory_space<vmem>>) target_semaphore(%arg16 : memref<!tpu.dma_semaphore, #tpu.memory_space<semaphore_mem>>)
    %dma_start3A_2352 = arith.constant 12 : i32
    %dma_start3A_2353 = arith.constant 0 : i32
    %dma_start3A_2354 = arith.constant 0 : i32
    %dma_start3A_2355 = tpu.memref_slice %arg10[%dma_start3A_2352, %dma_start3A_2353, %dma_start3A_2354] : memref<16x8x128xf32, #tpu.memory_space<vmem>> -> memref<1x8x128xf32, #tpu.memory_space<vmem>>
    %dma_start3A_2356 = tpu.memref_squeeze %dma_start3A_2355 : memref<1x8x128xf32, #tpu.memory_space<vmem>> -> memref<8x128xf32, #tpu.memory_space<vmem>>
    %dma_start3A_2357 = tpu.memref_slice %arg4[%multiple_of3A_2313, %multiple_of3A_2340] : memref<100000x1024xf32, #tpu.memory_space<hbm>> -> memref<8x128xf32, #tpu.memory_space<hbm>>
    %dma_start3A_2358 = arith.constant 0 : i32
    %dma_start3A_2359 = arith.constant 0 : i32
    %dma_start3A_2360 = tpu.memref_slice %arg10[%dma_start3A_2352, %dma_start3A_2358, %dma_start3A_2359] : memref<16x8x128xf32, #tpu.memory_space<vmem>> -> memref<1x8x128xf32, #tpu.memory_space<vmem>>
    %dma_start3A_2361 = tpu.memref_squeeze %dma_start3A_2360 : memref<1x8x128xf32, #tpu.memory_space<vmem>> -> memref<8x128xf32, #tpu.memory_space<vmem>>
    %dma_start3A_2362 = tpu.memref_slice %arg4[%multiple_of3A_2313, %multiple_of3A_2340] : memref<100000x1024xf32, #tpu.memory_space<hbm>> -> memref<8x128xf32, #tpu.memory_space<hbm>>
    tpu.enqueue_dma source(%dma_start3A_2362 : memref<8x128xf32, #tpu.memory_space<hbm>>) target(%dma_start3A_2361 : memref<8x128xf32, #tpu.memory_space<vmem>>) target_semaphore(%arg17 : memref<!tpu.dma_semaphore, #tpu.memory_space<semaphore_mem>>)
    %slice3A_2363 = vector.extract_strided_slice %shift_left3A_1686 {offsets = [13], sizes = [1], strides = [1]} : vector<16xi32> to vector<1xi32>
    %squeeze3A_2364 = vector.extract %slice3A_2363[0] : i32 from vector<1xi32>
    %multiple_of3A_2365 = tpu.assume_multiple %squeeze3A_2364, 8 : i32
    %jit3A_2366 = arith.constant 128 : i32
    %div3A_2367 = arith.divsi %mul3A_2, %jit3A_2366 : i32
    %sign3A_2368 = arith.constant 0 : i32
    %sign3A_2369 = arith.cmpi sgt, %mul3A_2, %sign3A_2368 : i32
    %sign3A_2370 = arith.extui %sign3A_2369 : i1 to i32
    %sign3A_2371 = arith.constant 0 : i32
    %sign3A_2372 = arith.cmpi slt, %mul3A_2, %sign3A_2371 : i32
    %sign3A_2373 = arith.extui %sign3A_2372 : i1 to i32
    %sign3A_2374 = arith.subi %sign3A_2370, %sign3A_2373 : i32
    %sign3A_2375 = arith.constant 0 : i32
    %sign3A_2376 = arith.cmpi sgt, %jit3A_2366, %sign3A_2375 : i32
    %sign3A_2377 = arith.extui %sign3A_2376 : i1 to i32
    %sign3A_2378 = arith.constant 0 : i32
    %sign3A_2379 = arith.cmpi slt, %jit3A_2366, %sign3A_2378 : i32
    %sign3A_2380 = arith.extui %sign3A_2379 : i1 to i32
    %sign3A_2381 = arith.subi %sign3A_2377, %sign3A_2380 : i32
    %ne3A_2382 = arith.cmpi ne, %sign3A_2374, %sign3A_2381 : i32
    %rem3A_2383 = arith.remsi %mul3A_2, %jit3A_2366 : i32
    %ne3A_2384 = arith.constant 0 : i32
    %ne3A_2385 = arith.cmpi ne, %rem3A_2383, %ne3A_2384 : i32
    %and3A_2386 = arith.andi %ne3A_2382, %ne3A_2385 : i1
    %sub3A_2387 = arith.constant 1 : i32
    %sub3A_2388 = arith.subi %div3A_2367, %sub3A_2387 : i32
    %select_n3A_2389 = arith.select %and3A_2386, %sub3A_2388, %div3A_2367 : i32
    %mul3A_2390 = arith.constant 128 : i32
    %mul3A_2391 = arith.muli %select_n3A_2389, %mul3A_2390 : i32
    %multiple_of3A_2392 = tpu.assume_multiple %mul3A_2391, 128 : i32
    %dma_start3A_2393 = arith.constant 13 : i32
    %dma_start3A_2394 = arith.constant 0 : i32
    %dma_start3A_2395 = arith.constant 0 : i32
    %dma_start3A_2396 = tpu.memref_slice %arg9[%dma_start3A_2393, %dma_start3A_2394, %dma_start3A_2395] : memref<16x8x128xf32, #tpu.memory_space<vmem>> -> memref<1x8x128xf32, #tpu.memory_space<vmem>>
    %dma_start3A_2397 = tpu.memref_squeeze %dma_start3A_2396 : memref<1x8x128xf32, #tpu.memory_space<vmem>> -> memref<8x128xf32, #tpu.memory_space<vmem>>
    %dma_start3A_2398 = tpu.memref_slice %arg3[%multiple_of3A_2365, %multiple_of3A_2392] : memref<100000x1024xf32, #tpu.memory_space<hbm>> -> memref<8x128xf32, #tpu.memory_space<hbm>>
    %dma_start3A_2399 = arith.constant 0 : i32
    %dma_start3A_2400 = arith.constant 0 : i32
    %dma_start3A_2401 = tpu.memref_slice %arg9[%dma_start3A_2393, %dma_start3A_2399, %dma_start3A_2400] : memref<16x8x128xf32, #tpu.memory_space<vmem>> -> memref<1x8x128xf32, #tpu.memory_space<vmem>>
    %dma_start3A_2402 = tpu.memref_squeeze %dma_start3A_2401 : memref<1x8x128xf32, #tpu.memory_space<vmem>> -> memref<8x128xf32, #tpu.memory_space<vmem>>
    %dma_start3A_2403 = tpu.memref_slice %arg3[%multiple_of3A_2365, %multiple_of3A_2392] : memref<100000x1024xf32, #tpu.memory_space<hbm>> -> memref<8x128xf32, #tpu.memory_space<hbm>>
    tpu.enqueue_dma source(%dma_start3A_2403 : memref<8x128xf32, #tpu.memory_space<hbm>>) target(%dma_start3A_2402 : memref<8x128xf32, #tpu.memory_space<vmem>>) target_semaphore(%arg16 : memref<!tpu.dma_semaphore, #tpu.memory_space<semaphore_mem>>)
    %dma_start3A_2404 = arith.constant 13 : i32
    %dma_start3A_2405 = arith.constant 0 : i32
    %dma_start3A_2406 = arith.constant 0 : i32
    %dma_start3A_2407 = tpu.memref_slice %arg10[%dma_start3A_2404, %dma_start3A_2405, %dma_start3A_2406] : memref<16x8x128xf32, #tpu.memory_space<vmem>> -> memref<1x8x128xf32, #tpu.memory_space<vmem>>
    %dma_start3A_2408 = tpu.memref_squeeze %dma_start3A_2407 : memref<1x8x128xf32, #tpu.memory_space<vmem>> -> memref<8x128xf32, #tpu.memory_space<vmem>>
    %dma_start3A_2409 = tpu.memref_slice %arg4[%multiple_of3A_2365, %multiple_of3A_2392] : memref<100000x1024xf32, #tpu.memory_space<hbm>> -> memref<8x128xf32, #tpu.memory_space<hbm>>
    %dma_start3A_2410 = arith.constant 0 : i32
    %dma_start3A_2411 = arith.constant 0 : i32
    %dma_start3A_2412 = tpu.memref_slice %arg10[%dma_start3A_2404, %dma_start3A_2410, %dma_start3A_2411] : memref<16x8x128xf32, #tpu.memory_space<vmem>> -> memref<1x8x128xf32, #tpu.memory_space<vmem>>
    %dma_start3A_2413 = tpu.memref_squeeze %dma_start3A_2412 : memref<1x8x128xf32, #tpu.memory_space<vmem>> -> memref<8x128xf32, #tpu.memory_space<vmem>>
    %dma_start3A_2414 = tpu.memref_slice %arg4[%multiple_of3A_2365, %multiple_of3A_2392] : memref<100000x1024xf32, #tpu.memory_space<hbm>> -> memref<8x128xf32, #tpu.memory_space<hbm>>
    tpu.enqueue_dma source(%dma_start3A_2414 : memref<8x128xf32, #tpu.memory_space<hbm>>) target(%dma_start3A_2413 : memref<8x128xf32, #tpu.memory_space<vmem>>) target_semaphore(%arg17 : memref<!tpu.dma_semaphore, #tpu.memory_space<semaphore_mem>>)
    %slice3A_2415 = vector.extract_strided_slice %shift_left3A_1686 {offsets = [14], sizes = [1], strides = [1]} : vector<16xi32> to vector<1xi32>
    %squeeze3A_2416 = vector.extract %slice3A_2415[0] : i32 from vector<1xi32>
    %multiple_of3A_2417 = tpu.assume_multiple %squeeze3A_2416, 8 : i32
    %jit3A_2418 = arith.constant 128 : i32
    %div3A_2419 = arith.divsi %mul3A_2, %jit3A_2418 : i32
    %sign3A_2420 = arith.constant 0 : i32
    %sign3A_2421 = arith.cmpi sgt, %mul3A_2, %sign3A_2420 : i32
    %sign3A_2422 = arith.extui %sign3A_2421 : i1 to i32
    %sign3A_2423 = arith.constant 0 : i32
    %sign3A_2424 = arith.cmpi slt, %mul3A_2, %sign3A_2423 : i32
    %sign3A_2425 = arith.extui %sign3A_2424 : i1 to i32
    %sign3A_2426 = arith.subi %sign3A_2422, %sign3A_2425 : i32
    %sign3A_2427 = arith.constant 0 : i32
    %sign3A_2428 = arith.cmpi sgt, %jit3A_2418, %sign3A_2427 : i32
    %sign3A_2429 = arith.extui %sign3A_2428 : i1 to i32
    %sign3A_2430 = arith.constant 0 : i32
    %sign3A_2431 = arith.cmpi slt, %jit3A_2418, %sign3A_2430 : i32
    %sign3A_2432 = arith.extui %sign3A_2431 : i1 to i32
    %sign3A_2433 = arith.subi %sign3A_2429, %sign3A_2432 : i32
    %ne3A_2434 = arith.cmpi ne, %sign3A_2426, %sign3A_2433 : i32
    %rem3A_2435 = arith.remsi %mul3A_2, %jit3A_2418 : i32
    %ne3A_2436 = arith.constant 0 : i32
    %ne3A_2437 = arith.cmpi ne, %rem3A_2435, %ne3A_2436 : i32
    %and3A_2438 = arith.andi %ne3A_2434, %ne3A_2437 : i1
    %sub3A_2439 = arith.constant 1 : i32
    %sub3A_2440 = arith.subi %div3A_2419, %sub3A_2439 : i32
    %select_n3A_2441 = arith.select %and3A_2438, %sub3A_2440, %div3A_2419 : i32
    %mul3A_2442 = arith.constant 128 : i32
    %mul3A_2443 = arith.muli %select_n3A_2441, %mul3A_2442 : i32
    %multiple_of3A_2444 = tpu.assume_multiple %mul3A_2443, 128 : i32
    %dma_start3A_2445 = arith.constant 14 : i32
    %dma_start3A_2446 = arith.constant 0 : i32
    %dma_start3A_2447 = arith.constant 0 : i32
    %dma_start3A_2448 = tpu.memref_slice %arg9[%dma_start3A_2445, %dma_start3A_2446, %dma_start3A_2447] : memref<16x8x128xf32, #tpu.memory_space<vmem>> -> memref<1x8x128xf32, #tpu.memory_space<vmem>>
    %dma_start3A_2449 = tpu.memref_squeeze %dma_start3A_2448 : memref<1x8x128xf32, #tpu.memory_space<vmem>> -> memref<8x128xf32, #tpu.memory_space<vmem>>
    %dma_start3A_2450 = tpu.memref_slice %arg3[%multiple_of3A_2417, %multiple_of3A_2444] : memref<100000x1024xf32, #tpu.memory_space<hbm>> -> memref<8x128xf32, #tpu.memory_space<hbm>>
    %dma_start3A_2451 = arith.constant 0 : i32
    %dma_start3A_2452 = arith.constant 0 : i32
    %dma_start3A_2453 = tpu.memref_slice %arg9[%dma_start3A_2445, %dma_start3A_2451, %dma_start3A_2452] : memref<16x8x128xf32, #tpu.memory_space<vmem>> -> memref<1x8x128xf32, #tpu.memory_space<vmem>>
    %dma_start3A_2454 = tpu.memref_squeeze %dma_start3A_2453 : memref<1x8x128xf32, #tpu.memory_space<vmem>> -> memref<8x128xf32, #tpu.memory_space<vmem>>
    %dma_start3A_2455 = tpu.memref_slice %arg3[%multiple_of3A_2417, %multiple_of3A_2444] : memref<100000x1024xf32, #tpu.memory_space<hbm>> -> memref<8x128xf32, #tpu.memory_space<hbm>>
    tpu.enqueue_dma source(%dma_start3A_2455 : memref<8x128xf32, #tpu.memory_space<hbm>>) target(%dma_start3A_2454 : memref<8x128xf32, #tpu.memory_space<vmem>>) target_semaphore(%arg16 : memref<!tpu.dma_semaphore, #tpu.memory_space<semaphore_mem>>)
    %dma_start3A_2456 = arith.constant 14 : i32
    %dma_start3A_2457 = arith.constant 0 : i32
    %dma_start3A_2458 = arith.constant 0 : i32
    %dma_start3A_2459 = tpu.memref_slice %arg10[%dma_start3A_2456, %dma_start3A_2457, %dma_start3A_2458] : memref<16x8x128xf32, #tpu.memory_space<vmem>> -> memref<1x8x128xf32, #tpu.memory_space<vmem>>
    %dma_start3A_2460 = tpu.memref_squeeze %dma_start3A_2459 : memref<1x8x128xf32, #tpu.memory_space<vmem>> -> memref<8x128xf32, #tpu.memory_space<vmem>>
    %dma_start3A_2461 = tpu.memref_slice %arg4[%multiple_of3A_2417, %multiple_of3A_2444] : memref<100000x1024xf32, #tpu.memory_space<hbm>> -> memref<8x128xf32, #tpu.memory_space<hbm>>
    %dma_start3A_2462 = arith.constant 0 : i32
    %dma_start3A_2463 = arith.constant 0 : i32
    %dma_start3A_2464 = tpu.memref_slice %arg10[%dma_start3A_2456, %dma_start3A_2462, %dma_start3A_2463] : memref<16x8x128xf32, #tpu.memory_space<vmem>> -> memref<1x8x128xf32, #tpu.memory_space<vmem>>
    %dma_start3A_2465 = tpu.memref_squeeze %dma_start3A_2464 : memref<1x8x128xf32, #tpu.memory_space<vmem>> -> memref<8x128xf32, #tpu.memory_space<vmem>>
    %dma_start3A_2466 = tpu.memref_slice %arg4[%multiple_of3A_2417, %multiple_of3A_2444] : memref<100000x1024xf32, #tpu.memory_space<hbm>> -> memref<8x128xf32, #tpu.memory_space<hbm>>
    tpu.enqueue_dma source(%dma_start3A_2466 : memref<8x128xf32, #tpu.memory_space<hbm>>) target(%dma_start3A_2465 : memref<8x128xf32, #tpu.memory_space<vmem>>) target_semaphore(%arg17 : memref<!tpu.dma_semaphore, #tpu.memory_space<semaphore_mem>>)
    %slice3A_2467 = vector.extract_strided_slice %shift_left3A_1686 {offsets = [15], sizes = [1], strides = [1]} : vector<16xi32> to vector<1xi32>
    %squeeze3A_2468 = vector.extract %slice3A_2467[0] : i32 from vector<1xi32>
    %multiple_of3A_2469 = tpu.assume_multiple %squeeze3A_2468, 8 : i32
    %jit3A_2470 = arith.constant 128 : i32
    %div3A_2471 = arith.divsi %mul3A_2, %jit3A_2470 : i32
    %sign3A_2472 = arith.constant 0 : i32
    %sign3A_2473 = arith.cmpi sgt, %mul3A_2, %sign3A_2472 : i32
    %sign3A_2474 = arith.extui %sign3A_2473 : i1 to i32
    %sign3A_2475 = arith.constant 0 : i32
    %sign3A_2476 = arith.cmpi slt, %mul3A_2, %sign3A_2475 : i32
    %sign3A_2477 = arith.extui %sign3A_2476 : i1 to i32
    %sign3A_2478 = arith.subi %sign3A_2474, %sign3A_2477 : i32
    %sign3A_2479 = arith.constant 0 : i32
    %sign3A_2480 = arith.cmpi sgt, %jit3A_2470, %sign3A_2479 : i32
    %sign3A_2481 = arith.extui %sign3A_2480 : i1 to i32
    %sign3A_2482 = arith.constant 0 : i32
    %sign3A_2483 = arith.cmpi slt, %jit3A_2470, %sign3A_2482 : i32
    %sign3A_2484 = arith.extui %sign3A_2483 : i1 to i32
    %sign3A_2485 = arith.subi %sign3A_2481, %sign3A_2484 : i32
    %ne3A_2486 = arith.cmpi ne, %sign3A_2478, %sign3A_2485 : i32
    %rem3A_2487 = arith.remsi %mul3A_2, %jit3A_2470 : i32
    %ne3A_2488 = arith.constant 0 : i32
    %ne3A_2489 = arith.cmpi ne, %rem3A_2487, %ne3A_2488 : i32
    %and3A_2490 = arith.andi %ne3A_2486, %ne3A_2489 : i1
    %sub3A_2491 = arith.constant 1 : i32
    %sub3A_2492 = arith.subi %div3A_2471, %sub3A_2491 : i32
    %select_n3A_2493 = arith.select %and3A_2490, %sub3A_2492, %div3A_2471 : i32
    %mul3A_2494 = arith.constant 128 : i32
    %mul3A_2495 = arith.muli %select_n3A_2493, %mul3A_2494 : i32
    %multiple_of3A_2496 = tpu.assume_multiple %mul3A_2495, 128 : i32
    %dma_start3A_2497 = arith.constant 15 : i32
    %dma_start3A_2498 = arith.constant 0 : i32
    %dma_start3A_2499 = arith.constant 0 : i32
    %dma_start3A_2500 = tpu.memref_slice %arg9[%dma_start3A_2497, %dma_start3A_2498, %dma_start3A_2499] : memref<16x8x128xf32, #tpu.memory_space<vmem>> -> memref<1x8x128xf32, #tpu.memory_space<vmem>>
    %dma_start3A_2501 = tpu.memref_squeeze %dma_start3A_2500 : memref<1x8x128xf32, #tpu.memory_space<vmem>> -> memref<8x128xf32, #tpu.memory_space<vmem>>
    %dma_start3A_2502 = tpu.memref_slice %arg3[%multiple_of3A_2469, %multiple_of3A_2496] : memref<100000x1024xf32, #tpu.memory_space<hbm>> -> memref<8x128xf32, #tpu.memory_space<hbm>>
    %dma_start3A_2503 = arith.constant 0 : i32
    %dma_start3A_2504 = arith.constant 0 : i32
    %dma_start3A_2505 = tpu.memref_slice %arg9[%dma_start3A_2497, %dma_start3A_2503, %dma_start3A_2504] : memref<16x8x128xf32, #tpu.memory_space<vmem>> -> memref<1x8x128xf32, #tpu.memory_space<vmem>>
    %dma_start3A_2506 = tpu.memref_squeeze %dma_start3A_2505 : memref<1x8x128xf32, #tpu.memory_space<vmem>> -> memref<8x128xf32, #tpu.memory_space<vmem>>
    %dma_start3A_2507 = tpu.memref_slice %arg3[%multiple_of3A_2469, %multiple_of3A_2496] : memref<100000x1024xf32, #tpu.memory_space<hbm>> -> memref<8x128xf32, #tpu.memory_space<hbm>>
    tpu.enqueue_dma source(%dma_start3A_2507 : memref<8x128xf32, #tpu.memory_space<hbm>>) target(%dma_start3A_2506 : memref<8x128xf32, #tpu.memory_space<vmem>>) target_semaphore(%arg16 : memref<!tpu.dma_semaphore, #tpu.memory_space<semaphore_mem>>)
    %dma_start3A_2508 = arith.constant 15 : i32
    %dma_start3A_2509 = arith.constant 0 : i32
    %dma_start3A_2510 = arith.constant 0 : i32
    %dma_start3A_2511 = tpu.memref_slice %arg10[%dma_start3A_2508, %dma_start3A_2509, %dma_start3A_2510] : memref<16x8x128xf32, #tpu.memory_space<vmem>> -> memref<1x8x128xf32, #tpu.memory_space<vmem>>
    %dma_start3A_2512 = tpu.memref_squeeze %dma_start3A_2511 : memref<1x8x128xf32, #tpu.memory_space<vmem>> -> memref<8x128xf32, #tpu.memory_space<vmem>>
    %dma_start3A_2513 = tpu.memref_slice %arg4[%multiple_of3A_2469, %multiple_of3A_2496] : memref<100000x1024xf32, #tpu.memory_space<hbm>> -> memref<8x128xf32, #tpu.memory_space<hbm>>
    %dma_start3A_2514 = arith.constant 0 : i32
    %dma_start3A_2515 = arith.constant 0 : i32
    %dma_start3A_2516 = tpu.memref_slice %arg10[%dma_start3A_2508, %dma_start3A_2514, %dma_start3A_2515] : memref<16x8x128xf32, #tpu.memory_space<vmem>> -> memref<1x8x128xf32, #tpu.memory_space<vmem>>
    %dma_start3A_2517 = tpu.memref_squeeze %dma_start3A_2516 : memref<1x8x128xf32, #tpu.memory_space<vmem>> -> memref<8x128xf32, #tpu.memory_space<vmem>>
    %dma_start3A_2518 = tpu.memref_slice %arg4[%multiple_of3A_2469, %multiple_of3A_2496] : memref<100000x1024xf32, #tpu.memory_space<hbm>> -> memref<8x128xf32, #tpu.memory_space<hbm>>
    tpu.enqueue_dma source(%dma_start3A_2518 : memref<8x128xf32, #tpu.memory_space<hbm>>) target(%dma_start3A_2517 : memref<8x128xf32, #tpu.memory_space<vmem>>) target_semaphore(%arg17 : memref<!tpu.dma_semaphore, #tpu.memory_space<semaphore_mem>>)
    %dma_wait3A_2519 = arith.constant 0 : i32
    %dma_wait3A_2520 = arith.constant 0 : i32
    %dma_wait3A_2521 = arith.constant 0 : i32
    %dma_wait3A_2522 = tpu.memref_slice %arg9[%dma_wait3A_2519, %dma_wait3A_2520, %dma_wait3A_2521] : memref<16x8x128xf32, #tpu.memory_space<vmem>> -> memref<1x8x128xf32, #tpu.memory_space<vmem>>
    %dma_wait3A_2523 = tpu.memref_squeeze %dma_wait3A_2522 : memref<1x8x128xf32, #tpu.memory_space<vmem>> -> memref<8x128xf32, #tpu.memory_space<vmem>>
    %dma_wait3A_2524 = tpu.memref_slice %arg3[%multiple_of3A_1689, %multiple_of3A_1716] : memref<100000x1024xf32, #tpu.memory_space<hbm>> -> memref<8x128xf32, #tpu.memory_space<hbm>>
    %dma_wait3A_2525 = arith.constant 0 : i32
    %dma_wait3A_2526 = arith.constant 0 : i32
    %dma_wait3A_2527 = tpu.memref_slice %arg9[%dma_wait3A_2519, %dma_wait3A_2525, %dma_wait3A_2526] : memref<16x8x128xf32, #tpu.memory_space<vmem>> -> memref<1x8x128xf32, #tpu.memory_space<vmem>>
    %dma_wait3A_2528 = tpu.memref_squeeze %dma_wait3A_2527 : memref<1x8x128xf32, #tpu.memory_space<vmem>> -> memref<8x128xf32, #tpu.memory_space<vmem>>
    %dma_wait3A_2529 = tpu.memref_slice %arg3[%multiple_of3A_1689, %multiple_of3A_1716] : memref<100000x1024xf32, #tpu.memory_space<hbm>> -> memref<8x128xf32, #tpu.memory_space<hbm>>
    tpu.wait_dma2 semaphore(%arg16 : memref<!tpu.dma_semaphore, #tpu.memory_space<semaphore_mem>>) src(%dma_wait3A_2529 : memref<8x128xf32, #tpu.memory_space<hbm>>) dst(%dma_wait3A_2528 : memref<8x128xf32, #tpu.memory_space<vmem>>)
    %dma_wait3A_2530 = arith.constant 0 : i32
    %dma_wait3A_2531 = arith.constant 0 : i32
    %dma_wait3A_2532 = arith.constant 0 : i32
    %dma_wait3A_2533 = tpu.memref_slice %arg10[%dma_wait3A_2530, %dma_wait3A_2531, %dma_wait3A_2532] : memref<16x8x128xf32, #tpu.memory_space<vmem>> -> memref<1x8x128xf32, #tpu.memory_space<vmem>>
    %dma_wait3A_2534 = tpu.memref_squeeze %dma_wait3A_2533 : memref<1x8x128xf32, #tpu.memory_space<vmem>> -> memref<8x128xf32, #tpu.memory_space<vmem>>
    %dma_wait3A_2535 = tpu.memref_slice %arg4[%multiple_of3A_1689, %multiple_of3A_1716] : memref<100000x1024xf32, #tpu.memory_space<hbm>> -> memref<8x128xf32, #tpu.memory_space<hbm>>
    %dma_wait3A_2536 = arith.constant 0 : i32
    %dma_wait3A_2537 = arith.constant 0 : i32
    %dma_wait3A_2538 = tpu.memref_slice %arg10[%dma_wait3A_2530, %dma_wait3A_2536, %dma_wait3A_2537] : memref<16x8x128xf32, #tpu.memory_space<vmem>> -> memref<1x8x128xf32, #tpu.memory_space<vmem>>
    %dma_wait3A_2539 = tpu.memref_squeeze %dma_wait3A_2538 : memref<1x8x128xf32, #tpu.memory_space<vmem>> -> memref<8x128xf32, #tpu.memory_space<vmem>>
    %dma_wait3A_2540 = tpu.memref_slice %arg4[%multiple_of3A_1689, %multiple_of3A_1716] : memref<100000x1024xf32, #tpu.memory_space<hbm>> -> memref<8x128xf32, #tpu.memory_space<hbm>>
    tpu.wait_dma2 semaphore(%arg17 : memref<!tpu.dma_semaphore, #tpu.memory_space<semaphore_mem>>) src(%dma_wait3A_2540 : memref<8x128xf32, #tpu.memory_space<hbm>>) dst(%dma_wait3A_2539 : memref<8x128xf32, #tpu.memory_space<vmem>>)
    %dma_wait3A_2541 = arith.constant 1 : i32
    %dma_wait3A_2542 = arith.constant 0 : i32
    %dma_wait3A_2543 = arith.constant 0 : i32
    %dma_wait3A_2544 = tpu.memref_slice %arg9[%dma_wait3A_2541, %dma_wait3A_2542, %dma_wait3A_2543] : memref<16x8x128xf32, #tpu.memory_space<vmem>> -> memref<1x8x128xf32, #tpu.memory_space<vmem>>
    %dma_wait3A_2545 = tpu.memref_squeeze %dma_wait3A_2544 : memref<1x8x128xf32, #tpu.memory_space<vmem>> -> memref<8x128xf32, #tpu.memory_space<vmem>>
    %dma_wait3A_2546 = tpu.memref_slice %arg3[%multiple_of3A_1741, %multiple_of3A_1768] : memref<100000x1024xf32, #tpu.memory_space<hbm>> -> memref<8x128xf32, #tpu.memory_space<hbm>>
    %dma_wait3A_2547 = arith.constant 0 : i32
    %dma_wait3A_2548 = arith.constant 0 : i32
    %dma_wait3A_2549 = tpu.memref_slice %arg9[%dma_wait3A_2541, %dma_wait3A_2547, %dma_wait3A_2548] : memref<16x8x128xf32, #tpu.memory_space<vmem>> -> memref<1x8x128xf32, #tpu.memory_space<vmem>>
    %dma_wait3A_2550 = tpu.memref_squeeze %dma_wait3A_2549 : memref<1x8x128xf32, #tpu.memory_space<vmem>> -> memref<8x128xf32, #tpu.memory_space<vmem>>
    %dma_wait3A_2551 = tpu.memref_slice %arg3[%multiple_of3A_1741, %multiple_of3A_1768] : memref<100000x1024xf32, #tpu.memory_space<hbm>> -> memref<8x128xf32, #tpu.memory_space<hbm>>
    tpu.wait_dma2 semaphore(%arg16 : memref<!tpu.dma_semaphore, #tpu.memory_space<semaphore_mem>>) src(%dma_wait3A_2551 : memref<8x128xf32, #tpu.memory_space<hbm>>) dst(%dma_wait3A_2550 : memref<8x128xf32, #tpu.memory_space<vmem>>)
    %dma_wait3A_2552 = arith.constant 1 : i32
    %dma_wait3A_2553 = arith.constant 0 : i32
    %dma_wait3A_2554 = arith.constant 0 : i32
    %dma_wait3A_2555 = tpu.memref_slice %arg10[%dma_wait3A_2552, %dma_wait3A_2553, %dma_wait3A_2554] : memref<16x8x128xf32, #tpu.memory_space<vmem>> -> memref<1x8x128xf32, #tpu.memory_space<vmem>>
    %dma_wait3A_2556 = tpu.memref_squeeze %dma_wait3A_2555 : memref<1x8x128xf32, #tpu.memory_space<vmem>> -> memref<8x128xf32, #tpu.memory_space<vmem>>
    %dma_wait3A_2557 = tpu.memref_slice %arg4[%multiple_of3A_1741, %multiple_of3A_1768] : memref<100000x1024xf32, #tpu.memory_space<hbm>> -> memref<8x128xf32, #tpu.memory_space<hbm>>
    %dma_wait3A_2558 = arith.constant 0 : i32
    %dma_wait3A_2559 = arith.constant 0 : i32
    %dma_wait3A_2560 = tpu.memref_slice %arg10[%dma_wait3A_2552, %dma_wait3A_2558, %dma_wait3A_2559] : memref<16x8x128xf32, #tpu.memory_space<vmem>> -> memref<1x8x128xf32, #tpu.memory_space<vmem>>
    %dma_wait3A_2561 = tpu.memref_squeeze %dma_wait3A_2560 : memref<1x8x128xf32, #tpu.memory_space<vmem>> -> memref<8x128xf32, #tpu.memory_space<vmem>>
    %dma_wait3A_2562 = tpu.memref_slice %arg4[%multiple_of3A_1741, %multiple_of3A_1768] : memref<100000x1024xf32, #tpu.memory_space<hbm>> -> memref<8x128xf32, #tpu.memory_space<hbm>>
    tpu.wait_dma2 semaphore(%arg17 : memref<!tpu.dma_semaphore, #tpu.memory_space<semaphore_mem>>) src(%dma_wait3A_2562 : memref<8x128xf32, #tpu.memory_space<hbm>>) dst(%dma_wait3A_2561 : memref<8x128xf32, #tpu.memory_space<vmem>>)
    %dma_wait3A_2563 = arith.constant 2 : i32
    %dma_wait3A_2564 = arith.constant 0 : i32
    %dma_wait3A_2565 = arith.constant 0 : i32
    %dma_wait3A_2566 = tpu.memref_slice %arg9[%dma_wait3A_2563, %dma_wait3A_2564, %dma_wait3A_2565] : memref<16x8x128xf32, #tpu.memory_space<vmem>> -> memref<1x8x128xf32, #tpu.memory_space<vmem>>
    %dma_wait3A_2567 = tpu.memref_squeeze %dma_wait3A_2566 : memref<1x8x128xf32, #tpu.memory_space<vmem>> -> memref<8x128xf32, #tpu.memory_space<vmem>>
    %dma_wait3A_2568 = tpu.memref_slice %arg3[%multiple_of3A_1793, %multiple_of3A_1820] : memref<100000x1024xf32, #tpu.memory_space<hbm>> -> memref<8x128xf32, #tpu.memory_space<hbm>>
    %dma_wait3A_2569 = arith.constant 0 : i32
    %dma_wait3A_2570 = arith.constant 0 : i32
    %dma_wait3A_2571 = tpu.memref_slice %arg9[%dma_wait3A_2563, %dma_wait3A_2569, %dma_wait3A_2570] : memref<16x8x128xf32, #tpu.memory_space<vmem>> -> memref<1x8x128xf32, #tpu.memory_space<vmem>>
    %dma_wait3A_2572 = tpu.memref_squeeze %dma_wait3A_2571 : memref<1x8x128xf32, #tpu.memory_space<vmem>> -> memref<8x128xf32, #tpu.memory_space<vmem>>
    %dma_wait3A_2573 = tpu.memref_slice %arg3[%multiple_of3A_1793, %multiple_of3A_1820] : memref<100000x1024xf32, #tpu.memory_space<hbm>> -> memref<8x128xf32, #tpu.memory_space<hbm>>
    tpu.wait_dma2 semaphore(%arg16 : memref<!tpu.dma_semaphore, #tpu.memory_space<semaphore_mem>>) src(%dma_wait3A_2573 : memref<8x128xf32, #tpu.memory_space<hbm>>) dst(%dma_wait3A_2572 : memref<8x128xf32, #tpu.memory_space<vmem>>)
    %dma_wait3A_2574 = arith.constant 2 : i32
    %dma_wait3A_2575 = arith.constant 0 : i32
    %dma_wait3A_2576 = arith.constant 0 : i32
    %dma_wait3A_2577 = tpu.memref_slice %arg10[%dma_wait3A_2574, %dma_wait3A_2575, %dma_wait3A_2576] : memref<16x8x128xf32, #tpu.memory_space<vmem>> -> memref<1x8x128xf32, #tpu.memory_space<vmem>>
    %dma_wait3A_2578 = tpu.memref_squeeze %dma_wait3A_2577 : memref<1x8x128xf32, #tpu.memory_space<vmem>> -> memref<8x128xf32, #tpu.memory_space<vmem>>
    %dma_wait3A_2579 = tpu.memref_slice %arg4[%multiple_of3A_1793, %multiple_of3A_1820] : memref<100000x1024xf32, #tpu.memory_space<hbm>> -> memref<8x128xf32, #tpu.memory_space<hbm>>
    %dma_wait3A_2580 = arith.constant 0 : i32
    %dma_wait3A_2581 = arith.constant 0 : i32
    %dma_wait3A_2582 = tpu.memref_slice %arg10[%dma_wait3A_2574, %dma_wait3A_2580, %dma_wait3A_2581] : memref<16x8x128xf32, #tpu.memory_space<vmem>> -> memref<1x8x128xf32, #tpu.memory_space<vmem>>
    %dma_wait3A_2583 = tpu.memref_squeeze %dma_wait3A_2582 : memref<1x8x128xf32, #tpu.memory_space<vmem>> -> memref<8x128xf32, #tpu.memory_space<vmem>>
    %dma_wait3A_2584 = tpu.memref_slice %arg4[%multiple_of3A_1793, %multiple_of3A_1820] : memref<100000x1024xf32, #tpu.memory_space<hbm>> -> memref<8x128xf32, #tpu.memory_space<hbm>>
    tpu.wait_dma2 semaphore(%arg17 : memref<!tpu.dma_semaphore, #tpu.memory_space<semaphore_mem>>) src(%dma_wait3A_2584 : memref<8x128xf32, #tpu.memory_space<hbm>>) dst(%dma_wait3A_2583 : memref<8x128xf32, #tpu.memory_space<vmem>>)
    %dma_wait3A_2585 = arith.constant 3 : i32
    %dma_wait3A_2586 = arith.constant 0 : i32
    %dma_wait3A_2587 = arith.constant 0 : i32
    %dma_wait3A_2588 = tpu.memref_slice %arg9[%dma_wait3A_2585, %dma_wait3A_2586, %dma_wait3A_2587] : memref<16x8x128xf32, #tpu.memory_space<vmem>> -> memref<1x8x128xf32, #tpu.memory_space<vmem>>
    %dma_wait3A_2589 = tpu.memref_squeeze %dma_wait3A_2588 : memref<1x8x128xf32, #tpu.memory_space<vmem>> -> memref<8x128xf32, #tpu.memory_space<vmem>>
    %dma_wait3A_2590 = tpu.memref_slice %arg3[%multiple_of3A_1845, %multiple_of3A_1872] : memref<100000x1024xf32, #tpu.memory_space<hbm>> -> memref<8x128xf32, #tpu.memory_space<hbm>>
    %dma_wait3A_2591 = arith.constant 0 : i32
    %dma_wait3A_2592 = arith.constant 0 : i32
    %dma_wait3A_2593 = tpu.memref_slice %arg9[%dma_wait3A_2585, %dma_wait3A_2591, %dma_wait3A_2592] : memref<16x8x128xf32, #tpu.memory_space<vmem>> -> memref<1x8x128xf32, #tpu.memory_space<vmem>>
    %dma_wait3A_2594 = tpu.memref_squeeze %dma_wait3A_2593 : memref<1x8x128xf32, #tpu.memory_space<vmem>> -> memref<8x128xf32, #tpu.memory_space<vmem>>
    %dma_wait3A_2595 = tpu.memref_slice %arg3[%multiple_of3A_1845, %multiple_of3A_1872] : memref<100000x1024xf32, #tpu.memory_space<hbm>> -> memref<8x128xf32, #tpu.memory_space<hbm>>
    tpu.wait_dma2 semaphore(%arg16 : memref<!tpu.dma_semaphore, #tpu.memory_space<semaphore_mem>>) src(%dma_wait3A_2595 : memref<8x128xf32, #tpu.memory_space<hbm>>) dst(%dma_wait3A_2594 : memref<8x128xf32, #tpu.memory_space<vmem>>)
    %dma_wait3A_2596 = arith.constant 3 : i32
    %dma_wait3A_2597 = arith.constant 0 : i32
    %dma_wait3A_2598 = arith.constant 0 : i32
    %dma_wait3A_2599 = tpu.memref_slice %arg10[%dma_wait3A_2596, %dma_wait3A_2597, %dma_wait3A_2598] : memref<16x8x128xf32, #tpu.memory_space<vmem>> -> memref<1x8x128xf32, #tpu.memory_space<vmem>>
    %dma_wait3A_2600 = tpu.memref_squeeze %dma_wait3A_2599 : memref<1x8x128xf32, #tpu.memory_space<vmem>> -> memref<8x128xf32, #tpu.memory_space<vmem>>
    %dma_wait3A_2601 = tpu.memref_slice %arg4[%multiple_of3A_1845, %multiple_of3A_1872] : memref<100000x1024xf32, #tpu.memory_space<hbm>> -> memref<8x128xf32, #tpu.memory_space<hbm>>
    %dma_wait3A_2602 = arith.constant 0 : i32
    %dma_wait3A_2603 = arith.constant 0 : i32
    %dma_wait3A_2604 = tpu.memref_slice %arg10[%dma_wait3A_2596, %dma_wait3A_2602, %dma_wait3A_2603] : memref<16x8x128xf32, #tpu.memory_space<vmem>> -> memref<1x8x128xf32, #tpu.memory_space<vmem>>
    %dma_wait3A_2605 = tpu.memref_squeeze %dma_wait3A_2604 : memref<1x8x128xf32, #tpu.memory_space<vmem>> -> memref<8x128xf32, #tpu.memory_space<vmem>>
    %dma_wait3A_2606 = tpu.memref_slice %arg4[%multiple_of3A_1845, %multiple_of3A_1872] : memref<100000x1024xf32, #tpu.memory_space<hbm>> -> memref<8x128xf32, #tpu.memory_space<hbm>>
    tpu.wait_dma2 semaphore(%arg17 : memref<!tpu.dma_semaphore, #tpu.memory_space<semaphore_mem>>) src(%dma_wait3A_2606 : memref<8x128xf32, #tpu.memory_space<hbm>>) dst(%dma_wait3A_2605 : memref<8x128xf32, #tpu.memory_space<vmem>>)
    %dma_wait3A_2607 = arith.constant 4 : i32
    %dma_wait3A_2608 = arith.constant 0 : i32
    %dma_wait3A_2609 = arith.constant 0 : i32
    %dma_wait3A_2610 = tpu.memref_slice %arg9[%dma_wait3A_2607, %dma_wait3A_2608, %dma_wait3A_2609] : memref<16x8x128xf32, #tpu.memory_space<vmem>> -> memref<1x8x128xf32, #tpu.memory_space<vmem>>
    %dma_wait3A_2611 = tpu.memref_squeeze %dma_wait3A_2610 : memref<1x8x128xf32, #tpu.memory_space<vmem>> -> memref<8x128xf32, #tpu.memory_space<vmem>>
    %dma_wait3A_2612 = tpu.memref_slice %arg3[%multiple_of3A_1897, %multiple_of3A_1924] : memref<100000x1024xf32, #tpu.memory_space<hbm>> -> memref<8x128xf32, #tpu.memory_space<hbm>>
    %dma_wait3A_2613 = arith.constant 0 : i32
    %dma_wait3A_2614 = arith.constant 0 : i32
    %dma_wait3A_2615 = tpu.memref_slice %arg9[%dma_wait3A_2607, %dma_wait3A_2613, %dma_wait3A_2614] : memref<16x8x128xf32, #tpu.memory_space<vmem>> -> memref<1x8x128xf32, #tpu.memory_space<vmem>>
    %dma_wait3A_2616 = tpu.memref_squeeze %dma_wait3A_2615 : memref<1x8x128xf32, #tpu.memory_space<vmem>> -> memref<8x128xf32, #tpu.memory_space<vmem>>
    %dma_wait3A_2617 = tpu.memref_slice %arg3[%multiple_of3A_1897, %multiple_of3A_1924] : memref<100000x1024xf32, #tpu.memory_space<hbm>> -> memref<8x128xf32, #tpu.memory_space<hbm>>
    tpu.wait_dma2 semaphore(%arg16 : memref<!tpu.dma_semaphore, #tpu.memory_space<semaphore_mem>>) src(%dma_wait3A_2617 : memref<8x128xf32, #tpu.memory_space<hbm>>) dst(%dma_wait3A_2616 : memref<8x128xf32, #tpu.memory_space<vmem>>)
    %dma_wait3A_2618 = arith.constant 4 : i32
    %dma_wait3A_2619 = arith.constant 0 : i32
    %dma_wait3A_2620 = arith.constant 0 : i32
    %dma_wait3A_2621 = tpu.memref_slice %arg10[%dma_wait3A_2618, %dma_wait3A_2619, %dma_wait3A_2620] : memref<16x8x128xf32, #tpu.memory_space<vmem>> -> memref<1x8x128xf32, #tpu.memory_space<vmem>>
    %dma_wait3A_2622 = tpu.memref_squeeze %dma_wait3A_2621 : memref<1x8x128xf32, #tpu.memory_space<vmem>> -> memref<8x128xf32, #tpu.memory_space<vmem>>
    %dma_wait3A_2623 = tpu.memref_slice %arg4[%multiple_of3A_1897, %multiple_of3A_1924] : memref<100000x1024xf32, #tpu.memory_space<hbm>> -> memref<8x128xf32, #tpu.memory_space<hbm>>
    %dma_wait3A_2624 = arith.constant 0 : i32
    %dma_wait3A_2625 = arith.constant 0 : i32
    %dma_wait3A_2626 = tpu.memref_slice %arg10[%dma_wait3A_2618, %dma_wait3A_2624, %dma_wait3A_2625] : memref<16x8x128xf32, #tpu.memory_space<vmem>> -> memref<1x8x128xf32, #tpu.memory_space<vmem>>
    %dma_wait3A_2627 = tpu.memref_squeeze %dma_wait3A_2626 : memref<1x8x128xf32, #tpu.memory_space<vmem>> -> memref<8x128xf32, #tpu.memory_space<vmem>>
    %dma_wait3A_2628 = tpu.memref_slice %arg4[%multiple_of3A_1897, %multiple_of3A_1924] : memref<100000x1024xf32, #tpu.memory_space<hbm>> -> memref<8x128xf32, #tpu.memory_space<hbm>>
    tpu.wait_dma2 semaphore(%arg17 : memref<!tpu.dma_semaphore, #tpu.memory_space<semaphore_mem>>) src(%dma_wait3A_2628 : memref<8x128xf32, #tpu.memory_space<hbm>>) dst(%dma_wait3A_2627 : memref<8x128xf32, #tpu.memory_space<vmem>>)
    %dma_wait3A_2629 = arith.constant 5 : i32
    %dma_wait3A_2630 = arith.constant 0 : i32
    %dma_wait3A_2631 = arith.constant 0 : i32
    %dma_wait3A_2632 = tpu.memref_slice %arg9[%dma_wait3A_2629, %dma_wait3A_2630, %dma_wait3A_2631] : memref<16x8x128xf32, #tpu.memory_space<vmem>> -> memref<1x8x128xf32, #tpu.memory_space<vmem>>
    %dma_wait3A_2633 = tpu.memref_squeeze %dma_wait3A_2632 : memref<1x8x128xf32, #tpu.memory_space<vmem>> -> memref<8x128xf32, #tpu.memory_space<vmem>>
    %dma_wait3A_2634 = tpu.memref_slice %arg3[%multiple_of3A_1949, %multiple_of3A_1976] : memref<100000x1024xf32, #tpu.memory_space<hbm>> -> memref<8x128xf32, #tpu.memory_space<hbm>>
    %dma_wait3A_2635 = arith.constant 0 : i32
    %dma_wait3A_2636 = arith.constant 0 : i32
    %dma_wait3A_2637 = tpu.memref_slice %arg9[%dma_wait3A_2629, %dma_wait3A_2635, %dma_wait3A_2636] : memref<16x8x128xf32, #tpu.memory_space<vmem>> -> memref<1x8x128xf32, #tpu.memory_space<vmem>>
    %dma_wait3A_2638 = tpu.memref_squeeze %dma_wait3A_2637 : memref<1x8x128xf32, #tpu.memory_space<vmem>> -> memref<8x128xf32, #tpu.memory_space<vmem>>
    %dma_wait3A_2639 = tpu.memref_slice %arg3[%multiple_of3A_1949, %multiple_of3A_1976] : memref<100000x1024xf32, #tpu.memory_space<hbm>> -> memref<8x128xf32, #tpu.memory_space<hbm>>
    tpu.wait_dma2 semaphore(%arg16 : memref<!tpu.dma_semaphore, #tpu.memory_space<semaphore_mem>>) src(%dma_wait3A_2639 : memref<8x128xf32, #tpu.memory_space<hbm>>) dst(%dma_wait3A_2638 : memref<8x128xf32, #tpu.memory_space<vmem>>)
    %dma_wait3A_2640 = arith.constant 5 : i32
    %dma_wait3A_2641 = arith.constant 0 : i32
    %dma_wait3A_2642 = arith.constant 0 : i32
    %dma_wait3A_2643 = tpu.memref_slice %arg10[%dma_wait3A_2640, %dma_wait3A_2641, %dma_wait3A_2642] : memref<16x8x128xf32, #tpu.memory_space<vmem>> -> memref<1x8x128xf32, #tpu.memory_space<vmem>>
    %dma_wait3A_2644 = tpu.memref_squeeze %dma_wait3A_2643 : memref<1x8x128xf32, #tpu.memory_space<vmem>> -> memref<8x128xf32, #tpu.memory_space<vmem>>
    %dma_wait3A_2645 = tpu.memref_slice %arg4[%multiple_of3A_1949, %multiple_of3A_1976] : memref<100000x1024xf32, #tpu.memory_space<hbm>> -> memref<8x128xf32, #tpu.memory_space<hbm>>
    %dma_wait3A_2646 = arith.constant 0 : i32
    %dma_wait3A_2647 = arith.constant 0 : i32
    %dma_wait3A_2648 = tpu.memref_slice %arg10[%dma_wait3A_2640, %dma_wait3A_2646, %dma_wait3A_2647] : memref<16x8x128xf32, #tpu.memory_space<vmem>> -> memref<1x8x128xf32, #tpu.memory_space<vmem>>
    %dma_wait3A_2649 = tpu.memref_squeeze %dma_wait3A_2648 : memref<1x8x128xf32, #tpu.memory_space<vmem>> -> memref<8x128xf32, #tpu.memory_space<vmem>>
    %dma_wait3A_2650 = tpu.memref_slice %arg4[%multiple_of3A_1949, %multiple_of3A_1976] : memref<100000x1024xf32, #tpu.memory_space<hbm>> -> memref<8x128xf32, #tpu.memory_space<hbm>>
    tpu.wait_dma2 semaphore(%arg17 : memref<!tpu.dma_semaphore, #tpu.memory_space<semaphore_mem>>) src(%dma_wait3A_2650 : memref<8x128xf32, #tpu.memory_space<hbm>>) dst(%dma_wait3A_2649 : memref<8x128xf32, #tpu.memory_space<vmem>>)
    %dma_wait3A_2651 = arith.constant 6 : i32
    %dma_wait3A_2652 = arith.constant 0 : i32
    %dma_wait3A_2653 = arith.constant 0 : i32
    %dma_wait3A_2654 = tpu.memref_slice %arg9[%dma_wait3A_2651, %dma_wait3A_2652, %dma_wait3A_2653] : memref<16x8x128xf32, #tpu.memory_space<vmem>> -> memref<1x8x128xf32, #tpu.memory_space<vmem>>
    %dma_wait3A_2655 = tpu.memref_squeeze %dma_wait3A_2654 : memref<1x8x128xf32, #tpu.memory_space<vmem>> -> memref<8x128xf32, #tpu.memory_space<vmem>>
    %dma_wait3A_2656 = tpu.memref_slice %arg3[%multiple_of3A_2001, %multiple_of3A_2028] : memref<100000x1024xf32, #tpu.memory_space<hbm>> -> memref<8x128xf32, #tpu.memory_space<hbm>>
    %dma_wait3A_2657 = arith.constant 0 : i32
    %dma_wait3A_2658 = arith.constant 0 : i32
    %dma_wait3A_2659 = tpu.memref_slice %arg9[%dma_wait3A_2651, %dma_wait3A_2657, %dma_wait3A_2658] : memref<16x8x128xf32, #tpu.memory_space<vmem>> -> memref<1x8x128xf32, #tpu.memory_space<vmem>>
    %dma_wait3A_2660 = tpu.memref_squeeze %dma_wait3A_2659 : memref<1x8x128xf32, #tpu.memory_space<vmem>> -> memref<8x128xf32, #tpu.memory_space<vmem>>
    %dma_wait3A_2661 = tpu.memref_slice %arg3[%multiple_of3A_2001, %multiple_of3A_2028] : memref<100000x1024xf32, #tpu.memory_space<hbm>> -> memref<8x128xf32, #tpu.memory_space<hbm>>
    tpu.wait_dma2 semaphore(%arg16 : memref<!tpu.dma_semaphore, #tpu.memory_space<semaphore_mem>>) src(%dma_wait3A_2661 : memref<8x128xf32, #tpu.memory_space<hbm>>) dst(%dma_wait3A_2660 : memref<8x128xf32, #tpu.memory_space<vmem>>)
    %dma_wait3A_2662 = arith.constant 6 : i32
    %dma_wait3A_2663 = arith.constant 0 : i32
    %dma_wait3A_2664 = arith.constant 0 : i32
    %dma_wait3A_2665 = tpu.memref_slice %arg10[%dma_wait3A_2662, %dma_wait3A_2663, %dma_wait3A_2664] : memref<16x8x128xf32, #tpu.memory_space<vmem>> -> memref<1x8x128xf32, #tpu.memory_space<vmem>>
    %dma_wait3A_2666 = tpu.memref_squeeze %dma_wait3A_2665 : memref<1x8x128xf32, #tpu.memory_space<vmem>> -> memref<8x128xf32, #tpu.memory_space<vmem>>
    %dma_wait3A_2667 = tpu.memref_slice %arg4[%multiple_of3A_2001, %multiple_of3A_2028] : memref<100000x1024xf32, #tpu.memory_space<hbm>> -> memref<8x128xf32, #tpu.memory_space<hbm>>
    %dma_wait3A_2668 = arith.constant 0 : i32
    %dma_wait3A_2669 = arith.constant 0 : i32
    %dma_wait3A_2670 = tpu.memref_slice %arg10[%dma_wait3A_2662, %dma_wait3A_2668, %dma_wait3A_2669] : memref<16x8x128xf32, #tpu.memory_space<vmem>> -> memref<1x8x128xf32, #tpu.memory_space<vmem>>
    %dma_wait3A_2671 = tpu.memref_squeeze %dma_wait3A_2670 : memref<1x8x128xf32, #tpu.memory_space<vmem>> -> memref<8x128xf32, #tpu.memory_space<vmem>>
    %dma_wait3A_2672 = tpu.memref_slice %arg4[%multiple_of3A_2001, %multiple_of3A_2028] : memref<100000x1024xf32, #tpu.memory_space<hbm>> -> memref<8x128xf32, #tpu.memory_space<hbm>>
    tpu.wait_dma2 semaphore(%arg17 : memref<!tpu.dma_semaphore, #tpu.memory_space<semaphore_mem>>) src(%dma_wait3A_2672 : memref<8x128xf32, #tpu.memory_space<hbm>>) dst(%dma_wait3A_2671 : memref<8x128xf32, #tpu.memory_space<vmem>>)
    %dma_wait3A_2673 = arith.constant 7 : i32
    %dma_wait3A_2674 = arith.constant 0 : i32
    %dma_wait3A_2675 = arith.constant 0 : i32
    %dma_wait3A_2676 = tpu.memref_slice %arg9[%dma_wait3A_2673, %dma_wait3A_2674, %dma_wait3A_2675] : memref<16x8x128xf32, #tpu.memory_space<vmem>> -> memref<1x8x128xf32, #tpu.memory_space<vmem>>
    %dma_wait3A_2677 = tpu.memref_squeeze %dma_wait3A_2676 : memref<1x8x128xf32, #tpu.memory_space<vmem>> -> memref<8x128xf32, #tpu.memory_space<vmem>>
    %dma_wait3A_2678 = tpu.memref_slice %arg3[%multiple_of3A_2053, %multiple_of3A_2080] : memref<100000x1024xf32, #tpu.memory_space<hbm>> -> memref<8x128xf32, #tpu.memory_space<hbm>>
    %dma_wait3A_2679 = arith.constant 0 : i32
    %dma_wait3A_2680 = arith.constant 0 : i32
    %dma_wait3A_2681 = tpu.memref_slice %arg9[%dma_wait3A_2673, %dma_wait3A_2679, %dma_wait3A_2680] : memref<16x8x128xf32, #tpu.memory_space<vmem>> -> memref<1x8x128xf32, #tpu.memory_space<vmem>>
    %dma_wait3A_2682 = tpu.memref_squeeze %dma_wait3A_2681 : memref<1x8x128xf32, #tpu.memory_space<vmem>> -> memref<8x128xf32, #tpu.memory_space<vmem>>
    %dma_wait3A_2683 = tpu.memref_slice %arg3[%multiple_of3A_2053, %multiple_of3A_2080] : memref<100000x1024xf32, #tpu.memory_space<hbm>> -> memref<8x128xf32, #tpu.memory_space<hbm>>
    tpu.wait_dma2 semaphore(%arg16 : memref<!tpu.dma_semaphore, #tpu.memory_space<semaphore_mem>>) src(%dma_wait3A_2683 : memref<8x128xf32, #tpu.memory_space<hbm>>) dst(%dma_wait3A_2682 : memref<8x128xf32, #tpu.memory_space<vmem>>)
    %dma_wait3A_2684 = arith.constant 7 : i32
    %dma_wait3A_2685 = arith.constant 0 : i32
    %dma_wait3A_2686 = arith.constant 0 : i32
    %dma_wait3A_2687 = tpu.memref_slice %arg10[%dma_wait3A_2684, %dma_wait3A_2685, %dma_wait3A_2686] : memref<16x8x128xf32, #tpu.memory_space<vmem>> -> memref<1x8x128xf32, #tpu.memory_space<vmem>>
    %dma_wait3A_2688 = tpu.memref_squeeze %dma_wait3A_2687 : memref<1x8x128xf32, #tpu.memory_space<vmem>> -> memref<8x128xf32, #tpu.memory_space<vmem>>
    %dma_wait3A_2689 = tpu.memref_slice %arg4[%multiple_of3A_2053, %multiple_of3A_2080] : memref<100000x1024xf32, #tpu.memory_space<hbm>> -> memref<8x128xf32, #tpu.memory_space<hbm>>
    %dma_wait3A_2690 = arith.constant 0 : i32
    %dma_wait3A_2691 = arith.constant 0 : i32
    %dma_wait3A_2692 = tpu.memref_slice %arg10[%dma_wait3A_2684, %dma_wait3A_2690, %dma_wait3A_2691] : memref<16x8x128xf32, #tpu.memory_space<vmem>> -> memref<1x8x128xf32, #tpu.memory_space<vmem>>
    %dma_wait3A_2693 = tpu.memref_squeeze %dma_wait3A_2692 : memref<1x8x128xf32, #tpu.memory_space<vmem>> -> memref<8x128xf32, #tpu.memory_space<vmem>>
    %dma_wait3A_2694 = tpu.memref_slice %arg4[%multiple_of3A_2053, %multiple_of3A_2080] : memref<100000x1024xf32, #tpu.memory_space<hbm>> -> memref<8x128xf32, #tpu.memory_space<hbm>>
    tpu.wait_dma2 semaphore(%arg17 : memref<!tpu.dma_semaphore, #tpu.memory_space<semaphore_mem>>) src(%dma_wait3A_2694 : memref<8x128xf32, #tpu.memory_space<hbm>>) dst(%dma_wait3A_2693 : memref<8x128xf32, #tpu.memory_space<vmem>>)
    %dma_wait3A_2695 = arith.constant 8 : i32
    %dma_wait3A_2696 = arith.constant 0 : i32
    %dma_wait3A_2697 = arith.constant 0 : i32
    %dma_wait3A_2698 = tpu.memref_slice %arg9[%dma_wait3A_2695, %dma_wait3A_2696, %dma_wait3A_2697] : memref<16x8x128xf32, #tpu.memory_space<vmem>> -> memref<1x8x128xf32, #tpu.memory_space<vmem>>
    %dma_wait3A_2699 = tpu.memref_squeeze %dma_wait3A_2698 : memref<1x8x128xf32, #tpu.memory_space<vmem>> -> memref<8x128xf32, #tpu.memory_space<vmem>>
    %dma_wait3A_2700 = tpu.memref_slice %arg3[%multiple_of3A_2105, %multiple_of3A_2132] : memref<100000x1024xf32, #tpu.memory_space<hbm>> -> memref<8x128xf32, #tpu.memory_space<hbm>>
    %dma_wait3A_2701 = arith.constant 0 : i32
    %dma_wait3A_2702 = arith.constant 0 : i32
    %dma_wait3A_2703 = tpu.memref_slice %arg9[%dma_wait3A_2695, %dma_wait3A_2701, %dma_wait3A_2702] : memref<16x8x128xf32, #tpu.memory_space<vmem>> -> memref<1x8x128xf32, #tpu.memory_space<vmem>>
    %dma_wait3A_2704 = tpu.memref_squeeze %dma_wait3A_2703 : memref<1x8x128xf32, #tpu.memory_space<vmem>> -> memref<8x128xf32, #tpu.memory_space<vmem>>
    %dma_wait3A_2705 = tpu.memref_slice %arg3[%multiple_of3A_2105, %multiple_of3A_2132] : memref<100000x1024xf32, #tpu.memory_space<hbm>> -> memref<8x128xf32, #tpu.memory_space<hbm>>
    tpu.wait_dma2 semaphore(%arg16 : memref<!tpu.dma_semaphore, #tpu.memory_space<semaphore_mem>>) src(%dma_wait3A_2705 : memref<8x128xf32, #tpu.memory_space<hbm>>) dst(%dma_wait3A_2704 : memref<8x128xf32, #tpu.memory_space<vmem>>)
    %dma_wait3A_2706 = arith.constant 8 : i32
    %dma_wait3A_2707 = arith.constant 0 : i32
    %dma_wait3A_2708 = arith.constant 0 : i32
    %dma_wait3A_2709 = tpu.memref_slice %arg10[%dma_wait3A_2706, %dma_wait3A_2707, %dma_wait3A_2708] : memref<16x8x128xf32, #tpu.memory_space<vmem>> -> memref<1x8x128xf32, #tpu.memory_space<vmem>>
    %dma_wait3A_2710 = tpu.memref_squeeze %dma_wait3A_2709 : memref<1x8x128xf32, #tpu.memory_space<vmem>> -> memref<8x128xf32, #tpu.memory_space<vmem>>
    %dma_wait3A_2711 = tpu.memref_slice %arg4[%multiple_of3A_2105, %multiple_of3A_2132] : memref<100000x1024xf32, #tpu.memory_space<hbm>> -> memref<8x128xf32, #tpu.memory_space<hbm>>
    %dma_wait3A_2712 = arith.constant 0 : i32
    %dma_wait3A_2713 = arith.constant 0 : i32
    %dma_wait3A_2714 = tpu.memref_slice %arg10[%dma_wait3A_2706, %dma_wait3A_2712, %dma_wait3A_2713] : memref<16x8x128xf32, #tpu.memory_space<vmem>> -> memref<1x8x128xf32, #tpu.memory_space<vmem>>
    %dma_wait3A_2715 = tpu.memref_squeeze %dma_wait3A_2714 : memref<1x8x128xf32, #tpu.memory_space<vmem>> -> memref<8x128xf32, #tpu.memory_space<vmem>>
    %dma_wait3A_2716 = tpu.memref_slice %arg4[%multiple_of3A_2105, %multiple_of3A_2132] : memref<100000x1024xf32, #tpu.memory_space<hbm>> -> memref<8x128xf32, #tpu.memory_space<hbm>>
    tpu.wait_dma2 semaphore(%arg17 : memref<!tpu.dma_semaphore, #tpu.memory_space<semaphore_mem>>) src(%dma_wait3A_2716 : memref<8x128xf32, #tpu.memory_space<hbm>>) dst(%dma_wait3A_2715 : memref<8x128xf32, #tpu.memory_space<vmem>>)
    %dma_wait3A_2717 = arith.constant 9 : i32
    %dma_wait3A_2718 = arith.constant 0 : i32
    %dma_wait3A_2719 = arith.constant 0 : i32
    %dma_wait3A_2720 = tpu.memref_slice %arg9[%dma_wait3A_2717, %dma_wait3A_2718, %dma_wait3A_2719] : memref<16x8x128xf32, #tpu.memory_space<vmem>> -> memref<1x8x128xf32, #tpu.memory_space<vmem>>
    %dma_wait3A_2721 = tpu.memref_squeeze %dma_wait3A_2720 : memref<1x8x128xf32, #tpu.memory_space<vmem>> -> memref<8x128xf32, #tpu.memory_space<vmem>>
    %dma_wait3A_2722 = tpu.memref_slice %arg3[%multiple_of3A_2157, %multiple_of3A_2184] : memref<100000x1024xf32, #tpu.memory_space<hbm>> -> memref<8x128xf32, #tpu.memory_space<hbm>>
    %dma_wait3A_2723 = arith.constant 0 : i32
    %dma_wait3A_2724 = arith.constant 0 : i32
    %dma_wait3A_2725 = tpu.memref_slice %arg9[%dma_wait3A_2717, %dma_wait3A_2723, %dma_wait3A_2724] : memref<16x8x128xf32, #tpu.memory_space<vmem>> -> memref<1x8x128xf32, #tpu.memory_space<vmem>>
    %dma_wait3A_2726 = tpu.memref_squeeze %dma_wait3A_2725 : memref<1x8x128xf32, #tpu.memory_space<vmem>> -> memref<8x128xf32, #tpu.memory_space<vmem>>
    %dma_wait3A_2727 = tpu.memref_slice %arg3[%multiple_of3A_2157, %multiple_of3A_2184] : memref<100000x1024xf32, #tpu.memory_space<hbm>> -> memref<8x128xf32, #tpu.memory_space<hbm>>
    tpu.wait_dma2 semaphore(%arg16 : memref<!tpu.dma_semaphore, #tpu.memory_space<semaphore_mem>>) src(%dma_wait3A_2727 : memref<8x128xf32, #tpu.memory_space<hbm>>) dst(%dma_wait3A_2726 : memref<8x128xf32, #tpu.memory_space<vmem>>)
    %dma_wait3A_2728 = arith.constant 9 : i32
    %dma_wait3A_2729 = arith.constant 0 : i32
    %dma_wait3A_2730 = arith.constant 0 : i32
    %dma_wait3A_2731 = tpu.memref_slice %arg10[%dma_wait3A_2728, %dma_wait3A_2729, %dma_wait3A_2730] : memref<16x8x128xf32, #tpu.memory_space<vmem>> -> memref<1x8x128xf32, #tpu.memory_space<vmem>>
    %dma_wait3A_2732 = tpu.memref_squeeze %dma_wait3A_2731 : memref<1x8x128xf32, #tpu.memory_space<vmem>> -> memref<8x128xf32, #tpu.memory_space<vmem>>
    %dma_wait3A_2733 = tpu.memref_slice %arg4[%multiple_of3A_2157, %multiple_of3A_2184] : memref<100000x1024xf32, #tpu.memory_space<hbm>> -> memref<8x128xf32, #tpu.memory_space<hbm>>
    %dma_wait3A_2734 = arith.constant 0 : i32
    %dma_wait3A_2735 = arith.constant 0 : i32
    %dma_wait3A_2736 = tpu.memref_slice %arg10[%dma_wait3A_2728, %dma_wait3A_2734, %dma_wait3A_2735] : memref<16x8x128xf32, #tpu.memory_space<vmem>> -> memref<1x8x128xf32, #tpu.memory_space<vmem>>
    %dma_wait3A_2737 = tpu.memref_squeeze %dma_wait3A_2736 : memref<1x8x128xf32, #tpu.memory_space<vmem>> -> memref<8x128xf32, #tpu.memory_space<vmem>>
    %dma_wait3A_2738 = tpu.memref_slice %arg4[%multiple_of3A_2157, %multiple_of3A_2184] : memref<100000x1024xf32, #tpu.memory_space<hbm>> -> memref<8x128xf32, #tpu.memory_space<hbm>>
    tpu.wait_dma2 semaphore(%arg17 : memref<!tpu.dma_semaphore, #tpu.memory_space<semaphore_mem>>) src(%dma_wait3A_2738 : memref<8x128xf32, #tpu.memory_space<hbm>>) dst(%dma_wait3A_2737 : memref<8x128xf32, #tpu.memory_space<vmem>>)
    %dma_wait3A_2739 = arith.constant 10 : i32
    %dma_wait3A_2740 = arith.constant 0 : i32
    %dma_wait3A_2741 = arith.constant 0 : i32
    %dma_wait3A_2742 = tpu.memref_slice %arg9[%dma_wait3A_2739, %dma_wait3A_2740, %dma_wait3A_2741] : memref<16x8x128xf32, #tpu.memory_space<vmem>> -> memref<1x8x128xf32, #tpu.memory_space<vmem>>
    %dma_wait3A_2743 = tpu.memref_squeeze %dma_wait3A_2742 : memref<1x8x128xf32, #tpu.memory_space<vmem>> -> memref<8x128xf32, #tpu.memory_space<vmem>>
    %dma_wait3A_2744 = tpu.memref_slice %arg3[%multiple_of3A_2209, %multiple_of3A_2236] : memref<100000x1024xf32, #tpu.memory_space<hbm>> -> memref<8x128xf32, #tpu.memory_space<hbm>>
    %dma_wait3A_2745 = arith.constant 0 : i32
    %dma_wait3A_2746 = arith.constant 0 : i32
    %dma_wait3A_2747 = tpu.memref_slice %arg9[%dma_wait3A_2739, %dma_wait3A_2745, %dma_wait3A_2746] : memref<16x8x128xf32, #tpu.memory_space<vmem>> -> memref<1x8x128xf32, #tpu.memory_space<vmem>>
    %dma_wait3A_2748 = tpu.memref_squeeze %dma_wait3A_2747 : memref<1x8x128xf32, #tpu.memory_space<vmem>> -> memref<8x128xf32, #tpu.memory_space<vmem>>
    %dma_wait3A_2749 = tpu.memref_slice %arg3[%multiple_of3A_2209, %multiple_of3A_2236] : memref<100000x1024xf32, #tpu.memory_space<hbm>> -> memref<8x128xf32, #tpu.memory_space<hbm>>
    tpu.wait_dma2 semaphore(%arg16 : memref<!tpu.dma_semaphore, #tpu.memory_space<semaphore_mem>>) src(%dma_wait3A_2749 : memref<8x128xf32, #tpu.memory_space<hbm>>) dst(%dma_wait3A_2748 : memref<8x128xf32, #tpu.memory_space<vmem>>)
    %dma_wait3A_2750 = arith.constant 10 : i32
    %dma_wait3A_2751 = arith.constant 0 : i32
    %dma_wait3A_2752 = arith.constant 0 : i32
    %dma_wait3A_2753 = tpu.memref_slice %arg10[%dma_wait3A_2750, %dma_wait3A_2751, %dma_wait3A_2752] : memref<16x8x128xf32, #tpu.memory_space<vmem>> -> memref<1x8x128xf32, #tpu.memory_space<vmem>>
    %dma_wait3A_2754 = tpu.memref_squeeze %dma_wait3A_2753 : memref<1x8x128xf32, #tpu.memory_space<vmem>> -> memref<8x128xf32, #tpu.memory_space<vmem>>
    %dma_wait3A_2755 = tpu.memref_slice %arg4[%multiple_of3A_2209, %multiple_of3A_2236] : memref<100000x1024xf32, #tpu.memory_space<hbm>> -> memref<8x128xf32, #tpu.memory_space<hbm>>
    %dma_wait3A_2756 = arith.constant 0 : i32
    %dma_wait3A_2757 = arith.constant 0 : i32
    %dma_wait3A_2758 = tpu.memref_slice %arg10[%dma_wait3A_2750, %dma_wait3A_2756, %dma_wait3A_2757] : memref<16x8x128xf32, #tpu.memory_space<vmem>> -> memref<1x8x128xf32, #tpu.memory_space<vmem>>
    %dma_wait3A_2759 = tpu.memref_squeeze %dma_wait3A_2758 : memref<1x8x128xf32, #tpu.memory_space<vmem>> -> memref<8x128xf32, #tpu.memory_space<vmem>>
    %dma_wait3A_2760 = tpu.memref_slice %arg4[%multiple_of3A_2209, %multiple_of3A_2236] : memref<100000x1024xf32, #tpu.memory_space<hbm>> -> memref<8x128xf32, #tpu.memory_space<hbm>>
    tpu.wait_dma2 semaphore(%arg17 : memref<!tpu.dma_semaphore, #tpu.memory_space<semaphore_mem>>) src(%dma_wait3A_2760 : memref<8x128xf32, #tpu.memory_space<hbm>>) dst(%dma_wait3A_2759 : memref<8x128xf32, #tpu.memory_space<vmem>>)
    %dma_wait3A_2761 = arith.constant 11 : i32
    %dma_wait3A_2762 = arith.constant 0 : i32
    %dma_wait3A_2763 = arith.constant 0 : i32
    %dma_wait3A_2764 = tpu.memref_slice %arg9[%dma_wait3A_2761, %dma_wait3A_2762, %dma_wait3A_2763] : memref<16x8x128xf32, #tpu.memory_space<vmem>> -> memref<1x8x128xf32, #tpu.memory_space<vmem>>
    %dma_wait3A_2765 = tpu.memref_squeeze %dma_wait3A_2764 : memref<1x8x128xf32, #tpu.memory_space<vmem>> -> memref<8x128xf32, #tpu.memory_space<vmem>>
    %dma_wait3A_2766 = tpu.memref_slice %arg3[%multiple_of3A_2261, %multiple_of3A_2288] : memref<100000x1024xf32, #tpu.memory_space<hbm>> -> memref<8x128xf32, #tpu.memory_space<hbm>>
    %dma_wait3A_2767 = arith.constant 0 : i32
    %dma_wait3A_2768 = arith.constant 0 : i32
    %dma_wait3A_2769 = tpu.memref_slice %arg9[%dma_wait3A_2761, %dma_wait3A_2767, %dma_wait3A_2768] : memref<16x8x128xf32, #tpu.memory_space<vmem>> -> memref<1x8x128xf32, #tpu.memory_space<vmem>>
    %dma_wait3A_2770 = tpu.memref_squeeze %dma_wait3A_2769 : memref<1x8x128xf32, #tpu.memory_space<vmem>> -> memref<8x128xf32, #tpu.memory_space<vmem>>
    %dma_wait3A_2771 = tpu.memref_slice %arg3[%multiple_of3A_2261, %multiple_of3A_2288] : memref<100000x1024xf32, #tpu.memory_space<hbm>> -> memref<8x128xf32, #tpu.memory_space<hbm>>
    tpu.wait_dma2 semaphore(%arg16 : memref<!tpu.dma_semaphore, #tpu.memory_space<semaphore_mem>>) src(%dma_wait3A_2771 : memref<8x128xf32, #tpu.memory_space<hbm>>) dst(%dma_wait3A_2770 : memref<8x128xf32, #tpu.memory_space<vmem>>)
    %dma_wait3A_2772 = arith.constant 11 : i32
    %dma_wait3A_2773 = arith.constant 0 : i32
    %dma_wait3A_2774 = arith.constant 0 : i32
    %dma_wait3A_2775 = tpu.memref_slice %arg10[%dma_wait3A_2772, %dma_wait3A_2773, %dma_wait3A_2774] : memref<16x8x128xf32, #tpu.memory_space<vmem>> -> memref<1x8x128xf32, #tpu.memory_space<vmem>>
    %dma_wait3A_2776 = tpu.memref_squeeze %dma_wait3A_2775 : memref<1x8x128xf32, #tpu.memory_space<vmem>> -> memref<8x128xf32, #tpu.memory_space<vmem>>
    %dma_wait3A_2777 = tpu.memref_slice %arg4[%multiple_of3A_2261, %multiple_of3A_2288] : memref<100000x1024xf32, #tpu.memory_space<hbm>> -> memref<8x128xf32, #tpu.memory_space<hbm>>
    %dma_wait3A_2778 = arith.constant 0 : i32
    %dma_wait3A_2779 = arith.constant 0 : i32
    %dma_wait3A_2780 = tpu.memref_slice %arg10[%dma_wait3A_2772, %dma_wait3A_2778, %dma_wait3A_2779] : memref<16x8x128xf32, #tpu.memory_space<vmem>> -> memref<1x8x128xf32, #tpu.memory_space<vmem>>
    %dma_wait3A_2781 = tpu.memref_squeeze %dma_wait3A_2780 : memref<1x8x128xf32, #tpu.memory_space<vmem>> -> memref<8x128xf32, #tpu.memory_space<vmem>>
    %dma_wait3A_2782 = tpu.memref_slice %arg4[%multiple_of3A_2261, %multiple_of3A_2288] : memref<100000x1024xf32, #tpu.memory_space<hbm>> -> memref<8x128xf32, #tpu.memory_space<hbm>>
    tpu.wait_dma2 semaphore(%arg17 : memref<!tpu.dma_semaphore, #tpu.memory_space<semaphore_mem>>) src(%dma_wait3A_2782 : memref<8x128xf32, #tpu.memory_space<hbm>>) dst(%dma_wait3A_2781 : memref<8x128xf32, #tpu.memory_space<vmem>>)
    %dma_wait3A_2783 = arith.constant 12 : i32
    %dma_wait3A_2784 = arith.constant 0 : i32
    %dma_wait3A_2785 = arith.constant 0 : i32
    %dma_wait3A_2786 = tpu.memref_slice %arg9[%dma_wait3A_2783, %dma_wait3A_2784, %dma_wait3A_2785] : memref<16x8x128xf32, #tpu.memory_space<vmem>> -> memref<1x8x128xf32, #tpu.memory_space<vmem>>
    %dma_wait3A_2787 = tpu.memref_squeeze %dma_wait3A_2786 : memref<1x8x128xf32, #tpu.memory_space<vmem>> -> memref<8x128xf32, #tpu.memory_space<vmem>>
    %dma_wait3A_2788 = tpu.memref_slice %arg3[%multiple_of3A_2313, %multiple_of3A_2340] : memref<100000x1024xf32, #tpu.memory_space<hbm>> -> memref<8x128xf32, #tpu.memory_space<hbm>>
    %dma_wait3A_2789 = arith.constant 0 : i32
    %dma_wait3A_2790 = arith.constant 0 : i32
    %dma_wait3A_2791 = tpu.memref_slice %arg9[%dma_wait3A_2783, %dma_wait3A_2789, %dma_wait3A_2790] : memref<16x8x128xf32, #tpu.memory_space<vmem>> -> memref<1x8x128xf32, #tpu.memory_space<vmem>>
    %dma_wait3A_2792 = tpu.memref_squeeze %dma_wait3A_2791 : memref<1x8x128xf32, #tpu.memory_space<vmem>> -> memref<8x128xf32, #tpu.memory_space<vmem>>
    %dma_wait3A_2793 = tpu.memref_slice %arg3[%multiple_of3A_2313, %multiple_of3A_2340] : memref<100000x1024xf32, #tpu.memory_space<hbm>> -> memref<8x128xf32, #tpu.memory_space<hbm>>
    tpu.wait_dma2 semaphore(%arg16 : memref<!tpu.dma_semaphore, #tpu.memory_space<semaphore_mem>>) src(%dma_wait3A_2793 : memref<8x128xf32, #tpu.memory_space<hbm>>) dst(%dma_wait3A_2792 : memref<8x128xf32, #tpu.memory_space<vmem>>)
    %dma_wait3A_2794 = arith.constant 12 : i32
    %dma_wait3A_2795 = arith.constant 0 : i32
    %dma_wait3A_2796 = arith.constant 0 : i32
    %dma_wait3A_2797 = tpu.memref_slice %arg10[%dma_wait3A_2794, %dma_wait3A_2795, %dma_wait3A_2796] : memref<16x8x128xf32, #tpu.memory_space<vmem>> -> memref<1x8x128xf32, #tpu.memory_space<vmem>>
    %dma_wait3A_2798 = tpu.memref_squeeze %dma_wait3A_2797 : memref<1x8x128xf32, #tpu.memory_space<vmem>> -> memref<8x128xf32, #tpu.memory_space<vmem>>
    %dma_wait3A_2799 = tpu.memref_slice %arg4[%multiple_of3A_2313, %multiple_of3A_2340] : memref<100000x1024xf32, #tpu.memory_space<hbm>> -> memref<8x128xf32, #tpu.memory_space<hbm>>
    %dma_wait3A_2800 = arith.constant 0 : i32
    %dma_wait3A_2801 = arith.constant 0 : i32
    %dma_wait3A_2802 = tpu.memref_slice %arg10[%dma_wait3A_2794, %dma_wait3A_2800, %dma_wait3A_2801] : memref<16x8x128xf32, #tpu.memory_space<vmem>> -> memref<1x8x128xf32, #tpu.memory_space<vmem>>
    %dma_wait3A_2803 = tpu.memref_squeeze %dma_wait3A_2802 : memref<1x8x128xf32, #tpu.memory_space<vmem>> -> memref<8x128xf32, #tpu.memory_space<vmem>>
    %dma_wait3A_2804 = tpu.memref_slice %arg4[%multiple_of3A_2313, %multiple_of3A_2340] : memref<100000x1024xf32, #tpu.memory_space<hbm>> -> memref<8x128xf32, #tpu.memory_space<hbm>>
    tpu.wait_dma2 semaphore(%arg17 : memref<!tpu.dma_semaphore, #tpu.memory_space<semaphore_mem>>) src(%dma_wait3A_2804 : memref<8x128xf32, #tpu.memory_space<hbm>>) dst(%dma_wait3A_2803 : memref<8x128xf32, #tpu.memory_space<vmem>>)
    %dma_wait3A_2805 = arith.constant 13 : i32
    %dma_wait3A_2806 = arith.constant 0 : i32
    %dma_wait3A_2807 = arith.constant 0 : i32
    %dma_wait3A_2808 = tpu.memref_slice %arg9[%dma_wait3A_2805, %dma_wait3A_2806, %dma_wait3A_2807] : memref<16x8x128xf32, #tpu.memory_space<vmem>> -> memref<1x8x128xf32, #tpu.memory_space<vmem>>
    %dma_wait3A_2809 = tpu.memref_squeeze %dma_wait3A_2808 : memref<1x8x128xf32, #tpu.memory_space<vmem>> -> memref<8x128xf32, #tpu.memory_space<vmem>>
    %dma_wait3A_2810 = tpu.memref_slice %arg3[%multiple_of3A_2365, %multiple_of3A_2392] : memref<100000x1024xf32, #tpu.memory_space<hbm>> -> memref<8x128xf32, #tpu.memory_space<hbm>>
    %dma_wait3A_2811 = arith.constant 0 : i32
    %dma_wait3A_2812 = arith.constant 0 : i32
    %dma_wait3A_2813 = tpu.memref_slice %arg9[%dma_wait3A_2805, %dma_wait3A_2811, %dma_wait3A_2812] : memref<16x8x128xf32, #tpu.memory_space<vmem>> -> memref<1x8x128xf32, #tpu.memory_space<vmem>>
    %dma_wait3A_2814 = tpu.memref_squeeze %dma_wait3A_2813 : memref<1x8x128xf32, #tpu.memory_space<vmem>> -> memref<8x128xf32, #tpu.memory_space<vmem>>
    %dma_wait3A_2815 = tpu.memref_slice %arg3[%multiple_of3A_2365, %multiple_of3A_2392] : memref<100000x1024xf32, #tpu.memory_space<hbm>> -> memref<8x128xf32, #tpu.memory_space<hbm>>
    tpu.wait_dma2 semaphore(%arg16 : memref<!tpu.dma_semaphore, #tpu.memory_space<semaphore_mem>>) src(%dma_wait3A_2815 : memref<8x128xf32, #tpu.memory_space<hbm>>) dst(%dma_wait3A_2814 : memref<8x128xf32, #tpu.memory_space<vmem>>)
    %dma_wait3A_2816 = arith.constant 13 : i32
    %dma_wait3A_2817 = arith.constant 0 : i32
    %dma_wait3A_2818 = arith.constant 0 : i32
    %dma_wait3A_2819 = tpu.memref_slice %arg10[%dma_wait3A_2816, %dma_wait3A_2817, %dma_wait3A_2818] : memref<16x8x128xf32, #tpu.memory_space<vmem>> -> memref<1x8x128xf32, #tpu.memory_space<vmem>>
    %dma_wait3A_2820 = tpu.memref_squeeze %dma_wait3A_2819 : memref<1x8x128xf32, #tpu.memory_space<vmem>> -> memref<8x128xf32, #tpu.memory_space<vmem>>
    %dma_wait3A_2821 = tpu.memref_slice %arg4[%multiple_of3A_2365, %multiple_of3A_2392] : memref<100000x1024xf32, #tpu.memory_space<hbm>> -> memref<8x128xf32, #tpu.memory_space<hbm>>
    %dma_wait3A_2822 = arith.constant 0 : i32
    %dma_wait3A_2823 = arith.constant 0 : i32
    %dma_wait3A_2824 = tpu.memref_slice %arg10[%dma_wait3A_2816, %dma_wait3A_2822, %dma_wait3A_2823] : memref<16x8x128xf32, #tpu.memory_space<vmem>> -> memref<1x8x128xf32, #tpu.memory_space<vmem>>
    %dma_wait3A_2825 = tpu.memref_squeeze %dma_wait3A_2824 : memref<1x8x128xf32, #tpu.memory_space<vmem>> -> memref<8x128xf32, #tpu.memory_space<vmem>>
    %dma_wait3A_2826 = tpu.memref_slice %arg4[%multiple_of3A_2365, %multiple_of3A_2392] : memref<100000x1024xf32, #tpu.memory_space<hbm>> -> memref<8x128xf32, #tpu.memory_space<hbm>>
    tpu.wait_dma2 semaphore(%arg17 : memref<!tpu.dma_semaphore, #tpu.memory_space<semaphore_mem>>) src(%dma_wait3A_2826 : memref<8x128xf32, #tpu.memory_space<hbm>>) dst(%dma_wait3A_2825 : memref<8x128xf32, #tpu.memory_space<vmem>>)
    %dma_wait3A_2827 = arith.constant 14 : i32
    %dma_wait3A_2828 = arith.constant 0 : i32
    %dma_wait3A_2829 = arith.constant 0 : i32
    %dma_wait3A_2830 = tpu.memref_slice %arg9[%dma_wait3A_2827, %dma_wait3A_2828, %dma_wait3A_2829] : memref<16x8x128xf32, #tpu.memory_space<vmem>> -> memref<1x8x128xf32, #tpu.memory_space<vmem>>
    %dma_wait3A_2831 = tpu.memref_squeeze %dma_wait3A_2830 : memref<1x8x128xf32, #tpu.memory_space<vmem>> -> memref<8x128xf32, #tpu.memory_space<vmem>>
    %dma_wait3A_2832 = tpu.memref_slice %arg3[%multiple_of3A_2417, %multiple_of3A_2444] : memref<100000x1024xf32, #tpu.memory_space<hbm>> -> memref<8x128xf32, #tpu.memory_space<hbm>>
    %dma_wait3A_2833 = arith.constant 0 : i32
    %dma_wait3A_2834 = arith.constant 0 : i32
    %dma_wait3A_2835 = tpu.memref_slice %arg9[%dma_wait3A_2827, %dma_wait3A_2833, %dma_wait3A_2834] : memref<16x8x128xf32, #tpu.memory_space<vmem>> -> memref<1x8x128xf32, #tpu.memory_space<vmem>>
    %dma_wait3A_2836 = tpu.memref_squeeze %dma_wait3A_2835 : memref<1x8x128xf32, #tpu.memory_space<vmem>> -> memref<8x128xf32, #tpu.memory_space<vmem>>
    %dma_wait3A_2837 = tpu.memref_slice %arg3[%multiple_of3A_2417, %multiple_of3A_2444] : memref<100000x1024xf32, #tpu.memory_space<hbm>> -> memref<8x128xf32, #tpu.memory_space<hbm>>
    tpu.wait_dma2 semaphore(%arg16 : memref<!tpu.dma_semaphore, #tpu.memory_space<semaphore_mem>>) src(%dma_wait3A_2837 : memref<8x128xf32, #tpu.memory_space<hbm>>) dst(%dma_wait3A_2836 : memref<8x128xf32, #tpu.memory_space<vmem>>)
    %dma_wait3A_2838 = arith.constant 14 : i32
    %dma_wait3A_2839 = arith.constant 0 : i32
    %dma_wait3A_2840 = arith.constant 0 : i32
    %dma_wait3A_2841 = tpu.memref_slice %arg10[%dma_wait3A_2838, %dma_wait3A_2839, %dma_wait3A_2840] : memref<16x8x128xf32, #tpu.memory_space<vmem>> -> memref<1x8x128xf32, #tpu.memory_space<vmem>>
    %dma_wait3A_2842 = tpu.memref_squeeze %dma_wait3A_2841 : memref<1x8x128xf32, #tpu.memory_space<vmem>> -> memref<8x128xf32, #tpu.memory_space<vmem>>
    %dma_wait3A_2843 = tpu.memref_slice %arg4[%multiple_of3A_2417, %multiple_of3A_2444] : memref<100000x1024xf32, #tpu.memory_space<hbm>> -> memref<8x128xf32, #tpu.memory_space<hbm>>
    %dma_wait3A_2844 = arith.constant 0 : i32
    %dma_wait3A_2845 = arith.constant 0 : i32
    %dma_wait3A_2846 = tpu.memref_slice %arg10[%dma_wait3A_2838, %dma_wait3A_2844, %dma_wait3A_2845] : memref<16x8x128xf32, #tpu.memory_space<vmem>> -> memref<1x8x128xf32, #tpu.memory_space<vmem>>
    %dma_wait3A_2847 = tpu.memref_squeeze %dma_wait3A_2846 : memref<1x8x128xf32, #tpu.memory_space<vmem>> -> memref<8x128xf32, #tpu.memory_space<vmem>>
    %dma_wait3A_2848 = tpu.memref_slice %arg4[%multiple_of3A_2417, %multiple_of3A_2444] : memref<100000x1024xf32, #tpu.memory_space<hbm>> -> memref<8x128xf32, #tpu.memory_space<hbm>>
    tpu.wait_dma2 semaphore(%arg17 : memref<!tpu.dma_semaphore, #tpu.memory_space<semaphore_mem>>) src(%dma_wait3A_2848 : memref<8x128xf32, #tpu.memory_space<hbm>>) dst(%dma_wait3A_2847 : memref<8x128xf32, #tpu.memory_space<vmem>>)
    %dma_wait3A_2849 = arith.constant 15 : i32
    %dma_wait3A_2850 = arith.constant 0 : i32
    %dma_wait3A_2851 = arith.constant 0 : i32
    %dma_wait3A_2852 = tpu.memref_slice %arg9[%dma_wait3A_2849, %dma_wait3A_2850, %dma_wait3A_2851] : memref<16x8x128xf32, #tpu.memory_space<vmem>> -> memref<1x8x128xf32, #tpu.memory_space<vmem>>
    %dma_wait3A_2853 = tpu.memref_squeeze %dma_wait3A_2852 : memref<1x8x128xf32, #tpu.memory_space<vmem>> -> memref<8x128xf32, #tpu.memory_space<vmem>>
    %dma_wait3A_2854 = tpu.memref_slice %arg3[%multiple_of3A_2469, %multiple_of3A_2496] : memref<100000x1024xf32, #tpu.memory_space<hbm>> -> memref<8x128xf32, #tpu.memory_space<hbm>>
    %dma_wait3A_2855 = arith.constant 0 : i32
    %dma_wait3A_2856 = arith.constant 0 : i32
    %dma_wait3A_2857 = tpu.memref_slice %arg9[%dma_wait3A_2849, %dma_wait3A_2855, %dma_wait3A_2856] : memref<16x8x128xf32, #tpu.memory_space<vmem>> -> memref<1x8x128xf32, #tpu.memory_space<vmem>>
    %dma_wait3A_2858 = tpu.memref_squeeze %dma_wait3A_2857 : memref<1x8x128xf32, #tpu.memory_space<vmem>> -> memref<8x128xf32, #tpu.memory_space<vmem>>
    %dma_wait3A_2859 = tpu.memref_slice %arg3[%multiple_of3A_2469, %multiple_of3A_2496] : memref<100000x1024xf32, #tpu.memory_space<hbm>> -> memref<8x128xf32, #tpu.memory_space<hbm>>
    tpu.wait_dma2 semaphore(%arg16 : memref<!tpu.dma_semaphore, #tpu.memory_space<semaphore_mem>>) src(%dma_wait3A_2859 : memref<8x128xf32, #tpu.memory_space<hbm>>) dst(%dma_wait3A_2858 : memref<8x128xf32, #tpu.memory_space<vmem>>)
    %dma_wait3A_2860 = arith.constant 15 : i32
    %dma_wait3A_2861 = arith.constant 0 : i32
    %dma_wait3A_2862 = arith.constant 0 : i32
    %dma_wait3A_2863 = tpu.memref_slice %arg10[%dma_wait3A_2860, %dma_wait3A_2861, %dma_wait3A_2862] : memref<16x8x128xf32, #tpu.memory_space<vmem>> -> memref<1x8x128xf32, #tpu.memory_space<vmem>>
    %dma_wait3A_2864 = tpu.memref_squeeze %dma_wait3A_2863 : memref<1x8x128xf32, #tpu.memory_space<vmem>> -> memref<8x128xf32, #tpu.memory_space<vmem>>
    %dma_wait3A_2865 = tpu.memref_slice %arg4[%multiple_of3A_2469, %multiple_of3A_2496] : memref<100000x1024xf32, #tpu.memory_space<hbm>> -> memref<8x128xf32, #tpu.memory_space<hbm>>
    %dma_wait3A_2866 = arith.constant 0 : i32
    %dma_wait3A_2867 = arith.constant 0 : i32
    %dma_wait3A_2868 = tpu.memref_slice %arg10[%dma_wait3A_2860, %dma_wait3A_2866, %dma_wait3A_2867] : memref<16x8x128xf32, #tpu.memory_space<vmem>> -> memref<1x8x128xf32, #tpu.memory_space<vmem>>
    %dma_wait3A_2869 = tpu.memref_squeeze %dma_wait3A_2868 : memref<1x8x128xf32, #tpu.memory_space<vmem>> -> memref<8x128xf32, #tpu.memory_space<vmem>>
    %dma_wait3A_2870 = tpu.memref_slice %arg4[%multiple_of3A_2469, %multiple_of3A_2496] : memref<100000x1024xf32, #tpu.memory_space<hbm>> -> memref<8x128xf32, #tpu.memory_space<hbm>>
    tpu.wait_dma2 semaphore(%arg17 : memref<!tpu.dma_semaphore, #tpu.memory_space<semaphore_mem>>) src(%dma_wait3A_2870 : memref<8x128xf32, #tpu.memory_space<hbm>>) dst(%dma_wait3A_2869 : memref<8x128xf32, #tpu.memory_space<vmem>>)
    %and3A_2871 = arith.constant 7 : i32
    %and3A_2872 = vector.broadcast %and3A_2871 : i32 to vector<16xi32>
    %and3A_2873 = arith.andi %get3A_1680, %and3A_2872 : vector<16xi32>
    %jit3A_2874 = arith.constant 128 : i32
    %eq3A_2875 = arith.constant 0 : i32
    %eq3A_2876 = arith.cmpi eq, %jit3A_2874, %eq3A_2875 : i32
    %jit3A_2877 = arith.constant 1 : i32
    %select_n3A_2878 = arith.select %eq3A_2876, %jit3A_2877, %jit3A_2874 : i32
    %rem3A_2879 = arith.remsi %mul3A_2, %select_n3A_2878 : i32
    %ne3A_2880 = arith.constant 0 : i32
    %ne3A_2881 = arith.cmpi ne, %rem3A_2879, %ne3A_2880 : i32
    %lt3A_2882 = arith.constant 0 : i32
    %lt3A_2883 = arith.cmpi slt, %rem3A_2879, %lt3A_2882 : i32
    %lt3A_2884 = arith.constant 0 : i32
    %lt3A_2885 = arith.cmpi slt, %select_n3A_2878, %lt3A_2884 : i32
    %ne3A_2886 = arith.xori %lt3A_2883, %lt3A_2885 : i1
    %and3A_2887 = arith.andi %ne3A_2886, %ne3A_2881 : i1
    %add3A_2888 = arith.addi %rem3A_2879, %select_n3A_2878 : i32
    %select_n3A_2889 = arith.select %and3A_2887, %add3A_2888, %rem3A_2879 : i32
    %add3A_2890 = arith.constant 16 : i32
    %add3A_2891 = arith.addi %select_n3A_2889, %add3A_2890 : i32
    %add3A_2892 = vector.broadcast %add3A_2891 : i32 to vector<16xi32>
    %add3A_2893 = arith.addi %iota3A, %add3A_2892 : vector<16xi32>
    %gather3A_2894 = tpu.vector_load_idx %arg9[%iota3A, %and3A_2873, %add3A_2893] : memref<16x8x128xf32, #tpu.memory_space<vmem>>[vector<16xi32>, vector<16xi32>, vector<16xi32>], vector<16xf32>,
    %swap3A_2895 = arith.constant 16 : index
    %swap3A_2896 = tpu.vector_load %arg11[%swap3A_2895] {strides = array<i32>} : memref<32xf32, #tpu.memory_space<vmem>>, vector<16xf32>,
    tpu.vector_store %arg11[%swap3A_2895], %gather3A_2894 {strides = array<i32>} : memref<32xf32, #tpu.memory_space<vmem>>, vector<16xf32>,
    %gather3A_2897 = tpu.vector_load_idx %arg10[%iota3A, %and3A_2873, %add3A_2893] : memref<16x8x128xf32, #tpu.memory_space<vmem>>[vector<16xi32>, vector<16xi32>, vector<16xi32>], vector<16xf32>,
    %swap3A_2898 = arith.constant 16 : index
    %swap3A_2899 = tpu.vector_load %arg12[%swap3A_2898] {strides = array<i32>} : memref<32xf32, #tpu.memory_space<vmem>>, vector<16xf32>,
    tpu.vector_store %arg12[%swap3A_2898], %gather3A_2897 {strides = array<i32>} : memref<32xf32, #tpu.memory_space<vmem>>, vector<16xf32>,
    "tpu.region"() ({
      %run_scoped3A = tpu.sem_alloc : memref<!tpu.dma_semaphore, #tpu.memory_space<semaphore_mem>>
      %dma_start3A_2906 = tpu.memref_slice %arg5[%mul3A_2] : memref<1024xf32, #tpu.memory_space<hbm>> -> memref<32xf32, #tpu.memory_space<hbm>>
      %dma_start3A_2907 = tpu.memref_slice %arg5[%mul3A_2] : memref<1024xf32, #tpu.memory_space<hbm>> -> memref<32xf32, #tpu.memory_space<hbm>>
      tpu.enqueue_dma source(%arg11 : memref<32xf32, #tpu.memory_space<vmem>>) target(%dma_start3A_2907 : memref<32xf32, #tpu.memory_space<hbm>>) target_semaphore(%run_scoped3A : memref<!tpu.dma_semaphore, #tpu.memory_space<semaphore_mem>>)
      %dma_wait3A_2908 = tpu.memref_slice %arg5[%mul3A_2] : memref<1024xf32, #tpu.memory_space<hbm>> -> memref<32xf32, #tpu.memory_space<hbm>>
      %dma_wait3A_2909 = tpu.memref_slice %arg5[%mul3A_2] : memref<1024xf32, #tpu.memory_space<hbm>> -> memref<32xf32, #tpu.memory_space<hbm>>
      tpu.wait_dma2 semaphore(%run_scoped3A : memref<!tpu.dma_semaphore, #tpu.memory_space<semaphore_mem>>) src(%arg11 : memref<32xf32, #tpu.memory_space<vmem>>) dst(%dma_wait3A_2909 : memref<32xf32, #tpu.memory_space<hbm>>)
      tpu.yield
    }) : () -> ()
    "tpu.region"() ({
      %run_scoped3A = tpu.sem_alloc : memref<!tpu.dma_semaphore, #tpu.memory_space<semaphore_mem>>
      %dma_start3A_2906 = tpu.memref_slice %arg6[%mul3A_2] : memref<1024xf32, #tpu.memory_space<hbm>> -> memref<32xf32, #tpu.memory_space<hbm>>
      %dma_start3A_2907 = tpu.memref_slice %arg6[%mul3A_2] : memref<1024xf32, #tpu.memory_space<hbm>> -> memref<32xf32, #tpu.memory_space<hbm>>
      tpu.enqueue_dma source(%arg12 : memref<32xf32, #tpu.memory_space<vmem>>) target(%dma_start3A_2907 : memref<32xf32, #tpu.memory_space<hbm>>) target_semaphore(%run_scoped3A : memref<!tpu.dma_semaphore, #tpu.memory_space<semaphore_mem>>)
      %dma_wait3A_2908 = tpu.memref_slice %arg6[%mul3A_2] : memref<1024xf32, #tpu.memory_space<hbm>> -> memref<32xf32, #tpu.memory_space<hbm>>
      %dma_wait3A_2909 = tpu.memref_slice %arg6[%mul3A_2] : memref<1024xf32, #tpu.memory_space<hbm>> -> memref<32xf32, #tpu.memory_space<hbm>>
      tpu.wait_dma2 semaphore(%run_scoped3A : memref<!tpu.dma_semaphore, #tpu.memory_space<semaphore_mem>>) src(%arg12 : memref<32xf32, #tpu.memory_space<vmem>>) dst(%dma_wait3A_2909 : memref<32xf32, #tpu.memory_space<hbm>>)
      tpu.yield
    }) : () -> ()
    %scan3A = arith.constant 0 : i32
    %scan3A_2900 = arith.constant 0 : i32
    %scan3A_2901 = arith.constant 20 : i32
    %scan3A_2902 = arith.addi %scan3A_2900, %scan3A_2901 : i32
    %scan3A_2903 = arith.constant 1 : i32
    %scan3A_2904 = scf.for %scan3A_2906 = %scan3A_2900 to %scan3A_2902 step %scan3A_2903 iter_args(%scan3A_2907 = %scan3A) -> (i32)  : i32 {
      %mul3A_2908 = arith.constant 2 : i32
      %mul3A_2909 = arith.muli %mul3A_2908, %scan3A_2906 : i32
      %mul3A_2910 = arith.constant 8 : i32
      %mul3A_2911 = arith.muli %mul3A_2909, %mul3A_2910 : i32
      %add3A_2912 = arith.addi %add3A_6, %mul3A_2911 : i32
      %multiple_of3A_2913 = tpu.assume_multiple %add3A_2912, 8 : i32
      %dma_wait3A_2914 = arith.constant 0 : i32
      %dma_wait3A_2915 = arith.constant 0 : i32
      %dma_wait3A_2916 = arith.constant 0 : i32
      %dma_wait3A_2917 = tpu.memref_slice %arg13[%dma_wait3A_2914, %dma_wait3A_2915, %dma_wait3A_2916] : memref<8x8x128xf32, #tpu.memory_space<vmem>> -> memref<1x8x128xf32, #tpu.memory_space<vmem>>
      %dma_wait3A_2918 = tpu.memref_squeeze %dma_wait3A_2917 : memref<1x8x128xf32, #tpu.memory_space<vmem>> -> memref<8x128xf32, #tpu.memory_space<vmem>>
      %dma_wait3A_2919 = arith.constant 0 : i32
      %dma_wait3A_2920 = tpu.memref_slice %arg3[%multiple_of3A_2913, %dma_wait3A_2919] : memref<100000x1024xf32, #tpu.memory_space<hbm>> -> memref<8x128xf32, #tpu.memory_space<hbm>>
      %dma_wait3A_2921 = arith.constant 0 : i32
      %dma_wait3A_2922 = arith.constant 0 : i32
      %dma_wait3A_2923 = tpu.memref_slice %arg13[%dma_wait3A_2914, %dma_wait3A_2921, %dma_wait3A_2922] : memref<8x8x128xf32, #tpu.memory_space<vmem>> -> memref<1x8x128xf32, #tpu.memory_space<vmem>>
      %dma_wait3A_2924 = tpu.memref_squeeze %dma_wait3A_2923 : memref<1x8x128xf32, #tpu.memory_space<vmem>> -> memref<8x128xf32, #tpu.memory_space<vmem>>
      %dma_wait3A_2925 = arith.constant 0 : i32
      %dma_wait3A_2926 = tpu.memref_slice %arg3[%multiple_of3A_2913, %dma_wait3A_2925] : memref<100000x1024xf32, #tpu.memory_space<hbm>> -> memref<8x128xf32, #tpu.memory_space<hbm>>
      tpu.wait_dma2 semaphore(%arg18 : memref<!tpu.dma_semaphore, #tpu.memory_space<semaphore_mem>>) src(%dma_wait3A_2926 : memref<8x128xf32, #tpu.memory_space<hbm>>) dst(%dma_wait3A_2924 : memref<8x128xf32, #tpu.memory_space<vmem>>)
      %dma_wait3A_2927 = arith.constant 1 : i32
      %dma_wait3A_2928 = arith.constant 0 : i32
      %dma_wait3A_2929 = arith.constant 0 : i32
      %dma_wait3A_2930 = tpu.memref_slice %arg13[%dma_wait3A_2927, %dma_wait3A_2928, %dma_wait3A_2929] : memref<8x8x128xf32, #tpu.memory_space<vmem>> -> memref<1x8x128xf32, #tpu.memory_space<vmem>>
      %dma_wait3A_2931 = tpu.memref_squeeze %dma_wait3A_2930 : memref<1x8x128xf32, #tpu.memory_space<vmem>> -> memref<8x128xf32, #tpu.memory_space<vmem>>
      %dma_wait3A_2932 = arith.constant 128 : i32
      %dma_wait3A_2933 = tpu.memref_slice %arg3[%multiple_of3A_2913, %dma_wait3A_2932] : memref<100000x1024xf32, #tpu.memory_space<hbm>> -> memref<8x128xf32, #tpu.memory_space<hbm>>
      %dma_wait3A_2934 = arith.constant 0 : i32
      %dma_wait3A_2935 = arith.constant 0 : i32
      %dma_wait3A_2936 = tpu.memref_slice %arg13[%dma_wait3A_2927, %dma_wait3A_2934, %dma_wait3A_2935] : memref<8x8x128xf32, #tpu.memory_space<vmem>> -> memref<1x8x128xf32, #tpu.memory_space<vmem>>
      %dma_wait3A_2937 = tpu.memref_squeeze %dma_wait3A_2936 : memref<1x8x128xf32, #tpu.memory_space<vmem>> -> memref<8x128xf32, #tpu.memory_space<vmem>>
      %dma_wait3A_2938 = arith.constant 128 : i32
      %dma_wait3A_2939 = tpu.memref_slice %arg3[%multiple_of3A_2913, %dma_wait3A_2938] : memref<100000x1024xf32, #tpu.memory_space<hbm>> -> memref<8x128xf32, #tpu.memory_space<hbm>>
      tpu.wait_dma2 semaphore(%arg18 : memref<!tpu.dma_semaphore, #tpu.memory_space<semaphore_mem>>) src(%dma_wait3A_2939 : memref<8x128xf32, #tpu.memory_space<hbm>>) dst(%dma_wait3A_2937 : memref<8x128xf32, #tpu.memory_space<vmem>>)
      %dma_wait3A_2940 = arith.constant 2 : i32
      %dma_wait3A_2941 = arith.constant 0 : i32
      %dma_wait3A_2942 = arith.constant 0 : i32
      %dma_wait3A_2943 = tpu.memref_slice %arg13[%dma_wait3A_2940, %dma_wait3A_2941, %dma_wait3A_2942] : memref<8x8x128xf32, #tpu.memory_space<vmem>> -> memref<1x8x128xf32, #tpu.memory_space<vmem>>
      %dma_wait3A_2944 = tpu.memref_squeeze %dma_wait3A_2943 : memref<1x8x128xf32, #tpu.memory_space<vmem>> -> memref<8x128xf32, #tpu.memory_space<vmem>>
      %dma_wait3A_2945 = arith.constant 256 : i32
      %dma_wait3A_2946 = tpu.memref_slice %arg3[%multiple_of3A_2913, %dma_wait3A_2945] : memref<100000x1024xf32, #tpu.memory_space<hbm>> -> memref<8x128xf32, #tpu.memory_space<hbm>>
      %dma_wait3A_2947 = arith.constant 0 : i32
      %dma_wait3A_2948 = arith.constant 0 : i32
      %dma_wait3A_2949 = tpu.memref_slice %arg13[%dma_wait3A_2940, %dma_wait3A_2947, %dma_wait3A_2948] : memref<8x8x128xf32, #tpu.memory_space<vmem>> -> memref<1x8x128xf32, #tpu.memory_space<vmem>>
      %dma_wait3A_2950 = tpu.memref_squeeze %dma_wait3A_2949 : memref<1x8x128xf32, #tpu.memory_space<vmem>> -> memref<8x128xf32, #tpu.memory_space<vmem>>
      %dma_wait3A_2951 = arith.constant 256 : i32
      %dma_wait3A_2952 = tpu.memref_slice %arg3[%multiple_of3A_2913, %dma_wait3A_2951] : memref<100000x1024xf32, #tpu.memory_space<hbm>> -> memref<8x128xf32, #tpu.memory_space<hbm>>
      tpu.wait_dma2 semaphore(%arg18 : memref<!tpu.dma_semaphore, #tpu.memory_space<semaphore_mem>>) src(%dma_wait3A_2952 : memref<8x128xf32, #tpu.memory_space<hbm>>) dst(%dma_wait3A_2950 : memref<8x128xf32, #tpu.memory_space<vmem>>)
      %dma_wait3A_2953 = arith.constant 3 : i32
      %dma_wait3A_2954 = arith.constant 0 : i32
      %dma_wait3A_2955 = arith.constant 0 : i32
      %dma_wait3A_2956 = tpu.memref_slice %arg13[%dma_wait3A_2953, %dma_wait3A_2954, %dma_wait3A_2955] : memref<8x8x128xf32, #tpu.memory_space<vmem>> -> memref<1x8x128xf32, #tpu.memory_space<vmem>>
      %dma_wait3A_2957 = tpu.memref_squeeze %dma_wait3A_2956 : memref<1x8x128xf32, #tpu.memory_space<vmem>> -> memref<8x128xf32, #tpu.memory_space<vmem>>
      %dma_wait3A_2958 = arith.constant 384 : i32
      %dma_wait3A_2959 = tpu.memref_slice %arg3[%multiple_of3A_2913, %dma_wait3A_2958] : memref<100000x1024xf32, #tpu.memory_space<hbm>> -> memref<8x128xf32, #tpu.memory_space<hbm>>
      %dma_wait3A_2960 = arith.constant 0 : i32
      %dma_wait3A_2961 = arith.constant 0 : i32
      %dma_wait3A_2962 = tpu.memref_slice %arg13[%dma_wait3A_2953, %dma_wait3A_2960, %dma_wait3A_2961] : memref<8x8x128xf32, #tpu.memory_space<vmem>> -> memref<1x8x128xf32, #tpu.memory_space<vmem>>
      %dma_wait3A_2963 = tpu.memref_squeeze %dma_wait3A_2962 : memref<1x8x128xf32, #tpu.memory_space<vmem>> -> memref<8x128xf32, #tpu.memory_space<vmem>>
      %dma_wait3A_2964 = arith.constant 384 : i32
      %dma_wait3A_2965 = tpu.memref_slice %arg3[%multiple_of3A_2913, %dma_wait3A_2964] : memref<100000x1024xf32, #tpu.memory_space<hbm>> -> memref<8x128xf32, #tpu.memory_space<hbm>>
      tpu.wait_dma2 semaphore(%arg18 : memref<!tpu.dma_semaphore, #tpu.memory_space<semaphore_mem>>) src(%dma_wait3A_2965 : memref<8x128xf32, #tpu.memory_space<hbm>>) dst(%dma_wait3A_2963 : memref<8x128xf32, #tpu.memory_space<vmem>>)
      %dma_wait3A_2966 = arith.constant 4 : i32
      %dma_wait3A_2967 = arith.constant 0 : i32
      %dma_wait3A_2968 = arith.constant 0 : i32
      %dma_wait3A_2969 = tpu.memref_slice %arg13[%dma_wait3A_2966, %dma_wait3A_2967, %dma_wait3A_2968] : memref<8x8x128xf32, #tpu.memory_space<vmem>> -> memref<1x8x128xf32, #tpu.memory_space<vmem>>
      %dma_wait3A_2970 = tpu.memref_squeeze %dma_wait3A_2969 : memref<1x8x128xf32, #tpu.memory_space<vmem>> -> memref<8x128xf32, #tpu.memory_space<vmem>>
      %dma_wait3A_2971 = arith.constant 512 : i32
      %dma_wait3A_2972 = tpu.memref_slice %arg3[%multiple_of3A_2913, %dma_wait3A_2971] : memref<100000x1024xf32, #tpu.memory_space<hbm>> -> memref<8x128xf32, #tpu.memory_space<hbm>>
      %dma_wait3A_2973 = arith.constant 0 : i32
      %dma_wait3A_2974 = arith.constant 0 : i32
      %dma_wait3A_2975 = tpu.memref_slice %arg13[%dma_wait3A_2966, %dma_wait3A_2973, %dma_wait3A_2974] : memref<8x8x128xf32, #tpu.memory_space<vmem>> -> memref<1x8x128xf32, #tpu.memory_space<vmem>>
      %dma_wait3A_2976 = tpu.memref_squeeze %dma_wait3A_2975 : memref<1x8x128xf32, #tpu.memory_space<vmem>> -> memref<8x128xf32, #tpu.memory_space<vmem>>
      %dma_wait3A_2977 = arith.constant 512 : i32
      %dma_wait3A_2978 = tpu.memref_slice %arg3[%multiple_of3A_2913, %dma_wait3A_2977] : memref<100000x1024xf32, #tpu.memory_space<hbm>> -> memref<8x128xf32, #tpu.memory_space<hbm>>
      tpu.wait_dma2 semaphore(%arg18 : memref<!tpu.dma_semaphore, #tpu.memory_space<semaphore_mem>>) src(%dma_wait3A_2978 : memref<8x128xf32, #tpu.memory_space<hbm>>) dst(%dma_wait3A_2976 : memref<8x128xf32, #tpu.memory_space<vmem>>)
      %dma_wait3A_2979 = arith.constant 5 : i32
      %dma_wait3A_2980 = arith.constant 0 : i32
      %dma_wait3A_2981 = arith.constant 0 : i32
      %dma_wait3A_2982 = tpu.memref_slice %arg13[%dma_wait3A_2979, %dma_wait3A_2980, %dma_wait3A_2981] : memref<8x8x128xf32, #tpu.memory_space<vmem>> -> memref<1x8x128xf32, #tpu.memory_space<vmem>>
      %dma_wait3A_2983 = tpu.memref_squeeze %dma_wait3A_2982 : memref<1x8x128xf32, #tpu.memory_space<vmem>> -> memref<8x128xf32, #tpu.memory_space<vmem>>
      %dma_wait3A_2984 = arith.constant 640 : i32
      %dma_wait3A_2985 = tpu.memref_slice %arg3[%multiple_of3A_2913, %dma_wait3A_2984] : memref<100000x1024xf32, #tpu.memory_space<hbm>> -> memref<8x128xf32, #tpu.memory_space<hbm>>
      %dma_wait3A_2986 = arith.constant 0 : i32
      %dma_wait3A_2987 = arith.constant 0 : i32
      %dma_wait3A_2988 = tpu.memref_slice %arg13[%dma_wait3A_2979, %dma_wait3A_2986, %dma_wait3A_2987] : memref<8x8x128xf32, #tpu.memory_space<vmem>> -> memref<1x8x128xf32, #tpu.memory_space<vmem>>
      %dma_wait3A_2989 = tpu.memref_squeeze %dma_wait3A_2988 : memref<1x8x128xf32, #tpu.memory_space<vmem>> -> memref<8x128xf32, #tpu.memory_space<vmem>>
      %dma_wait3A_2990 = arith.constant 640 : i32
      %dma_wait3A_2991 = tpu.memref_slice %arg3[%multiple_of3A_2913, %dma_wait3A_2990] : memref<100000x1024xf32, #tpu.memory_space<hbm>> -> memref<8x128xf32, #tpu.memory_space<hbm>>
      tpu.wait_dma2 semaphore(%arg18 : memref<!tpu.dma_semaphore, #tpu.memory_space<semaphore_mem>>) src(%dma_wait3A_2991 : memref<8x128xf32, #tpu.memory_space<hbm>>) dst(%dma_wait3A_2989 : memref<8x128xf32, #tpu.memory_space<vmem>>)
      %dma_wait3A_2992 = arith.constant 6 : i32
      %dma_wait3A_2993 = arith.constant 0 : i32
      %dma_wait3A_2994 = arith.constant 0 : i32
      %dma_wait3A_2995 = tpu.memref_slice %arg13[%dma_wait3A_2992, %dma_wait3A_2993, %dma_wait3A_2994] : memref<8x8x128xf32, #tpu.memory_space<vmem>> -> memref<1x8x128xf32, #tpu.memory_space<vmem>>
      %dma_wait3A_2996 = tpu.memref_squeeze %dma_wait3A_2995 : memref<1x8x128xf32, #tpu.memory_space<vmem>> -> memref<8x128xf32, #tpu.memory_space<vmem>>
      %dma_wait3A_2997 = arith.constant 768 : i32
      %dma_wait3A_2998 = tpu.memref_slice %arg3[%multiple_of3A_2913, %dma_wait3A_2997] : memref<100000x1024xf32, #tpu.memory_space<hbm>> -> memref<8x128xf32, #tpu.memory_space<hbm>>
      %dma_wait3A_2999 = arith.constant 0 : i32
      %dma_wait3A_3000 = arith.constant 0 : i32
      %dma_wait3A_3001 = tpu.memref_slice %arg13[%dma_wait3A_2992, %dma_wait3A_2999, %dma_wait3A_3000] : memref<8x8x128xf32, #tpu.memory_space<vmem>> -> memref<1x8x128xf32, #tpu.memory_space<vmem>>
      %dma_wait3A_3002 = tpu.memref_squeeze %dma_wait3A_3001 : memref<1x8x128xf32, #tpu.memory_space<vmem>> -> memref<8x128xf32, #tpu.memory_space<vmem>>
      %dma_wait3A_3003 = arith.constant 768 : i32
      %dma_wait3A_3004 = tpu.memref_slice %arg3[%multiple_of3A_2913, %dma_wait3A_3003] : memref<100000x1024xf32, #tpu.memory_space<hbm>> -> memref<8x128xf32, #tpu.memory_space<hbm>>
      tpu.wait_dma2 semaphore(%arg18 : memref<!tpu.dma_semaphore, #tpu.memory_space<semaphore_mem>>) src(%dma_wait3A_3004 : memref<8x128xf32, #tpu.memory_space<hbm>>) dst(%dma_wait3A_3002 : memref<8x128xf32, #tpu.memory_space<vmem>>)
      %dma_wait3A_3005 = arith.constant 7 : i32
      %dma_wait3A_3006 = arith.constant 0 : i32
      %dma_wait3A_3007 = arith.constant 0 : i32
      %dma_wait3A_3008 = tpu.memref_slice %arg13[%dma_wait3A_3005, %dma_wait3A_3006, %dma_wait3A_3007] : memref<8x8x128xf32, #tpu.memory_space<vmem>> -> memref<1x8x128xf32, #tpu.memory_space<vmem>>
      %dma_wait3A_3009 = tpu.memref_squeeze %dma_wait3A_3008 : memref<1x8x128xf32, #tpu.memory_space<vmem>> -> memref<8x128xf32, #tpu.memory_space<vmem>>
      %dma_wait3A_3010 = arith.constant 896 : i32
      %dma_wait3A_3011 = tpu.memref_slice %arg3[%multiple_of3A_2913, %dma_wait3A_3010] : memref<100000x1024xf32, #tpu.memory_space<hbm>> -> memref<8x128xf32, #tpu.memory_space<hbm>>
      %dma_wait3A_3012 = arith.constant 0 : i32
      %dma_wait3A_3013 = arith.constant 0 : i32
      %dma_wait3A_3014 = tpu.memref_slice %arg13[%dma_wait3A_3005, %dma_wait3A_3012, %dma_wait3A_3013] : memref<8x8x128xf32, #tpu.memory_space<vmem>> -> memref<1x8x128xf32, #tpu.memory_space<vmem>>
      %dma_wait3A_3015 = tpu.memref_squeeze %dma_wait3A_3014 : memref<1x8x128xf32, #tpu.memory_space<vmem>> -> memref<8x128xf32, #tpu.memory_space<vmem>>
      %dma_wait3A_3016 = arith.constant 896 : i32
      %dma_wait3A_3017 = tpu.memref_slice %arg3[%multiple_of3A_2913, %dma_wait3A_3016] : memref<100000x1024xf32, #tpu.memory_space<hbm>> -> memref<8x128xf32, #tpu.memory_space<hbm>>
      tpu.wait_dma2 semaphore(%arg18 : memref<!tpu.dma_semaphore, #tpu.memory_space<semaphore_mem>>) src(%dma_wait3A_3017 : memref<8x128xf32, #tpu.memory_space<hbm>>) dst(%dma_wait3A_3015 : memref<8x128xf32, #tpu.memory_space<vmem>>)
      %parallel_loop3A = arith.constant 0 : i32
      %parallel_loop3A_3018 = arith.constant 64 : i32
      %parallel_loop3A_3019 = arith.constant 1 : i32
      scf.for %parallel_loop3A_3146 = %parallel_loop3A to %parallel_loop3A_3018 step %parallel_loop3A_3019  : i32 {
        %parallel_loop3A_3147 = arith.constant 3 : i32
        %parallel_loop3A_3148 = arith.shrsi %parallel_loop3A_3146, %parallel_loop3A_3147 : i32
        %parallel_loop3A_3149 = arith.constant 7 : i32
        %parallel_loop3A_3150 = arith.andi %parallel_loop3A_3146, %parallel_loop3A_3149 : i32
        %parallel_loop3A_3151 = arith.constant 16 : i32
        %parallel_loop3A_3152 = arith.muli %parallel_loop3A_3151, %parallel_loop3A_3150 : i32
        %parallel_loop3A_3153 = arith.constant 0 : i32
        %parallel_loop3A_3154 = arith.index_cast %parallel_loop3A_3148 : i32 to index
        %parallel_loop3A_3155 = arith.index_cast %parallel_loop3A_3153 : i32 to index
        %parallel_loop3A_3156 = arith.index_cast %parallel_loop3A_3152 : i32 to index
        %parallel_loop3A_3157 = tpu.vector_load %arg13[%parallel_loop3A_3154, %parallel_loop3A_3155, %parallel_loop3A_3156] {strides = array<i32>} : memref<8x8x128xf32, #tpu.memory_space<vmem>>, vector<16xf32>,
        %parallel_loop3A_3158 = math.exp %parallel_loop3A_3157 : vector<16xf32>
        %parallel_loop3A_3159 = arith.constant 1 : i32
        %parallel_loop3A_3160 = arith.index_cast %parallel_loop3A_3148 : i32 to index
        %parallel_loop3A_3161 = arith.index_cast %parallel_loop3A_3159 : i32 to index
        %parallel_loop3A_3162 = arith.index_cast %parallel_loop3A_3152 : i32 to index
        %parallel_loop3A_3163 = tpu.vector_load %arg13[%parallel_loop3A_3160, %parallel_loop3A_3161, %parallel_loop3A_3162] {strides = array<i32>} : memref<8x8x128xf32, #tpu.memory_space<vmem>>, vector<16xf32>,
        %parallel_loop3A_3164 = math.exp %parallel_loop3A_3163 : vector<16xf32>
        %parallel_loop3A_3165 = arith.addf %parallel_loop3A_3158, %parallel_loop3A_3164 : vector<16xf32>
        %parallel_loop3A_3166 = arith.constant 2 : i32
        %parallel_loop3A_3167 = arith.index_cast %parallel_loop3A_3148 : i32 to index
        %parallel_loop3A_3168 = arith.index_cast %parallel_loop3A_3166 : i32 to index
        %parallel_loop3A_3169 = arith.index_cast %parallel_loop3A_3152 : i32 to index
        %parallel_loop3A_3170 = tpu.vector_load %arg13[%parallel_loop3A_3167, %parallel_loop3A_3168, %parallel_loop3A_3169] {strides = array<i32>} : memref<8x8x128xf32, #tpu.memory_space<vmem>>, vector<16xf32>,
        %parallel_loop3A_3171 = math.exp %parallel_loop3A_3170 : vector<16xf32>
        %parallel_loop3A_3172 = arith.constant 3 : i32
        %parallel_loop3A_3173 = arith.index_cast %parallel_loop3A_3148 : i32 to index
        %parallel_loop3A_3174 = arith.index_cast %parallel_loop3A_3172 : i32 to index
        %parallel_loop3A_3175 = arith.index_cast %parallel_loop3A_3152 : i32 to index
        %parallel_loop3A_3176 = tpu.vector_load %arg13[%parallel_loop3A_3173, %parallel_loop3A_3174, %parallel_loop3A_3175] {strides = array<i32>} : memref<8x8x128xf32, #tpu.memory_space<vmem>>, vector<16xf32>,
        %parallel_loop3A_3177 = math.exp %parallel_loop3A_3176 : vector<16xf32>
        %parallel_loop3A_3178 = arith.addf %parallel_loop3A_3171, %parallel_loop3A_3177 : vector<16xf32>
        %parallel_loop3A_3179 = arith.constant 4 : i32
        %parallel_loop3A_3180 = arith.index_cast %parallel_loop3A_3148 : i32 to index
        %parallel_loop3A_3181 = arith.index_cast %parallel_loop3A_3179 : i32 to index
        %parallel_loop3A_3182 = arith.index_cast %parallel_loop3A_3152 : i32 to index
        %parallel_loop3A_3183 = tpu.vector_load %arg13[%parallel_loop3A_3180, %parallel_loop3A_3181, %parallel_loop3A_3182] {strides = array<i32>} : memref<8x8x128xf32, #tpu.memory_space<vmem>>, vector<16xf32>,
        %parallel_loop3A_3184 = math.exp %parallel_loop3A_3183 : vector<16xf32>
        %parallel_loop3A_3185 = arith.constant 5 : i32
        %parallel_loop3A_3186 = arith.index_cast %parallel_loop3A_3148 : i32 to index
        %parallel_loop3A_3187 = arith.index_cast %parallel_loop3A_3185 : i32 to index
        %parallel_loop3A_3188 = arith.index_cast %parallel_loop3A_3152 : i32 to index
        %parallel_loop3A_3189 = tpu.vector_load %arg13[%parallel_loop3A_3186, %parallel_loop3A_3187, %parallel_loop3A_3188] {strides = array<i32>} : memref<8x8x128xf32, #tpu.memory_space<vmem>>, vector<16xf32>,
        %parallel_loop3A_3190 = math.exp %parallel_loop3A_3189 : vector<16xf32>
        %parallel_loop3A_3191 = arith.addf %parallel_loop3A_3184, %parallel_loop3A_3190 : vector<16xf32>
        %parallel_loop3A_3192 = arith.constant 6 : i32
        %parallel_loop3A_3193 = arith.index_cast %parallel_loop3A_3148 : i32 to index
        %parallel_loop3A_3194 = arith.index_cast %parallel_loop3A_3192 : i32 to index
        %parallel_loop3A_3195 = arith.index_cast %parallel_loop3A_3152 : i32 to index
        %parallel_loop3A_3196 = tpu.vector_load %arg13[%parallel_loop3A_3193, %parallel_loop3A_3194, %parallel_loop3A_3195] {strides = array<i32>} : memref<8x8x128xf32, #tpu.memory_space<vmem>>, vector<16xf32>,
        %parallel_loop3A_3197 = math.exp %parallel_loop3A_3196 : vector<16xf32>
        %parallel_loop3A_3198 = arith.constant 7 : i32
        %parallel_loop3A_3199 = arith.index_cast %parallel_loop3A_3148 : i32 to index
        %parallel_loop3A_3200 = arith.index_cast %parallel_loop3A_3198 : i32 to index
        %parallel_loop3A_3201 = arith.index_cast %parallel_loop3A_3152 : i32 to index
        %parallel_loop3A_3202 = tpu.vector_load %arg13[%parallel_loop3A_3199, %parallel_loop3A_3200, %parallel_loop3A_3201] {strides = array<i32>} : memref<8x8x128xf32, #tpu.memory_space<vmem>>, vector<16xf32>,
        %parallel_loop3A_3203 = math.exp %parallel_loop3A_3202 : vector<16xf32>
        %parallel_loop3A_3204 = arith.addf %parallel_loop3A_3197, %parallel_loop3A_3203 : vector<16xf32>
        %parallel_loop3A_3205 = arith.index_cast %parallel_loop3A_3148 : i32 to index
        %parallel_loop3A_3206 = arith.index_cast %parallel_loop3A_3152 : i32 to index
        %parallel_loop3A_3207 = tpu.vector_load %arg15[%parallel_loop3A_3205, %parallel_loop3A_3206] {strides = array<i32>} : memref<8x128xf32, #tpu.memory_space<vmem>>, vector<16xf32>,
        %parallel_loop3A_3208 = arith.addf %parallel_loop3A_3165, %parallel_loop3A_3178 : vector<16xf32>
        %parallel_loop3A_3209 = arith.addf %parallel_loop3A_3191, %parallel_loop3A_3204 : vector<16xf32>
        %parallel_loop3A_3210 = arith.addf %parallel_loop3A_3208, %parallel_loop3A_3209 : vector<16xf32>
        %parallel_loop3A_3211 = arith.addf %parallel_loop3A_3207, %parallel_loop3A_3210 : vector<16xf32>
        %parallel_loop3A_3212 = arith.index_cast %parallel_loop3A_3148 : i32 to index
        %parallel_loop3A_3213 = arith.index_cast %parallel_loop3A_3152 : i32 to index
        %parallel_loop3A_3214 = tpu.vector_load %arg15[%parallel_loop3A_3212, %parallel_loop3A_3213] {strides = array<i32>} : memref<8x128xf32, #tpu.memory_space<vmem>>, vector<16xf32>,
        tpu.vector_store %arg15[%parallel_loop3A_3212, %parallel_loop3A_3213], %parallel_loop3A_3211 {strides = array<i32>} : memref<8x128xf32, #tpu.memory_space<vmem>>, vector<16xf32>,
      } {sc.loop_unroll_factor = 4 : i64, sc.parallel_access}
      %add3A_3020 = arith.constant 2 : i32
      %add3A_3021 = arith.addi %mul3A_2909, %add3A_3020 : i32
      %lt3A_3022 = arith.constant 40 : i32
      %lt3A_3023 = arith.cmpi slt, %add3A_3021, %lt3A_3022 : i32
      %convert_element_type3A = arith.extui %lt3A_3023 : i1 to i32
      %cond3A = arith.constant 0 : i32
      %cond3A_3024 = arith.cmpi ne, %convert_element_type3A, %cond3A : i32
      scf.if %cond3A_3024 {
        %add3A_3146 = arith.constant 2 : i32
        %add3A_3147 = arith.addi %mul3A_2909, %add3A_3146 : i32
        %mul3A_3148 = arith.constant 8 : i32
        %mul3A_3149 = arith.muli %add3A_3147, %mul3A_3148 : i32
        %add3A_3150 = arith.addi %add3A_6, %mul3A_3149 : i32
        %multiple_of3A_3151 = tpu.assume_multiple %add3A_3150, 8 : i32
        %dma_start3A_3152 = arith.constant 0 : i32
        %dma_start3A_3153 = arith.constant 0 : i32
        %dma_start3A_3154 = arith.constant 0 : i32
        %dma_start3A_3155 = tpu.memref_slice %arg13[%dma_start3A_3152, %dma_start3A_3153, %dma_start3A_3154] : memref<8x8x128xf32, #tpu.memory_space<vmem>> -> memref<1x8x128xf32, #tpu.memory_space<vmem>>
        %dma_start3A_3156 = tpu.memref_squeeze %dma_start3A_3155 : memref<1x8x128xf32, #tpu.memory_space<vmem>> -> memref<8x128xf32, #tpu.memory_space<vmem>>
        %dma_start3A_3157 = arith.constant 0 : i32
        %dma_start3A_3158 = tpu.memref_slice %arg3[%multiple_of3A_3151, %dma_start3A_3157] : memref<100000x1024xf32, #tpu.memory_space<hbm>> -> memref<8x128xf32, #tpu.memory_space<hbm>>
        %dma_start3A_3159 = arith.constant 0 : i32
        %dma_start3A_3160 = arith.constant 0 : i32
        %dma_start3A_3161 = tpu.memref_slice %arg13[%dma_start3A_3152, %dma_start3A_3159, %dma_start3A_3160] : memref<8x8x128xf32, #tpu.memory_space<vmem>> -> memref<1x8x128xf32, #tpu.memory_space<vmem>>
        %dma_start3A_3162 = tpu.memref_squeeze %dma_start3A_3161 : memref<1x8x128xf32, #tpu.memory_space<vmem>> -> memref<8x128xf32, #tpu.memory_space<vmem>>
        %dma_start3A_3163 = arith.constant 0 : i32
        %dma_start3A_3164 = tpu.memref_slice %arg3[%multiple_of3A_3151, %dma_start3A_3163] : memref<100000x1024xf32, #tpu.memory_space<hbm>> -> memref<8x128xf32, #tpu.memory_space<hbm>>
        tpu.enqueue_dma source(%dma_start3A_3164 : memref<8x128xf32, #tpu.memory_space<hbm>>) target(%dma_start3A_3162 : memref<8x128xf32, #tpu.memory_space<vmem>>) target_semaphore(%arg18 : memref<!tpu.dma_semaphore, #tpu.memory_space<semaphore_mem>>)
        %dma_start3A_3165 = arith.constant 1 : i32
        %dma_start3A_3166 = arith.constant 0 : i32
        %dma_start3A_3167 = arith.constant 0 : i32
        %dma_start3A_3168 = tpu.memref_slice %arg13[%dma_start3A_3165, %dma_start3A_3166, %dma_start3A_3167] : memref<8x8x128xf32, #tpu.memory_space<vmem>> -> memref<1x8x128xf32, #tpu.memory_space<vmem>>
        %dma_start3A_3169 = tpu.memref_squeeze %dma_start3A_3168 : memref<1x8x128xf32, #tpu.memory_space<vmem>> -> memref<8x128xf32, #tpu.memory_space<vmem>>
        %dma_start3A_3170 = arith.constant 128 : i32
        %dma_start3A_3171 = tpu.memref_slice %arg3[%multiple_of3A_3151, %dma_start3A_3170] : memref<100000x1024xf32, #tpu.memory_space<hbm>> -> memref<8x128xf32, #tpu.memory_space<hbm>>
        %dma_start3A_3172 = arith.constant 0 : i32
        %dma_start3A_3173 = arith.constant 0 : i32
        %dma_start3A_3174 = tpu.memref_slice %arg13[%dma_start3A_3165, %dma_start3A_3172, %dma_start3A_3173] : memref<8x8x128xf32, #tpu.memory_space<vmem>> -> memref<1x8x128xf32, #tpu.memory_space<vmem>>
        %dma_start3A_3175 = tpu.memref_squeeze %dma_start3A_3174 : memref<1x8x128xf32, #tpu.memory_space<vmem>> -> memref<8x128xf32, #tpu.memory_space<vmem>>
        %dma_start3A_3176 = arith.constant 128 : i32
        %dma_start3A_3177 = tpu.memref_slice %arg3[%multiple_of3A_3151, %dma_start3A_3176] : memref<100000x1024xf32, #tpu.memory_space<hbm>> -> memref<8x128xf32, #tpu.memory_space<hbm>>
        tpu.enqueue_dma source(%dma_start3A_3177 : memref<8x128xf32, #tpu.memory_space<hbm>>) target(%dma_start3A_3175 : memref<8x128xf32, #tpu.memory_space<vmem>>) target_semaphore(%arg18 : memref<!tpu.dma_semaphore, #tpu.memory_space<semaphore_mem>>)
        %dma_start3A_3178 = arith.constant 2 : i32
        %dma_start3A_3179 = arith.constant 0 : i32
        %dma_start3A_3180 = arith.constant 0 : i32
        %dma_start3A_3181 = tpu.memref_slice %arg13[%dma_start3A_3178, %dma_start3A_3179, %dma_start3A_3180] : memref<8x8x128xf32, #tpu.memory_space<vmem>> -> memref<1x8x128xf32, #tpu.memory_space<vmem>>
        %dma_start3A_3182 = tpu.memref_squeeze %dma_start3A_3181 : memref<1x8x128xf32, #tpu.memory_space<vmem>> -> memref<8x128xf32, #tpu.memory_space<vmem>>
        %dma_start3A_3183 = arith.constant 256 : i32
        %dma_start3A_3184 = tpu.memref_slice %arg3[%multiple_of3A_3151, %dma_start3A_3183] : memref<100000x1024xf32, #tpu.memory_space<hbm>> -> memref<8x128xf32, #tpu.memory_space<hbm>>
        %dma_start3A_3185 = arith.constant 0 : i32
        %dma_start3A_3186 = arith.constant 0 : i32
        %dma_start3A_3187 = tpu.memref_slice %arg13[%dma_start3A_3178, %dma_start3A_3185, %dma_start3A_3186] : memref<8x8x128xf32, #tpu.memory_space<vmem>> -> memref<1x8x128xf32, #tpu.memory_space<vmem>>
        %dma_start3A_3188 = tpu.memref_squeeze %dma_start3A_3187 : memref<1x8x128xf32, #tpu.memory_space<vmem>> -> memref<8x128xf32, #tpu.memory_space<vmem>>
        %dma_start3A_3189 = arith.constant 256 : i32
        %dma_start3A_3190 = tpu.memref_slice %arg3[%multiple_of3A_3151, %dma_start3A_3189] : memref<100000x1024xf32, #tpu.memory_space<hbm>> -> memref<8x128xf32, #tpu.memory_space<hbm>>
        tpu.enqueue_dma source(%dma_start3A_3190 : memref<8x128xf32, #tpu.memory_space<hbm>>) target(%dma_start3A_3188 : memref<8x128xf32, #tpu.memory_space<vmem>>) target_semaphore(%arg18 : memref<!tpu.dma_semaphore, #tpu.memory_space<semaphore_mem>>)
        %dma_start3A_3191 = arith.constant 3 : i32
        %dma_start3A_3192 = arith.constant 0 : i32
        %dma_start3A_3193 = arith.constant 0 : i32
        %dma_start3A_3194 = tpu.memref_slice %arg13[%dma_start3A_3191, %dma_start3A_3192, %dma_start3A_3193] : memref<8x8x128xf32, #tpu.memory_space<vmem>> -> memref<1x8x128xf32, #tpu.memory_space<vmem>>
        %dma_start3A_3195 = tpu.memref_squeeze %dma_start3A_3194 : memref<1x8x128xf32, #tpu.memory_space<vmem>> -> memref<8x128xf32, #tpu.memory_space<vmem>>
        %dma_start3A_3196 = arith.constant 384 : i32
        %dma_start3A_3197 = tpu.memref_slice %arg3[%multiple_of3A_3151, %dma_start3A_3196] : memref<100000x1024xf32, #tpu.memory_space<hbm>> -> memref<8x128xf32, #tpu.memory_space<hbm>>
        %dma_start3A_3198 = arith.constant 0 : i32
        %dma_start3A_3199 = arith.constant 0 : i32
        %dma_start3A_3200 = tpu.memref_slice %arg13[%dma_start3A_3191, %dma_start3A_3198, %dma_start3A_3199] : memref<8x8x128xf32, #tpu.memory_space<vmem>> -> memref<1x8x128xf32, #tpu.memory_space<vmem>>
        %dma_start3A_3201 = tpu.memref_squeeze %dma_start3A_3200 : memref<1x8x128xf32, #tpu.memory_space<vmem>> -> memref<8x128xf32, #tpu.memory_space<vmem>>
        %dma_start3A_3202 = arith.constant 384 : i32
        %dma_start3A_3203 = tpu.memref_slice %arg3[%multiple_of3A_3151, %dma_start3A_3202] : memref<100000x1024xf32, #tpu.memory_space<hbm>> -> memref<8x128xf32, #tpu.memory_space<hbm>>
        tpu.enqueue_dma source(%dma_start3A_3203 : memref<8x128xf32, #tpu.memory_space<hbm>>) target(%dma_start3A_3201 : memref<8x128xf32, #tpu.memory_space<vmem>>) target_semaphore(%arg18 : memref<!tpu.dma_semaphore, #tpu.memory_space<semaphore_mem>>)
        %dma_start3A_3204 = arith.constant 4 : i32
        %dma_start3A_3205 = arith.constant 0 : i32
        %dma_start3A_3206 = arith.constant 0 : i32
        %dma_start3A_3207 = tpu.memref_slice %arg13[%dma_start3A_3204, %dma_start3A_3205, %dma_start3A_3206] : memref<8x8x128xf32, #tpu.memory_space<vmem>> -> memref<1x8x128xf32, #tpu.memory_space<vmem>>
        %dma_start3A_3208 = tpu.memref_squeeze %dma_start3A_3207 : memref<1x8x128xf32, #tpu.memory_space<vmem>> -> memref<8x128xf32, #tpu.memory_space<vmem>>
        %dma_start3A_3209 = arith.constant 512 : i32
        %dma_start3A_3210 = tpu.memref_slice %arg3[%multiple_of3A_3151, %dma_start3A_3209] : memref<100000x1024xf32, #tpu.memory_space<hbm>> -> memref<8x128xf32, #tpu.memory_space<hbm>>
        %dma_start3A_3211 = arith.constant 0 : i32
        %dma_start3A_3212 = arith.constant 0 : i32
        %dma_start3A_3213 = tpu.memref_slice %arg13[%dma_start3A_3204, %dma_start3A_3211, %dma_start3A_3212] : memref<8x8x128xf32, #tpu.memory_space<vmem>> -> memref<1x8x128xf32, #tpu.memory_space<vmem>>
        %dma_start3A_3214 = tpu.memref_squeeze %dma_start3A_3213 : memref<1x8x128xf32, #tpu.memory_space<vmem>> -> memref<8x128xf32, #tpu.memory_space<vmem>>
        %dma_start3A_3215 = arith.constant 512 : i32
        %dma_start3A_3216 = tpu.memref_slice %arg3[%multiple_of3A_3151, %dma_start3A_3215] : memref<100000x1024xf32, #tpu.memory_space<hbm>> -> memref<8x128xf32, #tpu.memory_space<hbm>>
        tpu.enqueue_dma source(%dma_start3A_3216 : memref<8x128xf32, #tpu.memory_space<hbm>>) target(%dma_start3A_3214 : memref<8x128xf32, #tpu.memory_space<vmem>>) target_semaphore(%arg18 : memref<!tpu.dma_semaphore, #tpu.memory_space<semaphore_mem>>)
        %dma_start3A_3217 = arith.constant 5 : i32
        %dma_start3A_3218 = arith.constant 0 : i32
        %dma_start3A_3219 = arith.constant 0 : i32
        %dma_start3A_3220 = tpu.memref_slice %arg13[%dma_start3A_3217, %dma_start3A_3218, %dma_start3A_3219] : memref<8x8x128xf32, #tpu.memory_space<vmem>> -> memref<1x8x128xf32, #tpu.memory_space<vmem>>
        %dma_start3A_3221 = tpu.memref_squeeze %dma_start3A_3220 : memref<1x8x128xf32, #tpu.memory_space<vmem>> -> memref<8x128xf32, #tpu.memory_space<vmem>>
        %dma_start3A_3222 = arith.constant 640 : i32
        %dma_start3A_3223 = tpu.memref_slice %arg3[%multiple_of3A_3151, %dma_start3A_3222] : memref<100000x1024xf32, #tpu.memory_space<hbm>> -> memref<8x128xf32, #tpu.memory_space<hbm>>
        %dma_start3A_3224 = arith.constant 0 : i32
        %dma_start3A_3225 = arith.constant 0 : i32
        %dma_start3A_3226 = tpu.memref_slice %arg13[%dma_start3A_3217, %dma_start3A_3224, %dma_start3A_3225] : memref<8x8x128xf32, #tpu.memory_space<vmem>> -> memref<1x8x128xf32, #tpu.memory_space<vmem>>
        %dma_start3A_3227 = tpu.memref_squeeze %dma_start3A_3226 : memref<1x8x128xf32, #tpu.memory_space<vmem>> -> memref<8x128xf32, #tpu.memory_space<vmem>>
        %dma_start3A_3228 = arith.constant 640 : i32
        %dma_start3A_3229 = tpu.memref_slice %arg3[%multiple_of3A_3151, %dma_start3A_3228] : memref<100000x1024xf32, #tpu.memory_space<hbm>> -> memref<8x128xf32, #tpu.memory_space<hbm>>
        tpu.enqueue_dma source(%dma_start3A_3229 : memref<8x128xf32, #tpu.memory_space<hbm>>) target(%dma_start3A_3227 : memref<8x128xf32, #tpu.memory_space<vmem>>) target_semaphore(%arg18 : memref<!tpu.dma_semaphore, #tpu.memory_space<semaphore_mem>>)
        %dma_start3A_3230 = arith.constant 6 : i32
        %dma_start3A_3231 = arith.constant 0 : i32
        %dma_start3A_3232 = arith.constant 0 : i32
        %dma_start3A_3233 = tpu.memref_slice %arg13[%dma_start3A_3230, %dma_start3A_3231, %dma_start3A_3232] : memref<8x8x128xf32, #tpu.memory_space<vmem>> -> memref<1x8x128xf32, #tpu.memory_space<vmem>>
        %dma_start3A_3234 = tpu.memref_squeeze %dma_start3A_3233 : memref<1x8x128xf32, #tpu.memory_space<vmem>> -> memref<8x128xf32, #tpu.memory_space<vmem>>
        %dma_start3A_3235 = arith.constant 768 : i32
        %dma_start3A_3236 = tpu.memref_slice %arg3[%multiple_of3A_3151, %dma_start3A_3235] : memref<100000x1024xf32, #tpu.memory_space<hbm>> -> memref<8x128xf32, #tpu.memory_space<hbm>>
        %dma_start3A_3237 = arith.constant 0 : i32
        %dma_start3A_3238 = arith.constant 0 : i32
        %dma_start3A_3239 = tpu.memref_slice %arg13[%dma_start3A_3230, %dma_start3A_3237, %dma_start3A_3238] : memref<8x8x128xf32, #tpu.memory_space<vmem>> -> memref<1x8x128xf32, #tpu.memory_space<vmem>>
        %dma_start3A_3240 = tpu.memref_squeeze %dma_start3A_3239 : memref<1x8x128xf32, #tpu.memory_space<vmem>> -> memref<8x128xf32, #tpu.memory_space<vmem>>
        %dma_start3A_3241 = arith.constant 768 : i32
        %dma_start3A_3242 = tpu.memref_slice %arg3[%multiple_of3A_3151, %dma_start3A_3241] : memref<100000x1024xf32, #tpu.memory_space<hbm>> -> memref<8x128xf32, #tpu.memory_space<hbm>>
        tpu.enqueue_dma source(%dma_start3A_3242 : memref<8x128xf32, #tpu.memory_space<hbm>>) target(%dma_start3A_3240 : memref<8x128xf32, #tpu.memory_space<vmem>>) target_semaphore(%arg18 : memref<!tpu.dma_semaphore, #tpu.memory_space<semaphore_mem>>)
        %dma_start3A_3243 = arith.constant 7 : i32
        %dma_start3A_3244 = arith.constant 0 : i32
        %dma_start3A_3245 = arith.constant 0 : i32
        %dma_start3A_3246 = tpu.memref_slice %arg13[%dma_start3A_3243, %dma_start3A_3244, %dma_start3A_3245] : memref<8x8x128xf32, #tpu.memory_space<vmem>> -> memref<1x8x128xf32, #tpu.memory_space<vmem>>
        %dma_start3A_3247 = tpu.memref_squeeze %dma_start3A_3246 : memref<1x8x128xf32, #tpu.memory_space<vmem>> -> memref<8x128xf32, #tpu.memory_space<vmem>>
        %dma_start3A_3248 = arith.constant 896 : i32
        %dma_start3A_3249 = tpu.memref_slice %arg3[%multiple_of3A_3151, %dma_start3A_3248] : memref<100000x1024xf32, #tpu.memory_space<hbm>> -> memref<8x128xf32, #tpu.memory_space<hbm>>
        %dma_start3A_3250 = arith.constant 0 : i32
        %dma_start3A_3251 = arith.constant 0 : i32
        %dma_start3A_3252 = tpu.memref_slice %arg13[%dma_start3A_3243, %dma_start3A_3250, %dma_start3A_3251] : memref<8x8x128xf32, #tpu.memory_space<vmem>> -> memref<1x8x128xf32, #tpu.memory_space<vmem>>
        %dma_start3A_3253 = tpu.memref_squeeze %dma_start3A_3252 : memref<1x8x128xf32, #tpu.memory_space<vmem>> -> memref<8x128xf32, #tpu.memory_space<vmem>>
        %dma_start3A_3254 = arith.constant 896 : i32
        %dma_start3A_3255 = tpu.memref_slice %arg3[%multiple_of3A_3151, %dma_start3A_3254] : memref<100000x1024xf32, #tpu.memory_space<hbm>> -> memref<8x128xf32, #tpu.memory_space<hbm>>
        tpu.enqueue_dma source(%dma_start3A_3255 : memref<8x128xf32, #tpu.memory_space<hbm>>) target(%dma_start3A_3253 : memref<8x128xf32, #tpu.memory_space<vmem>>) target_semaphore(%arg18 : memref<!tpu.dma_semaphore, #tpu.memory_space<semaphore_mem>>)
      } else {
      }
      %add3A_3025 = arith.constant 1 : i32
      %add3A_3026 = arith.addi %mul3A_2909, %add3A_3025 : i32
      %mul3A_3027 = arith.constant 8 : i32
      %mul3A_3028 = arith.muli %add3A_3026, %mul3A_3027 : i32
      %add3A_3029 = arith.addi %add3A_6, %mul3A_3028 : i32
      %multiple_of3A_3030 = tpu.assume_multiple %add3A_3029, 8 : i32
      %dma_wait3A_3031 = arith.constant 0 : i32
      %dma_wait3A_3032 = arith.constant 0 : i32
      %dma_wait3A_3033 = arith.constant 0 : i32
      %dma_wait3A_3034 = tpu.memref_slice %arg14[%dma_wait3A_3031, %dma_wait3A_3032, %dma_wait3A_3033] : memref<8x8x128xf32, #tpu.memory_space<vmem>> -> memref<1x8x128xf32, #tpu.memory_space<vmem>>
      %dma_wait3A_3035 = tpu.memref_squeeze %dma_wait3A_3034 : memref<1x8x128xf32, #tpu.memory_space<vmem>> -> memref<8x128xf32, #tpu.memory_space<vmem>>
      %dma_wait3A_3036 = arith.constant 0 : i32
      %dma_wait3A_3037 = tpu.memref_slice %arg3[%multiple_of3A_3030, %dma_wait3A_3036] : memref<100000x1024xf32, #tpu.memory_space<hbm>> -> memref<8x128xf32, #tpu.memory_space<hbm>>
      %dma_wait3A_3038 = arith.constant 0 : i32
      %dma_wait3A_3039 = arith.constant 0 : i32
      %dma_wait3A_3040 = tpu.memref_slice %arg14[%dma_wait3A_3031, %dma_wait3A_3038, %dma_wait3A_3039] : memref<8x8x128xf32, #tpu.memory_space<vmem>> -> memref<1x8x128xf32, #tpu.memory_space<vmem>>
      %dma_wait3A_3041 = tpu.memref_squeeze %dma_wait3A_3040 : memref<1x8x128xf32, #tpu.memory_space<vmem>> -> memref<8x128xf32, #tpu.memory_space<vmem>>
      %dma_wait3A_3042 = arith.constant 0 : i32
      %dma_wait3A_3043 = tpu.memref_slice %arg3[%multiple_of3A_3030, %dma_wait3A_3042] : memref<100000x1024xf32, #tpu.memory_space<hbm>> -> memref<8x128xf32, #tpu.memory_space<hbm>>
      tpu.wait_dma2 semaphore(%arg19 : memref<!tpu.dma_semaphore, #tpu.memory_space<semaphore_mem>>) src(%dma_wait3A_3043 : memref<8x128xf32, #tpu.memory_space<hbm>>) dst(%dma_wait3A_3041 : memref<8x128xf32, #tpu.memory_space<vmem>>)
      %dma_wait3A_3044 = arith.constant 1 : i32
      %dma_wait3A_3045 = arith.constant 0 : i32
      %dma_wait3A_3046 = arith.constant 0 : i32
      %dma_wait3A_3047 = tpu.memref_slice %arg14[%dma_wait3A_3044, %dma_wait3A_3045, %dma_wait3A_3046] : memref<8x8x128xf32, #tpu.memory_space<vmem>> -> memref<1x8x128xf32, #tpu.memory_space<vmem>>
      %dma_wait3A_3048 = tpu.memref_squeeze %dma_wait3A_3047 : memref<1x8x128xf32, #tpu.memory_space<vmem>> -> memref<8x128xf32, #tpu.memory_space<vmem>>
      %dma_wait3A_3049 = arith.constant 128 : i32
      %dma_wait3A_3050 = tpu.memref_slice %arg3[%multiple_of3A_3030, %dma_wait3A_3049] : memref<100000x1024xf32, #tpu.memory_space<hbm>> -> memref<8x128xf32, #tpu.memory_space<hbm>>
      %dma_wait3A_3051 = arith.constant 0 : i32
      %dma_wait3A_3052 = arith.constant 0 : i32
      %dma_wait3A_3053 = tpu.memref_slice %arg14[%dma_wait3A_3044, %dma_wait3A_3051, %dma_wait3A_3052] : memref<8x8x128xf32, #tpu.memory_space<vmem>> -> memref<1x8x128xf32, #tpu.memory_space<vmem>>
      %dma_wait3A_3054 = tpu.memref_squeeze %dma_wait3A_3053 : memref<1x8x128xf32, #tpu.memory_space<vmem>> -> memref<8x128xf32, #tpu.memory_space<vmem>>
      %dma_wait3A_3055 = arith.constant 128 : i32
      %dma_wait3A_3056 = tpu.memref_slice %arg3[%multiple_of3A_3030, %dma_wait3A_3055] : memref<100000x1024xf32, #tpu.memory_space<hbm>> -> memref<8x128xf32, #tpu.memory_space<hbm>>
      tpu.wait_dma2 semaphore(%arg19 : memref<!tpu.dma_semaphore, #tpu.memory_space<semaphore_mem>>) src(%dma_wait3A_3056 : memref<8x128xf32, #tpu.memory_space<hbm>>) dst(%dma_wait3A_3054 : memref<8x128xf32, #tpu.memory_space<vmem>>)
      %dma_wait3A_3057 = arith.constant 2 : i32
      %dma_wait3A_3058 = arith.constant 0 : i32
      %dma_wait3A_3059 = arith.constant 0 : i32
      %dma_wait3A_3060 = tpu.memref_slice %arg14[%dma_wait3A_3057, %dma_wait3A_3058, %dma_wait3A_3059] : memref<8x8x128xf32, #tpu.memory_space<vmem>> -> memref<1x8x128xf32, #tpu.memory_space<vmem>>
      %dma_wait3A_3061 = tpu.memref_squeeze %dma_wait3A_3060 : memref<1x8x128xf32, #tpu.memory_space<vmem>> -> memref<8x128xf32, #tpu.memory_space<vmem>>
      %dma_wait3A_3062 = arith.constant 256 : i32
      %dma_wait3A_3063 = tpu.memref_slice %arg3[%multiple_of3A_3030, %dma_wait3A_3062] : memref<100000x1024xf32, #tpu.memory_space<hbm>> -> memref<8x128xf32, #tpu.memory_space<hbm>>
      %dma_wait3A_3064 = arith.constant 0 : i32
      %dma_wait3A_3065 = arith.constant 0 : i32
      %dma_wait3A_3066 = tpu.memref_slice %arg14[%dma_wait3A_3057, %dma_wait3A_3064, %dma_wait3A_3065] : memref<8x8x128xf32, #tpu.memory_space<vmem>> -> memref<1x8x128xf32, #tpu.memory_space<vmem>>
      %dma_wait3A_3067 = tpu.memref_squeeze %dma_wait3A_3066 : memref<1x8x128xf32, #tpu.memory_space<vmem>> -> memref<8x128xf32, #tpu.memory_space<vmem>>
      %dma_wait3A_3068 = arith.constant 256 : i32
      %dma_wait3A_3069 = tpu.memref_slice %arg3[%multiple_of3A_3030, %dma_wait3A_3068] : memref<100000x1024xf32, #tpu.memory_space<hbm>> -> memref<8x128xf32, #tpu.memory_space<hbm>>
      tpu.wait_dma2 semaphore(%arg19 : memref<!tpu.dma_semaphore, #tpu.memory_space<semaphore_mem>>) src(%dma_wait3A_3069 : memref<8x128xf32, #tpu.memory_space<hbm>>) dst(%dma_wait3A_3067 : memref<8x128xf32, #tpu.memory_space<vmem>>)
      %dma_wait3A_3070 = arith.constant 3 : i32
      %dma_wait3A_3071 = arith.constant 0 : i32
      %dma_wait3A_3072 = arith.constant 0 : i32
      %dma_wait3A_3073 = tpu.memref_slice %arg14[%dma_wait3A_3070, %dma_wait3A_3071, %dma_wait3A_3072] : memref<8x8x128xf32, #tpu.memory_space<vmem>> -> memref<1x8x128xf32, #tpu.memory_space<vmem>>
      %dma_wait3A_3074 = tpu.memref_squeeze %dma_wait3A_3073 : memref<1x8x128xf32, #tpu.memory_space<vmem>> -> memref<8x128xf32, #tpu.memory_space<vmem>>
      %dma_wait3A_3075 = arith.constant 384 : i32
      %dma_wait3A_3076 = tpu.memref_slice %arg3[%multiple_of3A_3030, %dma_wait3A_3075] : memref<100000x1024xf32, #tpu.memory_space<hbm>> -> memref<8x128xf32, #tpu.memory_space<hbm>>
      %dma_wait3A_3077 = arith.constant 0 : i32
      %dma_wait3A_3078 = arith.constant 0 : i32
      %dma_wait3A_3079 = tpu.memref_slice %arg14[%dma_wait3A_3070, %dma_wait3A_3077, %dma_wait3A_3078] : memref<8x8x128xf32, #tpu.memory_space<vmem>> -> memref<1x8x128xf32, #tpu.memory_space<vmem>>
      %dma_wait3A_3080 = tpu.memref_squeeze %dma_wait3A_3079 : memref<1x8x128xf32, #tpu.memory_space<vmem>> -> memref<8x128xf32, #tpu.memory_space<vmem>>
      %dma_wait3A_3081 = arith.constant 384 : i32
      %dma_wait3A_3082 = tpu.memref_slice %arg3[%multiple_of3A_3030, %dma_wait3A_3081] : memref<100000x1024xf32, #tpu.memory_space<hbm>> -> memref<8x128xf32, #tpu.memory_space<hbm>>
      tpu.wait_dma2 semaphore(%arg19 : memref<!tpu.dma_semaphore, #tpu.memory_space<semaphore_mem>>) src(%dma_wait3A_3082 : memref<8x128xf32, #tpu.memory_space<hbm>>) dst(%dma_wait3A_3080 : memref<8x128xf32, #tpu.memory_space<vmem>>)
      %dma_wait3A_3083 = arith.constant 4 : i32
      %dma_wait3A_3084 = arith.constant 0 : i32
      %dma_wait3A_3085 = arith.constant 0 : i32
      %dma_wait3A_3086 = tpu.memref_slice %arg14[%dma_wait3A_3083, %dma_wait3A_3084, %dma_wait3A_3085] : memref<8x8x128xf32, #tpu.memory_space<vmem>> -> memref<1x8x128xf32, #tpu.memory_space<vmem>>
      %dma_wait3A_3087 = tpu.memref_squeeze %dma_wait3A_3086 : memref<1x8x128xf32, #tpu.memory_space<vmem>> -> memref<8x128xf32, #tpu.memory_space<vmem>>
      %dma_wait3A_3088 = arith.constant 512 : i32
      %dma_wait3A_3089 = tpu.memref_slice %arg3[%multiple_of3A_3030, %dma_wait3A_3088] : memref<100000x1024xf32, #tpu.memory_space<hbm>> -> memref<8x128xf32, #tpu.memory_space<hbm>>
      %dma_wait3A_3090 = arith.constant 0 : i32
      %dma_wait3A_3091 = arith.constant 0 : i32
      %dma_wait3A_3092 = tpu.memref_slice %arg14[%dma_wait3A_3083, %dma_wait3A_3090, %dma_wait3A_3091] : memref<8x8x128xf32, #tpu.memory_space<vmem>> -> memref<1x8x128xf32, #tpu.memory_space<vmem>>
      %dma_wait3A_3093 = tpu.memref_squeeze %dma_wait3A_3092 : memref<1x8x128xf32, #tpu.memory_space<vmem>> -> memref<8x128xf32, #tpu.memory_space<vmem>>
      %dma_wait3A_3094 = arith.constant 512 : i32
      %dma_wait3A_3095 = tpu.memref_slice %arg3[%multiple_of3A_3030, %dma_wait3A_3094] : memref<100000x1024xf32, #tpu.memory_space<hbm>> -> memref<8x128xf32, #tpu.memory_space<hbm>>
      tpu.wait_dma2 semaphore(%arg19 : memref<!tpu.dma_semaphore, #tpu.memory_space<semaphore_mem>>) src(%dma_wait3A_3095 : memref<8x128xf32, #tpu.memory_space<hbm>>) dst(%dma_wait3A_3093 : memref<8x128xf32, #tpu.memory_space<vmem>>)
      %dma_wait3A_3096 = arith.constant 5 : i32
      %dma_wait3A_3097 = arith.constant 0 : i32
      %dma_wait3A_3098 = arith.constant 0 : i32
      %dma_wait3A_3099 = tpu.memref_slice %arg14[%dma_wait3A_3096, %dma_wait3A_3097, %dma_wait3A_3098] : memref<8x8x128xf32, #tpu.memory_space<vmem>> -> memref<1x8x128xf32, #tpu.memory_space<vmem>>
      %dma_wait3A_3100 = tpu.memref_squeeze %dma_wait3A_3099 : memref<1x8x128xf32, #tpu.memory_space<vmem>> -> memref<8x128xf32, #tpu.memory_space<vmem>>
      %dma_wait3A_3101 = arith.constant 640 : i32
      %dma_wait3A_3102 = tpu.memref_slice %arg3[%multiple_of3A_3030, %dma_wait3A_3101] : memref<100000x1024xf32, #tpu.memory_space<hbm>> -> memref<8x128xf32, #tpu.memory_space<hbm>>
      %dma_wait3A_3103 = arith.constant 0 : i32
      %dma_wait3A_3104 = arith.constant 0 : i32
      %dma_wait3A_3105 = tpu.memref_slice %arg14[%dma_wait3A_3096, %dma_wait3A_3103, %dma_wait3A_3104] : memref<8x8x128xf32, #tpu.memory_space<vmem>> -> memref<1x8x128xf32, #tpu.memory_space<vmem>>
      %dma_wait3A_3106 = tpu.memref_squeeze %dma_wait3A_3105 : memref<1x8x128xf32, #tpu.memory_space<vmem>> -> memref<8x128xf32, #tpu.memory_space<vmem>>
      %dma_wait3A_3107 = arith.constant 640 : i32
      %dma_wait3A_3108 = tpu.memref_slice %arg3[%multiple_of3A_3030, %dma_wait3A_3107] : memref<100000x1024xf32, #tpu.memory_space<hbm>> -> memref<8x128xf32, #tpu.memory_space<hbm>>
      tpu.wait_dma2 semaphore(%arg19 : memref<!tpu.dma_semaphore, #tpu.memory_space<semaphore_mem>>) src(%dma_wait3A_3108 : memref<8x128xf32, #tpu.memory_space<hbm>>) dst(%dma_wait3A_3106 : memref<8x128xf32, #tpu.memory_space<vmem>>)
      %dma_wait3A_3109 = arith.constant 6 : i32
      %dma_wait3A_3110 = arith.constant 0 : i32
      %dma_wait3A_3111 = arith.constant 0 : i32
      %dma_wait3A_3112 = tpu.memref_slice %arg14[%dma_wait3A_3109, %dma_wait3A_3110, %dma_wait3A_3111] : memref<8x8x128xf32, #tpu.memory_space<vmem>> -> memref<1x8x128xf32, #tpu.memory_space<vmem>>
      %dma_wait3A_3113 = tpu.memref_squeeze %dma_wait3A_3112 : memref<1x8x128xf32, #tpu.memory_space<vmem>> -> memref<8x128xf32, #tpu.memory_space<vmem>>
      %dma_wait3A_3114 = arith.constant 768 : i32
      %dma_wait3A_3115 = tpu.memref_slice %arg3[%multiple_of3A_3030, %dma_wait3A_3114] : memref<100000x1024xf32, #tpu.memory_space<hbm>> -> memref<8x128xf32, #tpu.memory_space<hbm>>
      %dma_wait3A_3116 = arith.constant 0 : i32
      %dma_wait3A_3117 = arith.constant 0 : i32
      %dma_wait3A_3118 = tpu.memref_slice %arg14[%dma_wait3A_3109, %dma_wait3A_3116, %dma_wait3A_3117] : memref<8x8x128xf32, #tpu.memory_space<vmem>> -> memref<1x8x128xf32, #tpu.memory_space<vmem>>
      %dma_wait3A_3119 = tpu.memref_squeeze %dma_wait3A_3118 : memref<1x8x128xf32, #tpu.memory_space<vmem>> -> memref<8x128xf32, #tpu.memory_space<vmem>>
      %dma_wait3A_3120 = arith.constant 768 : i32
      %dma_wait3A_3121 = tpu.memref_slice %arg3[%multiple_of3A_3030, %dma_wait3A_3120] : memref<100000x1024xf32, #tpu.memory_space<hbm>> -> memref<8x128xf32, #tpu.memory_space<hbm>>
      tpu.wait_dma2 semaphore(%arg19 : memref<!tpu.dma_semaphore, #tpu.memory_space<semaphore_mem>>) src(%dma_wait3A_3121 : memref<8x128xf32, #tpu.memory_space<hbm>>) dst(%dma_wait3A_3119 : memref<8x128xf32, #tpu.memory_space<vmem>>)
      %dma_wait3A_3122 = arith.constant 7 : i32
      %dma_wait3A_3123 = arith.constant 0 : i32
      %dma_wait3A_3124 = arith.constant 0 : i32
      %dma_wait3A_3125 = tpu.memref_slice %arg14[%dma_wait3A_3122, %dma_wait3A_3123, %dma_wait3A_3124] : memref<8x8x128xf32, #tpu.memory_space<vmem>> -> memref<1x8x128xf32, #tpu.memory_space<vmem>>
      %dma_wait3A_3126 = tpu.memref_squeeze %dma_wait3A_3125 : memref<1x8x128xf32, #tpu.memory_space<vmem>> -> memref<8x128xf32, #tpu.memory_space<vmem>>
      %dma_wait3A_3127 = arith.constant 896 : i32
      %dma_wait3A_3128 = tpu.memref_slice %arg3[%multiple_of3A_3030, %dma_wait3A_3127] : memref<100000x1024xf32, #tpu.memory_space<hbm>> -> memref<8x128xf32, #tpu.memory_space<hbm>>
      %dma_wait3A_3129 = arith.constant 0 : i32
      %dma_wait3A_3130 = arith.constant 0 : i32
      %dma_wait3A_3131 = tpu.memref_slice %arg14[%dma_wait3A_3122, %dma_wait3A_3129, %dma_wait3A_3130] : memref<8x8x128xf32, #tpu.memory_space<vmem>> -> memref<1x8x128xf32, #tpu.memory_space<vmem>>
      %dma_wait3A_3132 = tpu.memref_squeeze %dma_wait3A_3131 : memref<1x8x128xf32, #tpu.memory_space<vmem>> -> memref<8x128xf32, #tpu.memory_space<vmem>>
      %dma_wait3A_3133 = arith.constant 896 : i32
      %dma_wait3A_3134 = tpu.memref_slice %arg3[%multiple_of3A_3030, %dma_wait3A_3133] : memref<100000x1024xf32, #tpu.memory_space<hbm>> -> memref<8x128xf32, #tpu.memory_space<hbm>>
      tpu.wait_dma2 semaphore(%arg19 : memref<!tpu.dma_semaphore, #tpu.memory_space<semaphore_mem>>) src(%dma_wait3A_3134 : memref<8x128xf32, #tpu.memory_space<hbm>>) dst(%dma_wait3A_3132 : memref<8x128xf32, #tpu.memory_space<vmem>>)
      %parallel_loop3A_3135 = arith.constant 0 : i32
      %parallel_loop3A_3136 = arith.constant 64 : i32
      %parallel_loop3A_3137 = arith.constant 1 : i32
      scf.for %parallel_loop3A_3146 = %parallel_loop3A_3135 to %parallel_loop3A_3136 step %parallel_loop3A_3137  : i32 {
        %parallel_loop3A_3147 = arith.constant 3 : i32
        %parallel_loop3A_3148 = arith.shrsi %parallel_loop3A_3146, %parallel_loop3A_3147 : i32
        %parallel_loop3A_3149 = arith.constant 7 : i32
        %parallel_loop3A_3150 = arith.andi %parallel_loop3A_3146, %parallel_loop3A_3149 : i32
        %parallel_loop3A_3151 = arith.constant 16 : i32
        %parallel_loop3A_3152 = arith.muli %parallel_loop3A_3151, %parallel_loop3A_3150 : i32
        %parallel_loop3A_3153 = arith.constant 0 : i32
        %parallel_loop3A_3154 = arith.index_cast %parallel_loop3A_3148 : i32 to index
        %parallel_loop3A_3155 = arith.index_cast %parallel_loop3A_3153 : i32 to index
        %parallel_loop3A_3156 = arith.index_cast %parallel_loop3A_3152 : i32 to index
        %parallel_loop3A_3157 = tpu.vector_load %arg14[%parallel_loop3A_3154, %parallel_loop3A_3155, %parallel_loop3A_3156] {strides = array<i32>} : memref<8x8x128xf32, #tpu.memory_space<vmem>>, vector<16xf32>,
        %parallel_loop3A_3158 = math.exp %parallel_loop3A_3157 : vector<16xf32>
        %parallel_loop3A_3159 = arith.constant 1 : i32
        %parallel_loop3A_3160 = arith.index_cast %parallel_loop3A_3148 : i32 to index
        %parallel_loop3A_3161 = arith.index_cast %parallel_loop3A_3159 : i32 to index
        %parallel_loop3A_3162 = arith.index_cast %parallel_loop3A_3152 : i32 to index
        %parallel_loop3A_3163 = tpu.vector_load %arg14[%parallel_loop3A_3160, %parallel_loop3A_3161, %parallel_loop3A_3162] {strides = array<i32>} : memref<8x8x128xf32, #tpu.memory_space<vmem>>, vector<16xf32>,
        %parallel_loop3A_3164 = math.exp %parallel_loop3A_3163 : vector<16xf32>
        %parallel_loop3A_3165 = arith.addf %parallel_loop3A_3158, %parallel_loop3A_3164 : vector<16xf32>
        %parallel_loop3A_3166 = arith.constant 2 : i32
        %parallel_loop3A_3167 = arith.index_cast %parallel_loop3A_3148 : i32 to index
        %parallel_loop3A_3168 = arith.index_cast %parallel_loop3A_3166 : i32 to index
        %parallel_loop3A_3169 = arith.index_cast %parallel_loop3A_3152 : i32 to index
        %parallel_loop3A_3170 = tpu.vector_load %arg14[%parallel_loop3A_3167, %parallel_loop3A_3168, %parallel_loop3A_3169] {strides = array<i32>} : memref<8x8x128xf32, #tpu.memory_space<vmem>>, vector<16xf32>,
        %parallel_loop3A_3171 = math.exp %parallel_loop3A_3170 : vector<16xf32>
        %parallel_loop3A_3172 = arith.constant 3 : i32
        %parallel_loop3A_3173 = arith.index_cast %parallel_loop3A_3148 : i32 to index
        %parallel_loop3A_3174 = arith.index_cast %parallel_loop3A_3172 : i32 to index
        %parallel_loop3A_3175 = arith.index_cast %parallel_loop3A_3152 : i32 to index
        %parallel_loop3A_3176 = tpu.vector_load %arg14[%parallel_loop3A_3173, %parallel_loop3A_3174, %parallel_loop3A_3175] {strides = array<i32>} : memref<8x8x128xf32, #tpu.memory_space<vmem>>, vector<16xf32>,
        %parallel_loop3A_3177 = math.exp %parallel_loop3A_3176 : vector<16xf32>
        %parallel_loop3A_3178 = arith.addf %parallel_loop3A_3171, %parallel_loop3A_3177 : vector<16xf32>
        %parallel_loop3A_3179 = arith.constant 4 : i32
        %parallel_loop3A_3180 = arith.index_cast %parallel_loop3A_3148 : i32 to index
        %parallel_loop3A_3181 = arith.index_cast %parallel_loop3A_3179 : i32 to index
        %parallel_loop3A_3182 = arith.index_cast %parallel_loop3A_3152 : i32 to index
        %parallel_loop3A_3183 = tpu.vector_load %arg14[%parallel_loop3A_3180, %parallel_loop3A_3181, %parallel_loop3A_3182] {strides = array<i32>} : memref<8x8x128xf32, #tpu.memory_space<vmem>>, vector<16xf32>,
        %parallel_loop3A_3184 = math.exp %parallel_loop3A_3183 : vector<16xf32>
        %parallel_loop3A_3185 = arith.constant 5 : i32
        %parallel_loop3A_3186 = arith.index_cast %parallel_loop3A_3148 : i32 to index
        %parallel_loop3A_3187 = arith.index_cast %parallel_loop3A_3185 : i32 to index
        %parallel_loop3A_3188 = arith.index_cast %parallel_loop3A_3152 : i32 to index
        %parallel_loop3A_3189 = tpu.vector_load %arg14[%parallel_loop3A_3186, %parallel_loop3A_3187, %parallel_loop3A_3188] {strides = array<i32>} : memref<8x8x128xf32, #tpu.memory_space<vmem>>, vector<16xf32>,
        %parallel_loop3A_3190 = math.exp %parallel_loop3A_3189 : vector<16xf32>
        %parallel_loop3A_3191 = arith.addf %parallel_loop3A_3184, %parallel_loop3A_3190 : vector<16xf32>
        %parallel_loop3A_3192 = arith.constant 6 : i32
        %parallel_loop3A_3193 = arith.index_cast %parallel_loop3A_3148 : i32 to index
        %parallel_loop3A_3194 = arith.index_cast %parallel_loop3A_3192 : i32 to index
        %parallel_loop3A_3195 = arith.index_cast %parallel_loop3A_3152 : i32 to index
        %parallel_loop3A_3196 = tpu.vector_load %arg14[%parallel_loop3A_3193, %parallel_loop3A_3194, %parallel_loop3A_3195] {strides = array<i32>} : memref<8x8x128xf32, #tpu.memory_space<vmem>>, vector<16xf32>,
        %parallel_loop3A_3197 = math.exp %parallel_loop3A_3196 : vector<16xf32>
        %parallel_loop3A_3198 = arith.constant 7 : i32
        %parallel_loop3A_3199 = arith.index_cast %parallel_loop3A_3148 : i32 to index
        %parallel_loop3A_3200 = arith.index_cast %parallel_loop3A_3198 : i32 to index
        %parallel_loop3A_3201 = arith.index_cast %parallel_loop3A_3152 : i32 to index
        %parallel_loop3A_3202 = tpu.vector_load %arg14[%parallel_loop3A_3199, %parallel_loop3A_3200, %parallel_loop3A_3201] {strides = array<i32>} : memref<8x8x128xf32, #tpu.memory_space<vmem>>, vector<16xf32>,
        %parallel_loop3A_3203 = math.exp %parallel_loop3A_3202 : vector<16xf32>
        %parallel_loop3A_3204 = arith.addf %parallel_loop3A_3197, %parallel_loop3A_3203 : vector<16xf32>
        %parallel_loop3A_3205 = arith.index_cast %parallel_loop3A_3148 : i32 to index
        %parallel_loop3A_3206 = arith.index_cast %parallel_loop3A_3152 : i32 to index
        %parallel_loop3A_3207 = tpu.vector_load %arg15[%parallel_loop3A_3205, %parallel_loop3A_3206] {strides = array<i32>} : memref<8x128xf32, #tpu.memory_space<vmem>>, vector<16xf32>,
        %parallel_loop3A_3208 = arith.addf %parallel_loop3A_3165, %parallel_loop3A_3178 : vector<16xf32>
        %parallel_loop3A_3209 = arith.addf %parallel_loop3A_3191, %parallel_loop3A_3204 : vector<16xf32>
        %parallel_loop3A_3210 = arith.addf %parallel_loop3A_3208, %parallel_loop3A_3209 : vector<16xf32>
        %parallel_loop3A_3211 = arith.addf %parallel_loop3A_3207, %parallel_loop3A_3210 : vector<16xf32>
        %parallel_loop3A_3212 = arith.index_cast %parallel_loop3A_3148 : i32 to index
        %parallel_loop3A_3213 = arith.index_cast %parallel_loop3A_3152 : i32 to index
        %parallel_loop3A_3214 = tpu.vector_load %arg15[%parallel_loop3A_3212, %parallel_loop3A_3213] {strides = array<i32>} : memref<8x128xf32, #tpu.memory_space<vmem>>, vector<16xf32>,
        tpu.vector_store %arg15[%parallel_loop3A_3212, %parallel_loop3A_3213], %parallel_loop3A_3211 {strides = array<i32>} : memref<8x128xf32, #tpu.memory_space<vmem>>, vector<16xf32>,
      } {sc.loop_unroll_factor = 4 : i64, sc.parallel_access}
      %add3A_3138 = arith.constant 3 : i32
      %add3A_3139 = arith.addi %mul3A_2909, %add3A_3138 : i32
      %lt3A_3140 = arith.constant 40 : i32
      %lt3A_3141 = arith.cmpi slt, %add3A_3139, %lt3A_3140 : i32
      %convert_element_type3A_3142 = arith.extui %lt3A_3141 : i1 to i32
      %cond3A_3143 = arith.constant 0 : i32
      %cond3A_3144 = arith.cmpi ne, %convert_element_type3A_3142, %cond3A_3143 : i32
      scf.if %cond3A_3144 {
        %add3A_3146 = arith.constant 3 : i32
        %add3A_3147 = arith.addi %mul3A_2909, %add3A_3146 : i32
        %mul3A_3148 = arith.constant 8 : i32
        %mul3A_3149 = arith.muli %add3A_3147, %mul3A_3148 : i32
        %add3A_3150 = arith.addi %add3A_6, %mul3A_3149 : i32
        %multiple_of3A_3151 = tpu.assume_multiple %add3A_3150, 8 : i32
        %dma_start3A_3152 = arith.constant 0 : i32
        %dma_start3A_3153 = arith.constant 0 : i32
        %dma_start3A_3154 = arith.constant 0 : i32
        %dma_start3A_3155 = tpu.memref_slice %arg14[%dma_start3A_3152, %dma_start3A_3153, %dma_start3A_3154] : memref<8x8x128xf32, #tpu.memory_space<vmem>> -> memref<1x8x128xf32, #tpu.memory_space<vmem>>
        %dma_start3A_3156 = tpu.memref_squeeze %dma_start3A_3155 : memref<1x8x128xf32, #tpu.memory_space<vmem>> -> memref<8x128xf32, #tpu.memory_space<vmem>>
        %dma_start3A_3157 = arith.constant 0 : i32
        %dma_start3A_3158 = tpu.memref_slice %arg3[%multiple_of3A_3151, %dma_start3A_3157] : memref<100000x1024xf32, #tpu.memory_space<hbm>> -> memref<8x128xf32, #tpu.memory_space<hbm>>
        %dma_start3A_3159 = arith.constant 0 : i32
        %dma_start3A_3160 = arith.constant 0 : i32
        %dma_start3A_3161 = tpu.memref_slice %arg14[%dma_start3A_3152, %dma_start3A_3159, %dma_start3A_3160] : memref<8x8x128xf32, #tpu.memory_space<vmem>> -> memref<1x8x128xf32, #tpu.memory_space<vmem>>
        %dma_start3A_3162 = tpu.memref_squeeze %dma_start3A_3161 : memref<1x8x128xf32, #tpu.memory_space<vmem>> -> memref<8x128xf32, #tpu.memory_space<vmem>>
        %dma_start3A_3163 = arith.constant 0 : i32
        %dma_start3A_3164 = tpu.memref_slice %arg3[%multiple_of3A_3151, %dma_start3A_3163] : memref<100000x1024xf32, #tpu.memory_space<hbm>> -> memref<8x128xf32, #tpu.memory_space<hbm>>
        tpu.enqueue_dma source(%dma_start3A_3164 : memref<8x128xf32, #tpu.memory_space<hbm>>) target(%dma_start3A_3162 : memref<8x128xf32, #tpu.memory_space<vmem>>) target_semaphore(%arg19 : memref<!tpu.dma_semaphore, #tpu.memory_space<semaphore_mem>>)
        %dma_start3A_3165 = arith.constant 1 : i32
        %dma_start3A_3166 = arith.constant 0 : i32
        %dma_start3A_3167 = arith.constant 0 : i32
        %dma_start3A_3168 = tpu.memref_slice %arg14[%dma_start3A_3165, %dma_start3A_3166, %dma_start3A_3167] : memref<8x8x128xf32, #tpu.memory_space<vmem>> -> memref<1x8x128xf32, #tpu.memory_space<vmem>>
        %dma_start3A_3169 = tpu.memref_squeeze %dma_start3A_3168 : memref<1x8x128xf32, #tpu.memory_space<vmem>> -> memref<8x128xf32, #tpu.memory_space<vmem>>
        %dma_start3A_3170 = arith.constant 128 : i32
        %dma_start3A_3171 = tpu.memref_slice %arg3[%multiple_of3A_3151, %dma_start3A_3170] : memref<100000x1024xf32, #tpu.memory_space<hbm>> -> memref<8x128xf32, #tpu.memory_space<hbm>>
        %dma_start3A_3172 = arith.constant 0 : i32
        %dma_start3A_3173 = arith.constant 0 : i32
        %dma_start3A_3174 = tpu.memref_slice %arg14[%dma_start3A_3165, %dma_start3A_3172, %dma_start3A_3173] : memref<8x8x128xf32, #tpu.memory_space<vmem>> -> memref<1x8x128xf32, #tpu.memory_space<vmem>>
        %dma_start3A_3175 = tpu.memref_squeeze %dma_start3A_3174 : memref<1x8x128xf32, #tpu.memory_space<vmem>> -> memref<8x128xf32, #tpu.memory_space<vmem>>
        %dma_start3A_3176 = arith.constant 128 : i32
        %dma_start3A_3177 = tpu.memref_slice %arg3[%multiple_of3A_3151, %dma_start3A_3176] : memref<100000x1024xf32, #tpu.memory_space<hbm>> -> memref<8x128xf32, #tpu.memory_space<hbm>>
        tpu.enqueue_dma source(%dma_start3A_3177 : memref<8x128xf32, #tpu.memory_space<hbm>>) target(%dma_start3A_3175 : memref<8x128xf32, #tpu.memory_space<vmem>>) target_semaphore(%arg19 : memref<!tpu.dma_semaphore, #tpu.memory_space<semaphore_mem>>)
        %dma_start3A_3178 = arith.constant 2 : i32
        %dma_start3A_3179 = arith.constant 0 : i32
        %dma_start3A_3180 = arith.constant 0 : i32
        %dma_start3A_3181 = tpu.memref_slice %arg14[%dma_start3A_3178, %dma_start3A_3179, %dma_start3A_3180] : memref<8x8x128xf32, #tpu.memory_space<vmem>> -> memref<1x8x128xf32, #tpu.memory_space<vmem>>
        %dma_start3A_3182 = tpu.memref_squeeze %dma_start3A_3181 : memref<1x8x128xf32, #tpu.memory_space<vmem>> -> memref<8x128xf32, #tpu.memory_space<vmem>>
        %dma_start3A_3183 = arith.constant 256 : i32
        %dma_start3A_3184 = tpu.memref_slice %arg3[%multiple_of3A_3151, %dma_start3A_3183] : memref<100000x1024xf32, #tpu.memory_space<hbm>> -> memref<8x128xf32, #tpu.memory_space<hbm>>
        %dma_start3A_3185 = arith.constant 0 : i32
        %dma_start3A_3186 = arith.constant 0 : i32
        %dma_start3A_3187 = tpu.memref_slice %arg14[%dma_start3A_3178, %dma_start3A_3185, %dma_start3A_3186] : memref<8x8x128xf32, #tpu.memory_space<vmem>> -> memref<1x8x128xf32, #tpu.memory_space<vmem>>
        %dma_start3A_3188 = tpu.memref_squeeze %dma_start3A_3187 : memref<1x8x128xf32, #tpu.memory_space<vmem>> -> memref<8x128xf32, #tpu.memory_space<vmem>>
        %dma_start3A_3189 = arith.constant 256 : i32
        %dma_start3A_3190 = tpu.memref_slice %arg3[%multiple_of3A_3151, %dma_start3A_3189] : memref<100000x1024xf32, #tpu.memory_space<hbm>> -> memref<8x128xf32, #tpu.memory_space<hbm>>
        tpu.enqueue_dma source(%dma_start3A_3190 : memref<8x128xf32, #tpu.memory_space<hbm>>) target(%dma_start3A_3188 : memref<8x128xf32, #tpu.memory_space<vmem>>) target_semaphore(%arg19 : memref<!tpu.dma_semaphore, #tpu.memory_space<semaphore_mem>>)
        %dma_start3A_3191 = arith.constant 3 : i32
        %dma_start3A_3192 = arith.constant 0 : i32
        %dma_start3A_3193 = arith.constant 0 : i32
        %dma_start3A_3194 = tpu.memref_slice %arg14[%dma_start3A_3191, %dma_start3A_3192, %dma_start3A_3193] : memref<8x8x128xf32, #tpu.memory_space<vmem>> -> memref<1x8x128xf32, #tpu.memory_space<vmem>>
        %dma_start3A_3195 = tpu.memref_squeeze %dma_start3A_3194 : memref<1x8x128xf32, #tpu.memory_space<vmem>> -> memref<8x128xf32, #tpu.memory_space<vmem>>
        %dma_start3A_3196 = arith.constant 384 : i32
        %dma_start3A_3197 = tpu.memref_slice %arg3[%multiple_of3A_3151, %dma_start3A_3196] : memref<100000x1024xf32, #tpu.memory_space<hbm>> -> memref<8x128xf32, #tpu.memory_space<hbm>>
        %dma_start3A_3198 = arith.constant 0 : i32
        %dma_start3A_3199 = arith.constant 0 : i32
        %dma_start3A_3200 = tpu.memref_slice %arg14[%dma_start3A_3191, %dma_start3A_3198, %dma_start3A_3199] : memref<8x8x128xf32, #tpu.memory_space<vmem>> -> memref<1x8x128xf32, #tpu.memory_space<vmem>>
        %dma_start3A_3201 = tpu.memref_squeeze %dma_start3A_3200 : memref<1x8x128xf32, #tpu.memory_space<vmem>> -> memref<8x128xf32, #tpu.memory_space<vmem>>
        %dma_start3A_3202 = arith.constant 384 : i32
        %dma_start3A_3203 = tpu.memref_slice %arg3[%multiple_of3A_3151, %dma_start3A_3202] : memref<100000x1024xf32, #tpu.memory_space<hbm>> -> memref<8x128xf32, #tpu.memory_space<hbm>>
        tpu.enqueue_dma source(%dma_start3A_3203 : memref<8x128xf32, #tpu.memory_space<hbm>>) target(%dma_start3A_3201 : memref<8x128xf32, #tpu.memory_space<vmem>>) target_semaphore(%arg19 : memref<!tpu.dma_semaphore, #tpu.memory_space<semaphore_mem>>)
        %dma_start3A_3204 = arith.constant 4 : i32
        %dma_start3A_3205 = arith.constant 0 : i32
        %dma_start3A_3206 = arith.constant 0 : i32
        %dma_start3A_3207 = tpu.memref_slice %arg14[%dma_start3A_3204, %dma_start3A_3205, %dma_start3A_3206] : memref<8x8x128xf32, #tpu.memory_space<vmem>> -> memref<1x8x128xf32, #tpu.memory_space<vmem>>
        %dma_start3A_3208 = tpu.memref_squeeze %dma_start3A_3207 : memref<1x8x128xf32, #tpu.memory_space<vmem>> -> memref<8x128xf32, #tpu.memory_space<vmem>>
        %dma_start3A_3209 = arith.constant 512 : i32
        %dma_start3A_3210 = tpu.memref_slice %arg3[%multiple_of3A_3151, %dma_start3A_3209] : memref<100000x1024xf32, #tpu.memory_space<hbm>> -> memref<8x128xf32, #tpu.memory_space<hbm>>
        %dma_start3A_3211 = arith.constant 0 : i32
        %dma_start3A_3212 = arith.constant 0 : i32
        %dma_start3A_3213 = tpu.memref_slice %arg14[%dma_start3A_3204, %dma_start3A_3211, %dma_start3A_3212] : memref<8x8x128xf32, #tpu.memory_space<vmem>> -> memref<1x8x128xf32, #tpu.memory_space<vmem>>
        %dma_start3A_3214 = tpu.memref_squeeze %dma_start3A_3213 : memref<1x8x128xf32, #tpu.memory_space<vmem>> -> memref<8x128xf32, #tpu.memory_space<vmem>>
        %dma_start3A_3215 = arith.constant 512 : i32
        %dma_start3A_3216 = tpu.memref_slice %arg3[%multiple_of3A_3151, %dma_start3A_3215] : memref<100000x1024xf32, #tpu.memory_space<hbm>> -> memref<8x128xf32, #tpu.memory_space<hbm>>
        tpu.enqueue_dma source(%dma_start3A_3216 : memref<8x128xf32, #tpu.memory_space<hbm>>) target(%dma_start3A_3214 : memref<8x128xf32, #tpu.memory_space<vmem>>) target_semaphore(%arg19 : memref<!tpu.dma_semaphore, #tpu.memory_space<semaphore_mem>>)
        %dma_start3A_3217 = arith.constant 5 : i32
        %dma_start3A_3218 = arith.constant 0 : i32
        %dma_start3A_3219 = arith.constant 0 : i32
        %dma_start3A_3220 = tpu.memref_slice %arg14[%dma_start3A_3217, %dma_start3A_3218, %dma_start3A_3219] : memref<8x8x128xf32, #tpu.memory_space<vmem>> -> memref<1x8x128xf32, #tpu.memory_space<vmem>>
        %dma_start3A_3221 = tpu.memref_squeeze %dma_start3A_3220 : memref<1x8x128xf32, #tpu.memory_space<vmem>> -> memref<8x128xf32, #tpu.memory_space<vmem>>
        %dma_start3A_3222 = arith.constant 640 : i32
        %dma_start3A_3223 = tpu.memref_slice %arg3[%multiple_of3A_3151, %dma_start3A_3222] : memref<100000x1024xf32, #tpu.memory_space<hbm>> -> memref<8x128xf32, #tpu.memory_space<hbm>>
        %dma_start3A_3224 = arith.constant 0 : i32
        %dma_start3A_3225 = arith.constant 0 : i32
        %dma_start3A_3226 = tpu.memref_slice %arg14[%dma_start3A_3217, %dma_start3A_3224, %dma_start3A_3225] : memref<8x8x128xf32, #tpu.memory_space<vmem>> -> memref<1x8x128xf32, #tpu.memory_space<vmem>>
        %dma_start3A_3227 = tpu.memref_squeeze %dma_start3A_3226 : memref<1x8x128xf32, #tpu.memory_space<vmem>> -> memref<8x128xf32, #tpu.memory_space<vmem>>
        %dma_start3A_3228 = arith.constant 640 : i32
        %dma_start3A_3229 = tpu.memref_slice %arg3[%multiple_of3A_3151, %dma_start3A_3228] : memref<100000x1024xf32, #tpu.memory_space<hbm>> -> memref<8x128xf32, #tpu.memory_space<hbm>>
        tpu.enqueue_dma source(%dma_start3A_3229 : memref<8x128xf32, #tpu.memory_space<hbm>>) target(%dma_start3A_3227 : memref<8x128xf32, #tpu.memory_space<vmem>>) target_semaphore(%arg19 : memref<!tpu.dma_semaphore, #tpu.memory_space<semaphore_mem>>)
        %dma_start3A_3230 = arith.constant 6 : i32
        %dma_start3A_3231 = arith.constant 0 : i32
        %dma_start3A_3232 = arith.constant 0 : i32
        %dma_start3A_3233 = tpu.memref_slice %arg14[%dma_start3A_3230, %dma_start3A_3231, %dma_start3A_3232] : memref<8x8x128xf32, #tpu.memory_space<vmem>> -> memref<1x8x128xf32, #tpu.memory_space<vmem>>
        %dma_start3A_3234 = tpu.memref_squeeze %dma_start3A_3233 : memref<1x8x128xf32, #tpu.memory_space<vmem>> -> memref<8x128xf32, #tpu.memory_space<vmem>>
        %dma_start3A_3235 = arith.constant 768 : i32
        %dma_start3A_3236 = tpu.memref_slice %arg3[%multiple_of3A_3151, %dma_start3A_3235] : memref<100000x1024xf32, #tpu.memory_space<hbm>> -> memref<8x128xf32, #tpu.memory_space<hbm>>
        %dma_start3A_3237 = arith.constant 0 : i32
        %dma_start3A_3238 = arith.constant 0 : i32
        %dma_start3A_3239 = tpu.memref_slice %arg14[%dma_start3A_3230, %dma_start3A_3237, %dma_start3A_3238] : memref<8x8x128xf32, #tpu.memory_space<vmem>> -> memref<1x8x128xf32, #tpu.memory_space<vmem>>
        %dma_start3A_3240 = tpu.memref_squeeze %dma_start3A_3239 : memref<1x8x128xf32, #tpu.memory_space<vmem>> -> memref<8x128xf32, #tpu.memory_space<vmem>>
        %dma_start3A_3241 = arith.constant 768 : i32
        %dma_start3A_3242 = tpu.memref_slice %arg3[%multiple_of3A_3151, %dma_start3A_3241] : memref<100000x1024xf32, #tpu.memory_space<hbm>> -> memref<8x128xf32, #tpu.memory_space<hbm>>
        tpu.enqueue_dma source(%dma_start3A_3242 : memref<8x128xf32, #tpu.memory_space<hbm>>) target(%dma_start3A_3240 : memref<8x128xf32, #tpu.memory_space<vmem>>) target_semaphore(%arg19 : memref<!tpu.dma_semaphore, #tpu.memory_space<semaphore_mem>>)
        %dma_start3A_3243 = arith.constant 7 : i32
        %dma_start3A_3244 = arith.constant 0 : i32
        %dma_start3A_3245 = arith.constant 0 : i32
        %dma_start3A_3246 = tpu.memref_slice %arg14[%dma_start3A_3243, %dma_start3A_3244, %dma_start3A_3245] : memref<8x8x128xf32, #tpu.memory_space<vmem>> -> memref<1x8x128xf32, #tpu.memory_space<vmem>>
        %dma_start3A_3247 = tpu.memref_squeeze %dma_start3A_3246 : memref<1x8x128xf32, #tpu.memory_space<vmem>> -> memref<8x128xf32, #tpu.memory_space<vmem>>
        %dma_start3A_3248 = arith.constant 896 : i32
        %dma_start3A_3249 = tpu.memref_slice %arg3[%multiple_of3A_3151, %dma_start3A_3248] : memref<100000x1024xf32, #tpu.memory_space<hbm>> -> memref<8x128xf32, #tpu.memory_space<hbm>>
        %dma_start3A_3250 = arith.constant 0 : i32
        %dma_start3A_3251 = arith.constant 0 : i32
        %dma_start3A_3252 = tpu.memref_slice %arg14[%dma_start3A_3243, %dma_start3A_3250, %dma_start3A_3251] : memref<8x8x128xf32, #tpu.memory_space<vmem>> -> memref<1x8x128xf32, #tpu.memory_space<vmem>>
        %dma_start3A_3253 = tpu.memref_squeeze %dma_start3A_3252 : memref<1x8x128xf32, #tpu.memory_space<vmem>> -> memref<8x128xf32, #tpu.memory_space<vmem>>
        %dma_start3A_3254 = arith.constant 896 : i32
        %dma_start3A_3255 = tpu.memref_slice %arg3[%multiple_of3A_3151, %dma_start3A_3254] : memref<100000x1024xf32, #tpu.memory_space<hbm>> -> memref<8x128xf32, #tpu.memory_space<hbm>>
        tpu.enqueue_dma source(%dma_start3A_3255 : memref<8x128xf32, #tpu.memory_space<hbm>>) target(%dma_start3A_3253 : memref<8x128xf32, #tpu.memory_space<vmem>>) target_semaphore(%arg19 : memref<!tpu.dma_semaphore, #tpu.memory_space<semaphore_mem>>)
      } else {
      }
      %scan3A_3145 = arith.constant 0 : i32
      scf.yield %scan3A_3145 : i32
    }
    %scan3A_2905 = arith.constant 20 : i32
    "tpu.region"() ({
      %run_scoped3A = tpu.sem_alloc : memref<!tpu.dma_semaphore, #tpu.memory_space<semaphore_mem>>
      %dma_start3A_2906 = arith.constant 0 : i32
      %dma_start3A_2907 = arith.constant 0 : i32
      %dma_start3A_2908 = tpu.memref_slice %arg7[%add3A, %dma_start3A_2906, %dma_start3A_2907] : memref<32x8x128xf32, #tpu.memory_space<hbm>> -> memref<1x8x128xf32, #tpu.memory_space<hbm>>
      %dma_start3A_2909 = tpu.memref_squeeze %dma_start3A_2908 : memref<1x8x128xf32, #tpu.memory_space<hbm>> -> memref<8x128xf32, #tpu.memory_space<hbm>>
      %dma_start3A_2910 = arith.constant 0 : i32
      %dma_start3A_2911 = arith.constant 0 : i32
      %dma_start3A_2912 = tpu.memref_slice %arg7[%add3A, %dma_start3A_2910, %dma_start3A_2911] : memref<32x8x128xf32, #tpu.memory_space<hbm>> -> memref<1x8x128xf32, #tpu.memory_space<hbm>>
      %dma_start3A_2913 = tpu.memref_squeeze %dma_start3A_2912 : memref<1x8x128xf32, #tpu.memory_space<hbm>> -> memref<8x128xf32, #tpu.memory_space<hbm>>
      tpu.enqueue_dma source(%arg15 : memref<8x128xf32, #tpu.memory_space<vmem>>) target(%dma_start3A_2913 : memref<8x128xf32, #tpu.memory_space<hbm>>) target_semaphore(%run_scoped3A : memref<!tpu.dma_semaphore, #tpu.memory_space<semaphore_mem>>)
      %dma_wait3A_2914 = arith.constant 0 : i32
      %dma_wait3A_2915 = arith.constant 0 : i32
      %dma_wait3A_2916 = tpu.memref_slice %arg7[%add3A, %dma_wait3A_2914, %dma_wait3A_2915] : memref<32x8x128xf32, #tpu.memory_space<hbm>> -> memref<1x8x128xf32, #tpu.memory_space<hbm>>
      %dma_wait3A_2917 = tpu.memref_squeeze %dma_wait3A_2916 : memref<1x8x128xf32, #tpu.memory_space<hbm>> -> memref<8x128xf32, #tpu.memory_space<hbm>>
      %dma_wait3A_2918 = arith.constant 0 : i32
      %dma_wait3A_2919 = arith.constant 0 : i32
      %dma_wait3A_2920 = tpu.memref_slice %arg7[%add3A, %dma_wait3A_2918, %dma_wait3A_2919] : memref<32x8x128xf32, #tpu.memory_space<hbm>> -> memref<1x8x128xf32, #tpu.memory_space<hbm>>
      %dma_wait3A_2921 = tpu.memref_squeeze %dma_wait3A_2920 : memref<1x8x128xf32, #tpu.memory_space<hbm>> -> memref<8x128xf32, #tpu.memory_space<hbm>>
      tpu.wait_dma2 semaphore(%run_scoped3A : memref<!tpu.dma_semaphore, #tpu.memory_space<semaphore_mem>>) src(%arg15 : memref<8x128xf32, #tpu.memory_space<vmem>>) dst(%dma_wait3A_2921 : memref<8x128xf32, #tpu.memory_space<hbm>>)
      tpu.yield
    }) : () -> ()
    return
  }
}

module attributes {stable_mosaic.version = 14 : i64} {
  func.func @_combine_body(%arg0: memref<1x1024xf32, #tpu.memory_space<vmem>>, %arg1: memref<32x8x128xf32, #tpu.memory_space<vmem>>, %arg2: memref<1x1024xf32, #tpu.memory_space<vmem>>, %arg3: memref<1x1024xf32, #tpu.memory_space<vmem>>, %arg4: memref<1x1xf32, #tpu.memory_space<vmem>>) attributes {dimension_semantics = [], scalar_prefetch = 0 : i64, scratch_operands = 0 : i64, tpu.core_type = #tpu.core_type<tc>} {
    %get3A = arith.constant 0 : index
    %get3A_0 = arith.constant 0 : index
    %get3A_1 = arith.constant 0 : index
    %get3A_2 = vector.load %arg1[%get3A, %get3A_0, %get3A_1] : memref<32x8x128xf32, #tpu.memory_space<vmem>>, vector<32x8x128xf32>
    %reduce_sum3A = arith.constant dense<0.000000e+00> : vector<8x128xf32>
    %reduce_sum3A_3 = vector.multi_reduction <add>, %get3A_2, %reduce_sum3A [0] : vector<32x8x128xf32> to vector<8x128xf32>
    %reshape3A = vector.shape_cast %reduce_sum3A_3 : vector<8x128xf32> to vector<1x1024xf32>
    %get3A_4 = arith.constant 0 : index
    %get3A_5 = arith.constant 0 : index
    %get3A_6 = vector.load %arg0[%get3A_4, %get3A_5] : memref<1x1024xf32, #tpu.memory_space<vmem>>, vector<1x1024xf32>
    %add3A = arith.addf %get3A_6, %reshape3A : vector<1x1024xf32>
    %get3A_7 = arith.constant 0 : index
    %get3A_8 = arith.constant 0 : index
    %get3A_9 = vector.load %arg2[%get3A_7, %get3A_8] : memref<1x1024xf32, #tpu.memory_space<vmem>>, vector<1x1024xf32>
    %get3A_10 = arith.constant 0 : index
    %get3A_11 = arith.constant 0 : index
    %get3A_12 = vector.load %arg3[%get3A_10, %get3A_11] : memref<1x1024xf32, #tpu.memory_space<vmem>>, vector<1x1024xf32>
    %sub3A = arith.subf %get3A_12, %get3A_9 : vector<1x1024xf32>
    %mul3A = arith.constant 7.327960e-04 : f32
    %mul3A_13 = vector.broadcast %mul3A : f32 to vector<1x1024xf32>
    %mul3A_14 = arith.mulf %mul3A_13, %sub3A : vector<1x1024xf32>
    %add3A_15 = arith.addf %get3A_9, %mul3A_14 : vector<1x1024xf32>
    %exp3A = math.exp %get3A_9 : vector<1x1024xf32>
    %sub3A_16 = arith.subf %add3A, %exp3A : vector<1x1024xf32>
    %exp3A_17 = math.exp %add3A_15 : vector<1x1024xf32>
    %add3A_18 = arith.addf %sub3A_16, %exp3A_17 : vector<1x1024xf32>
    %log3A = math.log %add3A_18 : vector<1x1024xf32>
    %sub3A_19 = arith.subf %add3A_15, %log3A : vector<1x1024xf32>
    %reduce_sum3A_20 = vector.shape_cast %sub3A_19 : vector<1x1024xf32> to vector<1x1x1024xf32>
    %reduce_sum3A_21 = arith.constant dense<0.000000e+00> : vector<1xf32>
    %reduce_sum3A_22 = vector.multi_reduction <add>, %reduce_sum3A_20, %reduce_sum3A_21 [1, 2] : vector<1x1x1024xf32> to vector<1xf32>
    %reduce_sum3A_23 = vector.shape_cast %reduce_sum3A_22 : vector<1xf32> to vector<1x1x1xf32>
    %reduce_sum3A_24 = vector.extract %reduce_sum3A_23[0, 0, 0] : f32 from vector<1x1x1xf32>
    %neg3A = arith.constant 0.000000e+00 : f32
    %neg3A_25 = arith.subf %neg3A, %reduce_sum3A_24 : f32
    %mul3A_26 = arith.constant 9.765625E-4 : f32
    %mul3A_27 = arith.mulf %neg3A_25, %mul3A_26 : f32
    %reshape3A_28 = vector.broadcast %mul3A_27 : f32 to vector<1x1xf32>
    %swap3A = arith.constant 0 : index
    %swap3A_29 = arith.constant 0 : index
    %swap3A_30 = vector.load %arg4[%swap3A, %swap3A_29] : memref<1x1xf32, #tpu.memory_space<vmem>>, vector<1x1xf32>
    tpu.vector_store %arg4[%swap3A, %swap3A_29], %reshape3A_28 {strides = array<i32>} : memref<1x1xf32, #tpu.memory_space<vmem>>, vector<1x1xf32>,
    return
  }
}

module attributes {stable_mosaic.version = 14 : i64} {
  func.func @_tc_body(%arg0: i32, %arg1: memref<2992x1024xf32, #tpu.memory_space<vmem>>, %arg2: memref<1x1024xf32, #tpu.memory_space<vmem>>, %arg3: memref<8x1024xf32, #tpu.memory_space<vmem>>) attributes {dimension_semantics = [#tpu.dimension_semantics<arbitrary>], iteration_bounds = array<i64: 30>, scalar_prefetch = 0 : i64, scratch_operands = 1 : i64, tpu.core_type = #tpu.core_type<tc>, window_params = [{transform_indices = @transform_0, window_bounds = array<i64: 2992, 1024>}, {pipeline_mode = #tpu.pipeline_mode<synchronous>, transform_indices = @transform_1, window_bounds = array<i64: 1, 1024>}]} {
    %eq3A = arith.constant 0 : i32
    %eq3A_0 = arith.cmpi eq, %arg0, %eq3A : i32
    %convert_element_type3A = arith.extui %eq3A_0 : i1 to i32
    %cond3A = arith.constant 0 : i32
    %cond3A_1 = arith.cmpi ne, %convert_element_type3A, %cond3A : i32
    scf.if %cond3A_1 {
      %broadcast_in_dim3A = arith.constant 0.000000e+00 : f32
      %broadcast_in_dim3A_15 = vector.broadcast %broadcast_in_dim3A : f32 to vector<8x1024xf32>
      %swap3A_16 = arith.constant 0 : index
      %swap3A_17 = arith.constant 0 : index
      %swap3A_18 = vector.load %arg3[%swap3A_16, %swap3A_17] : memref<8x1024xf32, #tpu.memory_space<vmem>>, vector<8x1024xf32>
      tpu.vector_store %arg3[%swap3A_16, %swap3A_17], %broadcast_in_dim3A_15 {strides = array<i32>} : memref<8x1024xf32, #tpu.memory_space<vmem>>, vector<8x1024xf32>,
    } else {
    }
    %get3A = arith.constant 0 : index
    %get3A_2 = arith.constant 0 : index
    %get3A_3 = vector.load %arg1[%get3A, %get3A_2] : memref<2992x1024xf32, #tpu.memory_space<vmem>>, vector<2992x1024xf32>
    %exp3A = math.exp %get3A_3 : vector<2992x1024xf32>
    %get3A_4 = arith.constant 0 : index
    %get3A_5 = arith.constant 0 : index
    %get3A_6 = vector.load %arg3[%get3A_4, %get3A_5] : memref<8x1024xf32, #tpu.memory_space<vmem>>, vector<8x1024xf32>
    %reshape3A = vector.shape_cast %exp3A : vector<2992x1024xf32> to vector<374x8x1024xf32>
    %reduce_sum3A = arith.constant dense<0.000000e+00> : vector<8x1024xf32>
    %reduce_sum3A_7 = vector.multi_reduction <add>, %reshape3A, %reduce_sum3A [0] : vector<374x8x1024xf32> to vector<8x1024xf32>
    %add3A = arith.addf %get3A_6, %reduce_sum3A_7 : vector<8x1024xf32>
    %swap3A = arith.constant 0 : index
    %swap3A_8 = arith.constant 0 : index
    %swap3A_9 = vector.load %arg3[%swap3A, %swap3A_8] : memref<8x1024xf32, #tpu.memory_space<vmem>>, vector<8x1024xf32>
    tpu.vector_store %arg3[%swap3A, %swap3A_8], %add3A {strides = array<i32>} : memref<8x1024xf32, #tpu.memory_space<vmem>>, vector<8x1024xf32>,
    %eq3A_10 = arith.constant 29 : i32
    %eq3A_11 = arith.cmpi eq, %arg0, %eq3A_10 : i32
    %convert_element_type3A_12 = arith.extui %eq3A_11 : i1 to i32
    %cond3A_13 = arith.constant 0 : i32
    %cond3A_14 = arith.cmpi ne, %convert_element_type3A_12, %cond3A_13 : i32
    scf.if %cond3A_14 {
      %get3A_15 = arith.constant 0 : index
      %get3A_16 = arith.constant 0 : index
      %get3A_17 = vector.load %arg3[%get3A_15, %get3A_16] : memref<8x1024xf32, #tpu.memory_space<vmem>>, vector<8x1024xf32>
      %reduce_sum3A_18 = arith.constant dense<0.000000e+00> : vector<1024xf32>
      %reduce_sum3A_19 = vector.multi_reduction <add>, %get3A_17, %reduce_sum3A_18 [0] : vector<8x1024xf32> to vector<1024xf32>
      %broadcast_in_dim3A = vector.shape_cast %reduce_sum3A_19 : vector<1024xf32> to vector<1x1024xf32>
      %swap3A_20 = arith.constant 0 : index
      %swap3A_21 = arith.constant 0 : index
      %swap3A_22 = vector.load %arg2[%swap3A_20, %swap3A_21] : memref<1x1024xf32, #tpu.memory_space<vmem>>, vector<1x1024xf32>
      tpu.vector_store %arg2[%swap3A_20, %swap3A_21], %broadcast_in_dim3A {strides = array<i32>} : memref<1x1024xf32, #tpu.memory_space<vmem>>, vector<1x1024xf32>,
    } else {
    }
    return
  }
  func.func @transform_0(%arg0: i32) -> (i32, i32) {
    %c0_i32 = arith.constant 0 : i32
    %c0_i32_0 = arith.constant 0 : i32
    return %arg0, %c0_i32 : i32, i32
  }
  func.func @transform_1(%arg0: i32) -> (i32, i32) {
    %c0_i32 = arith.constant 0 : i32
    %c0_i32_0 = arith.constant 0 : i32
    %c0_i32_1 = arith.constant 0 : i32
    return %c0_i32, %c0_i32_0 : i32, i32
  }
}

</mosaic_0001>

<sc_bundles>
// kernel: kernel.5.cloned.1.call-start
scs
__scs_entry_jumppad:
0x0: {  	(pc) =	sbr.rel $0x88, $3  }
0x1: {  	(tag) =	ssettag $0x0;
	lr =	simm.s32 $0x1  }
0x2: {  	[smem:$0x3F9E] =	sst lr;
	_ =	strace $0xD0000000  }
0x3: {  	_ = 	snop  }
0x4: {  	_ = 	snop  }
0x5: {  	_ = 	snop  }
0x6: {  	_ = 	snop  }
0x7: {  	_ = 	snop  }
__scs_overlays_trampoline_lowered:
0x8: {  	[smem:$0x3FAD] =	sst s0  }
0x9: {  	[smem:$0x3FAE] =	sst s1  }
0xa: {  	[smem:$0x3FAF] =	sst s2  }
0xb: {  	[smem:$0x3FB0] =	sst s3  }
0xc: {  	[smem:$0x3FB1] =	sst s4  }
0xd: {  	[smem:$0x3FB2] =	sst s5  }
0xe: {  	[smem:$0x3FB3] =	sst s6  }
0xf: {  	[smem:$0x3FB4] =	sst s7  }
0x10: {  	[smem:$0x3FB5] =	sst s8  }
0x11: {  	[smem:$0x3FB6] =	sst s9;
	s0 =	simm.s32 @!p0 $0x0  }
0x12: {  	s1 =	sld [smem:$0x3F9C];
	s0 =	simm.s32 @p0 $0x1  }
0x13: {  	[smem:$0x3FB7] =	sst s0;
	s0 =	simm.s32 @!p1 $0x0  }
0x14: {  	s2 =	sld [smem:$0x3F9B];
	s0 =	simm.s32 @p1 $0x1  }
0x15: {  	[smem:$0x3FB8] =	sst s0;
	s0 =	simm.s32 @!p2 $0x0  }
0x16: {  	s3 =	sld [smem:$0x3FDB];
	s0 =	simm.s32 @p2 $0x1  }
0x17: {  	s4 =	simm.s32 $0x1BF5;
	[smem:$0x3FBA] =	sst s0  }
0x18: {  	s0 =	sld [smem:$0x3F9D];
	_ =	swait.ge [sflag:s4], $0x0  }
0x19: {  	s7 =	sld [smem:$0x3F9E]  }
0x1a: {  	s8 =	sadd.s32 $0xFFFFE003, lr  }
0x1b: {  	s9 =	sadd.s32 $0xFFFFFEF7, lr;
	s5 =	simm.s32 $0xFFFFFFFF;
	p2 =	slt.u32 s8, $0xFFFFF086  }
0x1c: {  	p1 =	slt.u32 s9, $0xF7A;
	s5 =	simm.s32 @!p2 $0x0  }
0x1d: {  	s5 =	simm.s32 @p1 $0x1;
	p0 =	seq.s32 s7, s2  }
0x1e: {  	s7 =	smul.u32 @!p0 $0xF7A, s2;
	p2 =	seq.s32 @!p0 s5, $0x0  }
0x1f: {  	s9 =	smul.u32 $0xF7A, s1;
	s8 =	simm.s32 @!p0 $0x1BF5;
	p2 =	por !p2, p0  }
0x20: {  	[sflag:s8] =	ssyncset.s32 @!p0 $0xFFFFF086;
	s6 =	sadd.s32 @!p0 s3, s7;
	s7 =	simm.s32 @!p0 $0x108  }
0x21: {  	s3 =	sadd.s32 s3, s9;
	s6 =	sadd.s32 @!p0 $0x88, s6;
	s7 =	simm.s32 @p2 $0x1082  }
0x22: {  	[simem:s7], [sflag:s8] =	dma.local @!p0 [hbm:s6], $0xF7A  }
0x23: {  	s9 =	sor.u32 $0xD0000000, s2;
	s6 =	simm.s32 $0x108;
	_ =	swait.ge @!p0 [sflag:s8], $0x0  }
0x24: {  	s3 =	sadd.s32 $0x88, s3;
	s6 =	simm.s32 @!p1 $0x1082;
	[sflag:s4] =	ssyncset.s32 $0xFFFFF086  }
0x25: {  	[simem:s6], [sflag:s4] =	dma.local [hbm:s3], $0xF7A  }
0x26: {  	[smem:$0x3F9E] =	sst s1;
	(tag) =	ssettag s2;
	_ =	strace s9  }
0x27: {  	s1 =	sld [smem:$0x3FAE]  }
0x28: {  	s2 =	sld [smem:$0x3FAF]  }
0x29: {  	s4 =	sld [smem:$0x3FB1]  }
0x2a: {  	p0 =	seq.s32 s5, $0x0;
	s5 =	sld [smem:$0x3FB2]  }
0x2b: {  	s6 =	sld [smem:$0x3FB3]  }
0x2c: {  	s7 =	sld [smem:$0x3FB4]  }
0x2d: {  	s3 =	simm.s32 $0x108;
	s8 =	sld [smem:$0x3FB5]  }
0x2e: {  	s3 =	simm.s32 @!p0 $0x1082;
	s9 =	sld [smem:$0x3FB6]  }
0x2f: {  	lr =	sadd.s32 s0, s3;
	s0 =	sld [smem:$0x3FAD]  }
0x30: {  	s3 =	sld [smem:$0x3FB0]  }
0x31: {  	[smem:$0x3FB9] =	sst s10  }
0x32: {  	s10 =	sld [smem:$0x3FB7];
	_ =	sdelay $0x3  }
0x33: {  	p0 =	seq.s32 s10, $0x1;
	s10 =	sld [smem:$0x3FB9];
	_ =	sdelay $0x3  }
0x34: {  	[smem:$0x3FB9] =	sst s10  }
0x35: {  	s10 =	sld [smem:$0x3FB8];
	_ =	sdelay $0x3  }
0x36: {  	p1 =	seq.s32 s10, $0x1;
	s10 =	sld [smem:$0x3FB9];
	_ =	sdelay $0x3  }
0x37: {  	[smem:$0x3FB9] =	sst s10  }
0x38: {  	s10 =	sld [smem:$0x3FBA]  }
0x39: {  	_ = 	snop;
	(pc) =	sbr.ind lr, $3  }
0x3a: {  	_ = 	snop  }
0x3b: {  	_ = 	snop  }
0x3c: {  	p2 =	seq.s32 s10, $0x1;
	s10 =	sld [smem:$0x3FB9]  }
0x3d: {  	_ =	shalt  }
0x3e: {  	_ =	shalt  }
0x3f: {  	_ =	shalt  }
0x40: {  	_ =	shalt  }
0x41: {  	_ =	shalt  }
0x42: {  	_ =	shalt  }
0x43: {  	_ =	shalt  }
0x44: {  	_ =	shalt  }
0x45: {  	_ =	shalt  }
0x46: {  	_ =	shalt  }
0x47: {  	_ =	shalt  }
0x48: {  	_ =	shalt  }
0x49: {  	_ =	shalt  }
0x4a: {  	_ =	shalt  }
0x4b: {  	_ =	shalt  }
0x4c: {  	_ =	shalt  }
0x4d: {  	_ =	shalt  }
0x4e: {  	_ =	shalt  }
0x4f: {  	_ =	shalt  }
0x50: {  	_ =	shalt  }
0x51: {  	_ =	shalt  }
0x52: {  	_ =	shalt  }
0x53: {  	_ =	shalt  }
0x54: {  	_ =	shalt  }
0x55: {  	_ =	shalt  }
0x56: {  	_ =	shalt  }
0x57: {  	_ =	shalt  }
0x58: {  	_ =	shalt  }
0x59: {  	_ =	shalt  }
0x5a: {  	_ =	shalt  }
0x5b: {  	_ =	shalt  }
0x5c: {  	_ =	shalt  }
0x5d: {  	_ =	shalt  }
0x5e: {  	_ =	shalt  }
0x5f: {  	_ =	shalt  }
0x60: {  	_ =	shalt  }
0x61: {  	_ =	shalt  }
0x62: {  	_ =	shalt  }
0x63: {  	_ =	shalt  }
0x64: {  	_ =	shalt  }
0x65: {  	_ =	shalt  }
0x66: {  	_ =	shalt  }
0x67: {  	_ =	shalt  }
0x68: {  	_ =	shalt  }
0x69: {  	_ =	shalt  }
0x6a: {  	_ =	shalt  }
0x6b: {  	_ =	shalt  }
0x6c: {  	_ =	shalt  }
0x6d: {  	_ =	shalt  }
0x6e: {  	_ =	shalt  }
0x6f: {  	_ =	shalt  }
0x70: {  	_ =	shalt  }
0x71: {  	_ =	shalt  }
0x72: {  	_ =	shalt  }
0x73: {  	_ =	shalt  }
0x74: {  	_ =	shalt  }
0x75: {  	_ =	shalt  }
0x76: {  	_ =	shalt  }
0x77: {  	_ =	shalt  }
0x78: {  	_ =	shalt  }
0x79: {  	_ =	shalt  }
0x7a: {  	_ =	shalt  }
0x7b: {  	_ =	shalt  }
0x7c: {  	_ =	shalt  }
0x7d: {  	_ =	shalt  }
0x7e: {  	_ =	shalt  }
0x7f: {  	_ =	shalt  }
0x80: {  	_ =	shalt  }
0x81: {  	_ =	shalt  }
0x82: {  	_ =	shalt  }
0x83: {  	_ =	shalt  }
0x84: {  	_ =	shalt  }
0x85: {  	_ =	shalt  }
0x86: {  	_ =	shalt  }
0x87: {  	_ =	shalt  }
.Lfunc_end0:
.L_simem_size_0:
called_computation_lowered:
.L_overlay_start_0:
0x88: {  	s2 =	sld [smem:$0x3FD9]  }
0x89: {  	s3 =	sld [smem:$0x3FFE];
	_ =	sdelay $0x1  }
0x8a: {  	s1 =	srdreg.scid  }
0x8b: {  	s0 =	sand.u32 $0x1, s1  }
0x8c: {  	s17 =	sshll.u32 s0, $0xA;
	s2 =	sadd.s32 s3, s2  }
0x8d: {  	s2 =	sadd.s32 s2, s17  }
0x8e: {  	[smem:$0x3FC5] =	sst s2  }
0x8f: {  	_ = 	snop  }
0x90: {  	s2 =	sld [smem:$0x3FC9]  }
0x91: {  	s18 =	sld [smem:$0x3FC8]  }
0x92: {  	s4 =	sld [smem:$0x3FC7];
	(tm) =	ssettm $0x1  }
0x93: {  	s5 =	sld [smem:$0x3FFB];
	_ =	sdelay $0x3  }
0x94: {  	_ =	strace s5  }
0x95: {  	s5 =	sld [smem:$0x3FFC];
	_ =	sdelay $0x3  }
0x96: {  	_ =	strace s5  }
0x97: {  	s5 =	sld [smem:$0x3FFD];
	_ =	sdelay $0x3  }
0x98: {  	_ =	strace s5  }
0x99: {  	_ =	strace $0x8FFFFFFF  }
0x9a: {  	s19 =	sld [smem:$0x3FDB];
	_ =	sdelay $0x1  }
0x9b: {  	s6 =	simm.s32 $_scs_section_size  }
0x9c: {  	s7 =	simm.s32 $_size__tile_overlayer_lowered;
	s8 =	simm.s32 $_tile_overlayer_lowered  }
0x9d: {  	s22 =	simm.s32 $0x1BFF;
	s21 =	sshll.u32 s8, $0x1;
	s5 =	sadd.s32 s6, s19  }
0x9e: {  	s9 =	simm.s32 $0x0;
	s20 =	sshll.u32 s7, $0x1;
	s7 =	sadd.s32 s21, s5  }
0x9f: {  	[timem:s9], [sflag:s22] =	dma.local [hbm:s7], s20  }
0xa0: {  	_ =	swait.ge [sflag:s22], s20  }
0xa1: {  	s6 =	ssub.s32 $0x0, s20;
	[sflag:s22] =	ssyncset.done $0x0  }
0xa2: {  	[sflag:s22] =	ssyncadd.s32 s6;
	_ =	sdelay $0x1  }
0xa3: {  	s23 =	simm.s32 $0x1B8B  }
0xa4: {  	_ =	swait.ge [sflag:s23], $0x1  }
0xa5: {  	[sflag:s23] =	ssyncset.done $0x0  }
0xa6: {  	s25 =	simm.s32 $0x1B8E;
	s24 =	sld [smem:$0x3FFE];
	[sflag:s23] =	ssyncadd.s32 $0xFFFFFFFF  }
0xa7: {  	s26 =	simm.s32 $execute0_lowered;
	[smem:$0x3FD2] =	sst s25  }
0xa8: {  	s7 =	sshll.u32 s26, $0x1;
	_ =	strace $0x80000046;
	[dreg:$0x1] =	wrdreg $0xFFFFFFFF  }
0xa9: {  	s28 =	simm.s32 $_size_execute0_lowered;
	s5 =	sadd.s32 s5, s7;
	[dreg:$0x0] =	wrdreg $0x0  }
0xaa: {  	s7 =	sshll.u32 s28, $0x1;
	[dreg:$0x2] =	wrdreg s5  }
0xab: {  	[dreg:$0x3] =	wrdreg s7  }
0xac: {  	[dreg:$0x4] =	wrdreg $0xC0  }
0xad: {  	_ =	task [dreg:s9], $0x5FFFF  }
0xae: {  	[dreg:$0x1] =	wrdreg $0xFFFFFFFF  }
0xaf: {  	[dreg:$0x0] =	wrdreg $0x60  }
0xb0: {  	[dreg:$0x2] =	wrdreg s4  }
0xb1: {  	[dreg:$0x3] =	wrdreg s2  }
0xb2: {  	[dreg:$0x4] =	wrdreg s18  }
0xb3: {  	[dreg:$0x5] =	wrdreg s24  }
0xb4: {  	[dreg:$0x6] =	wrdreg $0x9  }
0xb5: {  	_ =	task.clear_ibuf [dreg:s9], $0x7FFFF;
	_ =	strace $0x90000046  }
0xb6: {  	s29 =	simm.s32 $0x9;
	_ =	strace $0x80000048  }
0xb7: {  	_ =	swait.ge [sflag:s29], $0x1  }
0xb8: {  	[sflag:s29] =	ssyncadd.s32 $0xFFFFFFFF  }
0xb9: {  	_ =	strace $0x90000048  }
0xba: {  	_ =	sfence  }
0xbb: {  	s30 =	sld [smem:$0x0];
	_ =	sdelay $0x2  }
0xbc: {  	s31 =	sshll.u32 s1, $0xD;
	s1 =	sshrl.u32 s1, $0x2  }
0xbd: {  	s3 =	sand.u32 $0x4000, s31;
	s1 =	sadd.s32 s1, s30  }
0xbe: {  	s0 =	sor.u32 s3, s0;
	s1 =	sshll.u32 s1, $0x11  }
0xbf: {  	s0 =	sor.u32 s1, s0  }
0xc0: {  	s0 =	sadd.s32 $0x8F2B, s0  }
0xc1: {  	[sflag:s0] =	ssyncadd.remote.s32 $0x1  }
0xc2: {  	_ =	sfence.sel $0xFFFF  }
0xc3: {  	[dreg:$0x0] =	wrdreg $0xFFFFFFFF;
	(pc) =	sbr.abs _section_cstart, $3  }
0xc4: {  	[dreg:$0x1] =	wrdreg $0xFFFFFFFF  }
0xc5: {  	_ =	task.clear_ibuf [dreg:s9], $0x2FFFF;
	_ =	strace $0x9FFFFFFF  }
0xc6: {  	(tm) =	ssettm $0x7FFFFFFF  }
0xc7: {  	_ =	shalt  }
tec
execute0_lowered:
.L_overlay_start_1:
0x0: {  	(tag) =	ssettag $0x1  }
0x1: {  	s0 =	rddreg [dreg:$0x0]  }
0x2: {  	s1 =	rddreg [dreg:$0x1]  }
0x3: {  	s2 =	rddreg [dreg:$0x3];
	s4 =	simm.s32 $0x0;
	s3 =	srdreg.scid  }
0x4: {  	s18 =	stileid.u32;
	[smem:$0x7FF] =	sst s4;
	s3 =	sand.u32 $0x1, s3  }
0x5: {  	s5 =	sshll.u32 s18, $0x1;
	s10 =	sadd.s32 $0x200, s1;
	s15 =	sadd.s32 $0x300, s1  }
0x6: {  	_ =	strace $0x80000047;
	s6 =	sor.u32 s3, s5;
	s3 =	ssub.s32 $0x2, s3  }
0x7: {  	s7 =	sshll.u32 s6, $0x2;
	s5 =	smul.u32 $0x140, s6;
	s8 =	sshll.u32 s6, $0x7  }
0x8: {  	s9 =	sshrl.u32 s3, $0x1;
	s11 =	sadd.s32 s7, s2;
	s12 =	sadd.s32 s8, s2  }
0x9: {  	s13 =	ssub.s32 s3, s9;
	s2 =	sshll.u32 s6, $0x5;
	s3 =	sadd.s32 $0x15EA0, s5  }
0xa: {  	s8 =	sadd.s32 $0x100, s1;
	s0 =	sadd.s32 s0, s7;
	s17 =	sshll.u32 s3, $0x7  }
0xb: {  	s5 =	sadd.s32 $0x80, s1;
	[dreg:$0xa] =	wrdreg s0;
	s20 =	sadd.s32 s1, s17  }
0xc: {  	s6 =	smul.u32 $0x50000, s6;
	s21 =	sadd.s32 s17, s5;
	[dreg:$0x5] =	wrdreg s20  }
0xd: {  	s9 =	sadd.s32 $0x180, s1;
	s14 =	sadd.s32 s17, s8;
	[dreg:$0x6] =	wrdreg s21  }
0xe: {  	s6 =	sshrl.u32 s6, $0x3;
	s22 =	sadd.s32 s17, s9;
	[dreg:$0x7] =	wrdreg s14  }
0xf: {  	s3 =	sshrl.u32 s3, $0x3;
	s23 =	sadd.s32 s17, s10;
	[dreg:$0x8] =	wrdreg s22  }
0x10: {  	s6 =	sadd.s32 s1, s6;
	s28 =	sadd.s32 s17, s15;
	[dreg:$0x9] =	wrdreg s23  }
0x11: {  	s0 =	sor.u32 $0x2, s3;
	s3 =	sor.u32 $0x3, s3;
	[dreg:$0xe] =	wrdreg s28  }
0x12: {  	s25 =	sadd.s32 $0xAF5400, s6;
	[dreg:$0x18] =	wrdreg s3  }
0x13: {  	s26 =	sadd.s32 $0xAF5480, s6;
	[dreg:$0xc] =	wrdreg s25  }
0x14: {  	s29 =	sadd.s32 $0xAF5500, s6;
	[dreg:$0xd] =	wrdreg s26  }
0x15: {  	s7 =	sadd.s32 $0xAF5580, s6;
	[dreg:$0xf] =	wrdreg s29  }
0x16: {  	s19 =	sadd.s32 $0xAF5600, s6;
	[dreg:$0x10] =	wrdreg s7  }
0x17: {  	s20 =	sadd.s32 $0xAF5680, s6;
	[dreg:$0x12] =	wrdreg s19  }
0x18: {  	s30 =	simm.s32 $0x2;
	s21 =	sadd.s32 $0xAF5700, s6;
	[dreg:$0x13] =	wrdreg s20  }
0x19: {  	s31 =	simm.s32 $0x3;
	s22 =	sadd.s32 $0xAF5780, s6;
	[dreg:$0x14] =	wrdreg s21  }
0x1a: {  	s16 =	sadd.s32 $0x380, s1;
	s23 =	sadd.s32 $0x1E00, s11;
	[dreg:$0x15] =	wrdreg s22  }
0x1b: {  	s14 =	sadd.s32 $0x280, s1;
	s28 =	sshrl.u32 s18, $0x1;
	[dreg:$0x16] =	wrdreg s23  }
0x1c: {  	s2 =	sand.u32 $0x60, s2;
	s24 =	sadd.s32 s17, s14;
	[dreg:$0x1c] =	wrdreg s28  }
.Ltmp0:
0x1d: {  	s17 =	sadd.s32 s17, s16;
	[dreg:$0xb] =	wrdreg s24;
	(pc) =	sbr.rel .LBB2_1-.Ltmp0, $4  }
0x1e: {  	v0 =	vlaneseq.u32;
	s3 =	simm.s32 $0x0;
	s25 =	sadd.s32 $0xE00, s12;
	[dreg:$0x11] =	wrdreg s17  }
0x1f: {  	v1 =	vmul.u32 $0x401, v0;
	s26 =	smax.u32 s13, $0x1;
	s29 =	sor.u32 $0x10, s2;
	[dreg:$0x19] =	wrdreg s25  }
0x20: {  	s7 =	simm.s32 $0x1;
	s24 =	sadd.s32 $0x2000, s11;
	[dreg:$0x1a] =	wrdreg s26  }
0x21: {  	v2 =	vimm.f32 $0.0e+00;
	v0 =	vor.u32 s2, v1;
	s17 =	simm.s32 $0x5;
	v1 =	vor.u32 s29, v1;
	s26 =	simm.s32 $0x4;
	[dreg:$0x17] =	wrdreg s24  }
.LBB2_8:
0x22: {  	s2 =	rddreg [dreg:$0x19];
	s3 =	simm.s32 $0xC180;
	s17 =	simm.s32 $0x5  }
0x23: {  	[hbm4b:s2+s4] =	stream.linear.scatter [tilespmem:s3], [sflag:$0x5], $0x400, $0x38;
	[tilespmem:$0xC580] =	vst v63  }
0x24: {  	_ =	swait.ge [sflag:s17], $0x400  }
0x25: {  	s28 =	rddreg [dreg:$0x1b]  }
0x26: {  	s29 =	rddreg [dreg:$0x1a];
	s3 =	sadd.s32 $0x1, s28  }
0x27: {  	p0 =	sne.s32 s3, s29  }
.Ltmp1:
0x28: {  	_ = 	snop;
	(pc) =	sbr.rel @!p0 .LBB2_9-.Ltmp1, $3  }
0x29: {  	_ =	sdelay $0x1  }
0x2a: {  	[sflag:s17] =	ssyncset.done $0x0  }
0x2b: {  	[sflag:s17] =	ssyncadd.s32 $0xFFFFFC00  }
.LBB2_1:
0x2c: {  	s2 =	rddreg [dreg:$0x5];
	s25 =	simm.s32 $0x8180  }
0x2d: {  	[tilespmem:s25], [sflag:$0x3] =	stream.linear.gather [hbm4b:s2+s4], $0x400, $0x38;
	[tilespmem:$0xC580] =	vst v63  }
0x2e: {  	s28 =	rddreg [dreg:$0x6];
	s29 =	simm.s32 $0x8580  }
0x2f: {  	[tilespmem:s29], [sflag:$0x3] =	stream.linear.gather [hbm4b:s28+s4], $0x400, $0x38;
	[tilespmem:$0xC580] =	vst v63  }
0x30: {  	s6 =	rddreg [dreg:$0x7];
	s11 =	simm.s32 $0x8980  }
0x31: {  	[tilespmem:s11], [sflag:$0x3] =	stream.linear.gather [hbm4b:s6+s4], $0x400, $0x38;
	[tilespmem:$0xC580] =	vst v63  }
0x32: {  	s12 =	rddreg [dreg:$0x8];
	s13 =	simm.s32 $0x8D80  }
0x33: {  	[tilespmem:s13], [sflag:$0x3] =	stream.linear.gather [hbm4b:s12+s4], $0x400, $0x38;
	[tilespmem:$0xC580] =	vst v63  }
0x34: {  	s18 =	rddreg [dreg:$0x9];
	s19 =	simm.s32 $0x9180  }
0x35: {  	[tilespmem:s19], [sflag:$0x3] =	stream.linear.gather [hbm4b:s18+s4], $0x400, $0x38;
	[tilespmem:$0xC580] =	vst v63  }
0x36: {  	s20 =	rddreg [dreg:$0xb];
	s21 =	simm.s32 $0x9580  }
0x37: {  	[tilespmem:s21], [sflag:$0x3] =	stream.linear.gather [hbm4b:s20+s4], $0x400, $0x38;
	[tilespmem:$0xC580] =	vst v63  }
0x38: {  	s22 =	rddreg [dreg:$0xe];
	s23 =	simm.s32 $0x9980  }
0x39: {  	[tilespmem:s23], [sflag:$0x3] =	stream.linear.gather [hbm4b:s22+s4], $0x400, $0x38;
	[tilespmem:$0xC580] =	vst v63  }
0x3a: {  	s24 =	rddreg [dreg:$0x11];
	s25 =	simm.s32 $0x9D80  }
0x3b: {  	[tilespmem:s25], [sflag:$0x3] =	stream.linear.gather [hbm4b:s24+s4], $0x400, $0x38;
	[tilespmem:$0xC580] =	vst v63  }
0x3c: {  	s28 =	rddreg [dreg:$0xc];
	s29 =	simm.s32 $0xA180  }
0x3d: {  	[tilespmem:s29], [sflag:$0x4] =	stream.linear.gather [hbm4b:s28+s4], $0x400, $0x38;
	[tilespmem:$0xC580] =	vst v63  }
0x3e: {  	s6 =	rddreg [dreg:$0xd];
	s11 =	simm.s32 $0xA580  }
0x3f: {  	[tilespmem:s11], [sflag:$0x4] =	stream.linear.gather [hbm4b:s6+s4], $0x400, $0x38;
	[tilespmem:$0xC580] =	vst v63  }
0x40: {  	s12 =	rddreg [dreg:$0xf];
	s13 =	simm.s32 $0xA980  }
0x41: {  	[tilespmem:s13], [sflag:$0x4] =	stream.linear.gather [hbm4b:s12+s4], $0x400, $0x38;
	[tilespmem:$0xC580] =	vst v63  }
0x42: {  	s18 =	rddreg [dreg:$0x10];
	s19 =	simm.s32 $0xAD80  }
0x43: {  	[tilespmem:s19], [sflag:$0x4] =	stream.linear.gather [hbm4b:s18+s4], $0x400, $0x38;
	[tilespmem:$0xC580] =	vst v63  }
0x44: {  	s20 =	rddreg [dreg:$0x12];
	s21 =	simm.s32 $0xB180  }
0x45: {  	[tilespmem:s21], [sflag:$0x4] =	stream.linear.gather [hbm4b:s20+s4], $0x400, $0x38;
	[tilespmem:$0xC580] =	vst v63  }
0x46: {  	s22 =	rddreg [dreg:$0x13];
	s23 =	simm.s32 $0xB580  }
0x47: {  	[tilespmem:s23], [sflag:$0x4] =	stream.linear.gather [hbm4b:s22+s4], $0x400, $0x38;
	[tilespmem:$0xC580] =	vst v63  }
0x48: {  	s24 =	rddreg [dreg:$0x14];
	s25 =	simm.s32 $0xB980  }
0x49: {  	[tilespmem:s25], [sflag:$0x4] =	stream.linear.gather [hbm4b:s24+s4], $0x400, $0x38;
	[tilespmem:$0xC580] =	vst v63  }
0x4a: {  	s28 =	rddreg [dreg:$0x15];
	s29 =	simm.s32 $0xBD80  }
0x4b: {  	[tilespmem:s29], [sflag:$0x4] =	stream.linear.gather [hbm4b:s28+s4], $0x400, $0x38;
	[tilespmem:$0xC580] =	vst v63  }
0x4c: {  	[tilespmem:$0xC180] =	vst v2  }
0x4d: {  	[tilespmem:$0xC190] =	vst v2  }
0x4e: {  	[tilespmem:$0xC1A0] =	vst v2  }
0x4f: {  	[tilespmem:$0xC1B0] =	vst v2  }
0x50: {  	[tilespmem:$0xC1C0] =	vst v2  }
0x51: {  	[tilespmem:$0xC1D0] =	vst v2  }
0x52: {  	[tilespmem:$0xC1E0] =	vst v2  }
0x53: {  	[tilespmem:$0xC1F0] =	vst v2  }
0x54: {  	[tilespmem:$0xC200] =	vst v2  }
0x55: {  	[tilespmem:$0xC210] =	vst v2  }
0x56: {  	[tilespmem:$0xC220] =	vst v2  }
0x57: {  	[tilespmem:$0xC230] =	vst v2  }
0x58: {  	[tilespmem:$0xC240] =	vst v2  }
0x59: {  	[tilespmem:$0xC250] =	vst v2  }
0x5a: {  	[tilespmem:$0xC260] =	vst v2  }
0x5b: {  	[tilespmem:$0xC270] =	vst v2  }
0x5c: {  	[tilespmem:$0xC280] =	vst v2  }
0x5d: {  	[tilespmem:$0xC290] =	vst v2  }
0x5e: {  	[tilespmem:$0xC2A0] =	vst v2  }
0x5f: {  	[tilespmem:$0xC2B0] =	vst v2  }
0x60: {  	[tilespmem:$0xC2C0] =	vst v2  }
0x61: {  	[tilespmem:$0xC2D0] =	vst v2  }
0x62: {  	[tilespmem:$0xC2E0] =	vst v2  }
0x63: {  	[tilespmem:$0xC2F0] =	vst v2  }
0x64: {  	[tilespmem:$0xC300] =	vst v2  }
0x65: {  	[tilespmem:$0xC310] =	vst v2  }
0x66: {  	[tilespmem:$0xC320] =	vst v2  }
0x67: {  	[tilespmem:$0xC330] =	vst v2  }
0x68: {  	[tilespmem:$0xC340] =	vst v2  }
0x69: {  	[tilespmem:$0xC350] =	vst v2  }
0x6a: {  	[tilespmem:$0xC360] =	vst v2  }
0x6b: {  	[tilespmem:$0xC370] =	vst v2  }
0x6c: {  	[tilespmem:$0xC380] =	vst v2  }
0x6d: {  	[tilespmem:$0xC390] =	vst v2  }
0x6e: {  	[tilespmem:$0xC3A0] =	vst v2  }
0x6f: {  	[tilespmem:$0xC3B0] =	vst v2  }
0x70: {  	[tilespmem:$0xC3C0] =	vst v2  }
0x71: {  	[tilespmem:$0xC3D0] =	vst v2  }
0x72: {  	[tilespmem:$0xC3E0] =	vst v2  }
0x73: {  	[tilespmem:$0xC3F0] =	vst v2  }
0x74: {  	[tilespmem:$0xC400] =	vst v2  }
0x75: {  	[tilespmem:$0xC410] =	vst v2  }
0x76: {  	[tilespmem:$0xC420] =	vst v2  }
0x77: {  	[tilespmem:$0xC430] =	vst v2  }
0x78: {  	[tilespmem:$0xC440] =	vst v2  }
0x79: {  	[tilespmem:$0xC450] =	vst v2  }
0x7a: {  	[tilespmem:$0xC460] =	vst v2  }
0x7b: {  	[tilespmem:$0xC470] =	vst v2  }
0x7c: {  	[tilespmem:$0xC480] =	vst v2  }
0x7d: {  	[tilespmem:$0xC490] =	vst v2  }
0x7e: {  	[tilespmem:$0xC4A0] =	vst v2  }
0x7f: {  	[tilespmem:$0xC4B0] =	vst v2  }
0x80: {  	[tilespmem:$0xC4C0] =	vst v2  }
0x81: {  	[tilespmem:$0xC4D0] =	vst v2  }
0x82: {  	[tilespmem:$0xC4E0] =	vst v2  }
0x83: {  	[tilespmem:$0xC4F0] =	vst v2  }
0x84: {  	[tilespmem:$0xC500] =	vst v2  }
0x85: {  	[tilespmem:$0xC510] =	vst v2  }
0x86: {  	[tilespmem:$0xC520] =	vst v2  }
0x87: {  	[tilespmem:$0xC530] =	vst v2  }
0x88: {  	[tilespmem:$0xC540] =	vst v2  }
0x89: {  	[tilespmem:$0xC550] =	vst v2  }
0x8a: {  	[dreg:$0x1b] =	wrdreg s3;
	[tilespmem:$0xC560] =	vst v2  }
0x8b: {  	s3 =	rddreg [dreg:$0xa];
	[tilespmem:$0xC570] =	vst v2  }
0x8c: {  	[tilespmem:s4], [sflag:$0x5] =	stream.linear.gather [hbm4b:s3+s4], $0x20, $0x38;
	[tilespmem:$0xC580] =	vst v63  }
0x8d: {  	_ =	swait.ge [sflag:s17], $0x20  }
0x8e: {  	[sflag:s17] =	ssyncset.done $0x0  }
0x8f: {  	[sflag:s17] =	ssyncadd.s32 $0xFFFFFFE0  }
0x90: {  	v3 =	vld [tilespmem:$0x0];
	_ =	sdelay $0x4  }
0x91: {  	v4 =	vand.u32 $0xFFFFFFF8, v3  }
0x92: {  	(v2sf) =	vpush v4, $0x0;
	_ =	sdelay $0x5  }
0x93: {  	(v2sf) =	vpush v4, $0x1;
	_ =	sdelay $0x8  }
0x94: {  	s12 =	rddreg [dreg:$0x1c];
	s6 =	spop (v2sf);
	(v2sf) =	vpush v4, $0x2  }
0x95: {  	s2 =	sor.u32 s12, s6  }
0x96: {  	s2 =	sshll.u32 s2, $0x7  }
0x97: {  	s2 =	sand.u32 $0x1FFFFF80, s2  }
0x98: {  	s11 =	simm.s32 $0x80;
	s3 =	rddreg [dreg:$0x2];
	s6 =	sadd.s32 s1, s2  }
0x99: {  	[tilespmem:s11], [sflag:$0x1] =	stream.linear.gather [hbm4b:s6+s4], $0x400, $0x38;
	[tilespmem:$0xC580] =	vst v63  }
0x9a: {  	s13 =	simm.s32 $0x4080;
	s18 =	spop (v2sf);
	(v2sf) =	vpush v4, $0x3;
	s2 =	sadd.s32 s3, s2  }
0x9b: {  	[tilespmem:s13], [sflag:$0x2] =	stream.linear.gather [hbm4b:s2+s4], $0x400, $0x38;
	[tilespmem:$0xC580] =	vst v63  }
0x9c: {  	s2 =	sor.u32 s12, s18  }
0x9d: {  	s2 =	sshll.u32 s2, $0x7  }
0x9e: {  	s2 =	sand.u32 $0x1FFFFF80, s2  }
0x9f: {  	s18 =	simm.s32 $0x480;
	s19 =	sadd.s32 s1, s2  }
0xa0: {  	[tilespmem:s18], [sflag:$0x1] =	stream.linear.gather [hbm4b:s19+s4], $0x400, $0x38;
	[tilespmem:$0xC580] =	vst v63  }
0xa1: {  	s20 =	simm.s32 $0x4480;
	s2 =	sadd.s32 s3, s2  }
0xa2: {  	[tilespmem:s20], [sflag:$0x2] =	stream.linear.gather [hbm4b:s2+s4], $0x400, $0x38;
	[tilespmem:$0xC580] =	vst v63  }
0xa3: {  	s21 =	spop (v2sf);
	(v2sf) =	vpush v4, $0x4  }
0xa4: {  	s2 =	sor.u32 s12, s21  }
0xa5: {  	s2 =	sshll.u32 s2, $0x7  }
0xa6: {  	s2 =	sand.u32 $0x1FFFFF80, s2  }
0xa7: {  	s20 =	simm.s32 $0x880;
	s22 =	sadd.s32 s1, s2  }
0xa8: {  	[tilespmem:s20], [sflag:$0x1] =	stream.linear.gather [hbm4b:s22+s4], $0x400, $0x38;
	[tilespmem:$0xC580] =	vst v63  }
0xa9: {  	s21 =	simm.s32 $0x4880;
	s23 =	spop (v2sf);
	(v2sf) =	vpush v4, $0x5;
	s2 =	sadd.s32 s3, s2  }
0xaa: {  	[tilespmem:s21], [sflag:$0x2] =	stream.linear.gather [hbm4b:s2+s4], $0x400, $0x38;
	[tilespmem:$0xC580] =	vst v63  }
0xab: {  	s2 =	sor.u32 s12, s23  }
0xac: {  	s2 =	sshll.u32 s2, $0x7  }
0xad: {  	s2 =	sand.u32 $0x1FFFFF80, s2  }
0xae: {  	s22 =	simm.s32 $0xC80;
	s24 =	sadd.s32 s1, s2  }
0xaf: {  	[tilespmem:s22], [sflag:$0x1] =	stream.linear.gather [hbm4b:s24+s4], $0x400, $0x38;
	[tilespmem:$0xC580] =	vst v63  }
0xb0: {  	s25 =	simm.s32 $0x4C80;
	s2 =	sadd.s32 s3, s2  }
0xb1: {  	[tilespmem:s25], [sflag:$0x2] =	stream.linear.gather [hbm4b:s2+s4], $0x400, $0x38;
	[tilespmem:$0xC580] =	vst v63  }
0xb2: {  	s28 =	spop (v2sf);
	(v2sf) =	vpush v4, $0x6  }
0xb3: {  	s2 =	sor.u32 s12, s28  }
0xb4: {  	s2 =	sshll.u32 s2, $0x7  }
0xb5: {  	s2 =	sand.u32 $0x1FFFFF80, s2  }
0xb6: {  	s24 =	simm.s32 $0x1080;
	s29 =	sadd.s32 s1, s2  }
0xb7: {  	[tilespmem:s24], [sflag:$0x1] =	stream.linear.gather [hbm4b:s29+s4], $0x400, $0x38;
	[tilespmem:$0xC580] =	vst v63  }
0xb8: {  	s25 =	simm.s32 $0x5080;
	s6 =	spop (v2sf);
	(v2sf) =	vpush v4, $0x7;
	s2 =	sadd.s32 s3, s2  }
0xb9: {  	[tilespmem:s25], [sflag:$0x2] =	stream.linear.gather [hbm4b:s2+s4], $0x400, $0x38;
	[tilespmem:$0xC580] =	vst v63  }
0xba: {  	s2 =	sor.u32 s12, s6  }
0xbb: {  	s2 =	sshll.u32 s2, $0x7  }
0xbc: {  	s2 =	sand.u32 $0x1FFFFF80, s2  }
0xbd: {  	s28 =	simm.s32 $0x1480;
	s11 =	sadd.s32 s1, s2  }
0xbe: {  	[tilespmem:s28], [sflag:$0x1] =	stream.linear.gather [hbm4b:s11+s4], $0x400, $0x38;
	[tilespmem:$0xC580] =	vst v63  }
0xbf: {  	s13 =	simm.s32 $0x5480;
	s2 =	sadd.s32 s3, s2  }
0xc0: {  	[tilespmem:s13], [sflag:$0x2] =	stream.linear.gather [hbm4b:s2+s4], $0x400, $0x38;
	[tilespmem:$0xC580] =	vst v63  }
0xc1: {  	s19 =	spop (v2sf);
	(v2sf) =	vpush v4, $0x8  }
0xc2: {  	s2 =	sor.u32 s12, s19  }
0xc3: {  	s2 =	sshll.u32 s2, $0x7  }
0xc4: {  	s2 =	sand.u32 $0x1FFFFF80, s2  }
0xc5: {  	s11 =	simm.s32 $0x1880;
	s23 =	sadd.s32 s1, s2  }
0xc6: {  	[tilespmem:s11], [sflag:$0x1] =	stream.linear.gather [hbm4b:s23+s4], $0x400, $0x38;
	[tilespmem:$0xC580] =	vst v63  }
0xc7: {  	s29 =	simm.s32 $0x5880;
	s6 =	spop (v2sf);
	(v2sf) =	vpush v4, $0x9;
	s2 =	sadd.s32 s3, s2  }
0xc8: {  	[tilespmem:s29], [sflag:$0x2] =	stream.linear.gather [hbm4b:s2+s4], $0x400, $0x38;
	[tilespmem:$0xC580] =	vst v63  }
0xc9: {  	s2 =	sor.u32 s12, s6  }
0xca: {  	s2 =	sshll.u32 s2, $0x7  }
0xcb: {  	s2 =	sand.u32 $0x1FFFFF80, s2  }
0xcc: {  	s19 =	simm.s32 $0x1C80;
	s11 =	sadd.s32 s1, s2  }
0xcd: {  	[tilespmem:s19], [sflag:$0x1] =	stream.linear.gather [hbm4b:s11+s4], $0x400, $0x38;
	[tilespmem:$0xC580] =	vst v63  }
0xce: {  	s13 =	simm.s32 $0x5C80;
	s2 =	sadd.s32 s3, s2  }
0xcf: {  	[tilespmem:s13], [sflag:$0x2] =	stream.linear.gather [hbm4b:s2+s4], $0x400, $0x38;
	[tilespmem:$0xC580] =	vst v63  }
0xd0: {  	s23 =	spop (v2sf);
	(v2sf) =	vpush v4, $0xA  }
0xd1: {  	s2 =	sor.u32 s12, s23  }
0xd2: {  	s2 =	sshll.u32 s2, $0x7  }
0xd3: {  	s2 =	sand.u32 $0x1FFFFF80, s2  }
0xd4: {  	s23 =	simm.s32 $0x2080;
	s29 =	sadd.s32 s1, s2  }
0xd5: {  	[tilespmem:s23], [sflag:$0x1] =	stream.linear.gather [hbm4b:s29+s4], $0x400, $0x38;
	[tilespmem:$0xC580] =	vst v63  }
0xd6: {  	s6 =	spop (v2sf);
	(v2sf) =	vpush v4, $0xB;
	s2 =	sadd.s32 s3, s2;
	s29 =	simm.s32 $0x6080  }
0xd7: {  	[tilespmem:s29], [sflag:$0x2] =	stream.linear.gather [hbm4b:s2+s4], $0x400, $0x38;
	[tilespmem:$0xC580] =	vst v63  }
0xd8: {  	s2 =	sor.u32 s12, s6  }
0xd9: {  	s2 =	sshll.u32 s2, $0x7  }
0xda: {  	s2 =	sand.u32 $0x1FFFFF80, s2  }
0xdb: {  	s13 =	simm.s32 $0x2480;
	s11 =	sadd.s32 s1, s2  }
0xdc: {  	[tilespmem:s13], [sflag:$0x1] =	stream.linear.gather [hbm4b:s11+s4], $0x400, $0x38;
	[tilespmem:$0xC580] =	vst v63  }
0xdd: {  	s2 =	sadd.s32 s3, s2;
	s13 =	simm.s32 $0x6480  }
0xde: {  	[tilespmem:s13], [sflag:$0x2] =	stream.linear.gather [hbm4b:s2+s4], $0x400, $0x38;
	[tilespmem:$0xC580] =	vst v63  }
0xdf: {  	s6 =	spop (v2sf);
	(v2sf) =	vpush v4, $0xC  }
0xe0: {  	s2 =	sor.u32 s12, s6  }
0xe1: {  	s2 =	sshll.u32 s2, $0x7  }
0xe2: {  	s2 =	sand.u32 $0x1FFFFF80, s2  }
0xe3: {  	s13 =	simm.s32 $0x2880;
	s11 =	sadd.s32 s1, s2  }
0xe4: {  	[tilespmem:s13], [sflag:$0x1] =	stream.linear.gather [hbm4b:s11+s4], $0x400, $0x38;
	[tilespmem:$0xC580] =	vst v63  }
0xe5: {  	s6 =	spop (v2sf);
	(v2sf) =	vpush v4, $0xD;
	s2 =	sadd.s32 s3, s2;
	s13 =	simm.s32 $0x6880  }
0xe6: {  	[tilespmem:s13], [sflag:$0x2] =	stream.linear.gather [hbm4b:s2+s4], $0x400, $0x38;
	[tilespmem:$0xC580] =	vst v63  }
0xe7: {  	s2 =	sor.u32 s12, s6  }
0xe8: {  	s2 =	sshll.u32 s2, $0x7  }
0xe9: {  	s2 =	sand.u32 $0x1FFFFF80, s2  }
0xea: {  	s13 =	simm.s32 $0x2C80;
	s11 =	sadd.s32 s1, s2  }
0xeb: {  	[tilespmem:s13], [sflag:$0x1] =	stream.linear.gather [hbm4b:s11+s4], $0x400, $0x38;
	[tilespmem:$0xC580] =	vst v63  }
0xec: {  	s2 =	sadd.s32 s3, s2;
	s13 =	simm.s32 $0x6C80  }
0xed: {  	[tilespmem:s13], [sflag:$0x2] =	stream.linear.gather [hbm4b:s2+s4], $0x400, $0x38;
	[tilespmem:$0xC580] =	vst v63  }
0xee: {  	s6 =	spop (v2sf);
	(v2sf) =	vpush v4, $0xE  }
0xef: {  	s2 =	sor.u32 s12, s6  }
0xf0: {  	s2 =	sshll.u32 s2, $0x7  }
0xf1: {  	s2 =	sand.u32 $0x1FFFFF80, s2  }
0xf2: {  	s13 =	simm.s32 $0x3080;
	s11 =	sadd.s32 s1, s2  }
0xf3: {  	[tilespmem:s13], [sflag:$0x1] =	stream.linear.gather [hbm4b:s11+s4], $0x400, $0x38;
	[tilespmem:$0xC580] =	vst v63  }
0xf4: {  	s6 =	spop (v2sf);
	(v2sf) =	vpush v4, $0xF;
	s2 =	sadd.s32 s3, s2;
	s13 =	simm.s32 $0x7080  }
0xf5: {  	[tilespmem:s13], [sflag:$0x2] =	stream.linear.gather [hbm4b:s2+s4], $0x400, $0x38;
	[tilespmem:$0xC580] =	vst v63  }
0xf6: {  	s2 =	sor.u32 s12, s6  }
0xf7: {  	s2 =	sshll.u32 s2, $0x7  }
0xf8: {  	s2 =	sand.u32 $0x1FFFFF80, s2  }
0xf9: {  	s13 =	simm.s32 $0x3480;
	s11 =	sadd.s32 s1, s2  }
0xfa: {  	[tilespmem:s13], [sflag:$0x1] =	stream.linear.gather [hbm4b:s11+s4], $0x400, $0x38;
	[tilespmem:$0xC580] =	vst v63  }
0xfb: {  	s2 =	sadd.s32 s3, s2;
	s13 =	simm.s32 $0x7480  }
0xfc: {  	[tilespmem:s13], [sflag:$0x2] =	stream.linear.gather [hbm4b:s2+s4], $0x400, $0x38;
	[tilespmem:$0xC580] =	vst v63  }
0xfd: {  	s6 =	spop (v2sf)  }
0xfe: {  	s2 =	sor.u32 s12, s6  }
0xff: {  	s2 =	sshll.u32 s2, $0x7  }
0x100: {  	s2 =	sand.u32 $0x1FFFFF80, s2  }
0x101: {  	s13 =	simm.s32 $0x3880;
	s11 =	sadd.s32 s1, s2  }
0x102: {  	[tilespmem:s13], [sflag:$0x1] =	stream.linear.gather [hbm4b:s11+s4], $0x400, $0x38;
	[tilespmem:$0xC580] =	vst v63  }
0x103: {  	s6 =	spop (v2sf);
	s2 =	sadd.s32 s3, s2;
	s13 =	simm.s32 $0x7880  }
0x104: {  	[tilespmem:s13], [sflag:$0x2] =	stream.linear.gather [hbm4b:s2+s4], $0x400, $0x38;
	[tilespmem:$0xC580] =	vst v63  }
0x105: {  	s2 =	sor.u32 s12, s6  }
0x106: {  	s2 =	sshll.u32 s2, $0x7  }
0x107: {  	s2 =	sand.u32 $0x1FFFFF80, s2  }
0x108: {  	s13 =	simm.s32 $0x3C80;
	s11 =	sadd.s32 s1, s2  }
0x109: {  	[tilespmem:s13], [sflag:$0x1] =	stream.linear.gather [hbm4b:s11+s4], $0x400, $0x38;
	[tilespmem:$0xC580] =	vst v63  }
0x10a: {  	s2 =	sadd.s32 s3, s2;
	s13 =	simm.s32 $0x7C80  }
0x10b: {  	[tilespmem:s13], [sflag:$0x2] =	stream.linear.gather [hbm4b:s2+s4], $0x400, $0x38;
	[tilespmem:$0xC580] =	vst v63  }
0x10c: {  	_ =	swait.ge [sflag:s7], $0x400  }
0x10d: {  	[sflag:s7] =	ssyncset.done $0x0  }
0x10e: {  	[sflag:s7] =	ssyncadd.s32 $0xFFFFFC00  }
0x10f: {  	_ =	swait.ge [sflag:s30], $0x400  }
0x110: {  	[sflag:s30] =	ssyncset.done $0x0  }
0x111: {  	[sflag:s30] =	ssyncadd.s32 $0xFFFFFC00  }
0x112: {  	_ =	swait.ge [sflag:s7], $0x400  }
0x113: {  	[sflag:s7] =	ssyncset.done $0x0  }
0x114: {  	[sflag:s7] =	ssyncadd.s32 $0xFFFFFC00  }
0x115: {  	_ =	swait.ge [sflag:s30], $0x400  }
0x116: {  	[sflag:s30] =	ssyncset.done $0x0  }
0x117: {  	[sflag:s30] =	ssyncadd.s32 $0xFFFFFC00  }
0x118: {  	_ =	swait.ge [sflag:s7], $0x400  }
0x119: {  	[sflag:s7] =	ssyncset.done $0x0  }
0x11a: {  	[sflag:s7] =	ssyncadd.s32 $0xFFFFFC00  }
0x11b: {  	_ =	swait.ge [sflag:s30], $0x400  }
0x11c: {  	[sflag:s30] =	ssyncset.done $0x0  }
0x11d: {  	[sflag:s30] =	ssyncadd.s32 $0xFFFFFC00  }
0x11e: {  	_ =	swait.ge [sflag:s7], $0x400  }
0x11f: {  	[sflag:s7] =	ssyncset.done $0x0  }
0x120: {  	[sflag:s7] =	ssyncadd.s32 $0xFFFFFC00  }
0x121: {  	_ =	swait.ge [sflag:s30], $0x400  }
0x122: {  	[sflag:s30] =	ssyncset.done $0x0  }
0x123: {  	[sflag:s30] =	ssyncadd.s32 $0xFFFFFC00  }
0x124: {  	_ =	swait.ge [sflag:s7], $0x400  }
0x125: {  	[sflag:s7] =	ssyncset.done $0x0  }
0x126: {  	[sflag:s7] =	ssyncadd.s32 $0xFFFFFC00  }
0x127: {  	_ =	swait.ge [sflag:s30], $0x400  }
0x128: {  	[sflag:s30] =	ssyncset.done $0x0  }
0x129: {  	[sflag:s30] =	ssyncadd.s32 $0xFFFFFC00  }
0x12a: {  	_ =	swait.ge [sflag:s7], $0x400  }
0x12b: {  	[sflag:s7] =	ssyncset.done $0x0  }
0x12c: {  	[sflag:s7] =	ssyncadd.s32 $0xFFFFFC00  }
0x12d: {  	_ =	swait.ge [sflag:s30], $0x400  }
0x12e: {  	[sflag:s30] =	ssyncset.done $0x0  }
0x12f: {  	[sflag:s30] =	ssyncadd.s32 $0xFFFFFC00  }
0x130: {  	_ =	swait.ge [sflag:s7], $0x400  }
0x131: {  	[sflag:s7] =	ssyncset.done $0x0  }
0x132: {  	[sflag:s7] =	ssyncadd.s32 $0xFFFFFC00  }
0x133: {  	_ =	swait.ge [sflag:s30], $0x400  }
0x134: {  	[sflag:s30] =	ssyncset.done $0x0  }
0x135: {  	[sflag:s30] =	ssyncadd.s32 $0xFFFFFC00  }
0x136: {  	_ =	swait.ge [sflag:s7], $0x400  }
0x137: {  	[sflag:s7] =	ssyncset.done $0x0  }
0x138: {  	[sflag:s7] =	ssyncadd.s32 $0xFFFFFC00  }
0x139: {  	_ =	swait.ge [sflag:s30], $0x400  }
0x13a: {  	[sflag:s30] =	ssyncset.done $0x0  }
0x13b: {  	[sflag:s30] =	ssyncadd.s32 $0xFFFFFC00  }
0x13c: {  	_ =	swait.ge [sflag:s7], $0x400  }
0x13d: {  	[sflag:s7] =	ssyncset.done $0x0  }
0x13e: {  	[sflag:s7] =	ssyncadd.s32 $0xFFFFFC00  }
0x13f: {  	_ =	swait.ge [sflag:s30], $0x400  }
0x140: {  	[sflag:s30] =	ssyncset.done $0x0  }
0x141: {  	[sflag:s30] =	ssyncadd.s32 $0xFFFFFC00  }
0x142: {  	_ =	swait.ge [sflag:s7], $0x400  }
0x143: {  	[sflag:s7] =	ssyncset.done $0x0  }
0x144: {  	[sflag:s7] =	ssyncadd.s32 $0xFFFFFC00  }
0x145: {  	_ =	swait.ge [sflag:s30], $0x400  }
0x146: {  	[sflag:s30] =	ssyncset.done $0x0  }
0x147: {  	[sflag:s30] =	ssyncadd.s32 $0xFFFFFC00  }
0x148: {  	_ =	swait.ge [sflag:s7], $0x400  }
0x149: {  	[sflag:s7] =	ssyncset.done $0x0  }
0x14a: {  	[sflag:s7] =	ssyncadd.s32 $0xFFFFFC00  }
0x14b: {  	_ =	swait.ge [sflag:s30], $0x400  }
0x14c: {  	[sflag:s30] =	ssyncset.done $0x0  }
0x14d: {  	[sflag:s30] =	ssyncadd.s32 $0xFFFFFC00  }
0x14e: {  	_ =	swait.ge [sflag:s7], $0x400  }
0x14f: {  	[sflag:s7] =	ssyncset.done $0x0  }
0x150: {  	[sflag:s7] =	ssyncadd.s32 $0xFFFFFC00  }
0x151: {  	_ =	swait.ge [sflag:s30], $0x400  }
0x152: {  	[sflag:s30] =	ssyncset.done $0x0  }
0x153: {  	[sflag:s30] =	ssyncadd.s32 $0xFFFFFC00  }
0x154: {  	_ =	swait.ge [sflag:s7], $0x400  }
0x155: {  	[sflag:s7] =	ssyncset.done $0x0  }
0x156: {  	[sflag:s7] =	ssyncadd.s32 $0xFFFFFC00  }
0x157: {  	_ =	swait.ge [sflag:s30], $0x400  }
0x158: {  	[sflag:s30] =	ssyncset.done $0x0  }
0x159: {  	[sflag:s30] =	ssyncadd.s32 $0xFFFFFC00  }
0x15a: {  	_ =	swait.ge [sflag:s7], $0x400  }
0x15b: {  	[sflag:s7] =	ssyncset.done $0x0  }
0x15c: {  	[sflag:s7] =	ssyncadd.s32 $0xFFFFFC00  }
0x15d: {  	_ =	swait.ge [sflag:s30], $0x400  }
0x15e: {  	[sflag:s30] =	ssyncset.done $0x0  }
0x15f: {  	[sflag:s30] =	ssyncadd.s32 $0xFFFFFC00  }
0x160: {  	_ =	swait.ge [sflag:s7], $0x400  }
0x161: {  	[sflag:s7] =	ssyncset.done $0x0  }
0x162: {  	[sflag:s7] =	ssyncadd.s32 $0xFFFFFC00  }
0x163: {  	_ =	swait.ge [sflag:s30], $0x400  }
0x164: {  	[sflag:s30] =	ssyncset.done $0x0  }
0x165: {  	[sflag:s30] =	ssyncadd.s32 $0xFFFFFC00  }
0x166: {  	_ =	swait.ge [sflag:s7], $0x400  }
0x167: {  	[sflag:s7] =	ssyncset.done $0x0  }
0x168: {  	[sflag:s7] =	ssyncadd.s32 $0xFFFFFC00  }
0x169: {  	_ =	swait.ge [sflag:s30], $0x400  }
0x16a: {  	[sflag:s30] =	ssyncset.done $0x0  }
0x16b: {  	[sflag:s30] =	ssyncadd.s32 $0xFFFFFC00  }
0x16c: {  	v62 =	vld [tilespmem:$0x10];
	_ =	sdelay $0x4  }
0x16d: {  	v5 =	vand.u32 $0xFFFFFFF8, v62  }
0x16e: {  	(v2sf) =	vpush v5, $0x0  }
0x16f: {  	v3 =	vshll.u32 v3, $0x7  }
0x170: {  	v3 =	vand.u32 $0x380, v3  }
0x171: {  	v3 =	vor.u32 v3, v0;
	_ =	sdelay $0x2  }
0x172: {  	(v2sf) =	vpush v5, $0x1  }
0x173: {  	s11 =	simm.s32 $0x80  }
0x174: {  	v6 =	vld.idx.msk [tilespmem:v3+s11+$0x0], $0xffff;
	_ =	sdelay $0x2  }
0x175: {  	(v2sf) =	vpush v5, $0x2;
	_ =	sdelay $0x1  }
0x176: {  	s13 =	simm.s32 $0x4080;
	[tilespmem:$0x8080] =	vst v6  }
0x177: {  	v3 =	vld.idx.msk [tilespmem:v3+s13+$0x0], $0xffff  }
0x178: {  	s6 =	spop (v2sf)  }
0x179: {  	s2 =	sor.u32 s12, s6  }
0x17a: {  	s2 =	sshll.u32 s2, $0x7  }
0x17b: {  	s2 =	sand.u32 $0x1FFFFF80, s2  }
0x17c: {  	[tilespmem:$0x8100] =	vst v3;
	(v2sf) =	vpush v5, $0x3;
	s6 =	sadd.s32 s1, s2  }
0x17d: {  	[tilespmem:s11], [sflag:$0x1] =	stream.linear.gather [hbm4b:s6+s4], $0x400, $0x38;
	[tilespmem:$0xC580] =	vst v63  }
0x17e: {  	s2 =	sadd.s32 s3, s2;
	s6 =	spop (v2sf)  }
0x17f: {  	[tilespmem:s13], [sflag:$0x2] =	stream.linear.gather [hbm4b:s2+s4], $0x400, $0x38;
	[tilespmem:$0xC580] =	vst v63  }
0x180: {  	s2 =	sor.u32 s12, s6  }
0x181: {  	(v2sf) =	vpush v5, $0x4;
	s2 =	sshll.u32 s2, $0x7  }
0x182: {  	s2 =	sand.u32 $0x1FFFFF80, s2  }
0x183: {  	s6 =	spop (v2sf);
	s13 =	sadd.s32 s1, s2  }
0x184: {  	[tilespmem:s18], [sflag:$0x1] =	stream.linear.gather [hbm4b:s13+s4], $0x400, $0x38;
	[tilespmem:$0xC580] =	vst v63  }
0x185: {  	s2 =	sadd.s32 s3, s2;
	s18 =	simm.s32 $0x4480;
	s13 =	sor.u32 s12, s6  }
0x186: {  	[tilespmem:s18], [sflag:$0x2] =	stream.linear.gather [hbm4b:s2+s4], $0x400, $0x38;
	[tilespmem:$0xC580] =	vst v63  }
0x187: {  	s2 =	sshll.u32 s13, $0x7  }
0x188: {  	s2 =	sand.u32 $0x1FFFFF80, s2  }
0x189: {  	s18 =	sadd.s32 s1, s2  }
0x18a: {  	[tilespmem:s20], [sflag:$0x1] =	stream.linear.gather [hbm4b:s18+s4], $0x400, $0x38;
	[tilespmem:$0xC580] =	vst v63  }
0x18b: {  	s2 =	sadd.s32 s3, s2;
	s6 =	spop (v2sf);
	(v2sf) =	vpush v5, $0x5  }
0x18c: {  	[tilespmem:s21], [sflag:$0x2] =	stream.linear.gather [hbm4b:s2+s4], $0x400, $0x38;
	[tilespmem:$0xC580] =	vst v63  }
0x18d: {  	s2 =	sor.u32 s12, s6  }
0x18e: {  	s2 =	sshll.u32 s2, $0x7  }
0x18f: {  	s2 =	sand.u32 $0x1FFFFF80, s2  }
0x190: {  	s18 =	spop (v2sf);
	s13 =	sadd.s32 s1, s2  }
0x191: {  	(v2sf) =	vpush v5, $0x6;
	[tilespmem:s22], [sflag:$0x1] =	stream.linear.gather [hbm4b:s13+s4], $0x400, $0x38;
	[tilespmem:$0xC580] =	vst v63  }
0x192: {  	s20 =	simm.s32 $0x4C80;
	s2 =	sadd.s32 s3, s2;
	s21 =	sor.u32 s12, s18  }
0x193: {  	[tilespmem:s20], [sflag:$0x2] =	stream.linear.gather [hbm4b:s2+s4], $0x400, $0x38;
	[tilespmem:$0xC580] =	vst v63  }
0x194: {  	s2 =	sshll.u32 s21, $0x7  }
0x195: {  	s2 =	sand.u32 $0x1FFFFF80, s2  }
0x196: {  	s22 =	sadd.s32 s1, s2  }
0x197: {  	[tilespmem:s24], [sflag:$0x1] =	stream.linear.gather [hbm4b:s22+s4], $0x400, $0x38;
	[tilespmem:$0xC580] =	vst v63  }
0x198: {  	s2 =	sadd.s32 s3, s2  }
0x199: {  	[tilespmem:s25], [sflag:$0x2] =	stream.linear.gather [hbm4b:s2+s4], $0x400, $0x38;
	[tilespmem:$0xC580] =	vst v63  }
0x19a: {  	s13 =	spop (v2sf);
	(v2sf) =	vpush v5, $0x7  }
0x19b: {  	s2 =	sor.u32 s12, s13  }
0x19c: {  	s2 =	sshll.u32 s2, $0x7  }
0x19d: {  	s2 =	sand.u32 $0x1FFFFF80, s2  }
0x19e: {  	s18 =	sadd.s32 s1, s2  }
0x19f: {  	[tilespmem:s28], [sflag:$0x1] =	stream.linear.gather [hbm4b:s18+s4], $0x400, $0x38;
	[tilespmem:$0xC580] =	vst v63  }
0x1a0: {  	s20 =	spop (v2sf);
	(v2sf) =	vpush v5, $0x8  }
0x1a1: {  	s21 =	simm.s32 $0x5480;
	s2 =	sadd.s32 s3, s2;
	s22 =	sor.u32 s12, s20  }
0x1a2: {  	[tilespmem:s21], [sflag:$0x2] =	stream.linear.gather [hbm4b:s2+s4], $0x400, $0x38;
	[tilespmem:$0xC580] =	vst v63  }
0x1a3: {  	s2 =	sshll.u32 s22, $0x7  }
0x1a4: {  	s2 =	sand.u32 $0x1FFFFF80, s2  }
0x1a5: {  	s25 =	simm.s32 $0x1880;
	s24 =	sadd.s32 s1, s2  }
0x1a6: {  	[tilespmem:s25], [sflag:$0x1] =	stream.linear.gather [hbm4b:s24+s4], $0x400, $0x38;
	[tilespmem:$0xC580] =	vst v63  }
0x1a7: {  	s28 =	simm.s32 $0x5880;
	s2 =	sadd.s32 s3, s2  }
0x1a8: {  	[tilespmem:s28], [sflag:$0x2] =	stream.linear.gather [hbm4b:s2+s4], $0x400, $0x38;
	[tilespmem:$0xC580] =	vst v63  }
0x1a9: {  	s13 =	spop (v2sf);
	(v2sf) =	vpush v5, $0x9  }
0x1aa: {  	s2 =	sor.u32 s12, s13  }
0x1ab: {  	s2 =	sshll.u32 s2, $0x7  }
0x1ac: {  	s2 =	sand.u32 $0x1FFFFF80, s2  }
0x1ad: {  	s18 =	sadd.s32 s1, s2  }
0x1ae: {  	[tilespmem:s19], [sflag:$0x1] =	stream.linear.gather [hbm4b:s18+s4], $0x400, $0x38;
	[tilespmem:$0xC580] =	vst v63  }
0x1af: {  	s19 =	spop (v2sf);
	(v2sf) =	vpush v5, $0xA  }
0x1b0: {  	s20 =	simm.s32 $0x5C80;
	s2 =	sadd.s32 s3, s2;
	s21 =	sor.u32 s12, s19  }
0x1b1: {  	[tilespmem:s20], [sflag:$0x2] =	stream.linear.gather [hbm4b:s2+s4], $0x400, $0x38;
	[tilespmem:$0xC580] =	vst v63  }
0x1b2: {  	s2 =	sshll.u32 s21, $0x7  }
0x1b3: {  	s2 =	sand.u32 $0x1FFFFF80, s2  }
0x1b4: {  	s22 =	sadd.s32 s1, s2  }
0x1b5: {  	[tilespmem:s23], [sflag:$0x1] =	stream.linear.gather [hbm4b:s22+s4], $0x400, $0x38;
	[tilespmem:$0xC580] =	vst v63  }
0x1b6: {  	s2 =	sadd.s32 s3, s2  }
0x1b7: {  	[tilespmem:s29], [sflag:$0x2] =	stream.linear.gather [hbm4b:s2+s4], $0x400, $0x38;
	[tilespmem:$0xC580] =	vst v63  }
0x1b8: {  	s24 =	spop (v2sf);
	(v2sf) =	vpush v5, $0xB  }
0x1b9: {  	s2 =	sor.u32 s12, s24  }
0x1ba: {  	s2 =	sshll.u32 s2, $0x7  }
0x1bb: {  	s2 =	sand.u32 $0x1FFFFF80, s2  }
0x1bc: {  	s28 =	simm.s32 $0x2480;
	s25 =	sadd.s32 s1, s2  }
0x1bd: {  	[tilespmem:s28], [sflag:$0x1] =	stream.linear.gather [hbm4b:s25+s4], $0x400, $0x38;
	[tilespmem:$0xC580] =	vst v63  }
0x1be: {  	s29 =	spop (v2sf);
	(v2sf) =	vpush v5, $0xC  }
0x1bf: {  	s18 =	simm.s32 $0x6480;
	s2 =	sadd.s32 s3, s2;
	s19 =	sor.u32 s12, s29  }
0x1c0: {  	[tilespmem:s18], [sflag:$0x2] =	stream.linear.gather [hbm4b:s2+s4], $0x400, $0x38;
	[tilespmem:$0xC580] =	vst v63  }
0x1c1: {  	s2 =	sshll.u32 s19, $0x7  }
0x1c2: {  	s2 =	sand.u32 $0x1FFFFF80, s2  }
0x1c3: {  	s21 =	simm.s32 $0x2880;
	s20 =	sadd.s32 s1, s2  }
0x1c4: {  	[tilespmem:s21], [sflag:$0x1] =	stream.linear.gather [hbm4b:s20+s4], $0x400, $0x38;
	[tilespmem:$0xC580] =	vst v63  }
0x1c5: {  	s22 =	simm.s32 $0x6880;
	s2 =	sadd.s32 s3, s2  }
0x1c6: {  	[tilespmem:s22], [sflag:$0x2] =	stream.linear.gather [hbm4b:s2+s4], $0x400, $0x38;
	[tilespmem:$0xC580] =	vst v63  }
0x1c7: {  	s23 =	spop (v2sf);
	(v2sf) =	vpush v5, $0xD  }
0x1c8: {  	s2 =	sor.u32 s12, s23  }
0x1c9: {  	s2 =	sshll.u32 s2, $0x7  }
0x1ca: {  	s2 =	sand.u32 $0x1FFFFF80, s2  }
0x1cb: {  	s25 =	simm.s32 $0x2C80;
	s24 =	sadd.s32 s1, s2  }
0x1cc: {  	[tilespmem:s25], [sflag:$0x1] =	stream.linear.gather [hbm4b:s24+s4], $0x400, $0x38;
	[tilespmem:$0xC580] =	vst v63  }
0x1cd: {  	s28 =	spop (v2sf);
	(v2sf) =	vpush v5, $0xE  }
0x1ce: {  	s29 =	simm.s32 $0x6C80;
	s2 =	sadd.s32 s3, s2;
	s6 =	sor.u32 s12, s28  }
0x1cf: {  	[tilespmem:s29], [sflag:$0x2] =	stream.linear.gather [hbm4b:s2+s4], $0x400, $0x38;
	[tilespmem:$0xC580] =	vst v63  }
0x1d0: {  	s2 =	sshll.u32 s6, $0x7  }
0x1d1: {  	s2 =	sand.u32 $0x1FFFFF80, s2  }
0x1d2: {  	s18 =	simm.s32 $0x3080;
	s13 =	sadd.s32 s1, s2  }
0x1d3: {  	[tilespmem:s18], [sflag:$0x1] =	stream.linear.gather [hbm4b:s13+s4], $0x400, $0x38;
	[tilespmem:$0xC580] =	vst v63  }
0x1d4: {  	s19 =	simm.s32 $0x7080;
	s2 =	sadd.s32 s3, s2  }
0x1d5: {  	[tilespmem:s19], [sflag:$0x2] =	stream.linear.gather [hbm4b:s2+s4], $0x400, $0x38;
	[tilespmem:$0xC580] =	vst v63  }
0x1d6: {  	s20 =	spop (v2sf);
	(v2sf) =	vpush v5, $0xF  }
0x1d7: {  	s2 =	sor.u32 s12, s20  }
0x1d8: {  	s2 =	sshll.u32 s2, $0x7  }
0x1d9: {  	s2 =	sand.u32 $0x1FFFFF80, s2  }
0x1da: {  	s22 =	simm.s32 $0x3480;
	s21 =	sadd.s32 s1, s2  }
0x1db: {  	[tilespmem:s22], [sflag:$0x1] =	stream.linear.gather [hbm4b:s21+s4], $0x400, $0x38;
	[tilespmem:$0xC580] =	vst v63  }
0x1dc: {  	s23 =	spop (v2sf)  }
0x1dd: {  	s24 =	simm.s32 $0x7480;
	s2 =	sadd.s32 s3, s2;
	s25 =	sor.u32 s12, s23  }
0x1de: {  	[tilespmem:s24], [sflag:$0x2] =	stream.linear.gather [hbm4b:s2+s4], $0x400, $0x38;
	[tilespmem:$0xC580] =	vst v63  }
0x1df: {  	s2 =	sshll.u32 s25, $0x7  }
0x1e0: {  	s2 =	sand.u32 $0x1FFFFF80, s2  }
0x1e1: {  	s29 =	simm.s32 $0x3880;
	s28 =	sadd.s32 s1, s2  }
0x1e2: {  	[tilespmem:s29], [sflag:$0x1] =	stream.linear.gather [hbm4b:s28+s4], $0x400, $0x38;
	[tilespmem:$0xC580] =	vst v63  }
0x1e3: {  	s18 =	simm.s32 $0x7880;
	s2 =	sadd.s32 s3, s2  }
0x1e4: {  	[tilespmem:s18], [sflag:$0x2] =	stream.linear.gather [hbm4b:s2+s4], $0x400, $0x38;
	[tilespmem:$0xC580] =	vst v63  }
0x1e5: {  	s19 =	spop (v2sf)  }
0x1e6: {  	s2 =	sor.u32 s12, s19  }
0x1e7: {  	s2 =	sshll.u32 s2, $0x7  }
0x1e8: {  	s2 =	sand.u32 $0x1FFFFF80, s2  }
0x1e9: {  	s21 =	simm.s32 $0x3C80;
	s20 =	sadd.s32 s1, s2  }
0x1ea: {  	[tilespmem:s21], [sflag:$0x1] =	stream.linear.gather [hbm4b:s20+s4], $0x400, $0x38;
	[tilespmem:$0xC580] =	vst v63  }
0x1eb: {  	s22 =	simm.s32 $0x7C80;
	s2 =	sadd.s32 s3, s2  }
0x1ec: {  	[tilespmem:s22], [sflag:$0x2] =	stream.linear.gather [hbm4b:s2+s4], $0x400, $0x38;
	[tilespmem:$0xC580] =	vst v63  }
0x1ed: {  	_ =	swait.ge [sflag:s7], $0x400  }
0x1ee: {  	[sflag:s7] =	ssyncset.done $0x0  }
0x1ef: {  	[sflag:s7] =	ssyncadd.s32 $0xFFFFFC00  }
0x1f0: {  	_ =	swait.ge [sflag:s30], $0x400  }
0x1f1: {  	[sflag:s30] =	ssyncset.done $0x0  }
0x1f2: {  	[sflag:s30] =	ssyncadd.s32 $0xFFFFFC00  }
0x1f3: {  	_ =	swait.ge [sflag:s7], $0x400  }
0x1f4: {  	[sflag:s7] =	ssyncset.done $0x0  }
0x1f5: {  	[sflag:s7] =	ssyncadd.s32 $0xFFFFFC00  }
0x1f6: {  	_ =	swait.ge [sflag:s30], $0x400  }
0x1f7: {  	[sflag:s30] =	ssyncset.done $0x0  }
0x1f8: {  	[sflag:s30] =	ssyncadd.s32 $0xFFFFFC00  }
0x1f9: {  	_ =	swait.ge [sflag:s7], $0x400  }
0x1fa: {  	[sflag:s7] =	ssyncset.done $0x0  }
0x1fb: {  	[sflag:s7] =	ssyncadd.s32 $0xFFFFFC00  }
0x1fc: {  	_ =	swait.ge [sflag:s30], $0x400  }
0x1fd: {  	[sflag:s30] =	ssyncset.done $0x0  }
0x1fe: {  	[sflag:s30] =	ssyncadd.s32 $0xFFFFFC00  }
0x1ff: {  	_ =	swait.ge [sflag:s7], $0x400  }
0x200: {  	[sflag:s7] =	ssyncset.done $0x0  }
0x201: {  	[sflag:s7] =	ssyncadd.s32 $0xFFFFFC00  }
0x202: {  	_ =	swait.ge [sflag:s30], $0x400  }
0x203: {  	[sflag:s30] =	ssyncset.done $0x0  }
0x204: {  	[sflag:s30] =	ssyncadd.s32 $0xFFFFFC00  }
0x205: {  	_ =	swait.ge [sflag:s7], $0x400  }
0x206: {  	[sflag:s7] =	ssyncset.done $0x0  }
0x207: {  	[sflag:s7] =	ssyncadd.s32 $0xFFFFFC00  }
0x208: {  	_ =	swait.ge [sflag:s30], $0x400  }
0x209: {  	[sflag:s30] =	ssyncset.done $0x0  }
0x20a: {  	[sflag:s30] =	ssyncadd.s32 $0xFFFFFC00  }
0x20b: {  	_ =	swait.ge [sflag:s7], $0x400  }
0x20c: {  	[sflag:s7] =	ssyncset.done $0x0  }
0x20d: {  	[sflag:s7] =	ssyncadd.s32 $0xFFFFFC00  }
0x20e: {  	_ =	swait.ge [sflag:s30], $0x400  }
0x20f: {  	[sflag:s30] =	ssyncset.done $0x0  }
0x210: {  	[sflag:s30] =	ssyncadd.s32 $0xFFFFFC00  }
0x211: {  	_ =	swait.ge [sflag:s7], $0x400  }
0x212: {  	[sflag:s7] =	ssyncset.done $0x0  }
0x213: {  	[sflag:s7] =	ssyncadd.s32 $0xFFFFFC00  }
0x214: {  	_ =	swait.ge [sflag:s30], $0x400  }
0x215: {  	[sflag:s30] =	ssyncset.done $0x0  }
0x216: {  	[sflag:s30] =	ssyncadd.s32 $0xFFFFFC00  }
0x217: {  	_ =	swait.ge [sflag:s7], $0x400  }
0x218: {  	[sflag:s7] =	ssyncset.done $0x0  }
0x219: {  	[sflag:s7] =	ssyncadd.s32 $0xFFFFFC00  }
0x21a: {  	_ =	swait.ge [sflag:s30], $0x400  }
0x21b: {  	[sflag:s30] =	ssyncset.done $0x0  }
0x21c: {  	[sflag:s30] =	ssyncadd.s32 $0xFFFFFC00  }
0x21d: {  	_ =	swait.ge [sflag:s7], $0x400  }
0x21e: {  	[sflag:s7] =	ssyncset.done $0x0  }
0x21f: {  	[sflag:s7] =	ssyncadd.s32 $0xFFFFFC00  }
0x220: {  	_ =	swait.ge [sflag:s30], $0x400  }
0x221: {  	[sflag:s30] =	ssyncset.done $0x0  }
0x222: {  	[sflag:s30] =	ssyncadd.s32 $0xFFFFFC00  }
0x223: {  	_ =	swait.ge [sflag:s7], $0x400  }
0x224: {  	[sflag:s7] =	ssyncset.done $0x0  }
0x225: {  	[sflag:s7] =	ssyncadd.s32 $0xFFFFFC00  }
0x226: {  	_ =	swait.ge [sflag:s30], $0x400  }
0x227: {  	[sflag:s30] =	ssyncset.done $0x0  }
0x228: {  	[sflag:s30] =	ssyncadd.s32 $0xFFFFFC00  }
0x229: {  	_ =	swait.ge [sflag:s7], $0x400  }
0x22a: {  	[sflag:s7] =	ssyncset.done $0x0  }
0x22b: {  	[sflag:s7] =	ssyncadd.s32 $0xFFFFFC00  }
0x22c: {  	_ =	swait.ge [sflag:s30], $0x400  }
0x22d: {  	[sflag:s30] =	ssyncset.done $0x0  }
0x22e: {  	[sflag:s30] =	ssyncadd.s32 $0xFFFFFC00  }
0x22f: {  	_ =	swait.ge [sflag:s7], $0x400  }
0x230: {  	[sflag:s7] =	ssyncset.done $0x0  }
0x231: {  	[sflag:s7] =	ssyncadd.s32 $0xFFFFFC00  }
0x232: {  	_ =	swait.ge [sflag:s30], $0x400  }
0x233: {  	[sflag:s30] =	ssyncset.done $0x0  }
0x234: {  	[sflag:s30] =	ssyncadd.s32 $0xFFFFFC00  }
0x235: {  	_ =	swait.ge [sflag:s7], $0x400  }
0x236: {  	[sflag:s7] =	ssyncset.done $0x0  }
0x237: {  	[sflag:s7] =	ssyncadd.s32 $0xFFFFFC00  }
0x238: {  	_ =	swait.ge [sflag:s30], $0x400  }
0x239: {  	[sflag:s30] =	ssyncset.done $0x0  }
0x23a: {  	[sflag:s30] =	ssyncadd.s32 $0xFFFFFC00  }
0x23b: {  	_ =	swait.ge [sflag:s7], $0x400  }
0x23c: {  	[sflag:s7] =	ssyncset.done $0x0  }
0x23d: {  	[sflag:s7] =	ssyncadd.s32 $0xFFFFFC00  }
0x23e: {  	_ =	swait.ge [sflag:s30], $0x400  }
0x23f: {  	[sflag:s30] =	ssyncset.done $0x0  }
0x240: {  	[sflag:s30] =	ssyncadd.s32 $0xFFFFFC00  }
0x241: {  	_ =	swait.ge [sflag:s7], $0x400  }
0x242: {  	[sflag:s7] =	ssyncset.done $0x0  }
0x243: {  	[sflag:s7] =	ssyncadd.s32 $0xFFFFFC00  }
0x244: {  	_ =	swait.ge [sflag:s30], $0x400  }
0x245: {  	[sflag:s30] =	ssyncset.done $0x0  }
0x246: {  	v3 =	vshll.u32 v62, $0x7;
	[sflag:s30] =	ssyncadd.s32 $0xFFFFFC00  }
0x247: {  	v3 =	vand.u32 $0x380, v3;
	_ =	swait.ge [sflag:s7], $0x400  }
0x248: {  	v3 =	vor.u32 v3, v1;
	[sflag:s7] =	ssyncset.done $0x0  }
0x249: {  	[sflag:s7] =	ssyncadd.s32 $0xFFFFFC00  }
0x24a: {  	_ =	swait.ge [sflag:s30], $0x400  }
0x24b: {  	[sflag:s30] =	ssyncset.done $0x0  }
0x24c: {  	s23 =	simm.s32 $0x80;
	[sflag:s30] =	ssyncadd.s32 $0xFFFFFC00  }
0x24d: {  	v63 =	vld.idx.msk [tilespmem:v3+s23+$0x0], $0xffff;
	_ =	sdelay $0x4  }
0x24e: {  	s11 =	simm.s32 $0x4080;
	[tilespmem:$0x8090] =	vst v63  }
0x24f: {  	v3 =	vld.idx.msk [tilespmem:v3+s11+$0x0], $0xffff;
	_ =	sdelay $0x4  }
0x250: {  	s25 =	simm.s32 $0x8080;
	s24 =	rddreg [dreg:$0x16];
	[tilespmem:$0x8110] =	vst v3  }
0x251: {  	[hbm4b:s24+s4] =	stream.linear.scatter [tilespmem:s25], [sflag:$0x5], $0x20, $0x38;
	[tilespmem:$0xC580] =	vst v63  }
0x252: {  	_ =	swait.ge [sflag:s17], $0x20  }
0x253: {  	[sflag:s17] =	ssyncset.done $0x0  }
0x254: {  	s29 =	simm.s32 $0x8100;
	s28 =	rddreg [dreg:$0x17];
	[sflag:s17] =	ssyncadd.s32 $0xFFFFFFE0  }
0x255: {  	[hbm4b:s28+s4] =	stream.linear.scatter [tilespmem:s29], [sflag:$0x5], $0x20, $0x38;
	[tilespmem:$0xC580] =	vst v63  }
0x256: {  	_ =	swait.ge [sflag:s17], $0x20  }
0x257: {  	[sflag:s17] =	ssyncset.done $0x0  }
0x258: {  	s6 =	simm.s32 $0x0;
	[sflag:s17] =	ssyncadd.s32 $0xFFFFFFE0  }
.LBB2_2:
0x259: {  	_ =	swait.ge [sflag:s31], $0x400  }
0x25a: {  	[sflag:s31] =	ssyncset.done $0x0  }
0x25b: {  	[sflag:s31] =	ssyncadd.s32 $0xFFFFFC00  }
0x25c: {  	_ =	swait.ge [sflag:s31], $0x400  }
0x25d: {  	[sflag:s31] =	ssyncset.done $0x0  }
0x25e: {  	[sflag:s31] =	ssyncadd.s32 $0xFFFFFC00  }
0x25f: {  	_ =	swait.ge [sflag:s31], $0x400  }
0x260: {  	[sflag:s31] =	ssyncset.done $0x0  }
0x261: {  	[sflag:s31] =	ssyncadd.s32 $0xFFFFFC00  }
0x262: {  	_ =	swait.ge [sflag:s31], $0x400  }
0x263: {  	[sflag:s31] =	ssyncset.done $0x0  }
0x264: {  	[sflag:s31] =	ssyncadd.s32 $0xFFFFFC00  }
0x265: {  	_ =	swait.ge [sflag:s31], $0x400  }
0x266: {  	[sflag:s31] =	ssyncset.done $0x0  }
0x267: {  	[sflag:s31] =	ssyncadd.s32 $0xFFFFFC00  }
0x268: {  	_ =	swait.ge [sflag:s31], $0x400  }
0x269: {  	[sflag:s31] =	ssyncset.done $0x0  }
0x26a: {  	[sflag:s31] =	ssyncadd.s32 $0xFFFFFC00  }
0x26b: {  	_ =	swait.ge [sflag:s31], $0x400  }
0x26c: {  	[sflag:s31] =	ssyncset.done $0x0  }
0x26d: {  	s29 =	simm.s32 $0x0;
	s12 =	simm.s32 $0x0;
	[sflag:s31] =	ssyncadd.s32 $0xFFFFFC00  }
0x26e: {  	s2 =	sand.u32 $0x40, s29;
	s12 =	sand.u32 $0x3FFFFC00, s12;
	_ =	swait.ge [sflag:s31], $0x400  }
0x26f: {  	s17 =	sadd.s32 $0x8180, s12;
	s21 =	sor.u32 $0x30, s2;
	[sflag:s31] =	ssyncset.done $0x0  }
0x270: {  	s13 =	sor.u32 s21, s17;
	[sflag:s31] =	ssyncadd.s32 $0xFFFFFC00  }
0x271: {  	v3 =	vld [tilespmem:s13+$0x0]  }
0x272: {  	v4 =	vld [tilespmem:s13+$0x80]  }
0x273: {  	v5 =	vld [tilespmem:s13+$0x100]  }
0x274: {  	v6 =	vld [tilespmem:s13+$0x180]  }
0x275: {  	v7 =	vld [tilespmem:s13+$0x200]  }
0x276: {  	v8 =	vld [tilespmem:s13+$0x280]  }
0x277: {  	v9 =	vld [tilespmem:s13+$0x300];
	v3 =	vmul.f32 $1.442695020e+00, v3  }
0x278: {  	s18 =	sor.u32 s2, s17;
	v10 =	vld [tilespmem:s13+$0x380];
	v4 =	vmul.f32 $1.442695020e+00, v4;
	v5 =	vmul.f32 $1.442695020e+00, v5  }
0x279: {  	v6 =	vmul.f32 $1.442695020e+00, v6;
	(erf) = vpow2.f32 v3;
	v3 =	vld [tilespmem:s18+$0x0]  }
0x27a: {  	v7 =	vmul.f32 $1.442695020e+00, v7;
	(erf) = vpow2.f32 v4;
	v4 =	vld [tilespmem:s18+$0x80]  }
0x27b: {  	v8 =	vmul.f32 $1.442695020e+00, v8;
	(erf) = vpow2.f32 v5;
	v5 =	vld [tilespmem:s18+$0x100]  }
0x27c: {  	v9 =	vmul.f32 $1.442695020e+00, v9;
	(erf) = vpow2.f32 v6;
	v6 =	vld [tilespmem:s18+$0x180]  }
0x27d: {  	v10 =	vmul.f32 $1.442695020e+00, v10;
	(erf) = vpow2.f32 v7;
	v7 =	vld [tilespmem:s18+$0x200]  }
0x27e: {  	(erf) = vpow2.f32 v8;
	v3 =	vmul.f32 $1.442695020e+00, v3;
	v8 =	vld [tilespmem:s18+$0x280]  }
0x27f: {  	(erf) = vpow2.f32 v9;
	v4 =	vmul.f32 $1.442695020e+00, v4;
	v9 =	vld [tilespmem:s18+$0x300]  }
0x280: {  	(erf) = vpow2.f32 v10;
	v5 =	vmul.f32 $1.442695020e+00, v5;
	v10 =	vld [tilespmem:s18+$0x380]  }
0x281: {  	(erf) = vpow2.f32 v3;
	v3 =	vmul.f32 $1.442695020e+00, v6  }
0x282: {  	v7 =	vmul.f32 $1.442695020e+00, v7  }
0x283: {  	s22 =	sor.u32 $0x10, s2;
	(erf) = vpow2.f32 v4;
	v4 =	vpop (erf);
	v8 =	vmul.f32 $1.442695020e+00, v8  }
0x284: {  	s19 =	sor.u32 s22, s17;
	(erf) = vpow2.f32 v5;
	v5 =	vpop (erf);
	v9 =	vmul.f32 $1.442695020e+00, v9  }
0x285: {  	v11 =	vld [tilespmem:s19+$0x80];
	(erf) = vpow2.f32 v3;
	v3 =	vpop (erf);
	v10 =	vmul.f32 $1.442695020e+00, v10  }
0x286: {  	v13 =	vld [tilespmem:s19+$0x180];
	(erf) = vpow2.f32 v7;
	v7 =	vpop (erf)  }
0x287: {  	v6 =	vld [tilespmem:s19+$0x0];
	(erf) = vpow2.f32 v8;
	v8 =	vpop (erf)  }
0x288: {  	v12 =	vld [tilespmem:s19+$0x100];
	(erf) = vpow2.f32 v9;
	v9 =	vpop (erf)  }
0x289: {  	v14 =	vld [tilespmem:s19+$0x200];
	(erf) = vpow2.f32 v10;
	v10 =	vpop (erf)  }
0x28a: {  	s23 =	simm.s32 $0x0;
	s20 =	sor.u32 $0x20, s2;
	v15 =	vld [tilespmem:s19+$0x280];
	v4 =	vadd.f32 v5, v4;
	v3 =	vadd.f32 v7, v3;
	v5 =	vpop (erf)  }
0x28b: {  	v16 =	vmul.f32 $1.442695020e+00, v11;
	v11 =	vld [tilespmem:s19+$0x300];
	s18 =	sand.u32 $0x3FFFFF80, s23;
	s23 =	sor.u32 s20, s17;
	v7 =	vadd.f32 v9, v8;
	v5 =	vadd.f32 v5, v10  }
0x28c: {  	v18 =	vmul.f32 $1.442695020e+00, v13;
	s24 =	sadd.s32 $0xC180, s18;
	v13 =	vld [tilespmem:s23+$0x0];
	v6 =	vmul.f32 $1.442695020e+00, v6  }
0x28d: {  	v17 =	vld [tilespmem:s19+$0x380];
	s12 =	sor.u32 s21, s24;
	v9 =	vpop (erf);
	v5 =	vadd.f32 v5, v7  }
0x28e: {  	v12 =	vmul.f32 $1.442695020e+00, v12;
	v20 =	vld [tilespmem:s12+$0x0];
	(erf) = vpow2.f32 v6;
	v10 =	vpop (erf)  }
0x28f: {  	v19 =	vmul.f32 $1.442695020e+00, v14;
	v6 =	vmul.f32 $1.442695020e+00, v15;
	v8 =	vld [tilespmem:s23+$0x80];
	v4 =	vadd.f32 v3, v4;
	v14 =	vpop (erf)  }
0x290: {  	(erf) = vpow2.f32 v16;
	v3 =	vadd.f32 v10, v9;
	v9 =	vmul.f32 $1.442695020e+00, v11;
	v11 =	vld [tilespmem:s23+$0x100];
	v15 =	vpop (erf)  }
0x291: {  	v13 =	vmul.f32 $1.442695020e+00, v13;
	(erf) = vpow2.f32 v12;
	v7 =	vld [tilespmem:s23+$0x180];
	v4 =	vadd.f32 v5, v4;
	v5 =	vpop (erf)  }
0x292: {  	s28 =	simm.s32 $0x0;
	v12 =	vld [tilespmem:s23+$0x200];
	(erf) = vpow2.f32 v18;
	v10 =	vmul.f32 $1.442695020e+00, v17;
	v14 =	vadd.f32 v15, v14;
	v15 =	vpop (erf)  }
0x293: {  	s2 =	sor.u32 s2, s24;
	s25 =	sor.u32 s22, s24;
	s24 =	sor.u32 s20, s24;
	v4 =	vadd.f32 v4, v20;
	v5 =	vadd.f32 v15, v5;
	v15 =	vld [tilespmem:s23+$0x280];
	v16 =	vpop (erf);
	(erf) = vpow2.f32 v19  }
.LBB2_3:
0x294: {  	s28 =	sadd.s32 $0x4, s28;
	v14 =	vadd.f32 v14, v3;
	v8 =	vmul.f32 $1.442695020e+00, v8;
	v17 =	vld [tilespmem:s23+$0x300];
	v3 =	vpop (erf);
	(erf) = vpow2.f32 v6  }
0x295: {  	s29 =	sadd.s32 $0x40, s29;
	s13 =	sshll.u32 s28, $0x7;
	p0 =	slt.u32 s28, $0x3C;
	v3 =	vadd.f32 v3, v16;
	v6 =	vmul.f32 $1.442695020e+00, v11;
	v11 =	vld [tilespmem:s23+$0x380];
	[tilespmem:s12+$0x0] =	vst v4;
	(erf) = vpow2.f32 v9  }
0x296: {  	s12 =	sand.u32 $0x40, s29;
	s13 =	sand.u32 $0x3FFFFC00, s13;
	v4 =	vld [tilespmem:s2+$0x0];
	v7 =	vmul.f32 $1.442695020e+00, v7;
	(erf) = vpow2.f32 v10  }
0x297: {  	s17 =	sor.u32 $0x10, s12;
	s21 =	sadd.s32 $0x8180, s13;
	s13 =	sor.u32 $0x30, s12;
	v5 =	vadd.f32 v3, v5;
	v9 =	vld [tilespmem:s25+$0x0];
	v10 =	vmul.f32 $1.442695020e+00, v12;
	v12 =	vpop (erf);
	(erf) = vpow2.f32 v13  }
0x298: {  	s18 =	sor.u32 $0x20, s12;
	s20 =	sor.u32 s12, s21;
	s22 =	sor.u32 s13, s21;
	v13 =	vmul.f32 $1.442695020e+00, v15;
	v3 =	vld [tilespmem:s24+$0x0];
	(erf) = vpow2.f32 v8  }
0x299: {  	s19 =	sor.u32 s17, s21;
	s23 =	sor.u32 s18, s21;
	v8 =	vld [tilespmem:s22+$0x0];
	v16 =	vadd.f32 v5, v14;
	v14 =	vmul.f32 $1.442695020e+00, v17;
	v15 =	vpop (erf);
	(erf) = vpow2.f32 v6  }
0x29a: {  	v6 =	vld [tilespmem:s22+$0x80];
	v12 =	vadd.f32 v15, v12;
	v11 =	vmul.f32 $1.442695020e+00, v11;
	v15 =	vpop (erf);
	(erf) = vpow2.f32 v7  }
0x29b: {  	v7 =	vld [tilespmem:s22+$0x100];
	v16 =	vadd.f32 v16, v4;
	v5 =	vpop (erf);
	(erf) = vpow2.f32 v10  }
0x29c: {  	v10 =	vld [tilespmem:s22+$0x180];
	v5 =	vadd.f32 v5, v15;
	v15 =	vpop (erf);
	(erf) = vpow2.f32 v13  }
0x29d: {  	v13 =	vld [tilespmem:s22+$0x200];
	[tilespmem:s2+$0x0] =	vst v16;
	v4 =	vpop (erf);
	(erf) = vpow2.f32 v14  }
0x29e: {  	v8 =	vmul.f32 $1.442695020e+00, v8;
	v14 =	vld [tilespmem:s22+$0x280];
	v4 =	vadd.f32 v4, v15;
	v15 =	vpop (erf);
	(erf) = vpow2.f32 v11  }
0x29f: {  	v5 =	vadd.f32 v5, v12;
	v17 =	vmul.f32 $1.442695020e+00, v6;
	v11 =	vld [tilespmem:s22+$0x300];
	v12 =	vpop (erf)  }
0x2a0: {  	v18 =	vmul.f32 $1.442695020e+00, v7;
	v16 =	vld [tilespmem:s22+$0x380];
	(erf) = vpow2.f32 v8;
	v19 =	vadd.f32 v12, v15;
	v12 =	vpop (erf)  }
0x2a1: {  	v15 =	vld [tilespmem:s20+$0x0];
	v10 =	vmul.f32 $1.442695020e+00, v10;
	(erf) = vpow2.f32 v17;
	v6 =	vpop (erf)  }
0x2a2: {  	v17 =	vld [tilespmem:s20+$0x80];
	v13 =	vmul.f32 $1.442695020e+00, v13;
	(erf) = vpow2.f32 v18;
	v6 =	vadd.f32 v6, v12;
	v7 =	vpop (erf)  }
0x2a3: {  	v4 =	vadd.f32 v19, v4;
	v12 =	vld [tilespmem:s20+$0x100];
	v14 =	vmul.f32 $1.442695020e+00, v14;
	(erf) = vpow2.f32 v10;
	v8 =	vpop (erf)  }
0x2a4: {  	v10 =	vld [tilespmem:s20+$0x180];
	v11 =	vmul.f32 $1.442695020e+00, v11;
	(erf) = vpow2.f32 v13;
	v18 =	vadd.f32 v8, v7;
	v8 =	vpop (erf)  }
0x2a5: {  	v4 =	vadd.f32 v4, v5;
	v13 =	vld [tilespmem:s20+$0x200];
	v16 =	vmul.f32 $1.442695020e+00, v16;
	(erf) = vpow2.f32 v14;
	v5 =	vpop (erf)  }
0x2a6: {  	v14 =	vmul.f32 $1.442695020e+00, v15;
	v15 =	vld [tilespmem:s20+$0x280];
	(erf) = vpow2.f32 v11;
	v5 =	vadd.f32 v5, v8;
	v8 =	vpop (erf)  }
0x2a7: {  	v6 =	vadd.f32 v18, v6;
	v19 =	vmul.f32 $1.442695020e+00, v17;
	v17 =	vld [tilespmem:s20+$0x300];
	(erf) = vpow2.f32 v16;
	v7 =	vpop (erf)  }
0x2a8: {  	v18 =	vmul.f32 $1.442695020e+00, v12;
	v16 =	vld [tilespmem:s20+$0x380];
	(erf) = vpow2.f32 v14;
	v7 =	vadd.f32 v7, v8  }
0x2a9: {  	v4 =	vadd.f32 v4, v9;
	v20 =	vmul.f32 $1.442695020e+00, v10;
	v10 =	vld [tilespmem:s19+$0x0];
	(erf) = vpow2.f32 v19;
	v11 =	vpop (erf)  }
0x2aa: {  	v19 =	vmul.f32 $1.442695020e+00, v13;
	v13 =	vld [tilespmem:s19+$0x80];
	(erf) = vpow2.f32 v18;
	v12 =	vpop (erf);
	v5 =	vadd.f32 v7, v5  }
0x2ab: {  	v18 =	vmul.f32 $1.442695020e+00, v15;
	v14 =	vld [tilespmem:s19+$0x100];
	(erf) = vpow2.f32 v20;
	v8 =	vpop (erf);
	[tilespmem:s25+$0x0] =	vst v4  }
0x2ac: {  	v20 =	vmul.f32 $1.442695020e+00, v17;
	v15 =	vld [tilespmem:s19+$0x180];
	(erf) = vpow2.f32 v19;
	v9 =	vpop (erf);
	v5 =	vadd.f32 v5, v6  }
0x2ad: {  	v19 =	vmul.f32 $1.442695020e+00, v16;
	v16 =	vld [tilespmem:s19+$0x200];
	(erf) = vpow2.f32 v18;
	v7 =	vpop (erf)  }
0x2ae: {  	s2 =	sshll.u32 s28, $0x4;
	v10 =	vmul.f32 $1.442695020e+00, v10;
	v17 =	vld [tilespmem:s19+$0x280];
	(erf) = vpow2.f32 v20;
	v4 =	vpop (erf);
	v3 =	vadd.f32 v5, v3  }
0x2af: {  	s2 =	sand.u32 $0x3FFFFF80, s2;
	v5 =	vmul.f32 $1.442695020e+00, v13;
	v13 =	vld [tilespmem:s19+$0x300];
	(erf) = vpow2.f32 v19;
	v6 =	vpop (erf)  }
0x2b0: {  	s20 =	sadd.s32 $0xC180, s2;
	v11 =	vadd.f32 v12, v11;
	v9 =	vadd.f32 v9, v8;
	v14 =	vmul.f32 $1.442695020e+00, v14;
	v18 =	vld [tilespmem:s19+$0x380];
	v8 =	vpop (erf);
	[tilespmem:s24+$0x0] =	vst v3  }
0x2b1: {  	s2 =	sor.u32 s12, s20;
	s12 =	sor.u32 s13, s20;
	s25 =	sor.u32 s17, s20;
	v3 =	vadd.f32 v4, v7;
	v15 =	vmul.f32 $1.442695020e+00, v15;
	v12 =	vld [tilespmem:s23+$0x0];
	v4 =	vadd.f32 v8, v6;
	v7 =	vpop (erf)  }
0x2b2: {  	s24 =	sor.u32 s18, s20;
	v19 =	vmul.f32 $1.442695020e+00, v16;
	v16 =	vld [tilespmem:s12+$0x0];
	v20 =	vpop (erf);
	(erf) = vpow2.f32 v10  }
.Ltmp2:
0x2b3: {  	v22 =	vadd.f32 v9, v11;
	v6 =	vmul.f32 $1.442695020e+00, v17;
	v8 =	vld [tilespmem:s23+$0x80];
	v4 =	vadd.f32 v4, v3;
	v21 =	vpop (erf);
	(pc) =	sbr.rel @p0 .LBB2_3-.Ltmp2, $4  }
0x2b4: {  	v3 =	vadd.f32 v20, v7;
	v9 =	vmul.f32 $1.442695020e+00, v13;
	v11 =	vld [tilespmem:s23+$0x100];
	v13 =	vpop (erf);
	(erf) = vpow2.f32 v5  }
0x2b5: {  	v10 =	vmul.f32 $1.442695020e+00, v18;
	v7 =	vld [tilespmem:s23+$0x180];
	v4 =	vadd.f32 v4, v22;
	v5 =	vpop (erf);
	(erf) = vpow2.f32 v14  }
0x2b6: {  	v14 =	vadd.f32 v13, v21;
	v13 =	vmul.f32 $1.442695020e+00, v12;
	v12 =	vld [tilespmem:s23+$0x200];
	v17 =	vpop (erf);
	(erf) = vpow2.f32 v15  }
0x2b7: {  	v5 =	vadd.f32 v17, v5;
	v15 =	vld [tilespmem:s23+$0x280];
	v4 =	vadd.f32 v4, v16;
	v16 =	vpop (erf);
	(erf) = vpow2.f32 v19  }
0x2b8: {  	(erf) = vpow2.f32 v6  }
0x2b9: {  	v6 =	vmul.f32 $1.442695020e+00, v8;
	v8 =	vld [tilespmem:s23+$0x300];
	(erf) = vpow2.f32 v9  }
0x2ba: {  	(erf) = vpow2.f32 v10;
	v10 =	vmul.f32 $1.442695020e+00, v11;
	v11 =	vld [tilespmem:s23+$0x380]  }
0x2bb: {  	v9 =	vpop (erf);
	v7 =	vmul.f32 $1.442695020e+00, v7;
	(erf) = vpow2.f32 v13  }
0x2bc: {  	v13 =	vpop (erf);
	(erf) = vpow2.f32 v6;
	v6 =	vmul.f32 $1.442695020e+00, v12  }
0x2bd: {  	v12 =	vpop (erf);
	(erf) = vpow2.f32 v10;
	v10 =	vmul.f32 $1.442695020e+00, v15  }
0x2be: {  	v15 =	vpop (erf);
	(erf) = vpow2.f32 v7;
	v7 =	vmul.f32 $1.442695020e+00, v8  }
0x2bf: {  	v8 =	vpop (erf);
	(erf) = vpow2.f32 v6;
	v6 =	vmul.f32 $1.442695020e+00, v11  }
0x2c0: {  	v11 =	vpop (erf);
	(erf) = vpow2.f32 v10  }
0x2c1: {  	v10 =	vpop (erf);
	(erf) = vpow2.f32 v7  }
0x2c2: {  	v9 =	vadd.f32 v9, v16;
	v7 =	vpop (erf);
	(erf) = vpow2.f32 v6  }
0x2c3: {  	v6 =	vpop (erf)  }
0x2c4: {  	v5 =	vadd.f32 v9, v5;
	v16 =	vpop (erf)  }
0x2c5: {  	v17 =	vpop (erf)  }
0x2c6: {  	v3 =	vadd.f32 v14, v3;
	v9 =	vpop (erf)  }
0x2c7: {  	v14 =	vpop (erf)  }
0x2c8: {  	v3 =	vadd.f32 v5, v3;
	v5 =	vpop (erf)  }
0x2c9: {  	v12 =	vadd.f32 v12, v13;
	v8 =	vadd.f32 v8, v15;
	v13 =	vpop (erf)  }
0x2ca: {  	v10 =	vadd.f32 v10, v11;
	v6 =	vadd.f32 v6, v7;
	v7 =	vpop (erf)  }
0x2cb: {  	v11 =	vld [tilespmem:s2+$0x0];
	v15 =	vadd.f32 v17, v16;
	v9 =	vadd.f32 v14, v9;
	v14 =	vpop (erf)  }
0x2cc: {  	v16 =	vld [tilespmem:s25+$0x0];
	v5 =	vadd.f32 v13, v5;
	v7 =	vadd.f32 v14, v7  }
0x2cd: {  	v8 =	vadd.f32 v8, v12;
	v6 =	vadd.f32 v6, v10;
	v13 =	vld [tilespmem:s24+$0x0]  }
0x2ce: {  	v9 =	vadd.f32 v9, v15;
	v5 =	vadd.f32 v7, v5  }
0x2cf: {  	v6 =	vadd.f32 v6, v8  }
0x2d0: {  	s29 =	sshll.u32 s6, $0x1;
	p0 =	seq.s32 s6, $0x13;
	v3 =	vadd.f32 v3, v11;
	v5 =	vadd.f32 v5, v9  }
0x2d1: {  	[tilespmem:s12+$0x0] =	vst v4;
	s12 =	sadd.s32 @!p0 s29, s0;
	v4 =	vadd.f32 v6, v16  }
0x2d2: {  	[tilespmem:s2+$0x0] =	vst v3;
	s2 =	sshll.u32 @!p0 s12, $0xA;
	v3 =	vadd.f32 v5, v13  }
0x2d3: {  	s2 =	sand.u32 @!p0 $0x1FFFF800, s2;
	[tilespmem:s25+$0x0] =	vst v4  }
0x2d4: {  	s13 =	simm.s32 @!p0 $0x0;
	s17 =	simm.s32 @!p0 $0x8180;
	s12 =	sadd.s32 @!p0 s1, s2;
	[tilespmem:s24+$0x0] =	vst v3  }
0x2d5: {  	[tilespmem:s17], [sflag:$0x3] =	stream.linear.gather @!p0 [hbm4b:s12+s13], $0x400, $0x38;
	[tilespmem:$0xC580] =	vst v63  }
0x2d6: {  	s12 =	sadd.s32 @!p0 s2, s5;
	s17 =	simm.s32 @!p0 $0x8580  }
0x2d7: {  	[tilespmem:s17], [sflag:$0x3] =	stream.linear.gather @!p0 [hbm4b:s12+s13], $0x400, $0x38;
	[tilespmem:$0xC580] =	vst v63  }
0x2d8: {  	s12 =	sadd.s32 @!p0 s2, s8;
	s17 =	simm.s32 @!p0 $0x8980  }
0x2d9: {  	[tilespmem:s17], [sflag:$0x3] =	stream.linear.gather @!p0 [hbm4b:s12+s13], $0x400, $0x38;
	[tilespmem:$0xC580] =	vst v63  }
0x2da: {  	s12 =	sadd.s32 @!p0 s2, s9;
	s17 =	simm.s32 @!p0 $0x8D80  }
0x2db: {  	[tilespmem:s17], [sflag:$0x3] =	stream.linear.gather @!p0 [hbm4b:s12+s13], $0x400, $0x38;
	[tilespmem:$0xC580] =	vst v63  }
0x2dc: {  	s12 =	sadd.s32 @!p0 s2, s10;
	s17 =	simm.s32 @!p0 $0x9180  }
0x2dd: {  	[tilespmem:s17], [sflag:$0x3] =	stream.linear.gather @!p0 [hbm4b:s12+s13], $0x400, $0x38;
	[tilespmem:$0xC580] =	vst v63  }
0x2de: {  	s12 =	sadd.s32 @!p0 s2, s14;
	s17 =	simm.s32 @!p0 $0x9580  }
0x2df: {  	[tilespmem:s17], [sflag:$0x3] =	stream.linear.gather @!p0 [hbm4b:s12+s13], $0x400, $0x38;
	[tilespmem:$0xC580] =	vst v63  }
0x2e0: {  	s12 =	sadd.s32 @!p0 s2, s15;
	s17 =	simm.s32 @!p0 $0x9980  }
0x2e1: {  	[tilespmem:s17], [sflag:$0x3] =	stream.linear.gather @!p0 [hbm4b:s12+s13], $0x400, $0x38;
	[tilespmem:$0xC580] =	vst v63  }
0x2e2: {  	s2 =	sadd.s32 @!p0 s2, s16;
	s12 =	simm.s32 @!p0 $0x9D80  }
0x2e3: {  	[tilespmem:s12], [sflag:$0x3] =	stream.linear.gather @!p0 [hbm4b:s2+s13], $0x400, $0x38;
	[tilespmem:$0xC580] =	vst v63  }
0x2e4: {  	_ =	swait.ge [sflag:s26], $0x400  }
0x2e5: {  	[sflag:s26] =	ssyncset.done $0x0  }
0x2e6: {  	[sflag:s26] =	ssyncadd.s32 $0xFFFFFC00  }
0x2e7: {  	_ =	swait.ge [sflag:s26], $0x400  }
0x2e8: {  	[sflag:s26] =	ssyncset.done $0x0  }
0x2e9: {  	[sflag:s26] =	ssyncadd.s32 $0xFFFFFC00  }
0x2ea: {  	_ =	swait.ge [sflag:s26], $0x400  }
0x2eb: {  	[sflag:s26] =	ssyncset.done $0x0  }
0x2ec: {  	[sflag:s26] =	ssyncadd.s32 $0xFFFFFC00  }
0x2ed: {  	_ =	swait.ge [sflag:s26], $0x400  }
0x2ee: {  	[sflag:s26] =	ssyncset.done $0x0  }
0x2ef: {  	[sflag:s26] =	ssyncadd.s32 $0xFFFFFC00  }
0x2f0: {  	_ =	swait.ge [sflag:s26], $0x400  }
0x2f1: {  	[sflag:s26] =	ssyncset.done $0x0  }
0x2f2: {  	[sflag:s26] =	ssyncadd.s32 $0xFFFFFC00  }
0x2f3: {  	_ =	swait.ge [sflag:s26], $0x400  }
0x2f4: {  	[sflag:s26] =	ssyncset.done $0x0  }
0x2f5: {  	[sflag:s26] =	ssyncadd.s32 $0xFFFFFC00  }
0x2f6: {  	_ =	swait.ge [sflag:s26], $0x400  }
0x2f7: {  	[sflag:s26] =	ssyncset.done $0x0  }
0x2f8: {  	s25 =	simm.s32 $0x0;
	s24 =	simm.s32 $0x0;
	[sflag:s26] =	ssyncadd.s32 $0xFFFFFC00  }
0x2f9: {  	s3 =	sand.u32 $0x40, s24;
	s2 =	sand.u32 $0x3FFFFC00, s25;
	_ =	swait.ge [sflag:s26], $0x400  }
0x2fa: {  	s21 =	sor.u32 $0x30, s3;
	s11 =	sadd.s32 $0xA180, s2;
	[sflag:s26] =	ssyncset.done $0x0  }
0x2fb: {  	s22 =	sor.u32 s21, s11;
	[sflag:s26] =	ssyncadd.s32 $0xFFFFFC00  }
0x2fc: {  	v3 =	vld [tilespmem:s22+$0x0]  }
0x2fd: {  	v4 =	vld [tilespmem:s22+$0x80]  }
0x2fe: {  	v5 =	vld [tilespmem:s22+$0x100]  }
0x2ff: {  	v6 =	vld [tilespmem:s22+$0x180]  }
0x300: {  	v7 =	vld [tilespmem:s22+$0x200]  }
0x301: {  	v8 =	vld [tilespmem:s22+$0x280]  }
0x302: {  	v9 =	vld [tilespmem:s22+$0x300];
	v3 =	vmul.f32 $1.442695020e+00, v3  }
0x303: {  	s18 =	sor.u32 s3, s11;
	v10 =	vld [tilespmem:s22+$0x380];
	v4 =	vmul.f32 $1.442695020e+00, v4;
	v5 =	vmul.f32 $1.442695020e+00, v5  }
0x304: {  	v6 =	vmul.f32 $1.442695020e+00, v6;
	(erf) = vpow2.f32 v3;
	v3 =	vld [tilespmem:s18+$0x0]  }
0x305: {  	v7 =	vmul.f32 $1.442695020e+00, v7;
	(erf) = vpow2.f32 v4;
	v4 =	vld [tilespmem:s18+$0x80]  }
0x306: {  	v8 =	vmul.f32 $1.442695020e+00, v8;
	(erf) = vpow2.f32 v5;
	v5 =	vld [tilespmem:s18+$0x100]  }
0x307: {  	v9 =	vmul.f32 $1.442695020e+00, v9;
	(erf) = vpow2.f32 v6;
	v6 =	vld [tilespmem:s18+$0x180]  }
0x308: {  	v10 =	vmul.f32 $1.442695020e+00, v10;
	(erf) = vpow2.f32 v7;
	v7 =	vld [tilespmem:s18+$0x200]  }
0x309: {  	(erf) = vpow2.f32 v8;
	v3 =	vmul.f32 $1.442695020e+00, v3;
	v8 =	vld [tilespmem:s18+$0x280]  }
0x30a: {  	(erf) = vpow2.f32 v9;
	v4 =	vmul.f32 $1.442695020e+00, v4;
	v9 =	vld [tilespmem:s18+$0x300]  }
0x30b: {  	(erf) = vpow2.f32 v10;
	v5 =	vmul.f32 $1.442695020e+00, v5;
	v10 =	vld [tilespmem:s18+$0x380]  }
0x30c: {  	(erf) = vpow2.f32 v3;
	v3 =	vmul.f32 $1.442695020e+00, v6  }
0x30d: {  	v7 =	vmul.f32 $1.442695020e+00, v7  }
0x30e: {  	s23 =	sor.u32 $0x10, s3;
	(erf) = vpow2.f32 v4;
	v4 =	vpop (erf);
	v8 =	vmul.f32 $1.442695020e+00, v8  }
0x30f: {  	s19 =	sor.u32 s23, s11;
	(erf) = vpow2.f32 v5;
	v5 =	vpop (erf);
	v9 =	vmul.f32 $1.442695020e+00, v9  }
0x310: {  	v11 =	vld [tilespmem:s19+$0x80];
	(erf) = vpow2.f32 v3;
	v3 =	vpop (erf);
	v10 =	vmul.f32 $1.442695020e+00, v10  }
0x311: {  	v13 =	vld [tilespmem:s19+$0x180];
	(erf) = vpow2.f32 v7;
	v7 =	vpop (erf)  }
0x312: {  	v6 =	vld [tilespmem:s19+$0x0];
	(erf) = vpow2.f32 v8;
	v8 =	vpop (erf)  }
0x313: {  	v12 =	vld [tilespmem:s19+$0x100];
	(erf) = vpow2.f32 v9;
	v9 =	vpop (erf)  }
0x314: {  	v14 =	vld [tilespmem:s19+$0x200];
	(erf) = vpow2.f32 v10;
	v10 =	vpop (erf)  }
0x315: {  	s20 =	sor.u32 $0x20, s3;
	s25 =	simm.s32 $0x0;
	v15 =	vld [tilespmem:s19+$0x280];
	v4 =	vadd.f32 v5, v4;
	v3 =	vadd.f32 v7, v3;
	v5 =	vpop (erf)  }
0x316: {  	s28 =	sor.u32 s20, s11;
	v16 =	vmul.f32 $1.442695020e+00, v11;
	v11 =	vld [tilespmem:s19+$0x300];
	s18 =	sand.u32 $0x3FFFFF80, s25;
	v7 =	vadd.f32 v9, v8;
	v5 =	vadd.f32 v5, v10  }
0x317: {  	v18 =	vmul.f32 $1.442695020e+00, v13;
	v13 =	vld [tilespmem:s28+$0x0];
	s18 =	sadd.s32 $0xC180, s18;
	v6 =	vmul.f32 $1.442695020e+00, v6  }
0x318: {  	v17 =	vld [tilespmem:s19+$0x380];
	s13 =	sor.u32 s21, s18;
	v9 =	vpop (erf);
	v5 =	vadd.f32 v5, v7  }
0x319: {  	v12 =	vmul.f32 $1.442695020e+00, v12;
	v20 =	vld [tilespmem:s13+$0x0];
	(erf) = vpow2.f32 v6;
	v10 =	vpop (erf)  }
0x31a: {  	v19 =	vmul.f32 $1.442695020e+00, v14;
	v6 =	vmul.f32 $1.442695020e+00, v15;
	v8 =	vld [tilespmem:s28+$0x80];
	v4 =	vadd.f32 v3, v4;
	v14 =	vpop (erf)  }
0x31b: {  	(erf) = vpow2.f32 v16;
	v3 =	vadd.f32 v10, v9;
	v9 =	vmul.f32 $1.442695020e+00, v11;
	v11 =	vld [tilespmem:s28+$0x100];
	v15 =	vpop (erf)  }
0x31c: {  	v13 =	vmul.f32 $1.442695020e+00, v13;
	(erf) = vpow2.f32 v12;
	v7 =	vld [tilespmem:s28+$0x180];
	v4 =	vadd.f32 v5, v4;
	v5 =	vpop (erf)  }
0x31d: {  	s2 =	simm.s32 $0x0;
	v12 =	vld [tilespmem:s28+$0x200];
	(erf) = vpow2.f32 v18;
	v10 =	vmul.f32 $1.442695020e+00, v17;
	v14 =	vadd.f32 v15, v14;
	v15 =	vpop (erf)  }
0x31e: {  	s12 =	sor.u32 s3, s18;
	s23 =	sor.u32 s23, s18;
	s25 =	sor.u32 s20, s18;
	v4 =	vadd.f32 v4, v20;
	v5 =	vadd.f32 v15, v5;
	v15 =	vld [tilespmem:s28+$0x280];
	v16 =	vpop (erf);
	(erf) = vpow2.f32 v19  }
.LBB2_5:
0x31f: {  	s2 =	sadd.s32 $0x4, s2;
	v14 =	vadd.f32 v14, v3;
	v8 =	vmul.f32 $1.442695020e+00, v8;
	v17 =	vld [tilespmem:s28+$0x300];
	v3 =	vpop (erf);
	(erf) = vpow2.f32 v6  }
0x320: {  	s24 =	sadd.s32 $0x40, s24;
	s17 =	sshll.u32 s2, $0x7;
	p1 =	slt.u32 s2, $0x3C;
	v3 =	vadd.f32 v3, v16;
	v6 =	vmul.f32 $1.442695020e+00, v11;
	v11 =	vld [tilespmem:s28+$0x380];
	[tilespmem:s13+$0x0] =	vst v4;
	(erf) = vpow2.f32 v9  }
0x321: {  	s13 =	sand.u32 $0x40, s24;
	s17 =	sand.u32 $0x3FFFFC00, s17;
	v4 =	vld [tilespmem:s12+$0x0];
	v7 =	vmul.f32 $1.442695020e+00, v7;
	(erf) = vpow2.f32 v10  }
0x322: {  	s18 =	sor.u32 $0x10, s13;
	s22 =	sadd.s32 $0xA180, s17;
	s17 =	sor.u32 $0x30, s13;
	v5 =	vadd.f32 v3, v5;
	v9 =	vld [tilespmem:s23+$0x0];
	v10 =	vmul.f32 $1.442695020e+00, v12;
	v12 =	vpop (erf);
	(erf) = vpow2.f32 v13  }
0x323: {  	s19 =	sor.u32 $0x20, s13;
	s21 =	sor.u32 s13, s22;
	s3 =	sor.u32 s17, s22;
	v13 =	vmul.f32 $1.442695020e+00, v15;
	v3 =	vld [tilespmem:s25+$0x0];
	(erf) = vpow2.f32 v8  }
0x324: {  	s20 =	sor.u32 s18, s22;
	s28 =	sor.u32 s19, s22;
	v8 =	vld [tilespmem:s3+$0x0];
	v16 =	vadd.f32 v5, v14;
	v14 =	vmul.f32 $1.442695020e+00, v17;
	v15 =	vpop (erf);
	(erf) = vpow2.f32 v6  }
0x325: {  	v6 =	vld [tilespmem:s3+$0x80];
	v12 =	vadd.f32 v15, v12;
	v11 =	vmul.f32 $1.442695020e+00, v11;
	v15 =	vpop (erf);
	(erf) = vpow2.f32 v7  }
0x326: {  	v7 =	vld [tilespmem:s3+$0x100];
	v16 =	vadd.f32 v16, v4;
	v5 =	vpop (erf);
	(erf) = vpow2.f32 v10  }
0x327: {  	v10 =	vld [tilespmem:s3+$0x180];
	v5 =	vadd.f32 v5, v15;
	v15 =	vpop (erf);
	(erf) = vpow2.f32 v13  }
0x328: {  	v13 =	vld [tilespmem:s3+$0x200];
	[tilespmem:s12+$0x0] =	vst v16;
	v4 =	vpop (erf);
	(erf) = vpow2.f32 v14  }
0x329: {  	v8 =	vmul.f32 $1.442695020e+00, v8;
	v14 =	vld [tilespmem:s3+$0x280];
	v4 =	vadd.f32 v4, v15;
	v15 =	vpop (erf);
	(erf) = vpow2.f32 v11  }
0x32a: {  	v5 =	vadd.f32 v5, v12;
	v17 =	vmul.f32 $1.442695020e+00, v6;
	v11 =	vld [tilespmem:s3+$0x300];
	v12 =	vpop (erf)  }
0x32b: {  	v18 =	vmul.f32 $1.442695020e+00, v7;
	v16 =	vld [tilespmem:s3+$0x380];
	(erf) = vpow2.f32 v8;
	v19 =	vadd.f32 v12, v15;
	v12 =	vpop (erf)  }
0x32c: {  	v15 =	vld [tilespmem:s21+$0x0];
	v10 =	vmul.f32 $1.442695020e+00, v10;
	(erf) = vpow2.f32 v17;
	v6 =	vpop (erf)  }
0x32d: {  	v17 =	vld [tilespmem:s21+$0x80];
	v13 =	vmul.f32 $1.442695020e+00, v13;
	(erf) = vpow2.f32 v18;
	v6 =	vadd.f32 v6, v12;
	v7 =	vpop (erf)  }
0x32e: {  	v4 =	vadd.f32 v19, v4;
	v12 =	vld [tilespmem:s21+$0x100];
	v14 =	vmul.f32 $1.442695020e+00, v14;
	(erf) = vpow2.f32 v10;
	v8 =	vpop (erf)  }
0x32f: {  	v10 =	vld [tilespmem:s21+$0x180];
	v11 =	vmul.f32 $1.442695020e+00, v11;
	(erf) = vpow2.f32 v13;
	v18 =	vadd.f32 v8, v7;
	v8 =	vpop (erf)  }
0x330: {  	v4 =	vadd.f32 v4, v5;
	v13 =	vld [tilespmem:s21+$0x200];
	v16 =	vmul.f32 $1.442695020e+00, v16;
	(erf) = vpow2.f32 v14;
	v5 =	vpop (erf)  }
0x331: {  	v14 =	vmul.f32 $1.442695020e+00, v15;
	v15 =	vld [tilespmem:s21+$0x280];
	(erf) = vpow2.f32 v11;
	v5 =	vadd.f32 v5, v8;
	v8 =	vpop (erf)  }
0x332: {  	v6 =	vadd.f32 v18, v6;
	v19 =	vmul.f32 $1.442695020e+00, v17;
	v17 =	vld [tilespmem:s21+$0x300];
	(erf) = vpow2.f32 v16;
	v7 =	vpop (erf)  }
0x333: {  	v18 =	vmul.f32 $1.442695020e+00, v12;
	v16 =	vld [tilespmem:s21+$0x380];
	(erf) = vpow2.f32 v14;
	v7 =	vadd.f32 v7, v8  }
0x334: {  	v4 =	vadd.f32 v4, v9;
	v20 =	vmul.f32 $1.442695020e+00, v10;
	v10 =	vld [tilespmem:s20+$0x0];
	(erf) = vpow2.f32 v19;
	v11 =	vpop (erf)  }
0x335: {  	v19 =	vmul.f32 $1.442695020e+00, v13;
	v13 =	vld [tilespmem:s20+$0x80];
	(erf) = vpow2.f32 v18;
	v12 =	vpop (erf);
	v5 =	vadd.f32 v7, v5  }
0x336: {  	v18 =	vmul.f32 $1.442695020e+00, v15;
	v14 =	vld [tilespmem:s20+$0x100];
	(erf) = vpow2.f32 v20;
	v8 =	vpop (erf);
	[tilespmem:s23+$0x0] =	vst v4  }
0x337: {  	v20 =	vmul.f32 $1.442695020e+00, v17;
	v15 =	vld [tilespmem:s20+$0x180];
	(erf) = vpow2.f32 v19;
	v9 =	vpop (erf);
	v5 =	vadd.f32 v5, v6  }
0x338: {  	v19 =	vmul.f32 $1.442695020e+00, v16;
	v16 =	vld [tilespmem:s20+$0x200];
	(erf) = vpow2.f32 v18;
	v7 =	vpop (erf)  }
0x339: {  	s3 =	sshll.u32 s2, $0x4;
	v10 =	vmul.f32 $1.442695020e+00, v10;
	v17 =	vld [tilespmem:s20+$0x280];
	(erf) = vpow2.f32 v20;
	v4 =	vpop (erf);
	v3 =	vadd.f32 v5, v3  }
0x33a: {  	s3 =	sand.u32 $0x3FFFFF80, s3;
	v5 =	vmul.f32 $1.442695020e+00, v13;
	v13 =	vld [tilespmem:s20+$0x300];
	(erf) = vpow2.f32 v19;
	v6 =	vpop (erf)  }
0x33b: {  	s3 =	sadd.s32 $0xC180, s3;
	v11 =	vadd.f32 v12, v11;
	v9 =	vadd.f32 v9, v8;
	v14 =	vmul.f32 $1.442695020e+00, v14;
	v18 =	vld [tilespmem:s20+$0x380];
	v8 =	vpop (erf);
	[tilespmem:s25+$0x0] =	vst v3  }
0x33c: {  	s12 =	sor.u32 s13, s3;
	s13 =	sor.u32 s17, s3;
	s23 =	sor.u32 s18, s3;
	v3 =	vadd.f32 v4, v7;
	v15 =	vmul.f32 $1.442695020e+00, v15;
	v12 =	vld [tilespmem:s28+$0x0];
	v4 =	vadd.f32 v8, v6;
	v7 =	vpop (erf)  }
0x33d: {  	s25 =	sor.u32 s19, s3;
	v19 =	vmul.f32 $1.442695020e+00, v16;
	v16 =	vld [tilespmem:s13+$0x0];
	v20 =	vpop (erf);
	(erf) = vpow2.f32 v10  }
.Ltmp3:
0x33e: {  	v22 =	vadd.f32 v9, v11;
	v6 =	vmul.f32 $1.442695020e+00, v17;
	v8 =	vld [tilespmem:s28+$0x80];
	v4 =	vadd.f32 v4, v3;
	v21 =	vpop (erf);
	(pc) =	sbr.rel @p1 .LBB2_5-.Ltmp3, $4  }
0x33f: {  	v3 =	vadd.f32 v20, v7;
	v9 =	vmul.f32 $1.442695020e+00, v13;
	v11 =	vld [tilespmem:s28+$0x100];
	v13 =	vpop (erf);
	(erf) = vpow2.f32 v5  }
0x340: {  	v10 =	vmul.f32 $1.442695020e+00, v18;
	v7 =	vld [tilespmem:s28+$0x180];
	v4 =	vadd.f32 v4, v22;
	v5 =	vpop (erf);
	(erf) = vpow2.f32 v14  }
0x341: {  	v14 =	vadd.f32 v13, v21;
	v13 =	vmul.f32 $1.442695020e+00, v12;
	v12 =	vld [tilespmem:s28+$0x200];
	v17 =	vpop (erf);
	(erf) = vpow2.f32 v15  }
0x342: {  	v5 =	vadd.f32 v17, v5;
	v15 =	vld [tilespmem:s28+$0x280];
	v4 =	vadd.f32 v4, v16;
	v16 =	vpop (erf);
	(erf) = vpow2.f32 v19  }
0x343: {  	(erf) = vpow2.f32 v6  }
0x344: {  	(erf) = vpow2.f32 v9  }
0x345: {  	v35 =	vmul.f32 $1.442695020e+00, v8;
	v36 =	vld [tilespmem:s28+$0x300];
	(erf) = vpow2.f32 v10  }
0x346: {  	v37 =	vpop (erf);
	v39 =	vld [tilespmem:s28+$0x380];
	v38 =	vmul.f32 $1.442695020e+00, v11;
	(erf) = vpow2.f32 v13  }
0x347: {  	v7 =	vmul.f32 $1.442695020e+00, v7;
	v40 =	vpop (erf);
	(erf) = vpow2.f32 v35  }
0x348: {  	v41 =	vmul.f32 $1.442695020e+00, v12;
	v42 =	vpop (erf);
	(erf) = vpow2.f32 v38  }
0x349: {  	v43 =	vmul.f32 $1.442695020e+00, v15;
	v44 =	vpop (erf);
	(erf) = vpow2.f32 v7  }
0x34a: {  	v45 =	vmul.f32 $1.442695020e+00, v36;
	v46 =	vpop (erf);
	(erf) = vpow2.f32 v41  }
0x34b: {  	v47 =	vmul.f32 $1.442695020e+00, v39;
	v48 =	vpop (erf);
	(erf) = vpow2.f32 v43  }
0x34c: {  	v49 =	vpop (erf);
	(erf) = vpow2.f32 v45  }
0x34d: {  	v50 =	vpop (erf);
	(erf) = vpow2.f32 v47  }
0x34e: {  	v51 =	vpop (erf)  }
0x34f: {  	v9 =	vadd.f32 v37, v16;
	v52 =	vpop (erf)  }
0x350: {  	v17 =	vpop (erf)  }
0x351: {  	v3 =	vadd.f32 v14, v3;
	v5 =	vadd.f32 v9, v5;
	v53 =	vpop (erf)  }
0x352: {  	v54 =	vpop (erf)  }
0x353: {  	v3 =	vadd.f32 v5, v3;
	v55 =	vpop (erf)  }
0x354: {  	v12 =	vadd.f32 v42, v40;
	v8 =	vadd.f32 v46, v44;
	v56 =	vpop (erf)  }
0x355: {  	v10 =	vadd.f32 v49, v48;
	v6 =	vadd.f32 v51, v50;
	v57 =	vpop (erf)  }
0x356: {  	v58 =	vld [tilespmem:s12+$0x0];
	v59 =	vadd.f32 v17, v52;
	v9 =	vadd.f32 v54, v53;
	v60 =	vpop (erf)  }
0x357: {  	v61 =	vld [tilespmem:s23+$0x0];
	v5 =	vadd.f32 v56, v55;
	v7 =	vadd.f32 v60, v57  }
0x358: {  	v62 =	vld [tilespmem:s25+$0x0];
	v8 =	vadd.f32 v8, v12;
	v6 =	vadd.f32 v6, v10  }
0x359: {  	v9 =	vadd.f32 v9, v59;
	v5 =	vadd.f32 v7, v5  }
0x35a: {  	v6 =	vadd.f32 v6, v8  }
.Ltmp4:
0x35b: {  	v3 =	vadd.f32 v3, v58;
	v5 =	vadd.f32 v5, v9;
	(pc) =	sbr.rel @p0 .LBB2_8-.Ltmp4, $4  }
0x35c: {  	[tilespmem:s13+$0x0] =	vst v4;
	v63 =	vadd.f32 v6, v61  }
0x35d: {  	[tilespmem:s12+$0x0] =	vst v3;
	v3 =	vadd.f32 v5, v62  }
0x35e: {  	[tilespmem:s23+$0x0] =	vst v63  }
0x35f: {  	[tilespmem:s25+$0x0] =	vst v3  }
0x360: {  	s2 =	rddreg [dreg:$0x18]  }
0x361: {  	s2 =	sadd.s32 s29, s2  }
0x362: {  	s2 =	sshll.u32 s2, $0xA  }
0x363: {  	s12 =	simm.s32 $0xA180;
	s3 =	sadd.s32 s1, s2  }
0x364: {  	[tilespmem:s12], [sflag:$0x4] =	stream.linear.gather [hbm4b:s3+s4], $0x400, $0x38;
	[tilespmem:$0xC580] =	vst v63  }
0x365: {  	s13 =	simm.s32 $0xA580;
	s12 =	sadd.s32 s2, s5  }
0x366: {  	[tilespmem:s13], [sflag:$0x4] =	stream.linear.gather [hbm4b:s12+s4], $0x400, $0x38;
	[tilespmem:$0xC580] =	vst v63  }
0x367: {  	s18 =	simm.s32 $0xA980;
	s17 =	sadd.s32 s2, s8  }
0x368: {  	[tilespmem:s18], [sflag:$0x4] =	stream.linear.gather [hbm4b:s17+s4], $0x400, $0x38;
	[tilespmem:$0xC580] =	vst v63  }
0x369: {  	s20 =	simm.s32 $0xAD80;
	s19 =	sadd.s32 s2, s9  }
0x36a: {  	[tilespmem:s20], [sflag:$0x4] =	stream.linear.gather [hbm4b:s19+s4], $0x400, $0x38;
	[tilespmem:$0xC580] =	vst v63  }
0x36b: {  	s22 =	simm.s32 $0xB180;
	s21 =	sadd.s32 s2, s10  }
0x36c: {  	[tilespmem:s22], [sflag:$0x4] =	stream.linear.gather [hbm4b:s21+s4], $0x400, $0x38;
	[tilespmem:$0xC580] =	vst v63  }
0x36d: {  	s24 =	simm.s32 $0xB580;
	s23 =	sadd.s32 s2, s14  }
0x36e: {  	[tilespmem:s24], [sflag:$0x4] =	stream.linear.gather [hbm4b:s23+s4], $0x400, $0x38;
	[tilespmem:$0xC580] =	vst v63  }
.Ltmp5:
0x36f: {  	_ = 	snop;
	(pc) =	sbr.rel .LBB2_2-.Ltmp5, $4  }
0x370: {  	s28 =	simm.s32 $0xB980;
	s25 =	sadd.s32 s2, s15  }
0x371: {  	[tilespmem:s28], [sflag:$0x4] =	stream.linear.gather [hbm4b:s25+s4], $0x400, $0x38;
	[tilespmem:$0xC580] =	vst v63  }
0x372: {  	s6 =	sadd.s32 $0x1, s6;
	s29 =	simm.s32 $0xBD80;
	s2 =	sadd.s32 s2, s16  }
0x373: {  	[tilespmem:s29], [sflag:$0x4] =	stream.linear.gather [hbm4b:s2+s4], $0x400, $0x38;
	[tilespmem:$0xC580] =	vst v63  }
.LBB2_9:
0x374: {  	_ =	sfence.sel $0x180000  }
0x375: {  	[bflag:$0x0] =	sbarrier.arrive $0xFFFF  }
0x376: {  	_ =	strace $0x90000047  }
0x377: {  	s0 =	stileid.u32;
	[bflag:$0x2] =	sbarrier.arrive $0xFFFF  }
0x378: {  	p0 =	sne.s32 s0, $0x0;
	s0 =	rddreg [dreg:$0x4]  }
0x379: {  	s0 =	sadd.s32 @!p0 $0x100000, s0  }
0x37a: {  	[sflag:s0] =	ssyncadd.tile.s32 @!p0 $0x1;
	_ =	shalt  }
.Lfunc_end2:
_tile_overlayer_lowered:
.L_overlay_start_2:
0x37b: {  	(tag) =	ssettag $0x2  }
0x37c: {  	s0 =	rddreg [dreg:$0x0];
	s2 =	stileid.u32  }
0x37d: {  	s1 =	rddreg [dreg:$0x1];
	p0 =	sne.s32 s2, $0x0  }
0x37e: {  	s3 =	rddreg [dreg:$0x2];
	[bflag:$0x3] =	sbarrier.arrive $0xFFFF;
	s2 =	simm.s32 @!p0 $0x1C05  }
0x37f: {  	[timem:s3], [sflag:s2] =	dma.local @!p0 [hbm:s0], s1  }
0x380: {  	s0 =	simm.s32 @!p0 $0x5  }
0x381: {  	_ =	swait.ge @!p0 [sflag:s0], s1  }
0x382: {  	s1 =	ssub.s32 @!p0 $0x0, s1;
	[sflag:s0] =	ssyncset.done @!p0 $0x0  }
0x383: {  	[sflag:s0] =	ssyncadd.s32 @!p0 s1  }
0x384: {  	[bflag:$0x3] =	sbarrier.arrive $0xFFFF  }
0x385: {  	_ =	shalt  }

</sc_bundles>
